<compile_context>
chip_gen: v7x
topology: tpu7x:2x2x1
jax: 0.10.2.dev20260603
libtpu: 0.0.44.dev20260713+nightly
codegen_flags: <defaults>
</compile_context>

<pallas_src>
import jax
import jax.numpy as jnp
from jax import lax
from jax.experimental import pallas as pl
from jax.experimental.pallas import tpu as pltpu
from jax.experimental.pallas import tpu_sc as plsc

N = 10000
D = 128
E = 320000
NC = 2
NS = 16
NW = NC * NS
EPW = E // NW
CH = 128
KCH = 79
EPWP = KCH * CH
NP = 10240
STRIPE = NP // NS
B = 1024

_mesh = plsc.VectorSubcoreMesh(
    core_axis_name="c", subcore_axis_name="s", num_cores=NC, num_subcores=NS)



def _deg_body(idx_flat, zeros128, ones128, out, ic0, ic1, ones_v, acc, a0, a1):
    c = lax.axis_index("c")
    s = lax.axis_index("s")
    w = c * NS + s
    pltpu.sync_copy(ones128, ones_v)
    par = [(ic0, a0), (ic1, a1)]
    for k in range(6):
        pltpu.sync_copy(zeros128, acc.at[pl.ds(s * STRIPE, STRIPE)])
        plsc.subcore_barrier()
        base = (k * NW + w) * EPWP

        def load(j, p, base=base):
            ic, a = par[p]
            pltpu.async_copy(idx_flat.at[pl.ds(base + j * CH, CH)], ic, a)

        def scat(j, p, base=base):
            ic, a = par[p]
            pltpu.make_async_copy(
                idx_flat.at[pl.ds(base + j * CH, CH)], ic, a).wait()
            pltpu.sync_copy(ones_v, acc.at[ic], add=True)

        load(0, 0)

        def body(p, _):
            load(2 * p + 1, 1)
            scat(2 * p, 0)
            load(2 * p + 2, 0)
            scat(2 * p + 1, 1)
            return _

        lax.fori_loop(0, (KCH - 1) // 2, body, None)
        scat(KCH - 1, 0)
        plsc.subcore_barrier()
        pltpu.sync_copy(acc.at[pl.ds(s * STRIPE, STRIPE)],
                        out.at[pl.ds((k * NC + c) * NP + s * STRIPE, STRIPE)])
        plsc.subcore_barrier()


_deg_call = pl.kernel(
    _deg_body,
    out_type=jax.ShapeDtypeStruct((6 * NC * NP, D), jnp.float32),
    mesh=_mesh,
    scratch_types=[
        pltpu.VMEM((CH,), jnp.int32),
        pltpu.VMEM((CH,), jnp.int32),
        pltpu.VMEM((CH, D), jnp.float32),
        pltpu.VMEM_SHARED((NP, D), jnp.float32),
        pltpu.SemaphoreType.DMA,
        pltpu.SemaphoreType.DMA,
    ],
)


def _scat_body(y0, y1, y2, idx_flat, zeros128, S0, S1, S2,
               idx_s0, idx_s1, idx_d0, idx_d1, buf0, buf1, acc, g0, g1):
    c = lax.axis_index("c")
    s = lax.axis_index("s")
    w = c * NS + s
    ys = [y0, y1, y2]
    Ss = [S0, S1, S2]
    par = [(idx_s0, idx_d0, buf0, g0), (idx_s1, idx_d1, buf1, g1)]
    for r in range(3):
        pltpu.sync_copy(zeros128, acc.at[pl.ds(s * STRIPE, STRIPE)])
        plsc.subcore_barrier()
        sbase = ((2 * r) * NW + w) * EPWP
        dbase = ((2 * r + 1) * NW + w) * EPWP

        def stage(j, p, r=r, sbase=sbase, dbase=dbase):
            i_s, i_d, bf, g = par[p]
            pltpu.sync_copy(idx_flat.at[pl.ds(sbase + j * CH, CH)], i_s)
            pltpu.async_copy(ys[r].at[i_s], bf, g)
            pltpu.sync_copy(idx_flat.at[pl.ds(dbase + j * CH, CH)], i_d)

        def finish(j, p, r=r):
            i_s, i_d, bf, g = par[p]
            pltpu.make_async_copy(ys[r].at[i_s], bf, g).wait()
            pltpu.sync_copy(bf, acc.at[i_d], add=True)

        stage(0, 0)

        def body(p, _):
            stage(2 * p + 1, 1)
            finish(2 * p, 0)
            stage(2 * p + 2, 0)
            finish(2 * p + 1, 1)
            return _

        lax.fori_loop(0, (KCH - 1) // 2, body, None)
        finish(KCH - 1, 0)
        plsc.subcore_barrier()
        pltpu.sync_copy(acc.at[pl.ds(s * STRIPE, STRIPE)],
                        Ss[r].at[pl.ds(c * NP + s * STRIPE, STRIPE)])


_scat_call = pl.kernel(
    _scat_body,
    out_type=[jax.ShapeDtypeStruct((NC * NP, D), jnp.float32)] * 3,
    mesh=_mesh,
    scratch_types=[
        pltpu.VMEM((CH,), jnp.int32),
        pltpu.VMEM((CH,), jnp.int32),
        pltpu.VMEM((CH,), jnp.int32),
        pltpu.VMEM((CH,), jnp.int32),
        pltpu.VMEM((CH, D), jnp.float32),
        pltpu.VMEM((CH, D), jnp.float32),
        pltpu.VMEM_SHARED((NP, D), jnp.float32),
        pltpu.SemaphoreType.DMA,
        pltpu.SemaphoreType.DMA,
    ],
)



def _dense1_body(x_ref, degp_ref, w_ref, y0_ref, y1_ref, y2_ref, n_ref):
    dp = degp_ref[...]
    deg = dp[:, :6] + dp[:, 6:] + 1.0
    nrm = lax.rsqrt(deg)
    n_ref[...] = nrm
    xb = x_ref[...]
    outs = [y0_ref, y1_ref, y2_ref]
    for r in range(3):
        outs[r][...] = jnp.dot(xb * nrm[:, 2 * r:2 * r + 1], w_ref[r])


def _dense1(x_p, degp_n, W1):
    return pl.pallas_call(
        _dense1_body,
        grid=(NP // B,),
        in_specs=[
            pl.BlockSpec((B, D), lambda i: (i, 0)),
            pl.BlockSpec((B, 12), lambda i: (i, 0)),
            pl.BlockSpec((3, D, D), lambda i: (0, 0, 0)),
        ],
        out_specs=[
            pl.BlockSpec((B, D), lambda i: (i, 0)),
            pl.BlockSpec((B, D), lambda i: (i, 0)),
            pl.BlockSpec((B, D), lambda i: (i, 0)),
            pl.BlockSpec((B, 6), lambda i: (i, 0)),
        ],
        out_shape=[jax.ShapeDtypeStruct((NP, D), jnp.float32)] * 3
        + [jax.ShapeDtypeStruct((NP, 6), jnp.float32)],
    )(x_p, degp_n, W1)


def _fuse_body(s0_ref, s1_ref, s2_ref, y0_ref, y1_ref, y2_ref,
               n_ref, b1_ref, w2_ref, o0_ref, o1_ref, o2_ref):
    nrm = n_ref[...]
    bsum = b1_ref[0] + b1_ref[1] + b1_ref[2]
    srefs = [s0_ref, s1_ref, s2_ref]
    yrefs = [y0_ref, y1_ref, y2_ref]
    h = jnp.broadcast_to(bsum[None, :], (B, D))
    for r in range(3):
        tot = srefs[r][0] + srefs[r][1] + yrefs[r][...]
        h = h + tot * nrm[:, 2 * r + 1:2 * r + 2]
    h = jnp.maximum(h, 0.0)
    orefs = [o0_ref, o1_ref, o2_ref]
    for r in range(3):
        orefs[r][...] = jnp.dot(h * nrm[:, 2 * r:2 * r + 1], w2_ref[r])


def _fuse(S0, S1, S2, y0, y1, y2, norms, b1, W2):
    sspec = pl.BlockSpec((2, B, D), lambda i: (0, i, 0))
    yspec = pl.BlockSpec((B, D), lambda i: (i, 0))
    return pl.pallas_call(
        _fuse_body,
        grid=(NP // B,),
        in_specs=[sspec, sspec, sspec, yspec, yspec, yspec,
                  pl.BlockSpec((B, 6), lambda i: (i, 0)),
                  pl.BlockSpec((3, D), lambda i: (0, 0)),
                  pl.BlockSpec((3, D, D), lambda i: (0, 0, 0))],
        out_specs=[yspec, yspec, yspec],
        out_shape=[jax.ShapeDtypeStruct((NP, D), jnp.float32)] * 3,
    )(S0, S1, S2, y0, y1, y2, norms, b1, W2)


def _final_body(s0_ref, s1_ref, s2_ref, y0_ref, y1_ref, y2_ref,
                n_ref, b2_ref, o_ref):
    nrm = n_ref[...]
    bsum = b2_ref[0] + b2_ref[1] + b2_ref[2]
    srefs = [s0_ref, s1_ref, s2_ref]
    yrefs = [y0_ref, y1_ref, y2_ref]
    o = jnp.broadcast_to(bsum[None, :], (B, D))
    for r in range(3):
        tot = srefs[r][0] + srefs[r][1] + yrefs[r][...]
        o = o + tot * nrm[:, 2 * r + 1:2 * r + 2]
    o_ref[...] = o


def _final(S0, S1, S2, y0, y1, y2, norms, b2):
    sspec = pl.BlockSpec((2, B, D), lambda i: (0, i, 0))
    yspec = pl.BlockSpec((B, D), lambda i: (i, 0))
    return pl.pallas_call(
        _final_body,
        grid=(NP // B,),
        in_specs=[sspec, sspec, sspec, yspec, yspec, yspec,
                  pl.BlockSpec((B, 6), lambda i: (i, 0)),
                  pl.BlockSpec((3, D), lambda i: (0, 0))],
        out_specs=yspec,
        out_shape=jax.ShapeDtypeStruct((NP, D), jnp.float32),
    )(S0, S1, S2, y0, y1, y2, norms, b2)



def kernel(x, ei0, ei1, ei2,
           W1_0, b1_0, W1_1, b1_1, W1_2, b1_2,
           W2_0, b2_0, W2_1, b2_1, W2_2, b2_2):
    pad = jnp.broadcast_to(
        N + (jnp.arange(EPWP - EPW, dtype=jnp.int32) % (NP - N)),
        (6 * NW, EPWP - EPW))
    eis = jnp.concatenate([ei0, ei1, ei2], axis=0).reshape(6 * NW, EPW)
    idx_flat = jnp.concatenate([eis, pad], axis=1).reshape(-1)

    zeros128 = jnp.zeros((STRIPE, D), jnp.float32)
    ones128 = jnp.ones((CH, D), jnp.float32)
    x_p = jnp.concatenate([x, jnp.zeros((NP - N, D), x.dtype)], axis=0)
    W1 = jnp.stack([W1_0, W1_1, W1_2])
    W2 = jnp.stack([W2_0, W2_1, W2_2])
    b1 = jnp.stack([b1_0, b1_1, b1_2])
    b2 = jnp.stack([b2_0, b2_1, b2_2])

    degp = _deg_call(idx_flat, zeros128, ones128)
    degp_n = degp[:, 0].reshape(6, NC, NP).transpose(2, 1, 0).reshape(NP, 12)
    y10, y11, y12, norms = _dense1(x_p, degp_n, W1)
    S10, S11, S12 = _scat_call(y10, y11, y12, idx_flat, zeros128)
    rs = lambda S: S.reshape(NC, NP, D)
    y20, y21, y22 = _fuse(rs(S10), rs(S11), rs(S12), y10, y11, y12,
                          norms, b1, W2)
    S20, S21, S22 = _scat_call(y20, y21, y22, idx_flat, zeros128)
    out = _final(rs(S20), rs(S21), rs(S22), y20, y21, y22, norms, b2)
    return out[:N]

# --- scband reference (transcript-rebuilt; emitter-appended) ---
"""Pipeline reference for scband-hetero-classifier-72499047956817 (READ-ONLY COPY).

The authoritative reference and input builder live on the scoring server;
editing this copy changes nothing except your own understanding.
"""

import jax, jax.numpy as jnp
import numpy as np

N = 10000
D = 128
E = 320000
RELS = 3


def setup_inputs(seed: int = 0) -> dict:
    key = jax.random.key(seed)
    ks = jax.random.split(key, 20)
    inp = {}
    inp["x"] = jax.random.normal(ks[0], (N, D), dtype=jnp.float32)
    for r in range(RELS):
        inp[f"ei{r}"] = jax.random.randint(ks[1 + r], (2, E), 0, N, dtype=jnp.int32)
    scale = 1.0 / np.sqrt(D)
    for r in range(RELS):
        inp[f"W1_{r}"] = jax.random.normal(ks[4 + r], (D, D), dtype=jnp.float32) * scale
        inp[f"b1_{r}"] = jnp.zeros((D,), dtype=jnp.float32)
        inp[f"W2_{r}"] = jax.random.normal(ks[8 + r], (D, D), dtype=jnp.float32) * scale
        inp[f"b2_{r}"] = jnp.zeros((D,), dtype=jnp.float32)
    return inp


def _graph_conv(x, src, dst, W, b):
    # DGL GraphConv with norm='both', after dgl.add_self_loop(rel_graph)
    loop = jnp.arange(N, dtype=src.dtype)
    src = jnp.concatenate([src, loop])
    dst = jnp.concatenate([dst, loop])
    ones = jnp.ones(src.shape[0], dtype=x.dtype)
    deg_out = jnp.zeros((N,), dtype=x.dtype).at[src].add(ones)
    deg_in = jnp.zeros((N,), dtype=x.dtype).at[dst].add(ones)
    norm_src = jax.lax.rsqrt(jnp.clip(deg_out, 1.0))
    norm_dst = jax.lax.rsqrt(jnp.clip(deg_in, 1.0))
    h = x * norm_src[:, None]
    msg = jnp.take(h, src, axis=0)
    agg = jnp.zeros((N, x.shape[1]), dtype=x.dtype).at[dst].add(msg)
    agg = agg * norm_dst[:, None]
    return agg @ W + b


def reference(x, ei0, ei1, ei2,
              W1_0, b1_0, W1_1, b1_1, W1_2, b1_2,
              W2_0, b2_0, W2_1, b2_1, W2_2, b2_2):
    eis = [ei0, ei1, ei2]
    W1 = [W1_0, W1_1, W1_2]
    b1 = [b1_0, b1_1, b1_2]
    W2 = [W2_0, W2_1, W2_2]
    b2 = [b2_0, b2_1, b2_2]
    # HeteroGraphConv layer 1 with aggregate='sum' over relations
    h = jnp.zeros((N, D), dtype=x.dtype)
    for r in range(RELS):
        h = h + _graph_conv(x, eis[r][0], eis[r][1], W1[r], b1[r])
    h = jax.nn.relu(h)
    # HeteroGraphConv layer 2 with aggregate='sum' over relations
    out = jnp.zeros((N, D), dtype=x.dtype)
    for r in range(RELS):
        out = out + _graph_conv(h, eis[r][0], eis[r][1], W2[r], b2[r])
    return out

if __name__ == "__main__":
    import jax
    _d = setup_inputs()
    print(jax.jit(kernel)(*tuple(_d.values())))

</pallas_src>

<mosaic_0001>
#map = affine_map<(d0, d1) -> (0)>
#map1 = affine_map<(d0, d1) -> (0, 0)>
module attributes {stable_mosaic.version = 14 : i64} {
  func.func @_deg_body(%arg0: i32, %arg1: i32, %arg2: memref<1941504xi32, #tpu.memory_space<hbm>>, %arg3: memref<640x128xf32, #tpu.memory_space<hbm>>, %arg4: memref<128x128xf32, #tpu.memory_space<hbm>>, %arg5: memref<122880x128xf32, #tpu.memory_space<hbm>>, %arg6: memref<128xi32, #tpu.memory_space<vmem>>, %arg7: memref<128xi32, #tpu.memory_space<vmem>>, %arg8: memref<128x128xf32, #tpu.memory_space<vmem>>, %arg9: memref<10240x128xf32, #tpu.memory_space<vmem_shared>>, %arg10: memref<!tpu.dma_semaphore, #tpu.memory_space<semaphore_mem>>, %arg11: memref<!tpu.dma_semaphore, #tpu.memory_space<semaphore_mem>>) attributes {dimension_semantics = [#tpu.dimension_semantics<core_parallel>, #tpu.dimension_semantics<subcore_parallel>], iteration_bounds = array<i64: 2, 16>, scalar_prefetch = 0 : i64, scratch_operands = 6 : i64, tpu.core_type = #tpu.core_type<sc_vector_subcore>, window_params = [{transform_indices = #map}, {transform_indices = #map1}, {transform_indices = #map1}, {transform_indices = #map1}]} {
    %mul3A = arith.constant 16 : i32
    %mul3A_0 = arith.muli %arg0, %mul3A : i32
    %add3A = arith.addi %mul3A_0, %arg1 : i32
    "tpu.region"() ({
      %run_scoped3A = tpu.sem_alloc : memref<!tpu.dma_semaphore, #tpu.memory_space<semaphore_mem>>
      tpu.enqueue_dma source(%arg4 : memref<128x128xf32, #tpu.memory_space<hbm>>) target(%arg8 : memref<128x128xf32, #tpu.memory_space<vmem>>) target_semaphore(%run_scoped3A : memref<!tpu.dma_semaphore, #tpu.memory_space<semaphore_mem>>)
      tpu.wait_dma2 semaphore(%run_scoped3A : memref<!tpu.dma_semaphore, #tpu.memory_space<semaphore_mem>>) src(%arg4 : memref<128x128xf32, #tpu.memory_space<hbm>>) dst(%arg8 : memref<128x128xf32, #tpu.memory_space<vmem>>)
      tpu.yield
    }) : () -> ()
    %mul3A_1 = arith.constant 640 : i32
    %mul3A_2 = arith.muli %arg1, %mul3A_1 : i32
    "tpu.region"() ({
      %run_scoped3A = tpu.sem_alloc : memref<!tpu.dma_semaphore, #tpu.memory_space<semaphore_mem>>
      %dma_start3A_183 = arith.constant 0 : i32
      %dma_start3A_184 = tpu.memref_slice %arg9[%mul3A_2, %dma_start3A_183] : memref<10240x128xf32, #tpu.memory_space<vmem_shared>> -> memref<640x128xf32, #tpu.memory_space<vmem_shared>>
      tpu.enqueue_dma source(%arg3 : memref<640x128xf32, #tpu.memory_space<hbm>>) target(%dma_start3A_184 : memref<640x128xf32, #tpu.memory_space<vmem_shared>>) target_semaphore(%run_scoped3A : memref<!tpu.dma_semaphore, #tpu.memory_space<semaphore_mem>>)
      %dma_wait3A_185 = arith.constant 0 : i32
      %dma_wait3A_186 = tpu.memref_slice %arg9[%mul3A_2, %dma_wait3A_185] : memref<10240x128xf32, #tpu.memory_space<vmem_shared>> -> memref<640x128xf32, #tpu.memory_space<vmem_shared>>
      tpu.wait_dma2 semaphore(%run_scoped3A : memref<!tpu.dma_semaphore, #tpu.memory_space<semaphore_mem>>) src(%arg3 : memref<640x128xf32, #tpu.memory_space<hbm>>) dst(%dma_wait3A_186 : memref<640x128xf32, #tpu.memory_space<vmem_shared>>)
      tpu.yield
    }) : () -> ()
    %barrier3A = arith.constant 0 : index
    tpu.barrier barrier_id(%barrier3A)
    %add3A_3 = arith.constant 0 : i32
    %add3A_4 = arith.addi %add3A_3, %add3A : i32
    %mul3A_5 = arith.constant 10112 : i32
    %mul3A_6 = arith.muli %add3A_4, %mul3A_5 : i32
    %add3A_7 = arith.constant 0 : i32
    %add3A_8 = arith.addi %mul3A_6, %add3A_7 : i32
    %dma_start3A = tpu.memref_slice %arg2[%add3A_8] : memref<1941504xi32, #tpu.memory_space<hbm>> -> memref<128xi32, #tpu.memory_space<hbm>>
    %dma_start3A_9 = tpu.memref_slice %arg2[%add3A_8] : memref<1941504xi32, #tpu.memory_space<hbm>> -> memref<128xi32, #tpu.memory_space<hbm>>
    tpu.enqueue_dma source(%dma_start3A_9 : memref<128xi32, #tpu.memory_space<hbm>>) target(%arg6 : memref<128xi32, #tpu.memory_space<vmem>>) target_semaphore(%arg10 : memref<!tpu.dma_semaphore, #tpu.memory_space<semaphore_mem>>)
    %scan3A = arith.constant 0 : i32
    %scan3A_10 = arith.constant 39 : i32
    %scan3A_11 = arith.addi %scan3A, %scan3A_10 : i32
    %scan3A_12 = arith.constant 1 : i32
    scf.for %scan3A_183 = %scan3A to %scan3A_11 step %scan3A_12  : i32 {
      %mul3A_184 = arith.constant 2 : i32
      %mul3A_185 = arith.muli %mul3A_184, %scan3A_183 : i32
      %add3A_186 = arith.constant 1 : i32
      %add3A_187 = arith.addi %mul3A_185, %add3A_186 : i32
      %mul3A_188 = arith.constant 128 : i32
      %mul3A_189 = arith.muli %add3A_187, %mul3A_188 : i32
      %add3A_190 = arith.addi %mul3A_6, %mul3A_189 : i32
      %dma_start3A_191 = tpu.memref_slice %arg2[%add3A_190] : memref<1941504xi32, #tpu.memory_space<hbm>> -> memref<128xi32, #tpu.memory_space<hbm>>
      %dma_start3A_192 = tpu.memref_slice %arg2[%add3A_190] : memref<1941504xi32, #tpu.memory_space<hbm>> -> memref<128xi32, #tpu.memory_space<hbm>>
      tpu.enqueue_dma source(%dma_start3A_192 : memref<128xi32, #tpu.memory_space<hbm>>) target(%arg7 : memref<128xi32, #tpu.memory_space<vmem>>) target_semaphore(%arg11 : memref<!tpu.dma_semaphore, #tpu.memory_space<semaphore_mem>>)
      %mul3A_193 = arith.constant 2 : i32
      %mul3A_194 = arith.muli %mul3A_193, %scan3A_183 : i32
      %mul3A_195 = arith.constant 128 : i32
      %mul3A_196 = arith.muli %mul3A_194, %mul3A_195 : i32
      %add3A_197 = arith.addi %mul3A_6, %mul3A_196 : i32
      %dma_wait3A_198 = tpu.memref_slice %arg2[%add3A_197] : memref<1941504xi32, #tpu.memory_space<hbm>> -> memref<128xi32, #tpu.memory_space<hbm>>
      %dma_wait3A_199 = tpu.memref_slice %arg2[%add3A_197] : memref<1941504xi32, #tpu.memory_space<hbm>> -> memref<128xi32, #tpu.memory_space<hbm>>
      tpu.wait_dma2 semaphore(%arg10 : memref<!tpu.dma_semaphore, #tpu.memory_space<semaphore_mem>>) src(%dma_wait3A_199 : memref<128xi32, #tpu.memory_space<hbm>>) dst(%arg6 : memref<128xi32, #tpu.memory_space<vmem>>)
      "tpu.region"() ({
        %run_scoped3A = tpu.sem_alloc : memref<!tpu.dma_semaphore, #tpu.memory_space<semaphore_mem>>
        %dma_start3A_218 = arith.constant 0 : i32
        %dma_start3A_219 = arith.constant 0 : i32
        %dma_start3A_220 = tpu.memref_slice %arg9[%dma_start3A_218, %dma_start3A_219] : memref<10240x128xf32, #tpu.memory_space<vmem_shared>> -> memref<10240x128xf32, #tpu.memory_space<vmem_shared>>
        tpu.enqueue_indirect_dma source(%arg8 : memref<128x128xf32, #tpu.memory_space<vmem>>) target(%dma_start3A_220 : memref<10240x128xf32, #tpu.memory_space<vmem_shared>>) offsets(%arg6 : memref<128xi32, #tpu.memory_space<vmem>>) semaphore(%run_scoped3A : memref<!tpu.dma_semaphore, #tpu.memory_space<semaphore_mem>>) {add = true}
        %dma_wait3A_221 = arith.constant 0 : i32
        %dma_wait3A_222 = arith.constant 0 : i32
        %dma_wait3A_223 = tpu.memref_slice %arg9[%dma_wait3A_221, %dma_wait3A_222] : memref<10240x128xf32, #tpu.memory_space<vmem_shared>> -> memref<10240x128xf32, #tpu.memory_space<vmem_shared>>
        tpu.wait_indirect_dma semaphore(%run_scoped3A : memref<!tpu.dma_semaphore, #tpu.memory_space<semaphore_mem>>) src(%arg8 : memref<128x128xf32, #tpu.memory_space<vmem>>) dst(%dma_wait3A_223 : memref<10240x128xf32, #tpu.memory_space<vmem_shared>>)
        tpu.yield
      }) : () -> ()
      %mul3A_200 = arith.constant 2 : i32
      %mul3A_201 = arith.muli %mul3A_200, %scan3A_183 : i32
      %add3A_202 = arith.constant 2 : i32
      %add3A_203 = arith.addi %mul3A_201, %add3A_202 : i32
      %mul3A_204 = arith.constant 128 : i32
      %mul3A_205 = arith.muli %add3A_203, %mul3A_204 : i32
      %add3A_206 = arith.addi %mul3A_6, %mul3A_205 : i32
      %dma_start3A_207 = tpu.memref_slice %arg2[%add3A_206] : memref<1941504xi32, #tpu.memory_space<hbm>> -> memref<128xi32, #tpu.memory_space<hbm>>
      %dma_start3A_208 = tpu.memref_slice %arg2[%add3A_206] : memref<1941504xi32, #tpu.memory_space<hbm>> -> memref<128xi32, #tpu.memory_space<hbm>>
      tpu.enqueue_dma source(%dma_start3A_208 : memref<128xi32, #tpu.memory_space<hbm>>) target(%arg6 : memref<128xi32, #tpu.memory_space<vmem>>) target_semaphore(%arg10 : memref<!tpu.dma_semaphore, #tpu.memory_space<semaphore_mem>>)
      %mul3A_209 = arith.constant 2 : i32
      %mul3A_210 = arith.muli %mul3A_209, %scan3A_183 : i32
      %add3A_211 = arith.constant 1 : i32
      %add3A_212 = arith.addi %mul3A_210, %add3A_211 : i32
      %mul3A_213 = arith.constant 128 : i32
      %mul3A_214 = arith.muli %add3A_212, %mul3A_213 : i32
      %add3A_215 = arith.addi %mul3A_6, %mul3A_214 : i32
      %dma_wait3A_216 = tpu.memref_slice %arg2[%add3A_215] : memref<1941504xi32, #tpu.memory_space<hbm>> -> memref<128xi32, #tpu.memory_space<hbm>>
      %dma_wait3A_217 = tpu.memref_slice %arg2[%add3A_215] : memref<1941504xi32, #tpu.memory_space<hbm>> -> memref<128xi32, #tpu.memory_space<hbm>>
      tpu.wait_dma2 semaphore(%arg11 : memref<!tpu.dma_semaphore, #tpu.memory_space<semaphore_mem>>) src(%dma_wait3A_217 : memref<128xi32, #tpu.memory_space<hbm>>) dst(%arg7 : memref<128xi32, #tpu.memory_space<vmem>>)
      "tpu.region"() ({
        %run_scoped3A = tpu.sem_alloc : memref<!tpu.dma_semaphore, #tpu.memory_space<semaphore_mem>>
        %dma_start3A_218 = arith.constant 0 : i32
        %dma_start3A_219 = arith.constant 0 : i32
        %dma_start3A_220 = tpu.memref_slice %arg9[%dma_start3A_218, %dma_start3A_219] : memref<10240x128xf32, #tpu.memory_space<vmem_shared>> -> memref<10240x128xf32, #tpu.memory_space<vmem_shared>>
        tpu.enqueue_indirect_dma source(%arg8 : memref<128x128xf32, #tpu.memory_space<vmem>>) target(%dma_start3A_220 : memref<10240x128xf32, #tpu.memory_space<vmem_shared>>) offsets(%arg7 : memref<128xi32, #tpu.memory_space<vmem>>) semaphore(%run_scoped3A : memref<!tpu.dma_semaphore, #tpu.memory_space<semaphore_mem>>) {add = true}
        %dma_wait3A_221 = arith.constant 0 : i32
        %dma_wait3A_222 = arith.constant 0 : i32
        %dma_wait3A_223 = tpu.memref_slice %arg9[%dma_wait3A_221, %dma_wait3A_222] : memref<10240x128xf32, #tpu.memory_space<vmem_shared>> -> memref<10240x128xf32, #tpu.memory_space<vmem_shared>>
        tpu.wait_indirect_dma semaphore(%run_scoped3A : memref<!tpu.dma_semaphore, #tpu.memory_space<semaphore_mem>>) src(%arg8 : memref<128x128xf32, #tpu.memory_space<vmem>>) dst(%dma_wait3A_223 : memref<10240x128xf32, #tpu.memory_space<vmem_shared>>)
        tpu.yield
      }) : () -> ()
    }
    %scan3A_13 = arith.constant 39 : i32
    %add3A_14 = arith.constant 9984 : i32
    %add3A_15 = arith.addi %mul3A_6, %add3A_14 : i32
    %dma_wait3A = tpu.memref_slice %arg2[%add3A_15] : memref<1941504xi32, #tpu.memory_space<hbm>> -> memref<128xi32, #tpu.memory_space<hbm>>
    %dma_wait3A_16 = tpu.memref_slice %arg2[%add3A_15] : memref<1941504xi32, #tpu.memory_space<hbm>> -> memref<128xi32, #tpu.memory_space<hbm>>
    tpu.wait_dma2 semaphore(%arg10 : memref<!tpu.dma_semaphore, #tpu.memory_space<semaphore_mem>>) src(%dma_wait3A_16 : memref<128xi32, #tpu.memory_space<hbm>>) dst(%arg6 : memref<128xi32, #tpu.memory_space<vmem>>)
    "tpu.region"() ({
      %run_scoped3A = tpu.sem_alloc : memref<!tpu.dma_semaphore, #tpu.memory_space<semaphore_mem>>
      %dma_start3A_183 = arith.constant 0 : i32
      %dma_start3A_184 = arith.constant 0 : i32
      %dma_start3A_185 = tpu.memref_slice %arg9[%dma_start3A_183, %dma_start3A_184] : memref<10240x128xf32, #tpu.memory_space<vmem_shared>> -> memref<10240x128xf32, #tpu.memory_space<vmem_shared>>
      tpu.enqueue_indirect_dma source(%arg8 : memref<128x128xf32, #tpu.memory_space<vmem>>) target(%dma_start3A_185 : memref<10240x128xf32, #tpu.memory_space<vmem_shared>>) offsets(%arg6 : memref<128xi32, #tpu.memory_space<vmem>>) semaphore(%run_scoped3A : memref<!tpu.dma_semaphore, #tpu.memory_space<semaphore_mem>>) {add = true}
      %dma_wait3A_186 = arith.constant 0 : i32
      %dma_wait3A_187 = arith.constant 0 : i32
      %dma_wait3A_188 = tpu.memref_slice %arg9[%dma_wait3A_186, %dma_wait3A_187] : memref<10240x128xf32, #tpu.memory_space<vmem_shared>> -> memref<10240x128xf32, #tpu.memory_space<vmem_shared>>
      tpu.wait_indirect_dma semaphore(%run_scoped3A : memref<!tpu.dma_semaphore, #tpu.memory_space<semaphore_mem>>) src(%arg8 : memref<128x128xf32, #tpu.memory_space<vmem>>) dst(%dma_wait3A_188 : memref<10240x128xf32, #tpu.memory_space<vmem_shared>>)
      tpu.yield
    }) : () -> ()
    %barrier3A_17 = arith.constant 0 : index
    tpu.barrier barrier_id(%barrier3A_17)
    %mul3A_18 = arith.constant 640 : i32
    %mul3A_19 = arith.muli %arg1, %mul3A_18 : i32
    %add3A_20 = arith.constant 0 : i32
    %add3A_21 = arith.addi %add3A_20, %arg0 : i32
    %mul3A_22 = arith.constant 10240 : i32
    %mul3A_23 = arith.muli %add3A_21, %mul3A_22 : i32
    %mul3A_24 = arith.constant 640 : i32
    %mul3A_25 = arith.muli %arg1, %mul3A_24 : i32
    %add3A_26 = arith.addi %mul3A_23, %mul3A_25 : i32
    "tpu.region"() ({
      %run_scoped3A = tpu.sem_alloc : memref<!tpu.dma_semaphore, #tpu.memory_space<semaphore_mem>>
      %dma_start3A_183 = arith.constant 0 : i32
      %dma_start3A_184 = tpu.memref_slice %arg5[%add3A_26, %dma_start3A_183] : memref<122880x128xf32, #tpu.memory_space<hbm>> -> memref<640x128xf32, #tpu.memory_space<hbm>>
      %dma_start3A_185 = arith.constant 0 : i32
      %dma_start3A_186 = tpu.memref_slice %arg9[%mul3A_19, %dma_start3A_185] : memref<10240x128xf32, #tpu.memory_space<vmem_shared>> -> memref<640x128xf32, #tpu.memory_space<vmem_shared>>
      tpu.enqueue_dma source(%dma_start3A_186 : memref<640x128xf32, #tpu.memory_space<vmem_shared>>) target(%dma_start3A_184 : memref<640x128xf32, #tpu.memory_space<hbm>>) target_semaphore(%run_scoped3A : memref<!tpu.dma_semaphore, #tpu.memory_space<semaphore_mem>>)
      %dma_wait3A_187 = arith.constant 0 : i32
      %dma_wait3A_188 = tpu.memref_slice %arg5[%add3A_26, %dma_wait3A_187] : memref<122880x128xf32, #tpu.memory_space<hbm>> -> memref<640x128xf32, #tpu.memory_space<hbm>>
      %dma_wait3A_189 = arith.constant 0 : i32
      %dma_wait3A_190 = tpu.memref_slice %arg9[%mul3A_19, %dma_wait3A_189] : memref<10240x128xf32, #tpu.memory_space<vmem_shared>> -> memref<640x128xf32, #tpu.memory_space<vmem_shared>>
      tpu.wait_dma2 semaphore(%run_scoped3A : memref<!tpu.dma_semaphore, #tpu.memory_space<semaphore_mem>>) src(%dma_wait3A_190 : memref<640x128xf32, #tpu.memory_space<vmem_shared>>) dst(%dma_wait3A_188 : memref<640x128xf32, #tpu.memory_space<hbm>>)
      tpu.yield
    }) : () -> ()
    %barrier3A_27 = arith.constant 0 : index
    tpu.barrier barrier_id(%barrier3A_27)
    %mul3A_28 = arith.constant 640 : i32
    %mul3A_29 = arith.muli %arg1, %mul3A_28 : i32
    "tpu.region"() ({
      %run_scoped3A = tpu.sem_alloc : memref<!tpu.dma_semaphore, #tpu.memory_space<semaphore_mem>>
      %dma_start3A_183 = arith.constant 0 : i32
      %dma_start3A_184 = tpu.memref_slice %arg9[%mul3A_29, %dma_start3A_183] : memref<10240x128xf32, #tpu.memory_space<vmem_shared>> -> memref<640x128xf32, #tpu.memory_space<vmem_shared>>
      tpu.enqueue_dma source(%arg3 : memref<640x128xf32, #tpu.memory_space<hbm>>) target(%dma_start3A_184 : memref<640x128xf32, #tpu.memory_space<vmem_shared>>) target_semaphore(%run_scoped3A : memref<!tpu.dma_semaphore, #tpu.memory_space<semaphore_mem>>)
      %dma_wait3A_185 = arith.constant 0 : i32
      %dma_wait3A_186 = tpu.memref_slice %arg9[%mul3A_29, %dma_wait3A_185] : memref<10240x128xf32, #tpu.memory_space<vmem_shared>> -> memref<640x128xf32, #tpu.memory_space<vmem_shared>>
      tpu.wait_dma2 semaphore(%run_scoped3A : memref<!tpu.dma_semaphore, #tpu.memory_space<semaphore_mem>>) src(%arg3 : memref<640x128xf32, #tpu.memory_space<hbm>>) dst(%dma_wait3A_186 : memref<640x128xf32, #tpu.memory_space<vmem_shared>>)
      tpu.yield
    }) : () -> ()
    %barrier3A_30 = arith.constant 0 : index
    tpu.barrier barrier_id(%barrier3A_30)
    %add3A_31 = arith.constant 32 : i32
    %add3A_32 = arith.addi %add3A_31, %add3A : i32
    %mul3A_33 = arith.constant 10112 : i32
    %mul3A_34 = arith.muli %add3A_32, %mul3A_33 : i32
    %add3A_35 = arith.constant 0 : i32
    %add3A_36 = arith.addi %mul3A_34, %add3A_35 : i32
    %dma_start3A_37 = tpu.memref_slice %arg2[%add3A_36] : memref<1941504xi32, #tpu.memory_space<hbm>> -> memref<128xi32, #tpu.memory_space<hbm>>
    %dma_start3A_38 = tpu.memref_slice %arg2[%add3A_36] : memref<1941504xi32, #tpu.memory_space<hbm>> -> memref<128xi32, #tpu.memory_space<hbm>>
    tpu.enqueue_dma source(%dma_start3A_38 : memref<128xi32, #tpu.memory_space<hbm>>) target(%arg6 : memref<128xi32, #tpu.memory_space<vmem>>) target_semaphore(%arg10 : memref<!tpu.dma_semaphore, #tpu.memory_space<semaphore_mem>>)
    %scan3A_39 = arith.constant 0 : i32
    %scan3A_40 = arith.constant 39 : i32
    %scan3A_41 = arith.addi %scan3A_39, %scan3A_40 : i32
    %scan3A_42 = arith.constant 1 : i32
    scf.for %scan3A_183 = %scan3A_39 to %scan3A_41 step %scan3A_42  : i32 {
      %mul3A_184 = arith.constant 2 : i32
      %mul3A_185 = arith.muli %mul3A_184, %scan3A_183 : i32
      %add3A_186 = arith.constant 1 : i32
      %add3A_187 = arith.addi %mul3A_185, %add3A_186 : i32
      %mul3A_188 = arith.constant 128 : i32
      %mul3A_189 = arith.muli %add3A_187, %mul3A_188 : i32
      %add3A_190 = arith.addi %mul3A_34, %mul3A_189 : i32
      %dma_start3A_191 = tpu.memref_slice %arg2[%add3A_190] : memref<1941504xi32, #tpu.memory_space<hbm>> -> memref<128xi32, #tpu.memory_space<hbm>>
      %dma_start3A_192 = tpu.memref_slice %arg2[%add3A_190] : memref<1941504xi32, #tpu.memory_space<hbm>> -> memref<128xi32, #tpu.memory_space<hbm>>
      tpu.enqueue_dma source(%dma_start3A_192 : memref<128xi32, #tpu.memory_space<hbm>>) target(%arg7 : memref<128xi32, #tpu.memory_space<vmem>>) target_semaphore(%arg11 : memref<!tpu.dma_semaphore, #tpu.memory_space<semaphore_mem>>)
      %mul3A_193 = arith.constant 2 : i32
      %mul3A_194 = arith.muli %mul3A_193, %scan3A_183 : i32
      %mul3A_195 = arith.constant 128 : i32
      %mul3A_196 = arith.muli %mul3A_194, %mul3A_195 : i32
      %add3A_197 = arith.addi %mul3A_34, %mul3A_196 : i32
      %dma_wait3A_198 = tpu.memref_slice %arg2[%add3A_197] : memref<1941504xi32, #tpu.memory_space<hbm>> -> memref<128xi32, #tpu.memory_space<hbm>>
      %dma_wait3A_199 = tpu.memref_slice %arg2[%add3A_197] : memref<1941504xi32, #tpu.memory_space<hbm>> -> memref<128xi32, #tpu.memory_space<hbm>>
      tpu.wait_dma2 semaphore(%arg10 : memref<!tpu.dma_semaphore, #tpu.memory_space<semaphore_mem>>) src(%dma_wait3A_199 : memref<128xi32, #tpu.memory_space<hbm>>) dst(%arg6 : memref<128xi32, #tpu.memory_space<vmem>>)
      "tpu.region"() ({
        %run_scoped3A = tpu.sem_alloc : memref<!tpu.dma_semaphore, #tpu.memory_space<semaphore_mem>>
        %dma_start3A_218 = arith.constant 0 : i32
        %dma_start3A_219 = arith.constant 0 : i32
        %dma_start3A_220 = tpu.memref_slice %arg9[%dma_start3A_218, %dma_start3A_219] : memref<10240x128xf32, #tpu.memory_space<vmem_shared>> -> memref<10240x128xf32, #tpu.memory_space<vmem_shared>>
        tpu.enqueue_indirect_dma source(%arg8 : memref<128x128xf32, #tpu.memory_space<vmem>>) target(%dma_start3A_220 : memref<10240x128xf32, #tpu.memory_space<vmem_shared>>) offsets(%arg6 : memref<128xi32, #tpu.memory_space<vmem>>) semaphore(%run_scoped3A : memref<!tpu.dma_semaphore, #tpu.memory_space<semaphore_mem>>) {add = true}
        %dma_wait3A_221 = arith.constant 0 : i32
        %dma_wait3A_222 = arith.constant 0 : i32
        %dma_wait3A_223 = tpu.memref_slice %arg9[%dma_wait3A_221, %dma_wait3A_222] : memref<10240x128xf32, #tpu.memory_space<vmem_shared>> -> memref<10240x128xf32, #tpu.memory_space<vmem_shared>>
        tpu.wait_indirect_dma semaphore(%run_scoped3A : memref<!tpu.dma_semaphore, #tpu.memory_space<semaphore_mem>>) src(%arg8 : memref<128x128xf32, #tpu.memory_space<vmem>>) dst(%dma_wait3A_223 : memref<10240x128xf32, #tpu.memory_space<vmem_shared>>)
        tpu.yield
      }) : () -> ()
      %mul3A_200 = arith.constant 2 : i32
      %mul3A_201 = arith.muli %mul3A_200, %scan3A_183 : i32
      %add3A_202 = arith.constant 2 : i32
      %add3A_203 = arith.addi %mul3A_201, %add3A_202 : i32
      %mul3A_204 = arith.constant 128 : i32
      %mul3A_205 = arith.muli %add3A_203, %mul3A_204 : i32
      %add3A_206 = arith.addi %mul3A_34, %mul3A_205 : i32
      %dma_start3A_207 = tpu.memref_slice %arg2[%add3A_206] : memref<1941504xi32, #tpu.memory_space<hbm>> -> memref<128xi32, #tpu.memory_space<hbm>>
      %dma_start3A_208 = tpu.memref_slice %arg2[%add3A_206] : memref<1941504xi32, #tpu.memory_space<hbm>> -> memref<128xi32, #tpu.memory_space<hbm>>
      tpu.enqueue_dma source(%dma_start3A_208 : memref<128xi32, #tpu.memory_space<hbm>>) target(%arg6 : memref<128xi32, #tpu.memory_space<vmem>>) target_semaphore(%arg10 : memref<!tpu.dma_semaphore, #tpu.memory_space<semaphore_mem>>)
      %mul3A_209 = arith.constant 2 : i32
      %mul3A_210 = arith.muli %mul3A_209, %scan3A_183 : i32
      %add3A_211 = arith.constant 1 : i32
      %add3A_212 = arith.addi %mul3A_210, %add3A_211 : i32
      %mul3A_213 = arith.constant 128 : i32
      %mul3A_214 = arith.muli %add3A_212, %mul3A_213 : i32
      %add3A_215 = arith.addi %mul3A_34, %mul3A_214 : i32
      %dma_wait3A_216 = tpu.memref_slice %arg2[%add3A_215] : memref<1941504xi32, #tpu.memory_space<hbm>> -> memref<128xi32, #tpu.memory_space<hbm>>
      %dma_wait3A_217 = tpu.memref_slice %arg2[%add3A_215] : memref<1941504xi32, #tpu.memory_space<hbm>> -> memref<128xi32, #tpu.memory_space<hbm>>
      tpu.wait_dma2 semaphore(%arg11 : memref<!tpu.dma_semaphore, #tpu.memory_space<semaphore_mem>>) src(%dma_wait3A_217 : memref<128xi32, #tpu.memory_space<hbm>>) dst(%arg7 : memref<128xi32, #tpu.memory_space<vmem>>)
      "tpu.region"() ({
        %run_scoped3A = tpu.sem_alloc : memref<!tpu.dma_semaphore, #tpu.memory_space<semaphore_mem>>
        %dma_start3A_218 = arith.constant 0 : i32
        %dma_start3A_219 = arith.constant 0 : i32
        %dma_start3A_220 = tpu.memref_slice %arg9[%dma_start3A_218, %dma_start3A_219] : memref<10240x128xf32, #tpu.memory_space<vmem_shared>> -> memref<10240x128xf32, #tpu.memory_space<vmem_shared>>
        tpu.enqueue_indirect_dma source(%arg8 : memref<128x128xf32, #tpu.memory_space<vmem>>) target(%dma_start3A_220 : memref<10240x128xf32, #tpu.memory_space<vmem_shared>>) offsets(%arg7 : memref<128xi32, #tpu.memory_space<vmem>>) semaphore(%run_scoped3A : memref<!tpu.dma_semaphore, #tpu.memory_space<semaphore_mem>>) {add = true}
        %dma_wait3A_221 = arith.constant 0 : i32
        %dma_wait3A_222 = arith.constant 0 : i32
        %dma_wait3A_223 = tpu.memref_slice %arg9[%dma_wait3A_221, %dma_wait3A_222] : memref<10240x128xf32, #tpu.memory_space<vmem_shared>> -> memref<10240x128xf32, #tpu.memory_space<vmem_shared>>
        tpu.wait_indirect_dma semaphore(%run_scoped3A : memref<!tpu.dma_semaphore, #tpu.memory_space<semaphore_mem>>) src(%arg8 : memref<128x128xf32, #tpu.memory_space<vmem>>) dst(%dma_wait3A_223 : memref<10240x128xf32, #tpu.memory_space<vmem_shared>>)
        tpu.yield
      }) : () -> ()
    }
    %scan3A_43 = arith.constant 39 : i32
    %add3A_44 = arith.constant 9984 : i32
    %add3A_45 = arith.addi %mul3A_34, %add3A_44 : i32
    %dma_wait3A_46 = tpu.memref_slice %arg2[%add3A_45] : memref<1941504xi32, #tpu.memory_space<hbm>> -> memref<128xi32, #tpu.memory_space<hbm>>
    %dma_wait3A_47 = tpu.memref_slice %arg2[%add3A_45] : memref<1941504xi32, #tpu.memory_space<hbm>> -> memref<128xi32, #tpu.memory_space<hbm>>
    tpu.wait_dma2 semaphore(%arg10 : memref<!tpu.dma_semaphore, #tpu.memory_space<semaphore_mem>>) src(%dma_wait3A_47 : memref<128xi32, #tpu.memory_space<hbm>>) dst(%arg6 : memref<128xi32, #tpu.memory_space<vmem>>)
    "tpu.region"() ({
      %run_scoped3A = tpu.sem_alloc : memref<!tpu.dma_semaphore, #tpu.memory_space<semaphore_mem>>
      %dma_start3A_183 = arith.constant 0 : i32
      %dma_start3A_184 = arith.constant 0 : i32
      %dma_start3A_185 = tpu.memref_slice %arg9[%dma_start3A_183, %dma_start3A_184] : memref<10240x128xf32, #tpu.memory_space<vmem_shared>> -> memref<10240x128xf32, #tpu.memory_space<vmem_shared>>
      tpu.enqueue_indirect_dma source(%arg8 : memref<128x128xf32, #tpu.memory_space<vmem>>) target(%dma_start3A_185 : memref<10240x128xf32, #tpu.memory_space<vmem_shared>>) offsets(%arg6 : memref<128xi32, #tpu.memory_space<vmem>>) semaphore(%run_scoped3A : memref<!tpu.dma_semaphore, #tpu.memory_space<semaphore_mem>>) {add = true}
      %dma_wait3A_186 = arith.constant 0 : i32
      %dma_wait3A_187 = arith.constant 0 : i32
      %dma_wait3A_188 = tpu.memref_slice %arg9[%dma_wait3A_186, %dma_wait3A_187] : memref<10240x128xf32, #tpu.memory_space<vmem_shared>> -> memref<10240x128xf32, #tpu.memory_space<vmem_shared>>
      tpu.wait_indirect_dma semaphore(%run_scoped3A : memref<!tpu.dma_semaphore, #tpu.memory_space<semaphore_mem>>) src(%arg8 : memref<128x128xf32, #tpu.memory_space<vmem>>) dst(%dma_wait3A_188 : memref<10240x128xf32, #tpu.memory_space<vmem_shared>>)
      tpu.yield
    }) : () -> ()
    %barrier3A_48 = arith.constant 0 : index
    tpu.barrier barrier_id(%barrier3A_48)
    %mul3A_49 = arith.constant 640 : i32
    %mul3A_50 = arith.muli %arg1, %mul3A_49 : i32
    %add3A_51 = arith.constant 2 : i32
    %add3A_52 = arith.addi %add3A_51, %arg0 : i32
    %mul3A_53 = arith.constant 10240 : i32
    %mul3A_54 = arith.muli %add3A_52, %mul3A_53 : i32
    %mul3A_55 = arith.constant 640 : i32
    %mul3A_56 = arith.muli %arg1, %mul3A_55 : i32
    %add3A_57 = arith.addi %mul3A_54, %mul3A_56 : i32
    "tpu.region"() ({
      %run_scoped3A = tpu.sem_alloc : memref<!tpu.dma_semaphore, #tpu.memory_space<semaphore_mem>>
      %dma_start3A_183 = arith.constant 0 : i32
      %dma_start3A_184 = tpu.memref_slice %arg5[%add3A_57, %dma_start3A_183] : memref<122880x128xf32, #tpu.memory_space<hbm>> -> memref<640x128xf32, #tpu.memory_space<hbm>>
      %dma_start3A_185 = arith.constant 0 : i32
      %dma_start3A_186 = tpu.memref_slice %arg9[%mul3A_50, %dma_start3A_185] : memref<10240x128xf32, #tpu.memory_space<vmem_shared>> -> memref<640x128xf32, #tpu.memory_space<vmem_shared>>
      tpu.enqueue_dma source(%dma_start3A_186 : memref<640x128xf32, #tpu.memory_space<vmem_shared>>) target(%dma_start3A_184 : memref<640x128xf32, #tpu.memory_space<hbm>>) target_semaphore(%run_scoped3A : memref<!tpu.dma_semaphore, #tpu.memory_space<semaphore_mem>>)
      %dma_wait3A_187 = arith.constant 0 : i32
      %dma_wait3A_188 = tpu.memref_slice %arg5[%add3A_57, %dma_wait3A_187] : memref<122880x128xf32, #tpu.memory_space<hbm>> -> memref<640x128xf32, #tpu.memory_space<hbm>>
      %dma_wait3A_189 = arith.constant 0 : i32
      %dma_wait3A_190 = tpu.memref_slice %arg9[%mul3A_50, %dma_wait3A_189] : memref<10240x128xf32, #tpu.memory_space<vmem_shared>> -> memref<640x128xf32, #tpu.memory_space<vmem_shared>>
      tpu.wait_dma2 semaphore(%run_scoped3A : memref<!tpu.dma_semaphore, #tpu.memory_space<semaphore_mem>>) src(%dma_wait3A_190 : memref<640x128xf32, #tpu.memory_space<vmem_shared>>) dst(%dma_wait3A_188 : memref<640x128xf32, #tpu.memory_space<hbm>>)
      tpu.yield
    }) : () -> ()
    %barrier3A_58 = arith.constant 0 : index
    tpu.barrier barrier_id(%barrier3A_58)
    %mul3A_59 = arith.constant 640 : i32
    %mul3A_60 = arith.muli %arg1, %mul3A_59 : i32
    "tpu.region"() ({
      %run_scoped3A = tpu.sem_alloc : memref<!tpu.dma_semaphore, #tpu.memory_space<semaphore_mem>>
      %dma_start3A_183 = arith.constant 0 : i32
      %dma_start3A_184 = tpu.memref_slice %arg9[%mul3A_60, %dma_start3A_183] : memref<10240x128xf32, #tpu.memory_space<vmem_shared>> -> memref<640x128xf32, #tpu.memory_space<vmem_shared>>
      tpu.enqueue_dma source(%arg3 : memref<640x128xf32, #tpu.memory_space<hbm>>) target(%dma_start3A_184 : memref<640x128xf32, #tpu.memory_space<vmem_shared>>) target_semaphore(%run_scoped3A : memref<!tpu.dma_semaphore, #tpu.memory_space<semaphore_mem>>)
      %dma_wait3A_185 = arith.constant 0 : i32
      %dma_wait3A_186 = tpu.memref_slice %arg9[%mul3A_60, %dma_wait3A_185] : memref<10240x128xf32, #tpu.memory_space<vmem_shared>> -> memref<640x128xf32, #tpu.memory_space<vmem_shared>>
      tpu.wait_dma2 semaphore(%run_scoped3A : memref<!tpu.dma_semaphore, #tpu.memory_space<semaphore_mem>>) src(%arg3 : memref<640x128xf32, #tpu.memory_space<hbm>>) dst(%dma_wait3A_186 : memref<640x128xf32, #tpu.memory_space<vmem_shared>>)
      tpu.yield
    }) : () -> ()
    %barrier3A_61 = arith.constant 0 : index
    tpu.barrier barrier_id(%barrier3A_61)
    %add3A_62 = arith.constant 64 : i32
    %add3A_63 = arith.addi %add3A_62, %add3A : i32
    %mul3A_64 = arith.constant 10112 : i32
    %mul3A_65 = arith.muli %add3A_63, %mul3A_64 : i32
    %add3A_66 = arith.constant 0 : i32
    %add3A_67 = arith.addi %mul3A_65, %add3A_66 : i32
    %dma_start3A_68 = tpu.memref_slice %arg2[%add3A_67] : memref<1941504xi32, #tpu.memory_space<hbm>> -> memref<128xi32, #tpu.memory_space<hbm>>
    %dma_start3A_69 = tpu.memref_slice %arg2[%add3A_67] : memref<1941504xi32, #tpu.memory_space<hbm>> -> memref<128xi32, #tpu.memory_space<hbm>>
    tpu.enqueue_dma source(%dma_start3A_69 : memref<128xi32, #tpu.memory_space<hbm>>) target(%arg6 : memref<128xi32, #tpu.memory_space<vmem>>) target_semaphore(%arg10 : memref<!tpu.dma_semaphore, #tpu.memory_space<semaphore_mem>>)
    %scan3A_70 = arith.constant 0 : i32
    %scan3A_71 = arith.constant 39 : i32
    %scan3A_72 = arith.addi %scan3A_70, %scan3A_71 : i32
    %scan3A_73 = arith.constant 1 : i32
    scf.for %scan3A_183 = %scan3A_70 to %scan3A_72 step %scan3A_73  : i32 {
      %mul3A_184 = arith.constant 2 : i32
      %mul3A_185 = arith.muli %mul3A_184, %scan3A_183 : i32
      %add3A_186 = arith.constant 1 : i32
      %add3A_187 = arith.addi %mul3A_185, %add3A_186 : i32
      %mul3A_188 = arith.constant 128 : i32
      %mul3A_189 = arith.muli %add3A_187, %mul3A_188 : i32
      %add3A_190 = arith.addi %mul3A_65, %mul3A_189 : i32
      %dma_start3A_191 = tpu.memref_slice %arg2[%add3A_190] : memref<1941504xi32, #tpu.memory_space<hbm>> -> memref<128xi32, #tpu.memory_space<hbm>>
      %dma_start3A_192 = tpu.memref_slice %arg2[%add3A_190] : memref<1941504xi32, #tpu.memory_space<hbm>> -> memref<128xi32, #tpu.memory_space<hbm>>
      tpu.enqueue_dma source(%dma_start3A_192 : memref<128xi32, #tpu.memory_space<hbm>>) target(%arg7 : memref<128xi32, #tpu.memory_space<vmem>>) target_semaphore(%arg11 : memref<!tpu.dma_semaphore, #tpu.memory_space<semaphore_mem>>)
      %mul3A_193 = arith.constant 2 : i32
      %mul3A_194 = arith.muli %mul3A_193, %scan3A_183 : i32
      %mul3A_195 = arith.constant 128 : i32
      %mul3A_196 = arith.muli %mul3A_194, %mul3A_195 : i32
      %add3A_197 = arith.addi %mul3A_65, %mul3A_196 : i32
      %dma_wait3A_198 = tpu.memref_slice %arg2[%add3A_197] : memref<1941504xi32, #tpu.memory_space<hbm>> -> memref<128xi32, #tpu.memory_space<hbm>>
      %dma_wait3A_199 = tpu.memref_slice %arg2[%add3A_197] : memref<1941504xi32, #tpu.memory_space<hbm>> -> memref<128xi32, #tpu.memory_space<hbm>>
      tpu.wait_dma2 semaphore(%arg10 : memref<!tpu.dma_semaphore, #tpu.memory_space<semaphore_mem>>) src(%dma_wait3A_199 : memref<128xi32, #tpu.memory_space<hbm>>) dst(%arg6 : memref<128xi32, #tpu.memory_space<vmem>>)
      "tpu.region"() ({
        %run_scoped3A = tpu.sem_alloc : memref<!tpu.dma_semaphore, #tpu.memory_space<semaphore_mem>>
        %dma_start3A_218 = arith.constant 0 : i32
        %dma_start3A_219 = arith.constant 0 : i32
        %dma_start3A_220 = tpu.memref_slice %arg9[%dma_start3A_218, %dma_start3A_219] : memref<10240x128xf32, #tpu.memory_space<vmem_shared>> -> memref<10240x128xf32, #tpu.memory_space<vmem_shared>>
        tpu.enqueue_indirect_dma source(%arg8 : memref<128x128xf32, #tpu.memory_space<vmem>>) target(%dma_start3A_220 : memref<10240x128xf32, #tpu.memory_space<vmem_shared>>) offsets(%arg6 : memref<128xi32, #tpu.memory_space<vmem>>) semaphore(%run_scoped3A : memref<!tpu.dma_semaphore, #tpu.memory_space<semaphore_mem>>) {add = true}
        %dma_wait3A_221 = arith.constant 0 : i32
        %dma_wait3A_222 = arith.constant 0 : i32
        %dma_wait3A_223 = tpu.memref_slice %arg9[%dma_wait3A_221, %dma_wait3A_222] : memref<10240x128xf32, #tpu.memory_space<vmem_shared>> -> memref<10240x128xf32, #tpu.memory_space<vmem_shared>>
        tpu.wait_indirect_dma semaphore(%run_scoped3A : memref<!tpu.dma_semaphore, #tpu.memory_space<semaphore_mem>>) src(%arg8 : memref<128x128xf32, #tpu.memory_space<vmem>>) dst(%dma_wait3A_223 : memref<10240x128xf32, #tpu.memory_space<vmem_shared>>)
        tpu.yield
      }) : () -> ()
      %mul3A_200 = arith.constant 2 : i32
      %mul3A_201 = arith.muli %mul3A_200, %scan3A_183 : i32
      %add3A_202 = arith.constant 2 : i32
      %add3A_203 = arith.addi %mul3A_201, %add3A_202 : i32
      %mul3A_204 = arith.constant 128 : i32
      %mul3A_205 = arith.muli %add3A_203, %mul3A_204 : i32
      %add3A_206 = arith.addi %mul3A_65, %mul3A_205 : i32
      %dma_start3A_207 = tpu.memref_slice %arg2[%add3A_206] : memref<1941504xi32, #tpu.memory_space<hbm>> -> memref<128xi32, #tpu.memory_space<hbm>>
      %dma_start3A_208 = tpu.memref_slice %arg2[%add3A_206] : memref<1941504xi32, #tpu.memory_space<hbm>> -> memref<128xi32, #tpu.memory_space<hbm>>
      tpu.enqueue_dma source(%dma_start3A_208 : memref<128xi32, #tpu.memory_space<hbm>>) target(%arg6 : memref<128xi32, #tpu.memory_space<vmem>>) target_semaphore(%arg10 : memref<!tpu.dma_semaphore, #tpu.memory_space<semaphore_mem>>)
      %mul3A_209 = arith.constant 2 : i32
      %mul3A_210 = arith.muli %mul3A_209, %scan3A_183 : i32
      %add3A_211 = arith.constant 1 : i32
      %add3A_212 = arith.addi %mul3A_210, %add3A_211 : i32
      %mul3A_213 = arith.constant 128 : i32
      %mul3A_214 = arith.muli %add3A_212, %mul3A_213 : i32
      %add3A_215 = arith.addi %mul3A_65, %mul3A_214 : i32
      %dma_wait3A_216 = tpu.memref_slice %arg2[%add3A_215] : memref<1941504xi32, #tpu.memory_space<hbm>> -> memref<128xi32, #tpu.memory_space<hbm>>
      %dma_wait3A_217 = tpu.memref_slice %arg2[%add3A_215] : memref<1941504xi32, #tpu.memory_space<hbm>> -> memref<128xi32, #tpu.memory_space<hbm>>
      tpu.wait_dma2 semaphore(%arg11 : memref<!tpu.dma_semaphore, #tpu.memory_space<semaphore_mem>>) src(%dma_wait3A_217 : memref<128xi32, #tpu.memory_space<hbm>>) dst(%arg7 : memref<128xi32, #tpu.memory_space<vmem>>)
      "tpu.region"() ({
        %run_scoped3A = tpu.sem_alloc : memref<!tpu.dma_semaphore, #tpu.memory_space<semaphore_mem>>
        %dma_start3A_218 = arith.constant 0 : i32
        %dma_start3A_219 = arith.constant 0 : i32
        %dma_start3A_220 = tpu.memref_slice %arg9[%dma_start3A_218, %dma_start3A_219] : memref<10240x128xf32, #tpu.memory_space<vmem_shared>> -> memref<10240x128xf32, #tpu.memory_space<vmem_shared>>
        tpu.enqueue_indirect_dma source(%arg8 : memref<128x128xf32, #tpu.memory_space<vmem>>) target(%dma_start3A_220 : memref<10240x128xf32, #tpu.memory_space<vmem_shared>>) offsets(%arg7 : memref<128xi32, #tpu.memory_space<vmem>>) semaphore(%run_scoped3A : memref<!tpu.dma_semaphore, #tpu.memory_space<semaphore_mem>>) {add = true}
        %dma_wait3A_221 = arith.constant 0 : i32
        %dma_wait3A_222 = arith.constant 0 : i32
        %dma_wait3A_223 = tpu.memref_slice %arg9[%dma_wait3A_221, %dma_wait3A_222] : memref<10240x128xf32, #tpu.memory_space<vmem_shared>> -> memref<10240x128xf32, #tpu.memory_space<vmem_shared>>
        tpu.wait_indirect_dma semaphore(%run_scoped3A : memref<!tpu.dma_semaphore, #tpu.memory_space<semaphore_mem>>) src(%arg8 : memref<128x128xf32, #tpu.memory_space<vmem>>) dst(%dma_wait3A_223 : memref<10240x128xf32, #tpu.memory_space<vmem_shared>>)
        tpu.yield
      }) : () -> ()
    }
    %scan3A_74 = arith.constant 39 : i32
    %add3A_75 = arith.constant 9984 : i32
    %add3A_76 = arith.addi %mul3A_65, %add3A_75 : i32
    %dma_wait3A_77 = tpu.memref_slice %arg2[%add3A_76] : memref<1941504xi32, #tpu.memory_space<hbm>> -> memref<128xi32, #tpu.memory_space<hbm>>
    %dma_wait3A_78 = tpu.memref_slice %arg2[%add3A_76] : memref<1941504xi32, #tpu.memory_space<hbm>> -> memref<128xi32, #tpu.memory_space<hbm>>
    tpu.wait_dma2 semaphore(%arg10 : memref<!tpu.dma_semaphore, #tpu.memory_space<semaphore_mem>>) src(%dma_wait3A_78 : memref<128xi32, #tpu.memory_space<hbm>>) dst(%arg6 : memref<128xi32, #tpu.memory_space<vmem>>)
    "tpu.region"() ({
      %run_scoped3A = tpu.sem_alloc : memref<!tpu.dma_semaphore, #tpu.memory_space<semaphore_mem>>
      %dma_start3A_183 = arith.constant 0 : i32
      %dma_start3A_184 = arith.constant 0 : i32
      %dma_start3A_185 = tpu.memref_slice %arg9[%dma_start3A_183, %dma_start3A_184] : memref<10240x128xf32, #tpu.memory_space<vmem_shared>> -> memref<10240x128xf32, #tpu.memory_space<vmem_shared>>
      tpu.enqueue_indirect_dma source(%arg8 : memref<128x128xf32, #tpu.memory_space<vmem>>) target(%dma_start3A_185 : memref<10240x128xf32, #tpu.memory_space<vmem_shared>>) offsets(%arg6 : memref<128xi32, #tpu.memory_space<vmem>>) semaphore(%run_scoped3A : memref<!tpu.dma_semaphore, #tpu.memory_space<semaphore_mem>>) {add = true}
      %dma_wait3A_186 = arith.constant 0 : i32
      %dma_wait3A_187 = arith.constant 0 : i32
      %dma_wait3A_188 = tpu.memref_slice %arg9[%dma_wait3A_186, %dma_wait3A_187] : memref<10240x128xf32, #tpu.memory_space<vmem_shared>> -> memref<10240x128xf32, #tpu.memory_space<vmem_shared>>
      tpu.wait_indirect_dma semaphore(%run_scoped3A : memref<!tpu.dma_semaphore, #tpu.memory_space<semaphore_mem>>) src(%arg8 : memref<128x128xf32, #tpu.memory_space<vmem>>) dst(%dma_wait3A_188 : memref<10240x128xf32, #tpu.memory_space<vmem_shared>>)
      tpu.yield
    }) : () -> ()
    %barrier3A_79 = arith.constant 0 : index
    tpu.barrier barrier_id(%barrier3A_79)
    %mul3A_80 = arith.constant 640 : i32
    %mul3A_81 = arith.muli %arg1, %mul3A_80 : i32
    %add3A_82 = arith.constant 4 : i32
    %add3A_83 = arith.addi %add3A_82, %arg0 : i32
    %mul3A_84 = arith.constant 10240 : i32
    %mul3A_85 = arith.muli %add3A_83, %mul3A_84 : i32
    %mul3A_86 = arith.constant 640 : i32
    %mul3A_87 = arith.muli %arg1, %mul3A_86 : i32
    %add3A_88 = arith.addi %mul3A_85, %mul3A_87 : i32
    "tpu.region"() ({
      %run_scoped3A = tpu.sem_alloc : memref<!tpu.dma_semaphore, #tpu.memory_space<semaphore_mem>>
      %dma_start3A_183 = arith.constant 0 : i32
      %dma_start3A_184 = tpu.memref_slice %arg5[%add3A_88, %dma_start3A_183] : memref<122880x128xf32, #tpu.memory_space<hbm>> -> memref<640x128xf32, #tpu.memory_space<hbm>>
      %dma_start3A_185 = arith.constant 0 : i32
      %dma_start3A_186 = tpu.memref_slice %arg9[%mul3A_81, %dma_start3A_185] : memref<10240x128xf32, #tpu.memory_space<vmem_shared>> -> memref<640x128xf32, #tpu.memory_space<vmem_shared>>
      tpu.enqueue_dma source(%dma_start3A_186 : memref<640x128xf32, #tpu.memory_space<vmem_shared>>) target(%dma_start3A_184 : memref<640x128xf32, #tpu.memory_space<hbm>>) target_semaphore(%run_scoped3A : memref<!tpu.dma_semaphore, #tpu.memory_space<semaphore_mem>>)
      %dma_wait3A_187 = arith.constant 0 : i32
      %dma_wait3A_188 = tpu.memref_slice %arg5[%add3A_88, %dma_wait3A_187] : memref<122880x128xf32, #tpu.memory_space<hbm>> -> memref<640x128xf32, #tpu.memory_space<hbm>>
      %dma_wait3A_189 = arith.constant 0 : i32
      %dma_wait3A_190 = tpu.memref_slice %arg9[%mul3A_81, %dma_wait3A_189] : memref<10240x128xf32, #tpu.memory_space<vmem_shared>> -> memref<640x128xf32, #tpu.memory_space<vmem_shared>>
      tpu.wait_dma2 semaphore(%run_scoped3A : memref<!tpu.dma_semaphore, #tpu.memory_space<semaphore_mem>>) src(%dma_wait3A_190 : memref<640x128xf32, #tpu.memory_space<vmem_shared>>) dst(%dma_wait3A_188 : memref<640x128xf32, #tpu.memory_space<hbm>>)
      tpu.yield
    }) : () -> ()
    %barrier3A_89 = arith.constant 0 : index
    tpu.barrier barrier_id(%barrier3A_89)
    %mul3A_90 = arith.constant 640 : i32
    %mul3A_91 = arith.muli %arg1, %mul3A_90 : i32
    "tpu.region"() ({
      %run_scoped3A = tpu.sem_alloc : memref<!tpu.dma_semaphore, #tpu.memory_space<semaphore_mem>>
      %dma_start3A_183 = arith.constant 0 : i32
      %dma_start3A_184 = tpu.memref_slice %arg9[%mul3A_91, %dma_start3A_183] : memref<10240x128xf32, #tpu.memory_space<vmem_shared>> -> memref<640x128xf32, #tpu.memory_space<vmem_shared>>
      tpu.enqueue_dma source(%arg3 : memref<640x128xf32, #tpu.memory_space<hbm>>) target(%dma_start3A_184 : memref<640x128xf32, #tpu.memory_space<vmem_shared>>) target_semaphore(%run_scoped3A : memref<!tpu.dma_semaphore, #tpu.memory_space<semaphore_mem>>)
      %dma_wait3A_185 = arith.constant 0 : i32
      %dma_wait3A_186 = tpu.memref_slice %arg9[%mul3A_91, %dma_wait3A_185] : memref<10240x128xf32, #tpu.memory_space<vmem_shared>> -> memref<640x128xf32, #tpu.memory_space<vmem_shared>>
      tpu.wait_dma2 semaphore(%run_scoped3A : memref<!tpu.dma_semaphore, #tpu.memory_space<semaphore_mem>>) src(%arg3 : memref<640x128xf32, #tpu.memory_space<hbm>>) dst(%dma_wait3A_186 : memref<640x128xf32, #tpu.memory_space<vmem_shared>>)
      tpu.yield
    }) : () -> ()
    %barrier3A_92 = arith.constant 0 : index
    tpu.barrier barrier_id(%barrier3A_92)
    %add3A_93 = arith.constant 96 : i32
    %add3A_94 = arith.addi %add3A_93, %add3A : i32
    %mul3A_95 = arith.constant 10112 : i32
    %mul3A_96 = arith.muli %add3A_94, %mul3A_95 : i32
    %add3A_97 = arith.constant 0 : i32
    %add3A_98 = arith.addi %mul3A_96, %add3A_97 : i32
    %dma_start3A_99 = tpu.memref_slice %arg2[%add3A_98] : memref<1941504xi32, #tpu.memory_space<hbm>> -> memref<128xi32, #tpu.memory_space<hbm>>
    %dma_start3A_100 = tpu.memref_slice %arg2[%add3A_98] : memref<1941504xi32, #tpu.memory_space<hbm>> -> memref<128xi32, #tpu.memory_space<hbm>>
    tpu.enqueue_dma source(%dma_start3A_100 : memref<128xi32, #tpu.memory_space<hbm>>) target(%arg6 : memref<128xi32, #tpu.memory_space<vmem>>) target_semaphore(%arg10 : memref<!tpu.dma_semaphore, #tpu.memory_space<semaphore_mem>>)
    %scan3A_101 = arith.constant 0 : i32
    %scan3A_102 = arith.constant 39 : i32
    %scan3A_103 = arith.addi %scan3A_101, %scan3A_102 : i32
    %scan3A_104 = arith.constant 1 : i32
    scf.for %scan3A_183 = %scan3A_101 to %scan3A_103 step %scan3A_104  : i32 {
      %mul3A_184 = arith.constant 2 : i32
      %mul3A_185 = arith.muli %mul3A_184, %scan3A_183 : i32
      %add3A_186 = arith.constant 1 : i32
      %add3A_187 = arith.addi %mul3A_185, %add3A_186 : i32
      %mul3A_188 = arith.constant 128 : i32
      %mul3A_189 = arith.muli %add3A_187, %mul3A_188 : i32
      %add3A_190 = arith.addi %mul3A_96, %mul3A_189 : i32
      %dma_start3A_191 = tpu.memref_slice %arg2[%add3A_190] : memref<1941504xi32, #tpu.memory_space<hbm>> -> memref<128xi32, #tpu.memory_space<hbm>>
      %dma_start3A_192 = tpu.memref_slice %arg2[%add3A_190] : memref<1941504xi32, #tpu.memory_space<hbm>> -> memref<128xi32, #tpu.memory_space<hbm>>
      tpu.enqueue_dma source(%dma_start3A_192 : memref<128xi32, #tpu.memory_space<hbm>>) target(%arg7 : memref<128xi32, #tpu.memory_space<vmem>>) target_semaphore(%arg11 : memref<!tpu.dma_semaphore, #tpu.memory_space<semaphore_mem>>)
      %mul3A_193 = arith.constant 2 : i32
      %mul3A_194 = arith.muli %mul3A_193, %scan3A_183 : i32
      %mul3A_195 = arith.constant 128 : i32
      %mul3A_196 = arith.muli %mul3A_194, %mul3A_195 : i32
      %add3A_197 = arith.addi %mul3A_96, %mul3A_196 : i32
      %dma_wait3A_198 = tpu.memref_slice %arg2[%add3A_197] : memref<1941504xi32, #tpu.memory_space<hbm>> -> memref<128xi32, #tpu.memory_space<hbm>>
      %dma_wait3A_199 = tpu.memref_slice %arg2[%add3A_197] : memref<1941504xi32, #tpu.memory_space<hbm>> -> memref<128xi32, #tpu.memory_space<hbm>>
      tpu.wait_dma2 semaphore(%arg10 : memref<!tpu.dma_semaphore, #tpu.memory_space<semaphore_mem>>) src(%dma_wait3A_199 : memref<128xi32, #tpu.memory_space<hbm>>) dst(%arg6 : memref<128xi32, #tpu.memory_space<vmem>>)
      "tpu.region"() ({
        %run_scoped3A = tpu.sem_alloc : memref<!tpu.dma_semaphore, #tpu.memory_space<semaphore_mem>>
        %dma_start3A_218 = arith.constant 0 : i32
        %dma_start3A_219 = arith.constant 0 : i32
        %dma_start3A_220 = tpu.memref_slice %arg9[%dma_start3A_218, %dma_start3A_219] : memref<10240x128xf32, #tpu.memory_space<vmem_shared>> -> memref<10240x128xf32, #tpu.memory_space<vmem_shared>>
        tpu.enqueue_indirect_dma source(%arg8 : memref<128x128xf32, #tpu.memory_space<vmem>>) target(%dma_start3A_220 : memref<10240x128xf32, #tpu.memory_space<vmem_shared>>) offsets(%arg6 : memref<128xi32, #tpu.memory_space<vmem>>) semaphore(%run_scoped3A : memref<!tpu.dma_semaphore, #tpu.memory_space<semaphore_mem>>) {add = true}
        %dma_wait3A_221 = arith.constant 0 : i32
        %dma_wait3A_222 = arith.constant 0 : i32
        %dma_wait3A_223 = tpu.memref_slice %arg9[%dma_wait3A_221, %dma_wait3A_222] : memref<10240x128xf32, #tpu.memory_space<vmem_shared>> -> memref<10240x128xf32, #tpu.memory_space<vmem_shared>>
        tpu.wait_indirect_dma semaphore(%run_scoped3A : memref<!tpu.dma_semaphore, #tpu.memory_space<semaphore_mem>>) src(%arg8 : memref<128x128xf32, #tpu.memory_space<vmem>>) dst(%dma_wait3A_223 : memref<10240x128xf32, #tpu.memory_space<vmem_shared>>)
        tpu.yield
      }) : () -> ()
      %mul3A_200 = arith.constant 2 : i32
      %mul3A_201 = arith.muli %mul3A_200, %scan3A_183 : i32
      %add3A_202 = arith.constant 2 : i32
      %add3A_203 = arith.addi %mul3A_201, %add3A_202 : i32
      %mul3A_204 = arith.constant 128 : i32
      %mul3A_205 = arith.muli %add3A_203, %mul3A_204 : i32
      %add3A_206 = arith.addi %mul3A_96, %mul3A_205 : i32
      %dma_start3A_207 = tpu.memref_slice %arg2[%add3A_206] : memref<1941504xi32, #tpu.memory_space<hbm>> -> memref<128xi32, #tpu.memory_space<hbm>>
      %dma_start3A_208 = tpu.memref_slice %arg2[%add3A_206] : memref<1941504xi32, #tpu.memory_space<hbm>> -> memref<128xi32, #tpu.memory_space<hbm>>
      tpu.enqueue_dma source(%dma_start3A_208 : memref<128xi32, #tpu.memory_space<hbm>>) target(%arg6 : memref<128xi32, #tpu.memory_space<vmem>>) target_semaphore(%arg10 : memref<!tpu.dma_semaphore, #tpu.memory_space<semaphore_mem>>)
      %mul3A_209 = arith.constant 2 : i32
      %mul3A_210 = arith.muli %mul3A_209, %scan3A_183 : i32
      %add3A_211 = arith.constant 1 : i32
      %add3A_212 = arith.addi %mul3A_210, %add3A_211 : i32
      %mul3A_213 = arith.constant 128 : i32
      %mul3A_214 = arith.muli %add3A_212, %mul3A_213 : i32
      %add3A_215 = arith.addi %mul3A_96, %mul3A_214 : i32
      %dma_wait3A_216 = tpu.memref_slice %arg2[%add3A_215] : memref<1941504xi32, #tpu.memory_space<hbm>> -> memref<128xi32, #tpu.memory_space<hbm>>
      %dma_wait3A_217 = tpu.memref_slice %arg2[%add3A_215] : memref<1941504xi32, #tpu.memory_space<hbm>> -> memref<128xi32, #tpu.memory_space<hbm>>
      tpu.wait_dma2 semaphore(%arg11 : memref<!tpu.dma_semaphore, #tpu.memory_space<semaphore_mem>>) src(%dma_wait3A_217 : memref<128xi32, #tpu.memory_space<hbm>>) dst(%arg7 : memref<128xi32, #tpu.memory_space<vmem>>)
      "tpu.region"() ({
        %run_scoped3A = tpu.sem_alloc : memref<!tpu.dma_semaphore, #tpu.memory_space<semaphore_mem>>
        %dma_start3A_218 = arith.constant 0 : i32
        %dma_start3A_219 = arith.constant 0 : i32
        %dma_start3A_220 = tpu.memref_slice %arg9[%dma_start3A_218, %dma_start3A_219] : memref<10240x128xf32, #tpu.memory_space<vmem_shared>> -> memref<10240x128xf32, #tpu.memory_space<vmem_shared>>
        tpu.enqueue_indirect_dma source(%arg8 : memref<128x128xf32, #tpu.memory_space<vmem>>) target(%dma_start3A_220 : memref<10240x128xf32, #tpu.memory_space<vmem_shared>>) offsets(%arg7 : memref<128xi32, #tpu.memory_space<vmem>>) semaphore(%run_scoped3A : memref<!tpu.dma_semaphore, #tpu.memory_space<semaphore_mem>>) {add = true}
        %dma_wait3A_221 = arith.constant 0 : i32
        %dma_wait3A_222 = arith.constant 0 : i32
        %dma_wait3A_223 = tpu.memref_slice %arg9[%dma_wait3A_221, %dma_wait3A_222] : memref<10240x128xf32, #tpu.memory_space<vmem_shared>> -> memref<10240x128xf32, #tpu.memory_space<vmem_shared>>
        tpu.wait_indirect_dma semaphore(%run_scoped3A : memref<!tpu.dma_semaphore, #tpu.memory_space<semaphore_mem>>) src(%arg8 : memref<128x128xf32, #tpu.memory_space<vmem>>) dst(%dma_wait3A_223 : memref<10240x128xf32, #tpu.memory_space<vmem_shared>>)
        tpu.yield
      }) : () -> ()
    }
    %scan3A_105 = arith.constant 39 : i32
    %add3A_106 = arith.constant 9984 : i32
    %add3A_107 = arith.addi %mul3A_96, %add3A_106 : i32
    %dma_wait3A_108 = tpu.memref_slice %arg2[%add3A_107] : memref<1941504xi32, #tpu.memory_space<hbm>> -> memref<128xi32, #tpu.memory_space<hbm>>
    %dma_wait3A_109 = tpu.memref_slice %arg2[%add3A_107] : memref<1941504xi32, #tpu.memory_space<hbm>> -> memref<128xi32, #tpu.memory_space<hbm>>
    tpu.wait_dma2 semaphore(%arg10 : memref<!tpu.dma_semaphore, #tpu.memory_space<semaphore_mem>>) src(%dma_wait3A_109 : memref<128xi32, #tpu.memory_space<hbm>>) dst(%arg6 : memref<128xi32, #tpu.memory_space<vmem>>)
    "tpu.region"() ({
      %run_scoped3A = tpu.sem_alloc : memref<!tpu.dma_semaphore, #tpu.memory_space<semaphore_mem>>
      %dma_start3A_183 = arith.constant 0 : i32
      %dma_start3A_184 = arith.constant 0 : i32
      %dma_start3A_185 = tpu.memref_slice %arg9[%dma_start3A_183, %dma_start3A_184] : memref<10240x128xf32, #tpu.memory_space<vmem_shared>> -> memref<10240x128xf32, #tpu.memory_space<vmem_shared>>
      tpu.enqueue_indirect_dma source(%arg8 : memref<128x128xf32, #tpu.memory_space<vmem>>) target(%dma_start3A_185 : memref<10240x128xf32, #tpu.memory_space<vmem_shared>>) offsets(%arg6 : memref<128xi32, #tpu.memory_space<vmem>>) semaphore(%run_scoped3A : memref<!tpu.dma_semaphore, #tpu.memory_space<semaphore_mem>>) {add = true}
      %dma_wait3A_186 = arith.constant 0 : i32
      %dma_wait3A_187 = arith.constant 0 : i32
      %dma_wait3A_188 = tpu.memref_slice %arg9[%dma_wait3A_186, %dma_wait3A_187] : memref<10240x128xf32, #tpu.memory_space<vmem_shared>> -> memref<10240x128xf32, #tpu.memory_space<vmem_shared>>
      tpu.wait_indirect_dma semaphore(%run_scoped3A : memref<!tpu.dma_semaphore, #tpu.memory_space<semaphore_mem>>) src(%arg8 : memref<128x128xf32, #tpu.memory_space<vmem>>) dst(%dma_wait3A_188 : memref<10240x128xf32, #tpu.memory_space<vmem_shared>>)
      tpu.yield
    }) : () -> ()
    %barrier3A_110 = arith.constant 0 : index
    tpu.barrier barrier_id(%barrier3A_110)
    %mul3A_111 = arith.constant 640 : i32
    %mul3A_112 = arith.muli %arg1, %mul3A_111 : i32
    %add3A_113 = arith.constant 6 : i32
    %add3A_114 = arith.addi %add3A_113, %arg0 : i32
    %mul3A_115 = arith.constant 10240 : i32
    %mul3A_116 = arith.muli %add3A_114, %mul3A_115 : i32
    %mul3A_117 = arith.constant 640 : i32
    %mul3A_118 = arith.muli %arg1, %mul3A_117 : i32
    %add3A_119 = arith.addi %mul3A_116, %mul3A_118 : i32
    "tpu.region"() ({
      %run_scoped3A = tpu.sem_alloc : memref<!tpu.dma_semaphore, #tpu.memory_space<semaphore_mem>>
      %dma_start3A_183 = arith.constant 0 : i32
      %dma_start3A_184 = tpu.memref_slice %arg5[%add3A_119, %dma_start3A_183] : memref<122880x128xf32, #tpu.memory_space<hbm>> -> memref<640x128xf32, #tpu.memory_space<hbm>>
      %dma_start3A_185 = arith.constant 0 : i32
      %dma_start3A_186 = tpu.memref_slice %arg9[%mul3A_112, %dma_start3A_185] : memref<10240x128xf32, #tpu.memory_space<vmem_shared>> -> memref<640x128xf32, #tpu.memory_space<vmem_shared>>
      tpu.enqueue_dma source(%dma_start3A_186 : memref<640x128xf32, #tpu.memory_space<vmem_shared>>) target(%dma_start3A_184 : memref<640x128xf32, #tpu.memory_space<hbm>>) target_semaphore(%run_scoped3A : memref<!tpu.dma_semaphore, #tpu.memory_space<semaphore_mem>>)
      %dma_wait3A_187 = arith.constant 0 : i32
      %dma_wait3A_188 = tpu.memref_slice %arg5[%add3A_119, %dma_wait3A_187] : memref<122880x128xf32, #tpu.memory_space<hbm>> -> memref<640x128xf32, #tpu.memory_space<hbm>>
      %dma_wait3A_189 = arith.constant 0 : i32
      %dma_wait3A_190 = tpu.memref_slice %arg9[%mul3A_112, %dma_wait3A_189] : memref<10240x128xf32, #tpu.memory_space<vmem_shared>> -> memref<640x128xf32, #tpu.memory_space<vmem_shared>>
      tpu.wait_dma2 semaphore(%run_scoped3A : memref<!tpu.dma_semaphore, #tpu.memory_space<semaphore_mem>>) src(%dma_wait3A_190 : memref<640x128xf32, #tpu.memory_space<vmem_shared>>) dst(%dma_wait3A_188 : memref<640x128xf32, #tpu.memory_space<hbm>>)
      tpu.yield
    }) : () -> ()
    %barrier3A_120 = arith.constant 0 : index
    tpu.barrier barrier_id(%barrier3A_120)
    %mul3A_121 = arith.constant 640 : i32
    %mul3A_122 = arith.muli %arg1, %mul3A_121 : i32
    "tpu.region"() ({
      %run_scoped3A = tpu.sem_alloc : memref<!tpu.dma_semaphore, #tpu.memory_space<semaphore_mem>>
      %dma_start3A_183 = arith.constant 0 : i32
      %dma_start3A_184 = tpu.memref_slice %arg9[%mul3A_122, %dma_start3A_183] : memref<10240x128xf32, #tpu.memory_space<vmem_shared>> -> memref<640x128xf32, #tpu.memory_space<vmem_shared>>
      tpu.enqueue_dma source(%arg3 : memref<640x128xf32, #tpu.memory_space<hbm>>) target(%dma_start3A_184 : memref<640x128xf32, #tpu.memory_space<vmem_shared>>) target_semaphore(%run_scoped3A : memref<!tpu.dma_semaphore, #tpu.memory_space<semaphore_mem>>)
      %dma_wait3A_185 = arith.constant 0 : i32
      %dma_wait3A_186 = tpu.memref_slice %arg9[%mul3A_122, %dma_wait3A_185] : memref<10240x128xf32, #tpu.memory_space<vmem_shared>> -> memref<640x128xf32, #tpu.memory_space<vmem_shared>>
      tpu.wait_dma2 semaphore(%run_scoped3A : memref<!tpu.dma_semaphore, #tpu.memory_space<semaphore_mem>>) src(%arg3 : memref<640x128xf32, #tpu.memory_space<hbm>>) dst(%dma_wait3A_186 : memref<640x128xf32, #tpu.memory_space<vmem_shared>>)
      tpu.yield
    }) : () -> ()
    %barrier3A_123 = arith.constant 0 : index
    tpu.barrier barrier_id(%barrier3A_123)
    %add3A_124 = arith.constant 128 : i32
    %add3A_125 = arith.addi %add3A_124, %add3A : i32
    %mul3A_126 = arith.constant 10112 : i32
    %mul3A_127 = arith.muli %add3A_125, %mul3A_126 : i32
    %add3A_128 = arith.constant 0 : i32
    %add3A_129 = arith.addi %mul3A_127, %add3A_128 : i32
    %dma_start3A_130 = tpu.memref_slice %arg2[%add3A_129] : memref<1941504xi32, #tpu.memory_space<hbm>> -> memref<128xi32, #tpu.memory_space<hbm>>
    %dma_start3A_131 = tpu.memref_slice %arg2[%add3A_129] : memref<1941504xi32, #tpu.memory_space<hbm>> -> memref<128xi32, #tpu.memory_space<hbm>>
    tpu.enqueue_dma source(%dma_start3A_131 : memref<128xi32, #tpu.memory_space<hbm>>) target(%arg6 : memref<128xi32, #tpu.memory_space<vmem>>) target_semaphore(%arg10 : memref<!tpu.dma_semaphore, #tpu.memory_space<semaphore_mem>>)
    %scan3A_132 = arith.constant 0 : i32
    %scan3A_133 = arith.constant 39 : i32
    %scan3A_134 = arith.addi %scan3A_132, %scan3A_133 : i32
    %scan3A_135 = arith.constant 1 : i32
    scf.for %scan3A_183 = %scan3A_132 to %scan3A_134 step %scan3A_135  : i32 {
      %mul3A_184 = arith.constant 2 : i32
      %mul3A_185 = arith.muli %mul3A_184, %scan3A_183 : i32
      %add3A_186 = arith.constant 1 : i32
      %add3A_187 = arith.addi %mul3A_185, %add3A_186 : i32
      %mul3A_188 = arith.constant 128 : i32
      %mul3A_189 = arith.muli %add3A_187, %mul3A_188 : i32
      %add3A_190 = arith.addi %mul3A_127, %mul3A_189 : i32
      %dma_start3A_191 = tpu.memref_slice %arg2[%add3A_190] : memref<1941504xi32, #tpu.memory_space<hbm>> -> memref<128xi32, #tpu.memory_space<hbm>>
      %dma_start3A_192 = tpu.memref_slice %arg2[%add3A_190] : memref<1941504xi32, #tpu.memory_space<hbm>> -> memref<128xi32, #tpu.memory_space<hbm>>
      tpu.enqueue_dma source(%dma_start3A_192 : memref<128xi32, #tpu.memory_space<hbm>>) target(%arg7 : memref<128xi32, #tpu.memory_space<vmem>>) target_semaphore(%arg11 : memref<!tpu.dma_semaphore, #tpu.memory_space<semaphore_mem>>)
      %mul3A_193 = arith.constant 2 : i32
      %mul3A_194 = arith.muli %mul3A_193, %scan3A_183 : i32
      %mul3A_195 = arith.constant 128 : i32
      %mul3A_196 = arith.muli %mul3A_194, %mul3A_195 : i32
      %add3A_197 = arith.addi %mul3A_127, %mul3A_196 : i32
      %dma_wait3A_198 = tpu.memref_slice %arg2[%add3A_197] : memref<1941504xi32, #tpu.memory_space<hbm>> -> memref<128xi32, #tpu.memory_space<hbm>>
      %dma_wait3A_199 = tpu.memref_slice %arg2[%add3A_197] : memref<1941504xi32, #tpu.memory_space<hbm>> -> memref<128xi32, #tpu.memory_space<hbm>>
      tpu.wait_dma2 semaphore(%arg10 : memref<!tpu.dma_semaphore, #tpu.memory_space<semaphore_mem>>) src(%dma_wait3A_199 : memref<128xi32, #tpu.memory_space<hbm>>) dst(%arg6 : memref<128xi32, #tpu.memory_space<vmem>>)
      "tpu.region"() ({
        %run_scoped3A = tpu.sem_alloc : memref<!tpu.dma_semaphore, #tpu.memory_space<semaphore_mem>>
        %dma_start3A_218 = arith.constant 0 : i32
        %dma_start3A_219 = arith.constant 0 : i32
        %dma_start3A_220 = tpu.memref_slice %arg9[%dma_start3A_218, %dma_start3A_219] : memref<10240x128xf32, #tpu.memory_space<vmem_shared>> -> memref<10240x128xf32, #tpu.memory_space<vmem_shared>>
        tpu.enqueue_indirect_dma source(%arg8 : memref<128x128xf32, #tpu.memory_space<vmem>>) target(%dma_start3A_220 : memref<10240x128xf32, #tpu.memory_space<vmem_shared>>) offsets(%arg6 : memref<128xi32, #tpu.memory_space<vmem>>) semaphore(%run_scoped3A : memref<!tpu.dma_semaphore, #tpu.memory_space<semaphore_mem>>) {add = true}
        %dma_wait3A_221 = arith.constant 0 : i32
        %dma_wait3A_222 = arith.constant 0 : i32
        %dma_wait3A_223 = tpu.memref_slice %arg9[%dma_wait3A_221, %dma_wait3A_222] : memref<10240x128xf32, #tpu.memory_space<vmem_shared>> -> memref<10240x128xf32, #tpu.memory_space<vmem_shared>>
        tpu.wait_indirect_dma semaphore(%run_scoped3A : memref<!tpu.dma_semaphore, #tpu.memory_space<semaphore_mem>>) src(%arg8 : memref<128x128xf32, #tpu.memory_space<vmem>>) dst(%dma_wait3A_223 : memref<10240x128xf32, #tpu.memory_space<vmem_shared>>)
        tpu.yield
      }) : () -> ()
      %mul3A_200 = arith.constant 2 : i32
      %mul3A_201 = arith.muli %mul3A_200, %scan3A_183 : i32
      %add3A_202 = arith.constant 2 : i32
      %add3A_203 = arith.addi %mul3A_201, %add3A_202 : i32
      %mul3A_204 = arith.constant 128 : i32
      %mul3A_205 = arith.muli %add3A_203, %mul3A_204 : i32
      %add3A_206 = arith.addi %mul3A_127, %mul3A_205 : i32
      %dma_start3A_207 = tpu.memref_slice %arg2[%add3A_206] : memref<1941504xi32, #tpu.memory_space<hbm>> -> memref<128xi32, #tpu.memory_space<hbm>>
      %dma_start3A_208 = tpu.memref_slice %arg2[%add3A_206] : memref<1941504xi32, #tpu.memory_space<hbm>> -> memref<128xi32, #tpu.memory_space<hbm>>
      tpu.enqueue_dma source(%dma_start3A_208 : memref<128xi32, #tpu.memory_space<hbm>>) target(%arg6 : memref<128xi32, #tpu.memory_space<vmem>>) target_semaphore(%arg10 : memref<!tpu.dma_semaphore, #tpu.memory_space<semaphore_mem>>)
      %mul3A_209 = arith.constant 2 : i32
      %mul3A_210 = arith.muli %mul3A_209, %scan3A_183 : i32
      %add3A_211 = arith.constant 1 : i32
      %add3A_212 = arith.addi %mul3A_210, %add3A_211 : i32
      %mul3A_213 = arith.constant 128 : i32
      %mul3A_214 = arith.muli %add3A_212, %mul3A_213 : i32
      %add3A_215 = arith.addi %mul3A_127, %mul3A_214 : i32
      %dma_wait3A_216 = tpu.memref_slice %arg2[%add3A_215] : memref<1941504xi32, #tpu.memory_space<hbm>> -> memref<128xi32, #tpu.memory_space<hbm>>
      %dma_wait3A_217 = tpu.memref_slice %arg2[%add3A_215] : memref<1941504xi32, #tpu.memory_space<hbm>> -> memref<128xi32, #tpu.memory_space<hbm>>
      tpu.wait_dma2 semaphore(%arg11 : memref<!tpu.dma_semaphore, #tpu.memory_space<semaphore_mem>>) src(%dma_wait3A_217 : memref<128xi32, #tpu.memory_space<hbm>>) dst(%arg7 : memref<128xi32, #tpu.memory_space<vmem>>)
      "tpu.region"() ({
        %run_scoped3A = tpu.sem_alloc : memref<!tpu.dma_semaphore, #tpu.memory_space<semaphore_mem>>
        %dma_start3A_218 = arith.constant 0 : i32
        %dma_start3A_219 = arith.constant 0 : i32
        %dma_start3A_220 = tpu.memref_slice %arg9[%dma_start3A_218, %dma_start3A_219] : memref<10240x128xf32, #tpu.memory_space<vmem_shared>> -> memref<10240x128xf32, #tpu.memory_space<vmem_shared>>
        tpu.enqueue_indirect_dma source(%arg8 : memref<128x128xf32, #tpu.memory_space<vmem>>) target(%dma_start3A_220 : memref<10240x128xf32, #tpu.memory_space<vmem_shared>>) offsets(%arg7 : memref<128xi32, #tpu.memory_space<vmem>>) semaphore(%run_scoped3A : memref<!tpu.dma_semaphore, #tpu.memory_space<semaphore_mem>>) {add = true}
        %dma_wait3A_221 = arith.constant 0 : i32
        %dma_wait3A_222 = arith.constant 0 : i32
        %dma_wait3A_223 = tpu.memref_slice %arg9[%dma_wait3A_221, %dma_wait3A_222] : memref<10240x128xf32, #tpu.memory_space<vmem_shared>> -> memref<10240x128xf32, #tpu.memory_space<vmem_shared>>
        tpu.wait_indirect_dma semaphore(%run_scoped3A : memref<!tpu.dma_semaphore, #tpu.memory_space<semaphore_mem>>) src(%arg8 : memref<128x128xf32, #tpu.memory_space<vmem>>) dst(%dma_wait3A_223 : memref<10240x128xf32, #tpu.memory_space<vmem_shared>>)
        tpu.yield
      }) : () -> ()
    }
    %scan3A_136 = arith.constant 39 : i32
    %add3A_137 = arith.constant 9984 : i32
    %add3A_138 = arith.addi %mul3A_127, %add3A_137 : i32
    %dma_wait3A_139 = tpu.memref_slice %arg2[%add3A_138] : memref<1941504xi32, #tpu.memory_space<hbm>> -> memref<128xi32, #tpu.memory_space<hbm>>
    %dma_wait3A_140 = tpu.memref_slice %arg2[%add3A_138] : memref<1941504xi32, #tpu.memory_space<hbm>> -> memref<128xi32, #tpu.memory_space<hbm>>
    tpu.wait_dma2 semaphore(%arg10 : memref<!tpu.dma_semaphore, #tpu.memory_space<semaphore_mem>>) src(%dma_wait3A_140 : memref<128xi32, #tpu.memory_space<hbm>>) dst(%arg6 : memref<128xi32, #tpu.memory_space<vmem>>)
    "tpu.region"() ({
      %run_scoped3A = tpu.sem_alloc : memref<!tpu.dma_semaphore, #tpu.memory_space<semaphore_mem>>
      %dma_start3A_183 = arith.constant 0 : i32
      %dma_start3A_184 = arith.constant 0 : i32
      %dma_start3A_185 = tpu.memref_slice %arg9[%dma_start3A_183, %dma_start3A_184] : memref<10240x128xf32, #tpu.memory_space<vmem_shared>> -> memref<10240x128xf32, #tpu.memory_space<vmem_shared>>
      tpu.enqueue_indirect_dma source(%arg8 : memref<128x128xf32, #tpu.memory_space<vmem>>) target(%dma_start3A_185 : memref<10240x128xf32, #tpu.memory_space<vmem_shared>>) offsets(%arg6 : memref<128xi32, #tpu.memory_space<vmem>>) semaphore(%run_scoped3A : memref<!tpu.dma_semaphore, #tpu.memory_space<semaphore_mem>>) {add = true}
      %dma_wait3A_186 = arith.constant 0 : i32
      %dma_wait3A_187 = arith.constant 0 : i32
      %dma_wait3A_188 = tpu.memref_slice %arg9[%dma_wait3A_186, %dma_wait3A_187] : memref<10240x128xf32, #tpu.memory_space<vmem_shared>> -> memref<10240x128xf32, #tpu.memory_space<vmem_shared>>
      tpu.wait_indirect_dma semaphore(%run_scoped3A : memref<!tpu.dma_semaphore, #tpu.memory_space<semaphore_mem>>) src(%arg8 : memref<128x128xf32, #tpu.memory_space<vmem>>) dst(%dma_wait3A_188 : memref<10240x128xf32, #tpu.memory_space<vmem_shared>>)
      tpu.yield
    }) : () -> ()
    %barrier3A_141 = arith.constant 0 : index
    tpu.barrier barrier_id(%barrier3A_141)
    %mul3A_142 = arith.constant 640 : i32
    %mul3A_143 = arith.muli %arg1, %mul3A_142 : i32
    %add3A_144 = arith.constant 8 : i32
    %add3A_145 = arith.addi %add3A_144, %arg0 : i32
    %mul3A_146 = arith.constant 10240 : i32
    %mul3A_147 = arith.muli %add3A_145, %mul3A_146 : i32
    %mul3A_148 = arith.constant 640 : i32
    %mul3A_149 = arith.muli %arg1, %mul3A_148 : i32
    %add3A_150 = arith.addi %mul3A_147, %mul3A_149 : i32
    "tpu.region"() ({
      %run_scoped3A = tpu.sem_alloc : memref<!tpu.dma_semaphore, #tpu.memory_space<semaphore_mem>>
      %dma_start3A_183 = arith.constant 0 : i32
      %dma_start3A_184 = tpu.memref_slice %arg5[%add3A_150, %dma_start3A_183] : memref<122880x128xf32, #tpu.memory_space<hbm>> -> memref<640x128xf32, #tpu.memory_space<hbm>>
      %dma_start3A_185 = arith.constant 0 : i32
      %dma_start3A_186 = tpu.memref_slice %arg9[%mul3A_143, %dma_start3A_185] : memref<10240x128xf32, #tpu.memory_space<vmem_shared>> -> memref<640x128xf32, #tpu.memory_space<vmem_shared>>
      tpu.enqueue_dma source(%dma_start3A_186 : memref<640x128xf32, #tpu.memory_space<vmem_shared>>) target(%dma_start3A_184 : memref<640x128xf32, #tpu.memory_space<hbm>>) target_semaphore(%run_scoped3A : memref<!tpu.dma_semaphore, #tpu.memory_space<semaphore_mem>>)
      %dma_wait3A_187 = arith.constant 0 : i32
      %dma_wait3A_188 = tpu.memref_slice %arg5[%add3A_150, %dma_wait3A_187] : memref<122880x128xf32, #tpu.memory_space<hbm>> -> memref<640x128xf32, #tpu.memory_space<hbm>>
      %dma_wait3A_189 = arith.constant 0 : i32
      %dma_wait3A_190 = tpu.memref_slice %arg9[%mul3A_143, %dma_wait3A_189] : memref<10240x128xf32, #tpu.memory_space<vmem_shared>> -> memref<640x128xf32, #tpu.memory_space<vmem_shared>>
      tpu.wait_dma2 semaphore(%run_scoped3A : memref<!tpu.dma_semaphore, #tpu.memory_space<semaphore_mem>>) src(%dma_wait3A_190 : memref<640x128xf32, #tpu.memory_space<vmem_shared>>) dst(%dma_wait3A_188 : memref<640x128xf32, #tpu.memory_space<hbm>>)
      tpu.yield
    }) : () -> ()
    %barrier3A_151 = arith.constant 0 : index
    tpu.barrier barrier_id(%barrier3A_151)
    %mul3A_152 = arith.constant 640 : i32
    %mul3A_153 = arith.muli %arg1, %mul3A_152 : i32
    "tpu.region"() ({
      %run_scoped3A = tpu.sem_alloc : memref<!tpu.dma_semaphore, #tpu.memory_space<semaphore_mem>>
      %dma_start3A_183 = arith.constant 0 : i32
      %dma_start3A_184 = tpu.memref_slice %arg9[%mul3A_153, %dma_start3A_183] : memref<10240x128xf32, #tpu.memory_space<vmem_shared>> -> memref<640x128xf32, #tpu.memory_space<vmem_shared>>
      tpu.enqueue_dma source(%arg3 : memref<640x128xf32, #tpu.memory_space<hbm>>) target(%dma_start3A_184 : memref<640x128xf32, #tpu.memory_space<vmem_shared>>) target_semaphore(%run_scoped3A : memref<!tpu.dma_semaphore, #tpu.memory_space<semaphore_mem>>)
      %dma_wait3A_185 = arith.constant 0 : i32
      %dma_wait3A_186 = tpu.memref_slice %arg9[%mul3A_153, %dma_wait3A_185] : memref<10240x128xf32, #tpu.memory_space<vmem_shared>> -> memref<640x128xf32, #tpu.memory_space<vmem_shared>>
      tpu.wait_dma2 semaphore(%run_scoped3A : memref<!tpu.dma_semaphore, #tpu.memory_space<semaphore_mem>>) src(%arg3 : memref<640x128xf32, #tpu.memory_space<hbm>>) dst(%dma_wait3A_186 : memref<640x128xf32, #tpu.memory_space<vmem_shared>>)
      tpu.yield
    }) : () -> ()
    %barrier3A_154 = arith.constant 0 : index
    tpu.barrier barrier_id(%barrier3A_154)
    %add3A_155 = arith.constant 160 : i32
    %add3A_156 = arith.addi %add3A_155, %add3A : i32
    %mul3A_157 = arith.constant 10112 : i32
    %mul3A_158 = arith.muli %add3A_156, %mul3A_157 : i32
    %add3A_159 = arith.constant 0 : i32
    %add3A_160 = arith.addi %mul3A_158, %add3A_159 : i32
    %dma_start3A_161 = tpu.memref_slice %arg2[%add3A_160] : memref<1941504xi32, #tpu.memory_space<hbm>> -> memref<128xi32, #tpu.memory_space<hbm>>
    %dma_start3A_162 = tpu.memref_slice %arg2[%add3A_160] : memref<1941504xi32, #tpu.memory_space<hbm>> -> memref<128xi32, #tpu.memory_space<hbm>>
    tpu.enqueue_dma source(%dma_start3A_162 : memref<128xi32, #tpu.memory_space<hbm>>) target(%arg6 : memref<128xi32, #tpu.memory_space<vmem>>) target_semaphore(%arg10 : memref<!tpu.dma_semaphore, #tpu.memory_space<semaphore_mem>>)
    %scan3A_163 = arith.constant 0 : i32
    %scan3A_164 = arith.constant 39 : i32
    %scan3A_165 = arith.addi %scan3A_163, %scan3A_164 : i32
    %scan3A_166 = arith.constant 1 : i32
    scf.for %scan3A_183 = %scan3A_163 to %scan3A_165 step %scan3A_166  : i32 {
      %mul3A_184 = arith.constant 2 : i32
      %mul3A_185 = arith.muli %mul3A_184, %scan3A_183 : i32
      %add3A_186 = arith.constant 1 : i32
      %add3A_187 = arith.addi %mul3A_185, %add3A_186 : i32
      %mul3A_188 = arith.constant 128 : i32
      %mul3A_189 = arith.muli %add3A_187, %mul3A_188 : i32
      %add3A_190 = arith.addi %mul3A_158, %mul3A_189 : i32
      %dma_start3A_191 = tpu.memref_slice %arg2[%add3A_190] : memref<1941504xi32, #tpu.memory_space<hbm>> -> memref<128xi32, #tpu.memory_space<hbm>>
      %dma_start3A_192 = tpu.memref_slice %arg2[%add3A_190] : memref<1941504xi32, #tpu.memory_space<hbm>> -> memref<128xi32, #tpu.memory_space<hbm>>
      tpu.enqueue_dma source(%dma_start3A_192 : memref<128xi32, #tpu.memory_space<hbm>>) target(%arg7 : memref<128xi32, #tpu.memory_space<vmem>>) target_semaphore(%arg11 : memref<!tpu.dma_semaphore, #tpu.memory_space<semaphore_mem>>)
      %mul3A_193 = arith.constant 2 : i32
      %mul3A_194 = arith.muli %mul3A_193, %scan3A_183 : i32
      %mul3A_195 = arith.constant 128 : i32
      %mul3A_196 = arith.muli %mul3A_194, %mul3A_195 : i32
      %add3A_197 = arith.addi %mul3A_158, %mul3A_196 : i32
      %dma_wait3A_198 = tpu.memref_slice %arg2[%add3A_197] : memref<1941504xi32, #tpu.memory_space<hbm>> -> memref<128xi32, #tpu.memory_space<hbm>>
      %dma_wait3A_199 = tpu.memref_slice %arg2[%add3A_197] : memref<1941504xi32, #tpu.memory_space<hbm>> -> memref<128xi32, #tpu.memory_space<hbm>>
      tpu.wait_dma2 semaphore(%arg10 : memref<!tpu.dma_semaphore, #tpu.memory_space<semaphore_mem>>) src(%dma_wait3A_199 : memref<128xi32, #tpu.memory_space<hbm>>) dst(%arg6 : memref<128xi32, #tpu.memory_space<vmem>>)
      "tpu.region"() ({
        %run_scoped3A = tpu.sem_alloc : memref<!tpu.dma_semaphore, #tpu.memory_space<semaphore_mem>>
        %dma_start3A_218 = arith.constant 0 : i32
        %dma_start3A_219 = arith.constant 0 : i32
        %dma_start3A_220 = tpu.memref_slice %arg9[%dma_start3A_218, %dma_start3A_219] : memref<10240x128xf32, #tpu.memory_space<vmem_shared>> -> memref<10240x128xf32, #tpu.memory_space<vmem_shared>>
        tpu.enqueue_indirect_dma source(%arg8 : memref<128x128xf32, #tpu.memory_space<vmem>>) target(%dma_start3A_220 : memref<10240x128xf32, #tpu.memory_space<vmem_shared>>) offsets(%arg6 : memref<128xi32, #tpu.memory_space<vmem>>) semaphore(%run_scoped3A : memref<!tpu.dma_semaphore, #tpu.memory_space<semaphore_mem>>) {add = true}
        %dma_wait3A_221 = arith.constant 0 : i32
        %dma_wait3A_222 = arith.constant 0 : i32
        %dma_wait3A_223 = tpu.memref_slice %arg9[%dma_wait3A_221, %dma_wait3A_222] : memref<10240x128xf32, #tpu.memory_space<vmem_shared>> -> memref<10240x128xf32, #tpu.memory_space<vmem_shared>>
        tpu.wait_indirect_dma semaphore(%run_scoped3A : memref<!tpu.dma_semaphore, #tpu.memory_space<semaphore_mem>>) src(%arg8 : memref<128x128xf32, #tpu.memory_space<vmem>>) dst(%dma_wait3A_223 : memref<10240x128xf32, #tpu.memory_space<vmem_shared>>)
        tpu.yield
      }) : () -> ()
      %mul3A_200 = arith.constant 2 : i32
      %mul3A_201 = arith.muli %mul3A_200, %scan3A_183 : i32
      %add3A_202 = arith.constant 2 : i32
      %add3A_203 = arith.addi %mul3A_201, %add3A_202 : i32
      %mul3A_204 = arith.constant 128 : i32
      %mul3A_205 = arith.muli %add3A_203, %mul3A_204 : i32
      %add3A_206 = arith.addi %mul3A_158, %mul3A_205 : i32
      %dma_start3A_207 = tpu.memref_slice %arg2[%add3A_206] : memref<1941504xi32, #tpu.memory_space<hbm>> -> memref<128xi32, #tpu.memory_space<hbm>>
      %dma_start3A_208 = tpu.memref_slice %arg2[%add3A_206] : memref<1941504xi32, #tpu.memory_space<hbm>> -> memref<128xi32, #tpu.memory_space<hbm>>
      tpu.enqueue_dma source(%dma_start3A_208 : memref<128xi32, #tpu.memory_space<hbm>>) target(%arg6 : memref<128xi32, #tpu.memory_space<vmem>>) target_semaphore(%arg10 : memref<!tpu.dma_semaphore, #tpu.memory_space<semaphore_mem>>)
      %mul3A_209 = arith.constant 2 : i32
      %mul3A_210 = arith.muli %mul3A_209, %scan3A_183 : i32
      %add3A_211 = arith.constant 1 : i32
      %add3A_212 = arith.addi %mul3A_210, %add3A_211 : i32
      %mul3A_213 = arith.constant 128 : i32
      %mul3A_214 = arith.muli %add3A_212, %mul3A_213 : i32
      %add3A_215 = arith.addi %mul3A_158, %mul3A_214 : i32
      %dma_wait3A_216 = tpu.memref_slice %arg2[%add3A_215] : memref<1941504xi32, #tpu.memory_space<hbm>> -> memref<128xi32, #tpu.memory_space<hbm>>
      %dma_wait3A_217 = tpu.memref_slice %arg2[%add3A_215] : memref<1941504xi32, #tpu.memory_space<hbm>> -> memref<128xi32, #tpu.memory_space<hbm>>
      tpu.wait_dma2 semaphore(%arg11 : memref<!tpu.dma_semaphore, #tpu.memory_space<semaphore_mem>>) src(%dma_wait3A_217 : memref<128xi32, #tpu.memory_space<hbm>>) dst(%arg7 : memref<128xi32, #tpu.memory_space<vmem>>)
      "tpu.region"() ({
        %run_scoped3A = tpu.sem_alloc : memref<!tpu.dma_semaphore, #tpu.memory_space<semaphore_mem>>
        %dma_start3A_218 = arith.constant 0 : i32
        %dma_start3A_219 = arith.constant 0 : i32
        %dma_start3A_220 = tpu.memref_slice %arg9[%dma_start3A_218, %dma_start3A_219] : memref<10240x128xf32, #tpu.memory_space<vmem_shared>> -> memref<10240x128xf32, #tpu.memory_space<vmem_shared>>
        tpu.enqueue_indirect_dma source(%arg8 : memref<128x128xf32, #tpu.memory_space<vmem>>) target(%dma_start3A_220 : memref<10240x128xf32, #tpu.memory_space<vmem_shared>>) offsets(%arg7 : memref<128xi32, #tpu.memory_space<vmem>>) semaphore(%run_scoped3A : memref<!tpu.dma_semaphore, #tpu.memory_space<semaphore_mem>>) {add = true}
        %dma_wait3A_221 = arith.constant 0 : i32
        %dma_wait3A_222 = arith.constant 0 : i32
        %dma_wait3A_223 = tpu.memref_slice %arg9[%dma_wait3A_221, %dma_wait3A_222] : memref<10240x128xf32, #tpu.memory_space<vmem_shared>> -> memref<10240x128xf32, #tpu.memory_space<vmem_shared>>
        tpu.wait_indirect_dma semaphore(%run_scoped3A : memref<!tpu.dma_semaphore, #tpu.memory_space<semaphore_mem>>) src(%arg8 : memref<128x128xf32, #tpu.memory_space<vmem>>) dst(%dma_wait3A_223 : memref<10240x128xf32, #tpu.memory_space<vmem_shared>>)
        tpu.yield
      }) : () -> ()
    }
    %scan3A_167 = arith.constant 39 : i32
    %add3A_168 = arith.constant 9984 : i32
    %add3A_169 = arith.addi %mul3A_158, %add3A_168 : i32
    %dma_wait3A_170 = tpu.memref_slice %arg2[%add3A_169] : memref<1941504xi32, #tpu.memory_space<hbm>> -> memref<128xi32, #tpu.memory_space<hbm>>
    %dma_wait3A_171 = tpu.memref_slice %arg2[%add3A_169] : memref<1941504xi32, #tpu.memory_space<hbm>> -> memref<128xi32, #tpu.memory_space<hbm>>
    tpu.wait_dma2 semaphore(%arg10 : memref<!tpu.dma_semaphore, #tpu.memory_space<semaphore_mem>>) src(%dma_wait3A_171 : memref<128xi32, #tpu.memory_space<hbm>>) dst(%arg6 : memref<128xi32, #tpu.memory_space<vmem>>)
    "tpu.region"() ({
      %run_scoped3A = tpu.sem_alloc : memref<!tpu.dma_semaphore, #tpu.memory_space<semaphore_mem>>
      %dma_start3A_183 = arith.constant 0 : i32
      %dma_start3A_184 = arith.constant 0 : i32
      %dma_start3A_185 = tpu.memref_slice %arg9[%dma_start3A_183, %dma_start3A_184] : memref<10240x128xf32, #tpu.memory_space<vmem_shared>> -> memref<10240x128xf32, #tpu.memory_space<vmem_shared>>
      tpu.enqueue_indirect_dma source(%arg8 : memref<128x128xf32, #tpu.memory_space<vmem>>) target(%dma_start3A_185 : memref<10240x128xf32, #tpu.memory_space<vmem_shared>>) offsets(%arg6 : memref<128xi32, #tpu.memory_space<vmem>>) semaphore(%run_scoped3A : memref<!tpu.dma_semaphore, #tpu.memory_space<semaphore_mem>>) {add = true}
      %dma_wait3A_186 = arith.constant 0 : i32
      %dma_wait3A_187 = arith.constant 0 : i32
      %dma_wait3A_188 = tpu.memref_slice %arg9[%dma_wait3A_186, %dma_wait3A_187] : memref<10240x128xf32, #tpu.memory_space<vmem_shared>> -> memref<10240x128xf32, #tpu.memory_space<vmem_shared>>
      tpu.wait_indirect_dma semaphore(%run_scoped3A : memref<!tpu.dma_semaphore, #tpu.memory_space<semaphore_mem>>) src(%arg8 : memref<128x128xf32, #tpu.memory_space<vmem>>) dst(%dma_wait3A_188 : memref<10240x128xf32, #tpu.memory_space<vmem_shared>>)
      tpu.yield
    }) : () -> ()
    %barrier3A_172 = arith.constant 0 : index
    tpu.barrier barrier_id(%barrier3A_172)
    %mul3A_173 = arith.constant 640 : i32
    %mul3A_174 = arith.muli %arg1, %mul3A_173 : i32
    %add3A_175 = arith.constant 10 : i32
    %add3A_176 = arith.addi %add3A_175, %arg0 : i32
    %mul3A_177 = arith.constant 10240 : i32
    %mul3A_178 = arith.muli %add3A_176, %mul3A_177 : i32
    %mul3A_179 = arith.constant 640 : i32
    %mul3A_180 = arith.muli %arg1, %mul3A_179 : i32
    %add3A_181 = arith.addi %mul3A_178, %mul3A_180 : i32
    "tpu.region"() ({
      %run_scoped3A = tpu.sem_alloc : memref<!tpu.dma_semaphore, #tpu.memory_space<semaphore_mem>>
      %dma_start3A_183 = arith.constant 0 : i32
      %dma_start3A_184 = tpu.memref_slice %arg5[%add3A_181, %dma_start3A_183] : memref<122880x128xf32, #tpu.memory_space<hbm>> -> memref<640x128xf32, #tpu.memory_space<hbm>>
      %dma_start3A_185 = arith.constant 0 : i32
      %dma_start3A_186 = tpu.memref_slice %arg9[%mul3A_174, %dma_start3A_185] : memref<10240x128xf32, #tpu.memory_space<vmem_shared>> -> memref<640x128xf32, #tpu.memory_space<vmem_shared>>
      tpu.enqueue_dma source(%dma_start3A_186 : memref<640x128xf32, #tpu.memory_space<vmem_shared>>) target(%dma_start3A_184 : memref<640x128xf32, #tpu.memory_space<hbm>>) target_semaphore(%run_scoped3A : memref<!tpu.dma_semaphore, #tpu.memory_space<semaphore_mem>>)
      %dma_wait3A_187 = arith.constant 0 : i32
      %dma_wait3A_188 = tpu.memref_slice %arg5[%add3A_181, %dma_wait3A_187] : memref<122880x128xf32, #tpu.memory_space<hbm>> -> memref<640x128xf32, #tpu.memory_space<hbm>>
      %dma_wait3A_189 = arith.constant 0 : i32
      %dma_wait3A_190 = tpu.memref_slice %arg9[%mul3A_174, %dma_wait3A_189] : memref<10240x128xf32, #tpu.memory_space<vmem_shared>> -> memref<640x128xf32, #tpu.memory_space<vmem_shared>>
      tpu.wait_dma2 semaphore(%run_scoped3A : memref<!tpu.dma_semaphore, #tpu.memory_space<semaphore_mem>>) src(%dma_wait3A_190 : memref<640x128xf32, #tpu.memory_space<vmem_shared>>) dst(%dma_wait3A_188 : memref<640x128xf32, #tpu.memory_space<hbm>>)
      tpu.yield
    }) : () -> ()
    %barrier3A_182 = arith.constant 0 : index
    tpu.barrier barrier_id(%barrier3A_182)
    return
  }
}

#map = affine_map<(d0, d1) -> (0, 0)>
#map1 = affine_map<(d0, d1) -> (0)>
module attributes {stable_mosaic.version = 14 : i64} {
  func.func @_scat_body(%arg0: i32, %arg1: i32, %arg2: memref<10240x128xf32, #tpu.memory_space<hbm>>, %arg3: memref<10240x128xf32, #tpu.memory_space<hbm>>, %arg4: memref<10240x128xf32, #tpu.memory_space<hbm>>, %arg5: memref<1941504xi32, #tpu.memory_space<hbm>>, %arg6: memref<640x128xf32, #tpu.memory_space<hbm>>, %arg7: memref<20480x128xf32, #tpu.memory_space<hbm>>, %arg8: memref<20480x128xf32, #tpu.memory_space<hbm>>, %arg9: memref<20480x128xf32, #tpu.memory_space<hbm>>, %arg10: memref<128xi32, #tpu.memory_space<vmem>>, %arg11: memref<128xi32, #tpu.memory_space<vmem>>, %arg12: memref<128xi32, #tpu.memory_space<vmem>>, %arg13: memref<128xi32, #tpu.memory_space<vmem>>, %arg14: memref<128x128xf32, #tpu.memory_space<vmem>>, %arg15: memref<128x128xf32, #tpu.memory_space<vmem>>, %arg16: memref<10240x128xf32, #tpu.memory_space<vmem_shared>>, %arg17: memref<!tpu.dma_semaphore, #tpu.memory_space<semaphore_mem>>, %arg18: memref<!tpu.dma_semaphore, #tpu.memory_space<semaphore_mem>>) attributes {dimension_semantics = [#tpu.dimension_semantics<core_parallel>, #tpu.dimension_semantics<subcore_parallel>], iteration_bounds = array<i64: 2, 16>, scalar_prefetch = 0 : i64, scratch_operands = 9 : i64, tpu.core_type = #tpu.core_type<sc_vector_subcore>, window_params = [{transform_indices = #map}, {transform_indices = #map}, {transform_indices = #map}, {transform_indices = #map1}, {transform_indices = #map}, {transform_indices = #map}, {transform_indices = #map}, {transform_indices = #map}]} {
    %mul3A = arith.constant 16 : i32
    %mul3A_0 = arith.muli %arg0, %mul3A : i32
    %add3A = arith.addi %mul3A_0, %arg1 : i32
    %mul3A_1 = arith.constant 640 : i32
    %mul3A_2 = arith.muli %arg1, %mul3A_1 : i32
    "tpu.region"() ({
      %run_scoped3A = tpu.sem_alloc : memref<!tpu.dma_semaphore, #tpu.memory_space<semaphore_mem>>
      %dma_start3A_99 = arith.constant 0 : i32
      %dma_start3A_100 = tpu.memref_slice %arg16[%mul3A_2, %dma_start3A_99] : memref<10240x128xf32, #tpu.memory_space<vmem_shared>> -> memref<640x128xf32, #tpu.memory_space<vmem_shared>>
      tpu.enqueue_dma source(%arg6 : memref<640x128xf32, #tpu.memory_space<hbm>>) target(%dma_start3A_100 : memref<640x128xf32, #tpu.memory_space<vmem_shared>>) target_semaphore(%run_scoped3A : memref<!tpu.dma_semaphore, #tpu.memory_space<semaphore_mem>>)
      %dma_wait3A_101 = arith.constant 0 : i32
      %dma_wait3A_102 = tpu.memref_slice %arg16[%mul3A_2, %dma_wait3A_101] : memref<10240x128xf32, #tpu.memory_space<vmem_shared>> -> memref<640x128xf32, #tpu.memory_space<vmem_shared>>
      tpu.wait_dma2 semaphore(%run_scoped3A : memref<!tpu.dma_semaphore, #tpu.memory_space<semaphore_mem>>) src(%arg6 : memref<640x128xf32, #tpu.memory_space<hbm>>) dst(%dma_wait3A_102 : memref<640x128xf32, #tpu.memory_space<vmem_shared>>)
      tpu.yield
    }) : () -> ()
    %barrier3A = arith.constant 0 : index
    tpu.barrier barrier_id(%barrier3A)
    %add3A_3 = arith.constant 0 : i32
    %add3A_4 = arith.addi %add3A_3, %add3A : i32
    %mul3A_5 = arith.constant 10112 : i32
    %mul3A_6 = arith.muli %add3A_4, %mul3A_5 : i32
    %add3A_7 = arith.constant 32 : i32
    %add3A_8 = arith.addi %add3A_7, %add3A : i32
    %mul3A_9 = arith.constant 10112 : i32
    %mul3A_10 = arith.muli %add3A_8, %mul3A_9 : i32
    %add3A_11 = arith.constant 0 : i32
    %add3A_12 = arith.addi %mul3A_6, %add3A_11 : i32
    "tpu.region"() ({
      %run_scoped3A = tpu.sem_alloc : memref<!tpu.dma_semaphore, #tpu.memory_space<semaphore_mem>>
      %dma_start3A_99 = tpu.memref_slice %arg5[%add3A_12] : memref<1941504xi32, #tpu.memory_space<hbm>> -> memref<128xi32, #tpu.memory_space<hbm>>
      %dma_start3A_100 = tpu.memref_slice %arg5[%add3A_12] : memref<1941504xi32, #tpu.memory_space<hbm>> -> memref<128xi32, #tpu.memory_space<hbm>>
      tpu.enqueue_dma source(%dma_start3A_100 : memref<128xi32, #tpu.memory_space<hbm>>) target(%arg10 : memref<128xi32, #tpu.memory_space<vmem>>) target_semaphore(%run_scoped3A : memref<!tpu.dma_semaphore, #tpu.memory_space<semaphore_mem>>)
      %dma_wait3A_101 = tpu.memref_slice %arg5[%add3A_12] : memref<1941504xi32, #tpu.memory_space<hbm>> -> memref<128xi32, #tpu.memory_space<hbm>>
      %dma_wait3A_102 = tpu.memref_slice %arg5[%add3A_12] : memref<1941504xi32, #tpu.memory_space<hbm>> -> memref<128xi32, #tpu.memory_space<hbm>>
      tpu.wait_dma2 semaphore(%run_scoped3A : memref<!tpu.dma_semaphore, #tpu.memory_space<semaphore_mem>>) src(%dma_wait3A_102 : memref<128xi32, #tpu.memory_space<hbm>>) dst(%arg10 : memref<128xi32, #tpu.memory_space<vmem>>)
      tpu.yield
    }) : () -> ()
    %dma_start3A = arith.constant 0 : i32
    %dma_start3A_13 = arith.constant 0 : i32
    %dma_start3A_14 = tpu.memref_slice %arg2[%dma_start3A, %dma_start3A_13] : memref<10240x128xf32, #tpu.memory_space<hbm>> -> memref<10240x128xf32, #tpu.memory_space<hbm>>
    tpu.enqueue_indirect_dma source(%dma_start3A_14 : memref<10240x128xf32, #tpu.memory_space<hbm>>) target(%arg14 : memref<128x128xf32, #tpu.memory_space<vmem>>) offsets(%arg10 : memref<128xi32, #tpu.memory_space<vmem>>) semaphore(%arg17 : memref<!tpu.dma_semaphore, #tpu.memory_space<semaphore_mem>>)
    %add3A_15 = arith.constant 0 : i32
    %add3A_16 = arith.addi %mul3A_10, %add3A_15 : i32
    "tpu.region"() ({
      %run_scoped3A = tpu.sem_alloc : memref<!tpu.dma_semaphore, #tpu.memory_space<semaphore_mem>>
      %dma_start3A_99 = tpu.memref_slice %arg5[%add3A_16] : memref<1941504xi32, #tpu.memory_space<hbm>> -> memref<128xi32, #tpu.memory_space<hbm>>
      %dma_start3A_100 = tpu.memref_slice %arg5[%add3A_16] : memref<1941504xi32, #tpu.memory_space<hbm>> -> memref<128xi32, #tpu.memory_space<hbm>>
      tpu.enqueue_dma source(%dma_start3A_100 : memref<128xi32, #tpu.memory_space<hbm>>) target(%arg12 : memref<128xi32, #tpu.memory_space<vmem>>) target_semaphore(%run_scoped3A : memref<!tpu.dma_semaphore, #tpu.memory_space<semaphore_mem>>)
      %dma_wait3A_101 = tpu.memref_slice %arg5[%add3A_16] : memref<1941504xi32, #tpu.memory_space<hbm>> -> memref<128xi32, #tpu.memory_space<hbm>>
      %dma_wait3A_102 = tpu.memref_slice %arg5[%add3A_16] : memref<1941504xi32, #tpu.memory_space<hbm>> -> memref<128xi32, #tpu.memory_space<hbm>>
      tpu.wait_dma2 semaphore(%run_scoped3A : memref<!tpu.dma_semaphore, #tpu.memory_space<semaphore_mem>>) src(%dma_wait3A_102 : memref<128xi32, #tpu.memory_space<hbm>>) dst(%arg12 : memref<128xi32, #tpu.memory_space<vmem>>)
      tpu.yield
    }) : () -> ()
    %scan3A = arith.constant 0 : i32
    %scan3A_17 = arith.constant 39 : i32
    %scan3A_18 = arith.addi %scan3A, %scan3A_17 : i32
    %scan3A_19 = arith.constant 1 : i32
    scf.for %scan3A_99 = %scan3A to %scan3A_18 step %scan3A_19  : i32 {
      %mul3A_100 = arith.constant 2 : i32
      %mul3A_101 = arith.muli %mul3A_100, %scan3A_99 : i32
      %add3A_102 = arith.constant 1 : i32
      %add3A_103 = arith.addi %mul3A_101, %add3A_102 : i32
      %mul3A_104 = arith.constant 128 : i32
      %mul3A_105 = arith.muli %add3A_103, %mul3A_104 : i32
      %add3A_106 = arith.addi %mul3A_6, %mul3A_105 : i32
      "tpu.region"() ({
        %run_scoped3A = tpu.sem_alloc : memref<!tpu.dma_semaphore, #tpu.memory_space<semaphore_mem>>
        %dma_start3A_138 = tpu.memref_slice %arg5[%add3A_106] : memref<1941504xi32, #tpu.memory_space<hbm>> -> memref<128xi32, #tpu.memory_space<hbm>>
        %dma_start3A_139 = tpu.memref_slice %arg5[%add3A_106] : memref<1941504xi32, #tpu.memory_space<hbm>> -> memref<128xi32, #tpu.memory_space<hbm>>
        tpu.enqueue_dma source(%dma_start3A_139 : memref<128xi32, #tpu.memory_space<hbm>>) target(%arg11 : memref<128xi32, #tpu.memory_space<vmem>>) target_semaphore(%run_scoped3A : memref<!tpu.dma_semaphore, #tpu.memory_space<semaphore_mem>>)
        %dma_wait3A_140 = tpu.memref_slice %arg5[%add3A_106] : memref<1941504xi32, #tpu.memory_space<hbm>> -> memref<128xi32, #tpu.memory_space<hbm>>
        %dma_wait3A_141 = tpu.memref_slice %arg5[%add3A_106] : memref<1941504xi32, #tpu.memory_space<hbm>> -> memref<128xi32, #tpu.memory_space<hbm>>
        tpu.wait_dma2 semaphore(%run_scoped3A : memref<!tpu.dma_semaphore, #tpu.memory_space<semaphore_mem>>) src(%dma_wait3A_141 : memref<128xi32, #tpu.memory_space<hbm>>) dst(%arg11 : memref<128xi32, #tpu.memory_space<vmem>>)
        tpu.yield
      }) : () -> ()
      %dma_start3A_107 = arith.constant 0 : i32
      %dma_start3A_108 = arith.constant 0 : i32
      %dma_start3A_109 = tpu.memref_slice %arg2[%dma_start3A_107, %dma_start3A_108] : memref<10240x128xf32, #tpu.memory_space<hbm>> -> memref<10240x128xf32, #tpu.memory_space<hbm>>
      tpu.enqueue_indirect_dma source(%dma_start3A_109 : memref<10240x128xf32, #tpu.memory_space<hbm>>) target(%arg15 : memref<128x128xf32, #tpu.memory_space<vmem>>) offsets(%arg11 : memref<128xi32, #tpu.memory_space<vmem>>) semaphore(%arg18 : memref<!tpu.dma_semaphore, #tpu.memory_space<semaphore_mem>>)
      %mul3A_110 = arith.constant 128 : i32
      %mul3A_111 = arith.muli %add3A_103, %mul3A_110 : i32
      %add3A_112 = arith.addi %mul3A_10, %mul3A_111 : i32
      "tpu.region"() ({
        %run_scoped3A = tpu.sem_alloc : memref<!tpu.dma_semaphore, #tpu.memory_space<semaphore_mem>>
        %dma_start3A_138 = tpu.memref_slice %arg5[%add3A_112] : memref<1941504xi32, #tpu.memory_space<hbm>> -> memref<128xi32, #tpu.memory_space<hbm>>
        %dma_start3A_139 = tpu.memref_slice %arg5[%add3A_112] : memref<1941504xi32, #tpu.memory_space<hbm>> -> memref<128xi32, #tpu.memory_space<hbm>>
        tpu.enqueue_dma source(%dma_start3A_139 : memref<128xi32, #tpu.memory_space<hbm>>) target(%arg13 : memref<128xi32, #tpu.memory_space<vmem>>) target_semaphore(%run_scoped3A : memref<!tpu.dma_semaphore, #tpu.memory_space<semaphore_mem>>)
        %dma_wait3A_140 = tpu.memref_slice %arg5[%add3A_112] : memref<1941504xi32, #tpu.memory_space<hbm>> -> memref<128xi32, #tpu.memory_space<hbm>>
        %dma_wait3A_141 = tpu.memref_slice %arg5[%add3A_112] : memref<1941504xi32, #tpu.memory_space<hbm>> -> memref<128xi32, #tpu.memory_space<hbm>>
        tpu.wait_dma2 semaphore(%run_scoped3A : memref<!tpu.dma_semaphore, #tpu.memory_space<semaphore_mem>>) src(%dma_wait3A_141 : memref<128xi32, #tpu.memory_space<hbm>>) dst(%arg13 : memref<128xi32, #tpu.memory_space<vmem>>)
        tpu.yield
      }) : () -> ()
      %mul3A_113 = arith.constant 2 : i32
      %mul3A_114 = arith.muli %mul3A_113, %scan3A_99 : i32
      %dma_wait3A_115 = arith.constant 0 : i32
      %dma_wait3A_116 = arith.constant 0 : i32
      %dma_wait3A_117 = tpu.memref_slice %arg2[%dma_wait3A_115, %dma_wait3A_116] : memref<10240x128xf32, #tpu.memory_space<hbm>> -> memref<10240x128xf32, #tpu.memory_space<hbm>>
      tpu.wait_indirect_dma semaphore(%arg17 : memref<!tpu.dma_semaphore, #tpu.memory_space<semaphore_mem>>) src(%dma_wait3A_117 : memref<10240x128xf32, #tpu.memory_space<hbm>>) dst(%arg14 : memref<128x128xf32, #tpu.memory_space<vmem>>)
      "tpu.region"() ({
        %run_scoped3A = tpu.sem_alloc : memref<!tpu.dma_semaphore, #tpu.memory_space<semaphore_mem>>
        %dma_start3A_138 = arith.constant 0 : i32
        %dma_start3A_139 = arith.constant 0 : i32
        %dma_start3A_140 = tpu.memref_slice %arg16[%dma_start3A_138, %dma_start3A_139] : memref<10240x128xf32, #tpu.memory_space<vmem_shared>> -> memref<10240x128xf32, #tpu.memory_space<vmem_shared>>
        tpu.enqueue_indirect_dma source(%arg14 : memref<128x128xf32, #tpu.memory_space<vmem>>) target(%dma_start3A_140 : memref<10240x128xf32, #tpu.memory_space<vmem_shared>>) offsets(%arg12 : memref<128xi32, #tpu.memory_space<vmem>>) semaphore(%run_scoped3A : memref<!tpu.dma_semaphore, #tpu.memory_space<semaphore_mem>>) {add = true}
        %dma_wait3A_141 = arith.constant 0 : i32
        %dma_wait3A_142 = arith.constant 0 : i32
        %dma_wait3A_143 = tpu.memref_slice %arg16[%dma_wait3A_141, %dma_wait3A_142] : memref<10240x128xf32, #tpu.memory_space<vmem_shared>> -> memref<10240x128xf32, #tpu.memory_space<vmem_shared>>
        tpu.wait_indirect_dma semaphore(%run_scoped3A : memref<!tpu.dma_semaphore, #tpu.memory_space<semaphore_mem>>) src(%arg14 : memref<128x128xf32, #tpu.memory_space<vmem>>) dst(%dma_wait3A_143 : memref<10240x128xf32, #tpu.memory_space<vmem_shared>>)
        tpu.yield
      }) : () -> ()
      %mul3A_118 = arith.constant 2 : i32
      %mul3A_119 = arith.muli %mul3A_118, %scan3A_99 : i32
      %add3A_120 = arith.constant 2 : i32
      %add3A_121 = arith.addi %mul3A_119, %add3A_120 : i32
      %mul3A_122 = arith.constant 128 : i32
      %mul3A_123 = arith.muli %add3A_121, %mul3A_122 : i32
      %add3A_124 = arith.addi %mul3A_6, %mul3A_123 : i32
      "tpu.region"() ({
        %run_scoped3A = tpu.sem_alloc : memref<!tpu.dma_semaphore, #tpu.memory_space<semaphore_mem>>
        %dma_start3A_138 = tpu.memref_slice %arg5[%add3A_124] : memref<1941504xi32, #tpu.memory_space<hbm>> -> memref<128xi32, #tpu.memory_space<hbm>>
        %dma_start3A_139 = tpu.memref_slice %arg5[%add3A_124] : memref<1941504xi32, #tpu.memory_space<hbm>> -> memref<128xi32, #tpu.memory_space<hbm>>
        tpu.enqueue_dma source(%dma_start3A_139 : memref<128xi32, #tpu.memory_space<hbm>>) target(%arg10 : memref<128xi32, #tpu.memory_space<vmem>>) target_semaphore(%run_scoped3A : memref<!tpu.dma_semaphore, #tpu.memory_space<semaphore_mem>>)
        %dma_wait3A_140 = tpu.memref_slice %arg5[%add3A_124] : memref<1941504xi32, #tpu.memory_space<hbm>> -> memref<128xi32, #tpu.memory_space<hbm>>
        %dma_wait3A_141 = tpu.memref_slice %arg5[%add3A_124] : memref<1941504xi32, #tpu.memory_space<hbm>> -> memref<128xi32, #tpu.memory_space<hbm>>
        tpu.wait_dma2 semaphore(%run_scoped3A : memref<!tpu.dma_semaphore, #tpu.memory_space<semaphore_mem>>) src(%dma_wait3A_141 : memref<128xi32, #tpu.memory_space<hbm>>) dst(%arg10 : memref<128xi32, #tpu.memory_space<vmem>>)
        tpu.yield
      }) : () -> ()
      %dma_start3A_125 = arith.constant 0 : i32
      %dma_start3A_126 = arith.constant 0 : i32
      %dma_start3A_127 = tpu.memref_slice %arg2[%dma_start3A_125, %dma_start3A_126] : memref<10240x128xf32, #tpu.memory_space<hbm>> -> memref<10240x128xf32, #tpu.memory_space<hbm>>
      tpu.enqueue_indirect_dma source(%dma_start3A_127 : memref<10240x128xf32, #tpu.memory_space<hbm>>) target(%arg14 : memref<128x128xf32, #tpu.memory_space<vmem>>) offsets(%arg10 : memref<128xi32, #tpu.memory_space<vmem>>) semaphore(%arg17 : memref<!tpu.dma_semaphore, #tpu.memory_space<semaphore_mem>>)
      %mul3A_128 = arith.constant 128 : i32
      %mul3A_129 = arith.muli %add3A_121, %mul3A_128 : i32
      %add3A_130 = arith.addi %mul3A_10, %mul3A_129 : i32
      "tpu.region"() ({
        %run_scoped3A = tpu.sem_alloc : memref<!tpu.dma_semaphore, #tpu.memory_space<semaphore_mem>>
        %dma_start3A_138 = tpu.memref_slice %arg5[%add3A_130] : memref<1941504xi32, #tpu.memory_space<hbm>> -> memref<128xi32, #tpu.memory_space<hbm>>
        %dma_start3A_139 = tpu.memref_slice %arg5[%add3A_130] : memref<1941504xi32, #tpu.memory_space<hbm>> -> memref<128xi32, #tpu.memory_space<hbm>>
        tpu.enqueue_dma source(%dma_start3A_139 : memref<128xi32, #tpu.memory_space<hbm>>) target(%arg12 : memref<128xi32, #tpu.memory_space<vmem>>) target_semaphore(%run_scoped3A : memref<!tpu.dma_semaphore, #tpu.memory_space<semaphore_mem>>)
        %dma_wait3A_140 = tpu.memref_slice %arg5[%add3A_130] : memref<1941504xi32, #tpu.memory_space<hbm>> -> memref<128xi32, #tpu.memory_space<hbm>>
        %dma_wait3A_141 = tpu.memref_slice %arg5[%add3A_130] : memref<1941504xi32, #tpu.memory_space<hbm>> -> memref<128xi32, #tpu.memory_space<hbm>>
        tpu.wait_dma2 semaphore(%run_scoped3A : memref<!tpu.dma_semaphore, #tpu.memory_space<semaphore_mem>>) src(%dma_wait3A_141 : memref<128xi32, #tpu.memory_space<hbm>>) dst(%arg12 : memref<128xi32, #tpu.memory_space<vmem>>)
        tpu.yield
      }) : () -> ()
      %mul3A_131 = arith.constant 2 : i32
      %mul3A_132 = arith.muli %mul3A_131, %scan3A_99 : i32
      %add3A_133 = arith.constant 1 : i32
      %add3A_134 = arith.addi %mul3A_132, %add3A_133 : i32
      %dma_wait3A_135 = arith.constant 0 : i32
      %dma_wait3A_136 = arith.constant 0 : i32
      %dma_wait3A_137 = tpu.memref_slice %arg2[%dma_wait3A_135, %dma_wait3A_136] : memref<10240x128xf32, #tpu.memory_space<hbm>> -> memref<10240x128xf32, #tpu.memory_space<hbm>>
      tpu.wait_indirect_dma semaphore(%arg18 : memref<!tpu.dma_semaphore, #tpu.memory_space<semaphore_mem>>) src(%dma_wait3A_137 : memref<10240x128xf32, #tpu.memory_space<hbm>>) dst(%arg15 : memref<128x128xf32, #tpu.memory_space<vmem>>)
      "tpu.region"() ({
        %run_scoped3A = tpu.sem_alloc : memref<!tpu.dma_semaphore, #tpu.memory_space<semaphore_mem>>
        %dma_start3A_138 = arith.constant 0 : i32
        %dma_start3A_139 = arith.constant 0 : i32
        %dma_start3A_140 = tpu.memref_slice %arg16[%dma_start3A_138, %dma_start3A_139] : memref<10240x128xf32, #tpu.memory_space<vmem_shared>> -> memref<10240x128xf32, #tpu.memory_space<vmem_shared>>
        tpu.enqueue_indirect_dma source(%arg15 : memref<128x128xf32, #tpu.memory_space<vmem>>) target(%dma_start3A_140 : memref<10240x128xf32, #tpu.memory_space<vmem_shared>>) offsets(%arg13 : memref<128xi32, #tpu.memory_space<vmem>>) semaphore(%run_scoped3A : memref<!tpu.dma_semaphore, #tpu.memory_space<semaphore_mem>>) {add = true}
        %dma_wait3A_141 = arith.constant 0 : i32
        %dma_wait3A_142 = arith.constant 0 : i32
        %dma_wait3A_143 = tpu.memref_slice %arg16[%dma_wait3A_141, %dma_wait3A_142] : memref<10240x128xf32, #tpu.memory_space<vmem_shared>> -> memref<10240x128xf32, #tpu.memory_space<vmem_shared>>
        tpu.wait_indirect_dma semaphore(%run_scoped3A : memref<!tpu.dma_semaphore, #tpu.memory_space<semaphore_mem>>) src(%arg15 : memref<128x128xf32, #tpu.memory_space<vmem>>) dst(%dma_wait3A_143 : memref<10240x128xf32, #tpu.memory_space<vmem_shared>>)
        tpu.yield
      }) : () -> ()
    }
    %scan3A_20 = arith.constant 39 : i32
    %dma_wait3A = arith.constant 0 : i32
    %dma_wait3A_21 = arith.constant 0 : i32
    %dma_wait3A_22 = tpu.memref_slice %arg2[%dma_wait3A, %dma_wait3A_21] : memref<10240x128xf32, #tpu.memory_space<hbm>> -> memref<10240x128xf32, #tpu.memory_space<hbm>>
    tpu.wait_indirect_dma semaphore(%arg17 : memref<!tpu.dma_semaphore, #tpu.memory_space<semaphore_mem>>) src(%dma_wait3A_22 : memref<10240x128xf32, #tpu.memory_space<hbm>>) dst(%arg14 : memref<128x128xf32, #tpu.memory_space<vmem>>)
    "tpu.region"() ({
      %run_scoped3A = tpu.sem_alloc : memref<!tpu.dma_semaphore, #tpu.memory_space<semaphore_mem>>
      %dma_start3A_99 = arith.constant 0 : i32
      %dma_start3A_100 = arith.constant 0 : i32
      %dma_start3A_101 = tpu.memref_slice %arg16[%dma_start3A_99, %dma_start3A_100] : memref<10240x128xf32, #tpu.memory_space<vmem_shared>> -> memref<10240x128xf32, #tpu.memory_space<vmem_shared>>
      tpu.enqueue_indirect_dma source(%arg14 : memref<128x128xf32, #tpu.memory_space<vmem>>) target(%dma_start3A_101 : memref<10240x128xf32, #tpu.memory_space<vmem_shared>>) offsets(%arg12 : memref<128xi32, #tpu.memory_space<vmem>>) semaphore(%run_scoped3A : memref<!tpu.dma_semaphore, #tpu.memory_space<semaphore_mem>>) {add = true}
      %dma_wait3A_102 = arith.constant 0 : i32
      %dma_wait3A_103 = arith.constant 0 : i32
      %dma_wait3A_104 = tpu.memref_slice %arg16[%dma_wait3A_102, %dma_wait3A_103] : memref<10240x128xf32, #tpu.memory_space<vmem_shared>> -> memref<10240x128xf32, #tpu.memory_space<vmem_shared>>
      tpu.wait_indirect_dma semaphore(%run_scoped3A : memref<!tpu.dma_semaphore, #tpu.memory_space<semaphore_mem>>) src(%arg14 : memref<128x128xf32, #tpu.memory_space<vmem>>) dst(%dma_wait3A_104 : memref<10240x128xf32, #tpu.memory_space<vmem_shared>>)
      tpu.yield
    }) : () -> ()
    %barrier3A_23 = arith.constant 0 : index
    tpu.barrier barrier_id(%barrier3A_23)
    %mul3A_24 = arith.constant 640 : i32
    %mul3A_25 = arith.muli %arg1, %mul3A_24 : i32
    %mul3A_26 = arith.constant 10240 : i32
    %mul3A_27 = arith.muli %arg0, %mul3A_26 : i32
    %mul3A_28 = arith.constant 640 : i32
    %mul3A_29 = arith.muli %arg1, %mul3A_28 : i32
    %add3A_30 = arith.addi %mul3A_27, %mul3A_29 : i32
    "tpu.region"() ({
      %run_scoped3A = tpu.sem_alloc : memref<!tpu.dma_semaphore, #tpu.memory_space<semaphore_mem>>
      %dma_start3A_99 = arith.constant 0 : i32
      %dma_start3A_100 = tpu.memref_slice %arg7[%add3A_30, %dma_start3A_99] : memref<20480x128xf32, #tpu.memory_space<hbm>> -> memref<640x128xf32, #tpu.memory_space<hbm>>
      %dma_start3A_101 = arith.constant 0 : i32
      %dma_start3A_102 = tpu.memref_slice %arg16[%mul3A_25, %dma_start3A_101] : memref<10240x128xf32, #tpu.memory_space<vmem_shared>> -> memref<640x128xf32, #tpu.memory_space<vmem_shared>>
      tpu.enqueue_dma source(%dma_start3A_102 : memref<640x128xf32, #tpu.memory_space<vmem_shared>>) target(%dma_start3A_100 : memref<640x128xf32, #tpu.memory_space<hbm>>) target_semaphore(%run_scoped3A : memref<!tpu.dma_semaphore, #tpu.memory_space<semaphore_mem>>)
      %dma_wait3A_103 = arith.constant 0 : i32
      %dma_wait3A_104 = tpu.memref_slice %arg7[%add3A_30, %dma_wait3A_103] : memref<20480x128xf32, #tpu.memory_space<hbm>> -> memref<640x128xf32, #tpu.memory_space<hbm>>
      %dma_wait3A_105 = arith.constant 0 : i32
      %dma_wait3A_106 = tpu.memref_slice %arg16[%mul3A_25, %dma_wait3A_105] : memref<10240x128xf32, #tpu.memory_space<vmem_shared>> -> memref<640x128xf32, #tpu.memory_space<vmem_shared>>
      tpu.wait_dma2 semaphore(%run_scoped3A : memref<!tpu.dma_semaphore, #tpu.memory_space<semaphore_mem>>) src(%dma_wait3A_106 : memref<640x128xf32, #tpu.memory_space<vmem_shared>>) dst(%dma_wait3A_104 : memref<640x128xf32, #tpu.memory_space<hbm>>)
      tpu.yield
    }) : () -> ()
    %mul3A_31 = arith.constant 640 : i32
    %mul3A_32 = arith.muli %arg1, %mul3A_31 : i32
    "tpu.region"() ({
      %run_scoped3A = tpu.sem_alloc : memref<!tpu.dma_semaphore, #tpu.memory_space<semaphore_mem>>
      %dma_start3A_99 = arith.constant 0 : i32
      %dma_start3A_100 = tpu.memref_slice %arg16[%mul3A_32, %dma_start3A_99] : memref<10240x128xf32, #tpu.memory_space<vmem_shared>> -> memref<640x128xf32, #tpu.memory_space<vmem_shared>>
      tpu.enqueue_dma source(%arg6 : memref<640x128xf32, #tpu.memory_space<hbm>>) target(%dma_start3A_100 : memref<640x128xf32, #tpu.memory_space<vmem_shared>>) target_semaphore(%run_scoped3A : memref<!tpu.dma_semaphore, #tpu.memory_space<semaphore_mem>>)
      %dma_wait3A_101 = arith.constant 0 : i32
      %dma_wait3A_102 = tpu.memref_slice %arg16[%mul3A_32, %dma_wait3A_101] : memref<10240x128xf32, #tpu.memory_space<vmem_shared>> -> memref<640x128xf32, #tpu.memory_space<vmem_shared>>
      tpu.wait_dma2 semaphore(%run_scoped3A : memref<!tpu.dma_semaphore, #tpu.memory_space<semaphore_mem>>) src(%arg6 : memref<640x128xf32, #tpu.memory_space<hbm>>) dst(%dma_wait3A_102 : memref<640x128xf32, #tpu.memory_space<vmem_shared>>)
      tpu.yield
    }) : () -> ()
    %barrier3A_33 = arith.constant 0 : index
    tpu.barrier barrier_id(%barrier3A_33)
    %add3A_34 = arith.constant 64 : i32
    %add3A_35 = arith.addi %add3A_34, %add3A : i32
    %mul3A_36 = arith.constant 10112 : i32
    %mul3A_37 = arith.muli %add3A_35, %mul3A_36 : i32
    %add3A_38 = arith.constant 96 : i32
    %add3A_39 = arith.addi %add3A_38, %add3A : i32
    %mul3A_40 = arith.constant 10112 : i32
    %mul3A_41 = arith.muli %add3A_39, %mul3A_40 : i32
    %add3A_42 = arith.constant 0 : i32
    %add3A_43 = arith.addi %mul3A_37, %add3A_42 : i32
    "tpu.region"() ({
      %run_scoped3A = tpu.sem_alloc : memref<!tpu.dma_semaphore, #tpu.memory_space<semaphore_mem>>
      %dma_start3A_99 = tpu.memref_slice %arg5[%add3A_43] : memref<1941504xi32, #tpu.memory_space<hbm>> -> memref<128xi32, #tpu.memory_space<hbm>>
      %dma_start3A_100 = tpu.memref_slice %arg5[%add3A_43] : memref<1941504xi32, #tpu.memory_space<hbm>> -> memref<128xi32, #tpu.memory_space<hbm>>
      tpu.enqueue_dma source(%dma_start3A_100 : memref<128xi32, #tpu.memory_space<hbm>>) target(%arg10 : memref<128xi32, #tpu.memory_space<vmem>>) target_semaphore(%run_scoped3A : memref<!tpu.dma_semaphore, #tpu.memory_space<semaphore_mem>>)
      %dma_wait3A_101 = tpu.memref_slice %arg5[%add3A_43] : memref<1941504xi32, #tpu.memory_space<hbm>> -> memref<128xi32, #tpu.memory_space<hbm>>
      %dma_wait3A_102 = tpu.memref_slice %arg5[%add3A_43] : memref<1941504xi32, #tpu.memory_space<hbm>> -> memref<128xi32, #tpu.memory_space<hbm>>
      tpu.wait_dma2 semaphore(%run_scoped3A : memref<!tpu.dma_semaphore, #tpu.memory_space<semaphore_mem>>) src(%dma_wait3A_102 : memref<128xi32, #tpu.memory_space<hbm>>) dst(%arg10 : memref<128xi32, #tpu.memory_space<vmem>>)
      tpu.yield
    }) : () -> ()
    %dma_start3A_44 = arith.constant 0 : i32
    %dma_start3A_45 = arith.constant 0 : i32
    %dma_start3A_46 = tpu.memref_slice %arg3[%dma_start3A_44, %dma_start3A_45] : memref<10240x128xf32, #tpu.memory_space<hbm>> -> memref<10240x128xf32, #tpu.memory_space<hbm>>
    tpu.enqueue_indirect_dma source(%dma_start3A_46 : memref<10240x128xf32, #tpu.memory_space<hbm>>) target(%arg14 : memref<128x128xf32, #tpu.memory_space<vmem>>) offsets(%arg10 : memref<128xi32, #tpu.memory_space<vmem>>) semaphore(%arg17 : memref<!tpu.dma_semaphore, #tpu.memory_space<semaphore_mem>>)
    %add3A_47 = arith.constant 0 : i32
    %add3A_48 = arith.addi %mul3A_41, %add3A_47 : i32
    "tpu.region"() ({
      %run_scoped3A = tpu.sem_alloc : memref<!tpu.dma_semaphore, #tpu.memory_space<semaphore_mem>>
      %dma_start3A_99 = tpu.memref_slice %arg5[%add3A_48] : memref<1941504xi32, #tpu.memory_space<hbm>> -> memref<128xi32, #tpu.memory_space<hbm>>
      %dma_start3A_100 = tpu.memref_slice %arg5[%add3A_48] : memref<1941504xi32, #tpu.memory_space<hbm>> -> memref<128xi32, #tpu.memory_space<hbm>>
      tpu.enqueue_dma source(%dma_start3A_100 : memref<128xi32, #tpu.memory_space<hbm>>) target(%arg12 : memref<128xi32, #tpu.memory_space<vmem>>) target_semaphore(%run_scoped3A : memref<!tpu.dma_semaphore, #tpu.memory_space<semaphore_mem>>)
      %dma_wait3A_101 = tpu.memref_slice %arg5[%add3A_48] : memref<1941504xi32, #tpu.memory_space<hbm>> -> memref<128xi32, #tpu.memory_space<hbm>>
      %dma_wait3A_102 = tpu.memref_slice %arg5[%add3A_48] : memref<1941504xi32, #tpu.memory_space<hbm>> -> memref<128xi32, #tpu.memory_space<hbm>>
      tpu.wait_dma2 semaphore(%run_scoped3A : memref<!tpu.dma_semaphore, #tpu.memory_space<semaphore_mem>>) src(%dma_wait3A_102 : memref<128xi32, #tpu.memory_space<hbm>>) dst(%arg12 : memref<128xi32, #tpu.memory_space<vmem>>)
      tpu.yield
    }) : () -> ()
    %scan3A_49 = arith.constant 0 : i32
    %scan3A_50 = arith.constant 39 : i32
    %scan3A_51 = arith.addi %scan3A_49, %scan3A_50 : i32
    %scan3A_52 = arith.constant 1 : i32
    scf.for %scan3A_99 = %scan3A_49 to %scan3A_51 step %scan3A_52  : i32 {
      %mul3A_100 = arith.constant 2 : i32
      %mul3A_101 = arith.muli %mul3A_100, %scan3A_99 : i32
      %add3A_102 = arith.constant 1 : i32
      %add3A_103 = arith.addi %mul3A_101, %add3A_102 : i32
      %mul3A_104 = arith.constant 128 : i32
      %mul3A_105 = arith.muli %add3A_103, %mul3A_104 : i32
      %add3A_106 = arith.addi %mul3A_37, %mul3A_105 : i32
      "tpu.region"() ({
        %run_scoped3A = tpu.sem_alloc : memref<!tpu.dma_semaphore, #tpu.memory_space<semaphore_mem>>
        %dma_start3A_138 = tpu.memref_slice %arg5[%add3A_106] : memref<1941504xi32, #tpu.memory_space<hbm>> -> memref<128xi32, #tpu.memory_space<hbm>>
        %dma_start3A_139 = tpu.memref_slice %arg5[%add3A_106] : memref<1941504xi32, #tpu.memory_space<hbm>> -> memref<128xi32, #tpu.memory_space<hbm>>
        tpu.enqueue_dma source(%dma_start3A_139 : memref<128xi32, #tpu.memory_space<hbm>>) target(%arg11 : memref<128xi32, #tpu.memory_space<vmem>>) target_semaphore(%run_scoped3A : memref<!tpu.dma_semaphore, #tpu.memory_space<semaphore_mem>>)
        %dma_wait3A_140 = tpu.memref_slice %arg5[%add3A_106] : memref<1941504xi32, #tpu.memory_space<hbm>> -> memref<128xi32, #tpu.memory_space<hbm>>
        %dma_wait3A_141 = tpu.memref_slice %arg5[%add3A_106] : memref<1941504xi32, #tpu.memory_space<hbm>> -> memref<128xi32, #tpu.memory_space<hbm>>
        tpu.wait_dma2 semaphore(%run_scoped3A : memref<!tpu.dma_semaphore, #tpu.memory_space<semaphore_mem>>) src(%dma_wait3A_141 : memref<128xi32, #tpu.memory_space<hbm>>) dst(%arg11 : memref<128xi32, #tpu.memory_space<vmem>>)
        tpu.yield
      }) : () -> ()
      %dma_start3A_107 = arith.constant 0 : i32
      %dma_start3A_108 = arith.constant 0 : i32
      %dma_start3A_109 = tpu.memref_slice %arg3[%dma_start3A_107, %dma_start3A_108] : memref<10240x128xf32, #tpu.memory_space<hbm>> -> memref<10240x128xf32, #tpu.memory_space<hbm>>
      tpu.enqueue_indirect_dma source(%dma_start3A_109 : memref<10240x128xf32, #tpu.memory_space<hbm>>) target(%arg15 : memref<128x128xf32, #tpu.memory_space<vmem>>) offsets(%arg11 : memref<128xi32, #tpu.memory_space<vmem>>) semaphore(%arg18 : memref<!tpu.dma_semaphore, #tpu.memory_space<semaphore_mem>>)
      %mul3A_110 = arith.constant 128 : i32
      %mul3A_111 = arith.muli %add3A_103, %mul3A_110 : i32
      %add3A_112 = arith.addi %mul3A_41, %mul3A_111 : i32
      "tpu.region"() ({
        %run_scoped3A = tpu.sem_alloc : memref<!tpu.dma_semaphore, #tpu.memory_space<semaphore_mem>>
        %dma_start3A_138 = tpu.memref_slice %arg5[%add3A_112] : memref<1941504xi32, #tpu.memory_space<hbm>> -> memref<128xi32, #tpu.memory_space<hbm>>
        %dma_start3A_139 = tpu.memref_slice %arg5[%add3A_112] : memref<1941504xi32, #tpu.memory_space<hbm>> -> memref<128xi32, #tpu.memory_space<hbm>>
        tpu.enqueue_dma source(%dma_start3A_139 : memref<128xi32, #tpu.memory_space<hbm>>) target(%arg13 : memref<128xi32, #tpu.memory_space<vmem>>) target_semaphore(%run_scoped3A : memref<!tpu.dma_semaphore, #tpu.memory_space<semaphore_mem>>)
        %dma_wait3A_140 = tpu.memref_slice %arg5[%add3A_112] : memref<1941504xi32, #tpu.memory_space<hbm>> -> memref<128xi32, #tpu.memory_space<hbm>>
        %dma_wait3A_141 = tpu.memref_slice %arg5[%add3A_112] : memref<1941504xi32, #tpu.memory_space<hbm>> -> memref<128xi32, #tpu.memory_space<hbm>>
        tpu.wait_dma2 semaphore(%run_scoped3A : memref<!tpu.dma_semaphore, #tpu.memory_space<semaphore_mem>>) src(%dma_wait3A_141 : memref<128xi32, #tpu.memory_space<hbm>>) dst(%arg13 : memref<128xi32, #tpu.memory_space<vmem>>)
        tpu.yield
      }) : () -> ()
      %mul3A_113 = arith.constant 2 : i32
      %mul3A_114 = arith.muli %mul3A_113, %scan3A_99 : i32
      %dma_wait3A_115 = arith.constant 0 : i32
      %dma_wait3A_116 = arith.constant 0 : i32
      %dma_wait3A_117 = tpu.memref_slice %arg3[%dma_wait3A_115, %dma_wait3A_116] : memref<10240x128xf32, #tpu.memory_space<hbm>> -> memref<10240x128xf32, #tpu.memory_space<hbm>>
      tpu.wait_indirect_dma semaphore(%arg17 : memref<!tpu.dma_semaphore, #tpu.memory_space<semaphore_mem>>) src(%dma_wait3A_117 : memref<10240x128xf32, #tpu.memory_space<hbm>>) dst(%arg14 : memref<128x128xf32, #tpu.memory_space<vmem>>)
      "tpu.region"() ({
        %run_scoped3A = tpu.sem_alloc : memref<!tpu.dma_semaphore, #tpu.memory_space<semaphore_mem>>
        %dma_start3A_138 = arith.constant 0 : i32
        %dma_start3A_139 = arith.constant 0 : i32
        %dma_start3A_140 = tpu.memref_slice %arg16[%dma_start3A_138, %dma_start3A_139] : memref<10240x128xf32, #tpu.memory_space<vmem_shared>> -> memref<10240x128xf32, #tpu.memory_space<vmem_shared>>
        tpu.enqueue_indirect_dma source(%arg14 : memref<128x128xf32, #tpu.memory_space<vmem>>) target(%dma_start3A_140 : memref<10240x128xf32, #tpu.memory_space<vmem_shared>>) offsets(%arg12 : memref<128xi32, #tpu.memory_space<vmem>>) semaphore(%run_scoped3A : memref<!tpu.dma_semaphore, #tpu.memory_space<semaphore_mem>>) {add = true}
        %dma_wait3A_141 = arith.constant 0 : i32
        %dma_wait3A_142 = arith.constant 0 : i32
        %dma_wait3A_143 = tpu.memref_slice %arg16[%dma_wait3A_141, %dma_wait3A_142] : memref<10240x128xf32, #tpu.memory_space<vmem_shared>> -> memref<10240x128xf32, #tpu.memory_space<vmem_shared>>
        tpu.wait_indirect_dma semaphore(%run_scoped3A : memref<!tpu.dma_semaphore, #tpu.memory_space<semaphore_mem>>) src(%arg14 : memref<128x128xf32, #tpu.memory_space<vmem>>) dst(%dma_wait3A_143 : memref<10240x128xf32, #tpu.memory_space<vmem_shared>>)
        tpu.yield
      }) : () -> ()
      %mul3A_118 = arith.constant 2 : i32
      %mul3A_119 = arith.muli %mul3A_118, %scan3A_99 : i32
      %add3A_120 = arith.constant 2 : i32
      %add3A_121 = arith.addi %mul3A_119, %add3A_120 : i32
      %mul3A_122 = arith.constant 128 : i32
      %mul3A_123 = arith.muli %add3A_121, %mul3A_122 : i32
      %add3A_124 = arith.addi %mul3A_37, %mul3A_123 : i32
      "tpu.region"() ({
        %run_scoped3A = tpu.sem_alloc : memref<!tpu.dma_semaphore, #tpu.memory_space<semaphore_mem>>
        %dma_start3A_138 = tpu.memref_slice %arg5[%add3A_124] : memref<1941504xi32, #tpu.memory_space<hbm>> -> memref<128xi32, #tpu.memory_space<hbm>>
        %dma_start3A_139 = tpu.memref_slice %arg5[%add3A_124] : memref<1941504xi32, #tpu.memory_space<hbm>> -> memref<128xi32, #tpu.memory_space<hbm>>
        tpu.enqueue_dma source(%dma_start3A_139 : memref<128xi32, #tpu.memory_space<hbm>>) target(%arg10 : memref<128xi32, #tpu.memory_space<vmem>>) target_semaphore(%run_scoped3A : memref<!tpu.dma_semaphore, #tpu.memory_space<semaphore_mem>>)
        %dma_wait3A_140 = tpu.memref_slice %arg5[%add3A_124] : memref<1941504xi32, #tpu.memory_space<hbm>> -> memref<128xi32, #tpu.memory_space<hbm>>
        %dma_wait3A_141 = tpu.memref_slice %arg5[%add3A_124] : memref<1941504xi32, #tpu.memory_space<hbm>> -> memref<128xi32, #tpu.memory_space<hbm>>
        tpu.wait_dma2 semaphore(%run_scoped3A : memref<!tpu.dma_semaphore, #tpu.memory_space<semaphore_mem>>) src(%dma_wait3A_141 : memref<128xi32, #tpu.memory_space<hbm>>) dst(%arg10 : memref<128xi32, #tpu.memory_space<vmem>>)
        tpu.yield
      }) : () -> ()
      %dma_start3A_125 = arith.constant 0 : i32
      %dma_start3A_126 = arith.constant 0 : i32
      %dma_start3A_127 = tpu.memref_slice %arg3[%dma_start3A_125, %dma_start3A_126] : memref<10240x128xf32, #tpu.memory_space<hbm>> -> memref<10240x128xf32, #tpu.memory_space<hbm>>
      tpu.enqueue_indirect_dma source(%dma_start3A_127 : memref<10240x128xf32, #tpu.memory_space<hbm>>) target(%arg14 : memref<128x128xf32, #tpu.memory_space<vmem>>) offsets(%arg10 : memref<128xi32, #tpu.memory_space<vmem>>) semaphore(%arg17 : memref<!tpu.dma_semaphore, #tpu.memory_space<semaphore_mem>>)
      %mul3A_128 = arith.constant 128 : i32
      %mul3A_129 = arith.muli %add3A_121, %mul3A_128 : i32
      %add3A_130 = arith.addi %mul3A_41, %mul3A_129 : i32
      "tpu.region"() ({
        %run_scoped3A = tpu.sem_alloc : memref<!tpu.dma_semaphore, #tpu.memory_space<semaphore_mem>>
        %dma_start3A_138 = tpu.memref_slice %arg5[%add3A_130] : memref<1941504xi32, #tpu.memory_space<hbm>> -> memref<128xi32, #tpu.memory_space<hbm>>
        %dma_start3A_139 = tpu.memref_slice %arg5[%add3A_130] : memref<1941504xi32, #tpu.memory_space<hbm>> -> memref<128xi32, #tpu.memory_space<hbm>>
        tpu.enqueue_dma source(%dma_start3A_139 : memref<128xi32, #tpu.memory_space<hbm>>) target(%arg12 : memref<128xi32, #tpu.memory_space<vmem>>) target_semaphore(%run_scoped3A : memref<!tpu.dma_semaphore, #tpu.memory_space<semaphore_mem>>)
        %dma_wait3A_140 = tpu.memref_slice %arg5[%add3A_130] : memref<1941504xi32, #tpu.memory_space<hbm>> -> memref<128xi32, #tpu.memory_space<hbm>>
        %dma_wait3A_141 = tpu.memref_slice %arg5[%add3A_130] : memref<1941504xi32, #tpu.memory_space<hbm>> -> memref<128xi32, #tpu.memory_space<hbm>>
        tpu.wait_dma2 semaphore(%run_scoped3A : memref<!tpu.dma_semaphore, #tpu.memory_space<semaphore_mem>>) src(%dma_wait3A_141 : memref<128xi32, #tpu.memory_space<hbm>>) dst(%arg12 : memref<128xi32, #tpu.memory_space<vmem>>)
        tpu.yield
      }) : () -> ()
      %mul3A_131 = arith.constant 2 : i32
      %mul3A_132 = arith.muli %mul3A_131, %scan3A_99 : i32
      %add3A_133 = arith.constant 1 : i32
      %add3A_134 = arith.addi %mul3A_132, %add3A_133 : i32
      %dma_wait3A_135 = arith.constant 0 : i32
      %dma_wait3A_136 = arith.constant 0 : i32
      %dma_wait3A_137 = tpu.memref_slice %arg3[%dma_wait3A_135, %dma_wait3A_136] : memref<10240x128xf32, #tpu.memory_space<hbm>> -> memref<10240x128xf32, #tpu.memory_space<hbm>>
      tpu.wait_indirect_dma semaphore(%arg18 : memref<!tpu.dma_semaphore, #tpu.memory_space<semaphore_mem>>) src(%dma_wait3A_137 : memref<10240x128xf32, #tpu.memory_space<hbm>>) dst(%arg15 : memref<128x128xf32, #tpu.memory_space<vmem>>)
      "tpu.region"() ({
        %run_scoped3A = tpu.sem_alloc : memref<!tpu.dma_semaphore, #tpu.memory_space<semaphore_mem>>
        %dma_start3A_138 = arith.constant 0 : i32
        %dma_start3A_139 = arith.constant 0 : i32
        %dma_start3A_140 = tpu.memref_slice %arg16[%dma_start3A_138, %dma_start3A_139] : memref<10240x128xf32, #tpu.memory_space<vmem_shared>> -> memref<10240x128xf32, #tpu.memory_space<vmem_shared>>
        tpu.enqueue_indirect_dma source(%arg15 : memref<128x128xf32, #tpu.memory_space<vmem>>) target(%dma_start3A_140 : memref<10240x128xf32, #tpu.memory_space<vmem_shared>>) offsets(%arg13 : memref<128xi32, #tpu.memory_space<vmem>>) semaphore(%run_scoped3A : memref<!tpu.dma_semaphore, #tpu.memory_space<semaphore_mem>>) {add = true}
        %dma_wait3A_141 = arith.constant 0 : i32
        %dma_wait3A_142 = arith.constant 0 : i32
        %dma_wait3A_143 = tpu.memref_slice %arg16[%dma_wait3A_141, %dma_wait3A_142] : memref<10240x128xf32, #tpu.memory_space<vmem_shared>> -> memref<10240x128xf32, #tpu.memory_space<vmem_shared>>
        tpu.wait_indirect_dma semaphore(%run_scoped3A : memref<!tpu.dma_semaphore, #tpu.memory_space<semaphore_mem>>) src(%arg15 : memref<128x128xf32, #tpu.memory_space<vmem>>) dst(%dma_wait3A_143 : memref<10240x128xf32, #tpu.memory_space<vmem_shared>>)
        tpu.yield
      }) : () -> ()
    }
    %scan3A_53 = arith.constant 39 : i32
    %dma_wait3A_54 = arith.constant 0 : i32
    %dma_wait3A_55 = arith.constant 0 : i32
    %dma_wait3A_56 = tpu.memref_slice %arg3[%dma_wait3A_54, %dma_wait3A_55] : memref<10240x128xf32, #tpu.memory_space<hbm>> -> memref<10240x128xf32, #tpu.memory_space<hbm>>
    tpu.wait_indirect_dma semaphore(%arg17 : memref<!tpu.dma_semaphore, #tpu.memory_space<semaphore_mem>>) src(%dma_wait3A_56 : memref<10240x128xf32, #tpu.memory_space<hbm>>) dst(%arg14 : memref<128x128xf32, #tpu.memory_space<vmem>>)
    "tpu.region"() ({
      %run_scoped3A = tpu.sem_alloc : memref<!tpu.dma_semaphore, #tpu.memory_space<semaphore_mem>>
      %dma_start3A_99 = arith.constant 0 : i32
      %dma_start3A_100 = arith.constant 0 : i32
      %dma_start3A_101 = tpu.memref_slice %arg16[%dma_start3A_99, %dma_start3A_100] : memref<10240x128xf32, #tpu.memory_space<vmem_shared>> -> memref<10240x128xf32, #tpu.memory_space<vmem_shared>>
      tpu.enqueue_indirect_dma source(%arg14 : memref<128x128xf32, #tpu.memory_space<vmem>>) target(%dma_start3A_101 : memref<10240x128xf32, #tpu.memory_space<vmem_shared>>) offsets(%arg12 : memref<128xi32, #tpu.memory_space<vmem>>) semaphore(%run_scoped3A : memref<!tpu.dma_semaphore, #tpu.memory_space<semaphore_mem>>) {add = true}
      %dma_wait3A_102 = arith.constant 0 : i32
      %dma_wait3A_103 = arith.constant 0 : i32
      %dma_wait3A_104 = tpu.memref_slice %arg16[%dma_wait3A_102, %dma_wait3A_103] : memref<10240x128xf32, #tpu.memory_space<vmem_shared>> -> memref<10240x128xf32, #tpu.memory_space<vmem_shared>>
      tpu.wait_indirect_dma semaphore(%run_scoped3A : memref<!tpu.dma_semaphore, #tpu.memory_space<semaphore_mem>>) src(%arg14 : memref<128x128xf32, #tpu.memory_space<vmem>>) dst(%dma_wait3A_104 : memref<10240x128xf32, #tpu.memory_space<vmem_shared>>)
      tpu.yield
    }) : () -> ()
    %barrier3A_57 = arith.constant 0 : index
    tpu.barrier barrier_id(%barrier3A_57)
    %mul3A_58 = arith.constant 640 : i32
    %mul3A_59 = arith.muli %arg1, %mul3A_58 : i32
    %mul3A_60 = arith.constant 10240 : i32
    %mul3A_61 = arith.muli %arg0, %mul3A_60 : i32
    %mul3A_62 = arith.constant 640 : i32
    %mul3A_63 = arith.muli %arg1, %mul3A_62 : i32
    %add3A_64 = arith.addi %mul3A_61, %mul3A_63 : i32
    "tpu.region"() ({
      %run_scoped3A = tpu.sem_alloc : memref<!tpu.dma_semaphore, #tpu.memory_space<semaphore_mem>>
      %dma_start3A_99 = arith.constant 0 : i32
      %dma_start3A_100 = tpu.memref_slice %arg8[%add3A_64, %dma_start3A_99] : memref<20480x128xf32, #tpu.memory_space<hbm>> -> memref<640x128xf32, #tpu.memory_space<hbm>>
      %dma_start3A_101 = arith.constant 0 : i32
      %dma_start3A_102 = tpu.memref_slice %arg16[%mul3A_59, %dma_start3A_101] : memref<10240x128xf32, #tpu.memory_space<vmem_shared>> -> memref<640x128xf32, #tpu.memory_space<vmem_shared>>
      tpu.enqueue_dma source(%dma_start3A_102 : memref<640x128xf32, #tpu.memory_space<vmem_shared>>) target(%dma_start3A_100 : memref<640x128xf32, #tpu.memory_space<hbm>>) target_semaphore(%run_scoped3A : memref<!tpu.dma_semaphore, #tpu.memory_space<semaphore_mem>>)
      %dma_wait3A_103 = arith.constant 0 : i32
      %dma_wait3A_104 = tpu.memref_slice %arg8[%add3A_64, %dma_wait3A_103] : memref<20480x128xf32, #tpu.memory_space<hbm>> -> memref<640x128xf32, #tpu.memory_space<hbm>>
      %dma_wait3A_105 = arith.constant 0 : i32
      %dma_wait3A_106 = tpu.memref_slice %arg16[%mul3A_59, %dma_wait3A_105] : memref<10240x128xf32, #tpu.memory_space<vmem_shared>> -> memref<640x128xf32, #tpu.memory_space<vmem_shared>>
      tpu.wait_dma2 semaphore(%run_scoped3A : memref<!tpu.dma_semaphore, #tpu.memory_space<semaphore_mem>>) src(%dma_wait3A_106 : memref<640x128xf32, #tpu.memory_space<vmem_shared>>) dst(%dma_wait3A_104 : memref<640x128xf32, #tpu.memory_space<hbm>>)
      tpu.yield
    }) : () -> ()
    %mul3A_65 = arith.constant 640 : i32
    %mul3A_66 = arith.muli %arg1, %mul3A_65 : i32
    "tpu.region"() ({
      %run_scoped3A = tpu.sem_alloc : memref<!tpu.dma_semaphore, #tpu.memory_space<semaphore_mem>>
      %dma_start3A_99 = arith.constant 0 : i32
      %dma_start3A_100 = tpu.memref_slice %arg16[%mul3A_66, %dma_start3A_99] : memref<10240x128xf32, #tpu.memory_space<vmem_shared>> -> memref<640x128xf32, #tpu.memory_space<vmem_shared>>
      tpu.enqueue_dma source(%arg6 : memref<640x128xf32, #tpu.memory_space<hbm>>) target(%dma_start3A_100 : memref<640x128xf32, #tpu.memory_space<vmem_shared>>) target_semaphore(%run_scoped3A : memref<!tpu.dma_semaphore, #tpu.memory_space<semaphore_mem>>)
      %dma_wait3A_101 = arith.constant 0 : i32
      %dma_wait3A_102 = tpu.memref_slice %arg16[%mul3A_66, %dma_wait3A_101] : memref<10240x128xf32, #tpu.memory_space<vmem_shared>> -> memref<640x128xf32, #tpu.memory_space<vmem_shared>>
      tpu.wait_dma2 semaphore(%run_scoped3A : memref<!tpu.dma_semaphore, #tpu.memory_space<semaphore_mem>>) src(%arg6 : memref<640x128xf32, #tpu.memory_space<hbm>>) dst(%dma_wait3A_102 : memref<640x128xf32, #tpu.memory_space<vmem_shared>>)
      tpu.yield
    }) : () -> ()
    %barrier3A_67 = arith.constant 0 : index
    tpu.barrier barrier_id(%barrier3A_67)
    %add3A_68 = arith.constant 128 : i32
    %add3A_69 = arith.addi %add3A_68, %add3A : i32
    %mul3A_70 = arith.constant 10112 : i32
    %mul3A_71 = arith.muli %add3A_69, %mul3A_70 : i32
    %add3A_72 = arith.constant 160 : i32
    %add3A_73 = arith.addi %add3A_72, %add3A : i32
    %mul3A_74 = arith.constant 10112 : i32
    %mul3A_75 = arith.muli %add3A_73, %mul3A_74 : i32
    %add3A_76 = arith.constant 0 : i32
    %add3A_77 = arith.addi %mul3A_71, %add3A_76 : i32
    "tpu.region"() ({
      %run_scoped3A = tpu.sem_alloc : memref<!tpu.dma_semaphore, #tpu.memory_space<semaphore_mem>>
      %dma_start3A_99 = tpu.memref_slice %arg5[%add3A_77] : memref<1941504xi32, #tpu.memory_space<hbm>> -> memref<128xi32, #tpu.memory_space<hbm>>
      %dma_start3A_100 = tpu.memref_slice %arg5[%add3A_77] : memref<1941504xi32, #tpu.memory_space<hbm>> -> memref<128xi32, #tpu.memory_space<hbm>>
      tpu.enqueue_dma source(%dma_start3A_100 : memref<128xi32, #tpu.memory_space<hbm>>) target(%arg10 : memref<128xi32, #tpu.memory_space<vmem>>) target_semaphore(%run_scoped3A : memref<!tpu.dma_semaphore, #tpu.memory_space<semaphore_mem>>)
      %dma_wait3A_101 = tpu.memref_slice %arg5[%add3A_77] : memref<1941504xi32, #tpu.memory_space<hbm>> -> memref<128xi32, #tpu.memory_space<hbm>>
      %dma_wait3A_102 = tpu.memref_slice %arg5[%add3A_77] : memref<1941504xi32, #tpu.memory_space<hbm>> -> memref<128xi32, #tpu.memory_space<hbm>>
      tpu.wait_dma2 semaphore(%run_scoped3A : memref<!tpu.dma_semaphore, #tpu.memory_space<semaphore_mem>>) src(%dma_wait3A_102 : memref<128xi32, #tpu.memory_space<hbm>>) dst(%arg10 : memref<128xi32, #tpu.memory_space<vmem>>)
      tpu.yield
    }) : () -> ()
    %dma_start3A_78 = arith.constant 0 : i32
    %dma_start3A_79 = arith.constant 0 : i32
    %dma_start3A_80 = tpu.memref_slice %arg4[%dma_start3A_78, %dma_start3A_79] : memref<10240x128xf32, #tpu.memory_space<hbm>> -> memref<10240x128xf32, #tpu.memory_space<hbm>>
    tpu.enqueue_indirect_dma source(%dma_start3A_80 : memref<10240x128xf32, #tpu.memory_space<hbm>>) target(%arg14 : memref<128x128xf32, #tpu.memory_space<vmem>>) offsets(%arg10 : memref<128xi32, #tpu.memory_space<vmem>>) semaphore(%arg17 : memref<!tpu.dma_semaphore, #tpu.memory_space<semaphore_mem>>)
    %add3A_81 = arith.constant 0 : i32
    %add3A_82 = arith.addi %mul3A_75, %add3A_81 : i32
    "tpu.region"() ({
      %run_scoped3A = tpu.sem_alloc : memref<!tpu.dma_semaphore, #tpu.memory_space<semaphore_mem>>
      %dma_start3A_99 = tpu.memref_slice %arg5[%add3A_82] : memref<1941504xi32, #tpu.memory_space<hbm>> -> memref<128xi32, #tpu.memory_space<hbm>>
      %dma_start3A_100 = tpu.memref_slice %arg5[%add3A_82] : memref<1941504xi32, #tpu.memory_space<hbm>> -> memref<128xi32, #tpu.memory_space<hbm>>
      tpu.enqueue_dma source(%dma_start3A_100 : memref<128xi32, #tpu.memory_space<hbm>>) target(%arg12 : memref<128xi32, #tpu.memory_space<vmem>>) target_semaphore(%run_scoped3A : memref<!tpu.dma_semaphore, #tpu.memory_space<semaphore_mem>>)
      %dma_wait3A_101 = tpu.memref_slice %arg5[%add3A_82] : memref<1941504xi32, #tpu.memory_space<hbm>> -> memref<128xi32, #tpu.memory_space<hbm>>
      %dma_wait3A_102 = tpu.memref_slice %arg5[%add3A_82] : memref<1941504xi32, #tpu.memory_space<hbm>> -> memref<128xi32, #tpu.memory_space<hbm>>
      tpu.wait_dma2 semaphore(%run_scoped3A : memref<!tpu.dma_semaphore, #tpu.memory_space<semaphore_mem>>) src(%dma_wait3A_102 : memref<128xi32, #tpu.memory_space<hbm>>) dst(%arg12 : memref<128xi32, #tpu.memory_space<vmem>>)
      tpu.yield
    }) : () -> ()
    %scan3A_83 = arith.constant 0 : i32
    %scan3A_84 = arith.constant 39 : i32
    %scan3A_85 = arith.addi %scan3A_83, %scan3A_84 : i32
    %scan3A_86 = arith.constant 1 : i32
    scf.for %scan3A_99 = %scan3A_83 to %scan3A_85 step %scan3A_86  : i32 {
      %mul3A_100 = arith.constant 2 : i32
      %mul3A_101 = arith.muli %mul3A_100, %scan3A_99 : i32
      %add3A_102 = arith.constant 1 : i32
      %add3A_103 = arith.addi %mul3A_101, %add3A_102 : i32
      %mul3A_104 = arith.constant 128 : i32
      %mul3A_105 = arith.muli %add3A_103, %mul3A_104 : i32
      %add3A_106 = arith.addi %mul3A_71, %mul3A_105 : i32
      "tpu.region"() ({
        %run_scoped3A = tpu.sem_alloc : memref<!tpu.dma_semaphore, #tpu.memory_space<semaphore_mem>>
        %dma_start3A_138 = tpu.memref_slice %arg5[%add3A_106] : memref<1941504xi32, #tpu.memory_space<hbm>> -> memref<128xi32, #tpu.memory_space<hbm>>
        %dma_start3A_139 = tpu.memref_slice %arg5[%add3A_106] : memref<1941504xi32, #tpu.memory_space<hbm>> -> memref<128xi32, #tpu.memory_space<hbm>>
        tpu.enqueue_dma source(%dma_start3A_139 : memref<128xi32, #tpu.memory_space<hbm>>) target(%arg11 : memref<128xi32, #tpu.memory_space<vmem>>) target_semaphore(%run_scoped3A : memref<!tpu.dma_semaphore, #tpu.memory_space<semaphore_mem>>)
        %dma_wait3A_140 = tpu.memref_slice %arg5[%add3A_106] : memref<1941504xi32, #tpu.memory_space<hbm>> -> memref<128xi32, #tpu.memory_space<hbm>>
        %dma_wait3A_141 = tpu.memref_slice %arg5[%add3A_106] : memref<1941504xi32, #tpu.memory_space<hbm>> -> memref<128xi32, #tpu.memory_space<hbm>>
        tpu.wait_dma2 semaphore(%run_scoped3A : memref<!tpu.dma_semaphore, #tpu.memory_space<semaphore_mem>>) src(%dma_wait3A_141 : memref<128xi32, #tpu.memory_space<hbm>>) dst(%arg11 : memref<128xi32, #tpu.memory_space<vmem>>)
        tpu.yield
      }) : () -> ()
      %dma_start3A_107 = arith.constant 0 : i32
      %dma_start3A_108 = arith.constant 0 : i32
      %dma_start3A_109 = tpu.memref_slice %arg4[%dma_start3A_107, %dma_start3A_108] : memref<10240x128xf32, #tpu.memory_space<hbm>> -> memref<10240x128xf32, #tpu.memory_space<hbm>>
      tpu.enqueue_indirect_dma source(%dma_start3A_109 : memref<10240x128xf32, #tpu.memory_space<hbm>>) target(%arg15 : memref<128x128xf32, #tpu.memory_space<vmem>>) offsets(%arg11 : memref<128xi32, #tpu.memory_space<vmem>>) semaphore(%arg18 : memref<!tpu.dma_semaphore, #tpu.memory_space<semaphore_mem>>)
      %mul3A_110 = arith.constant 128 : i32
      %mul3A_111 = arith.muli %add3A_103, %mul3A_110 : i32
      %add3A_112 = arith.addi %mul3A_75, %mul3A_111 : i32
      "tpu.region"() ({
        %run_scoped3A = tpu.sem_alloc : memref<!tpu.dma_semaphore, #tpu.memory_space<semaphore_mem>>
        %dma_start3A_138 = tpu.memref_slice %arg5[%add3A_112] : memref<1941504xi32, #tpu.memory_space<hbm>> -> memref<128xi32, #tpu.memory_space<hbm>>
        %dma_start3A_139 = tpu.memref_slice %arg5[%add3A_112] : memref<1941504xi32, #tpu.memory_space<hbm>> -> memref<128xi32, #tpu.memory_space<hbm>>
        tpu.enqueue_dma source(%dma_start3A_139 : memref<128xi32, #tpu.memory_space<hbm>>) target(%arg13 : memref<128xi32, #tpu.memory_space<vmem>>) target_semaphore(%run_scoped3A : memref<!tpu.dma_semaphore, #tpu.memory_space<semaphore_mem>>)
        %dma_wait3A_140 = tpu.memref_slice %arg5[%add3A_112] : memref<1941504xi32, #tpu.memory_space<hbm>> -> memref<128xi32, #tpu.memory_space<hbm>>
        %dma_wait3A_141 = tpu.memref_slice %arg5[%add3A_112] : memref<1941504xi32, #tpu.memory_space<hbm>> -> memref<128xi32, #tpu.memory_space<hbm>>
        tpu.wait_dma2 semaphore(%run_scoped3A : memref<!tpu.dma_semaphore, #tpu.memory_space<semaphore_mem>>) src(%dma_wait3A_141 : memref<128xi32, #tpu.memory_space<hbm>>) dst(%arg13 : memref<128xi32, #tpu.memory_space<vmem>>)
        tpu.yield
      }) : () -> ()
      %mul3A_113 = arith.constant 2 : i32
      %mul3A_114 = arith.muli %mul3A_113, %scan3A_99 : i32
      %dma_wait3A_115 = arith.constant 0 : i32
      %dma_wait3A_116 = arith.constant 0 : i32
      %dma_wait3A_117 = tpu.memref_slice %arg4[%dma_wait3A_115, %dma_wait3A_116] : memref<10240x128xf32, #tpu.memory_space<hbm>> -> memref<10240x128xf32, #tpu.memory_space<hbm>>
      tpu.wait_indirect_dma semaphore(%arg17 : memref<!tpu.dma_semaphore, #tpu.memory_space<semaphore_mem>>) src(%dma_wait3A_117 : memref<10240x128xf32, #tpu.memory_space<hbm>>) dst(%arg14 : memref<128x128xf32, #tpu.memory_space<vmem>>)
      "tpu.region"() ({
        %run_scoped3A = tpu.sem_alloc : memref<!tpu.dma_semaphore, #tpu.memory_space<semaphore_mem>>
        %dma_start3A_138 = arith.constant 0 : i32
        %dma_start3A_139 = arith.constant 0 : i32
        %dma_start3A_140 = tpu.memref_slice %arg16[%dma_start3A_138, %dma_start3A_139] : memref<10240x128xf32, #tpu.memory_space<vmem_shared>> -> memref<10240x128xf32, #tpu.memory_space<vmem_shared>>
        tpu.enqueue_indirect_dma source(%arg14 : memref<128x128xf32, #tpu.memory_space<vmem>>) target(%dma_start3A_140 : memref<10240x128xf32, #tpu.memory_space<vmem_shared>>) offsets(%arg12 : memref<128xi32, #tpu.memory_space<vmem>>) semaphore(%run_scoped3A : memref<!tpu.dma_semaphore, #tpu.memory_space<semaphore_mem>>) {add = true}
        %dma_wait3A_141 = arith.constant 0 : i32
        %dma_wait3A_142 = arith.constant 0 : i32
        %dma_wait3A_143 = tpu.memref_slice %arg16[%dma_wait3A_141, %dma_wait3A_142] : memref<10240x128xf32, #tpu.memory_space<vmem_shared>> -> memref<10240x128xf32, #tpu.memory_space<vmem_shared>>
        tpu.wait_indirect_dma semaphore(%run_scoped3A : memref<!tpu.dma_semaphore, #tpu.memory_space<semaphore_mem>>) src(%arg14 : memref<128x128xf32, #tpu.memory_space<vmem>>) dst(%dma_wait3A_143 : memref<10240x128xf32, #tpu.memory_space<vmem_shared>>)
        tpu.yield
      }) : () -> ()
      %mul3A_118 = arith.constant 2 : i32
      %mul3A_119 = arith.muli %mul3A_118, %scan3A_99 : i32
      %add3A_120 = arith.constant 2 : i32
      %add3A_121 = arith.addi %mul3A_119, %add3A_120 : i32
      %mul3A_122 = arith.constant 128 : i32
      %mul3A_123 = arith.muli %add3A_121, %mul3A_122 : i32
      %add3A_124 = arith.addi %mul3A_71, %mul3A_123 : i32
      "tpu.region"() ({
        %run_scoped3A = tpu.sem_alloc : memref<!tpu.dma_semaphore, #tpu.memory_space<semaphore_mem>>
        %dma_start3A_138 = tpu.memref_slice %arg5[%add3A_124] : memref<1941504xi32, #tpu.memory_space<hbm>> -> memref<128xi32, #tpu.memory_space<hbm>>
        %dma_start3A_139 = tpu.memref_slice %arg5[%add3A_124] : memref<1941504xi32, #tpu.memory_space<hbm>> -> memref<128xi32, #tpu.memory_space<hbm>>
        tpu.enqueue_dma source(%dma_start3A_139 : memref<128xi32, #tpu.memory_space<hbm>>) target(%arg10 : memref<128xi32, #tpu.memory_space<vmem>>) target_semaphore(%run_scoped3A : memref<!tpu.dma_semaphore, #tpu.memory_space<semaphore_mem>>)
        %dma_wait3A_140 = tpu.memref_slice %arg5[%add3A_124] : memref<1941504xi32, #tpu.memory_space<hbm>> -> memref<128xi32, #tpu.memory_space<hbm>>
        %dma_wait3A_141 = tpu.memref_slice %arg5[%add3A_124] : memref<1941504xi32, #tpu.memory_space<hbm>> -> memref<128xi32, #tpu.memory_space<hbm>>
        tpu.wait_dma2 semaphore(%run_scoped3A : memref<!tpu.dma_semaphore, #tpu.memory_space<semaphore_mem>>) src(%dma_wait3A_141 : memref<128xi32, #tpu.memory_space<hbm>>) dst(%arg10 : memref<128xi32, #tpu.memory_space<vmem>>)
        tpu.yield
      }) : () -> ()
      %dma_start3A_125 = arith.constant 0 : i32
      %dma_start3A_126 = arith.constant 0 : i32
      %dma_start3A_127 = tpu.memref_slice %arg4[%dma_start3A_125, %dma_start3A_126] : memref<10240x128xf32, #tpu.memory_space<hbm>> -> memref<10240x128xf32, #tpu.memory_space<hbm>>
      tpu.enqueue_indirect_dma source(%dma_start3A_127 : memref<10240x128xf32, #tpu.memory_space<hbm>>) target(%arg14 : memref<128x128xf32, #tpu.memory_space<vmem>>) offsets(%arg10 : memref<128xi32, #tpu.memory_space<vmem>>) semaphore(%arg17 : memref<!tpu.dma_semaphore, #tpu.memory_space<semaphore_mem>>)
      %mul3A_128 = arith.constant 128 : i32
      %mul3A_129 = arith.muli %add3A_121, %mul3A_128 : i32
      %add3A_130 = arith.addi %mul3A_75, %mul3A_129 : i32
      "tpu.region"() ({
        %run_scoped3A = tpu.sem_alloc : memref<!tpu.dma_semaphore, #tpu.memory_space<semaphore_mem>>
        %dma_start3A_138 = tpu.memref_slice %arg5[%add3A_130] : memref<1941504xi32, #tpu.memory_space<hbm>> -> memref<128xi32, #tpu.memory_space<hbm>>
        %dma_start3A_139 = tpu.memref_slice %arg5[%add3A_130] : memref<1941504xi32, #tpu.memory_space<hbm>> -> memref<128xi32, #tpu.memory_space<hbm>>
        tpu.enqueue_dma source(%dma_start3A_139 : memref<128xi32, #tpu.memory_space<hbm>>) target(%arg12 : memref<128xi32, #tpu.memory_space<vmem>>) target_semaphore(%run_scoped3A : memref<!tpu.dma_semaphore, #tpu.memory_space<semaphore_mem>>)
        %dma_wait3A_140 = tpu.memref_slice %arg5[%add3A_130] : memref<1941504xi32, #tpu.memory_space<hbm>> -> memref<128xi32, #tpu.memory_space<hbm>>
        %dma_wait3A_141 = tpu.memref_slice %arg5[%add3A_130] : memref<1941504xi32, #tpu.memory_space<hbm>> -> memref<128xi32, #tpu.memory_space<hbm>>
        tpu.wait_dma2 semaphore(%run_scoped3A : memref<!tpu.dma_semaphore, #tpu.memory_space<semaphore_mem>>) src(%dma_wait3A_141 : memref<128xi32, #tpu.memory_space<hbm>>) dst(%arg12 : memref<128xi32, #tpu.memory_space<vmem>>)
        tpu.yield
      }) : () -> ()
      %mul3A_131 = arith.constant 2 : i32
      %mul3A_132 = arith.muli %mul3A_131, %scan3A_99 : i32
      %add3A_133 = arith.constant 1 : i32
      %add3A_134 = arith.addi %mul3A_132, %add3A_133 : i32
      %dma_wait3A_135 = arith.constant 0 : i32
      %dma_wait3A_136 = arith.constant 0 : i32
      %dma_wait3A_137 = tpu.memref_slice %arg4[%dma_wait3A_135, %dma_wait3A_136] : memref<10240x128xf32, #tpu.memory_space<hbm>> -> memref<10240x128xf32, #tpu.memory_space<hbm>>
      tpu.wait_indirect_dma semaphore(%arg18 : memref<!tpu.dma_semaphore, #tpu.memory_space<semaphore_mem>>) src(%dma_wait3A_137 : memref<10240x128xf32, #tpu.memory_space<hbm>>) dst(%arg15 : memref<128x128xf32, #tpu.memory_space<vmem>>)
      "tpu.region"() ({
        %run_scoped3A = tpu.sem_alloc : memref<!tpu.dma_semaphore, #tpu.memory_space<semaphore_mem>>
        %dma_start3A_138 = arith.constant 0 : i32
        %dma_start3A_139 = arith.constant 0 : i32
        %dma_start3A_140 = tpu.memref_slice %arg16[%dma_start3A_138, %dma_start3A_139] : memref<10240x128xf32, #tpu.memory_space<vmem_shared>> -> memref<10240x128xf32, #tpu.memory_space<vmem_shared>>
        tpu.enqueue_indirect_dma source(%arg15 : memref<128x128xf32, #tpu.memory_space<vmem>>) target(%dma_start3A_140 : memref<10240x128xf32, #tpu.memory_space<vmem_shared>>) offsets(%arg13 : memref<128xi32, #tpu.memory_space<vmem>>) semaphore(%run_scoped3A : memref<!tpu.dma_semaphore, #tpu.memory_space<semaphore_mem>>) {add = true}
        %dma_wait3A_141 = arith.constant 0 : i32
        %dma_wait3A_142 = arith.constant 0 : i32
        %dma_wait3A_143 = tpu.memref_slice %arg16[%dma_wait3A_141, %dma_wait3A_142] : memref<10240x128xf32, #tpu.memory_space<vmem_shared>> -> memref<10240x128xf32, #tpu.memory_space<vmem_shared>>
        tpu.wait_indirect_dma semaphore(%run_scoped3A : memref<!tpu.dma_semaphore, #tpu.memory_space<semaphore_mem>>) src(%arg15 : memref<128x128xf32, #tpu.memory_space<vmem>>) dst(%dma_wait3A_143 : memref<10240x128xf32, #tpu.memory_space<vmem_shared>>)
        tpu.yield
      }) : () -> ()
    }
    %scan3A_87 = arith.constant 39 : i32
    %dma_wait3A_88 = arith.constant 0 : i32
    %dma_wait3A_89 = arith.constant 0 : i32
    %dma_wait3A_90 = tpu.memref_slice %arg4[%dma_wait3A_88, %dma_wait3A_89] : memref<10240x128xf32, #tpu.memory_space<hbm>> -> memref<10240x128xf32, #tpu.memory_space<hbm>>
    tpu.wait_indirect_dma semaphore(%arg17 : memref<!tpu.dma_semaphore, #tpu.memory_space<semaphore_mem>>) src(%dma_wait3A_90 : memref<10240x128xf32, #tpu.memory_space<hbm>>) dst(%arg14 : memref<128x128xf32, #tpu.memory_space<vmem>>)
    "tpu.region"() ({
      %run_scoped3A = tpu.sem_alloc : memref<!tpu.dma_semaphore, #tpu.memory_space<semaphore_mem>>
      %dma_start3A_99 = arith.constant 0 : i32
      %dma_start3A_100 = arith.constant 0 : i32
      %dma_start3A_101 = tpu.memref_slice %arg16[%dma_start3A_99, %dma_start3A_100] : memref<10240x128xf32, #tpu.memory_space<vmem_shared>> -> memref<10240x128xf32, #tpu.memory_space<vmem_shared>>
      tpu.enqueue_indirect_dma source(%arg14 : memref<128x128xf32, #tpu.memory_space<vmem>>) target(%dma_start3A_101 : memref<10240x128xf32, #tpu.memory_space<vmem_shared>>) offsets(%arg12 : memref<128xi32, #tpu.memory_space<vmem>>) semaphore(%run_scoped3A : memref<!tpu.dma_semaphore, #tpu.memory_space<semaphore_mem>>) {add = true}
      %dma_wait3A_102 = arith.constant 0 : i32
      %dma_wait3A_103 = arith.constant 0 : i32
      %dma_wait3A_104 = tpu.memref_slice %arg16[%dma_wait3A_102, %dma_wait3A_103] : memref<10240x128xf32, #tpu.memory_space<vmem_shared>> -> memref<10240x128xf32, #tpu.memory_space<vmem_shared>>
      tpu.wait_indirect_dma semaphore(%run_scoped3A : memref<!tpu.dma_semaphore, #tpu.memory_space<semaphore_mem>>) src(%arg14 : memref<128x128xf32, #tpu.memory_space<vmem>>) dst(%dma_wait3A_104 : memref<10240x128xf32, #tpu.memory_space<vmem_shared>>)
      tpu.yield
    }) : () -> ()
    %barrier3A_91 = arith.constant 0 : index
    tpu.barrier barrier_id(%barrier3A_91)
    %mul3A_92 = arith.constant 640 : i32
    %mul3A_93 = arith.muli %arg1, %mul3A_92 : i32
    %mul3A_94 = arith.constant 10240 : i32
    %mul3A_95 = arith.muli %arg0, %mul3A_94 : i32
    %mul3A_96 = arith.constant 640 : i32
    %mul3A_97 = arith.muli %arg1, %mul3A_96 : i32
    %add3A_98 = arith.addi %mul3A_95, %mul3A_97 : i32
    "tpu.region"() ({
      %run_scoped3A = tpu.sem_alloc : memref<!tpu.dma_semaphore, #tpu.memory_space<semaphore_mem>>
      %dma_start3A_99 = arith.constant 0 : i32
      %dma_start3A_100 = tpu.memref_slice %arg9[%add3A_98, %dma_start3A_99] : memref<20480x128xf32, #tpu.memory_space<hbm>> -> memref<640x128xf32, #tpu.memory_space<hbm>>
      %dma_start3A_101 = arith.constant 0 : i32
      %dma_start3A_102 = tpu.memref_slice %arg16[%mul3A_93, %dma_start3A_101] : memref<10240x128xf32, #tpu.memory_space<vmem_shared>> -> memref<640x128xf32, #tpu.memory_space<vmem_shared>>
      tpu.enqueue_dma source(%dma_start3A_102 : memref<640x128xf32, #tpu.memory_space<vmem_shared>>) target(%dma_start3A_100 : memref<640x128xf32, #tpu.memory_space<hbm>>) target_semaphore(%run_scoped3A : memref<!tpu.dma_semaphore, #tpu.memory_space<semaphore_mem>>)
      %dma_wait3A_103 = arith.constant 0 : i32
      %dma_wait3A_104 = tpu.memref_slice %arg9[%add3A_98, %dma_wait3A_103] : memref<20480x128xf32, #tpu.memory_space<hbm>> -> memref<640x128xf32, #tpu.memory_space<hbm>>
      %dma_wait3A_105 = arith.constant 0 : i32
      %dma_wait3A_106 = tpu.memref_slice %arg16[%mul3A_93, %dma_wait3A_105] : memref<10240x128xf32, #tpu.memory_space<vmem_shared>> -> memref<640x128xf32, #tpu.memory_space<vmem_shared>>
      tpu.wait_dma2 semaphore(%run_scoped3A : memref<!tpu.dma_semaphore, #tpu.memory_space<semaphore_mem>>) src(%dma_wait3A_106 : memref<640x128xf32, #tpu.memory_space<vmem_shared>>) dst(%dma_wait3A_104 : memref<640x128xf32, #tpu.memory_space<hbm>>)
      tpu.yield
    }) : () -> ()
    return
  }
}

#map = affine_map<(d0, d1) -> (0, 0)>
#map1 = affine_map<(d0, d1) -> (0)>
module attributes {stable_mosaic.version = 14 : i64} {
  func.func @_scat_body(%arg0: i32, %arg1: i32, %arg2: memref<10240x128xf32, #tpu.memory_space<hbm>>, %arg3: memref<10240x128xf32, #tpu.memory_space<hbm>>, %arg4: memref<10240x128xf32, #tpu.memory_space<hbm>>, %arg5: memref<1941504xi32, #tpu.memory_space<hbm>>, %arg6: memref<640x128xf32, #tpu.memory_space<hbm>>, %arg7: memref<20480x128xf32, #tpu.memory_space<hbm>>, %arg8: memref<20480x128xf32, #tpu.memory_space<hbm>>, %arg9: memref<20480x128xf32, #tpu.memory_space<hbm>>, %arg10: memref<128xi32, #tpu.memory_space<vmem>>, %arg11: memref<128xi32, #tpu.memory_space<vmem>>, %arg12: memref<128xi32, #tpu.memory_space<vmem>>, %arg13: memref<128xi32, #tpu.memory_space<vmem>>, %arg14: memref<128x128xf32, #tpu.memory_space<vmem>>, %arg15: memref<128x128xf32, #tpu.memory_space<vmem>>, %arg16: memref<10240x128xf32, #tpu.memory_space<vmem_shared>>, %arg17: memref<!tpu.dma_semaphore, #tpu.memory_space<semaphore_mem>>, %arg18: memref<!tpu.dma_semaphore, #tpu.memory_space<semaphore_mem>>) attributes {dimension_semantics = [#tpu.dimension_semantics<core_parallel>, #tpu.dimension_semantics<subcore_parallel>], iteration_bounds = array<i64: 2, 16>, scalar_prefetch = 0 : i64, scratch_operands = 9 : i64, tpu.core_type = #tpu.core_type<sc_vector_subcore>, window_params = [{transform_indices = #map}, {transform_indices = #map}, {transform_indices = #map}, {transform_indices = #map1}, {transform_indices = #map}, {transform_indices = #map}, {transform_indices = #map}, {transform_indices = #map}]} {
    %mul3A = arith.constant 16 : i32
    %mul3A_0 = arith.muli %arg0, %mul3A : i32
    %add3A = arith.addi %mul3A_0, %arg1 : i32
    %mul3A_1 = arith.constant 640 : i32
    %mul3A_2 = arith.muli %arg1, %mul3A_1 : i32
    "tpu.region"() ({
      %run_scoped3A = tpu.sem_alloc : memref<!tpu.dma_semaphore, #tpu.memory_space<semaphore_mem>>
      %dma_start3A_99 = arith.constant 0 : i32
      %dma_start3A_100 = tpu.memref_slice %arg16[%mul3A_2, %dma_start3A_99] : memref<10240x128xf32, #tpu.memory_space<vmem_shared>> -> memref<640x128xf32, #tpu.memory_space<vmem_shared>>
      tpu.enqueue_dma source(%arg6 : memref<640x128xf32, #tpu.memory_space<hbm>>) target(%dma_start3A_100 : memref<640x128xf32, #tpu.memory_space<vmem_shared>>) target_semaphore(%run_scoped3A : memref<!tpu.dma_semaphore, #tpu.memory_space<semaphore_mem>>)
      %dma_wait3A_101 = arith.constant 0 : i32
      %dma_wait3A_102 = tpu.memref_slice %arg16[%mul3A_2, %dma_wait3A_101] : memref<10240x128xf32, #tpu.memory_space<vmem_shared>> -> memref<640x128xf32, #tpu.memory_space<vmem_shared>>
      tpu.wait_dma2 semaphore(%run_scoped3A : memref<!tpu.dma_semaphore, #tpu.memory_space<semaphore_mem>>) src(%arg6 : memref<640x128xf32, #tpu.memory_space<hbm>>) dst(%dma_wait3A_102 : memref<640x128xf32, #tpu.memory_space<vmem_shared>>)
      tpu.yield
    }) : () -> ()
    %barrier3A = arith.constant 0 : index
    tpu.barrier barrier_id(%barrier3A)
    %add3A_3 = arith.constant 0 : i32
    %add3A_4 = arith.addi %add3A_3, %add3A : i32
    %mul3A_5 = arith.constant 10112 : i32
    %mul3A_6 = arith.muli %add3A_4, %mul3A_5 : i32
    %add3A_7 = arith.constant 32 : i32
    %add3A_8 = arith.addi %add3A_7, %add3A : i32
    %mul3A_9 = arith.constant 10112 : i32
    %mul3A_10 = arith.muli %add3A_8, %mul3A_9 : i32
    %add3A_11 = arith.constant 0 : i32
    %add3A_12 = arith.addi %mul3A_6, %add3A_11 : i32
    "tpu.region"() ({
      %run_scoped3A = tpu.sem_alloc : memref<!tpu.dma_semaphore, #tpu.memory_space<semaphore_mem>>
      %dma_start3A_99 = tpu.memref_slice %arg5[%add3A_12] : memref<1941504xi32, #tpu.memory_space<hbm>> -> memref<128xi32, #tpu.memory_space<hbm>>
      %dma_start3A_100 = tpu.memref_slice %arg5[%add3A_12] : memref<1941504xi32, #tpu.memory_space<hbm>> -> memref<128xi32, #tpu.memory_space<hbm>>
      tpu.enqueue_dma source(%dma_start3A_100 : memref<128xi32, #tpu.memory_space<hbm>>) target(%arg10 : memref<128xi32, #tpu.memory_space<vmem>>) target_semaphore(%run_scoped3A : memref<!tpu.dma_semaphore, #tpu.memory_space<semaphore_mem>>)
      %dma_wait3A_101 = tpu.memref_slice %arg5[%add3A_12] : memref<1941504xi32, #tpu.memory_space<hbm>> -> memref<128xi32, #tpu.memory_space<hbm>>
      %dma_wait3A_102 = tpu.memref_slice %arg5[%add3A_12] : memref<1941504xi32, #tpu.memory_space<hbm>> -> memref<128xi32, #tpu.memory_space<hbm>>
      tpu.wait_dma2 semaphore(%run_scoped3A : memref<!tpu.dma_semaphore, #tpu.memory_space<semaphore_mem>>) src(%dma_wait3A_102 : memref<128xi32, #tpu.memory_space<hbm>>) dst(%arg10 : memref<128xi32, #tpu.memory_space<vmem>>)
      tpu.yield
    }) : () -> ()
    %dma_start3A = arith.constant 0 : i32
    %dma_start3A_13 = arith.constant 0 : i32
    %dma_start3A_14 = tpu.memref_slice %arg2[%dma_start3A, %dma_start3A_13] : memref<10240x128xf32, #tpu.memory_space<hbm>> -> memref<10240x128xf32, #tpu.memory_space<hbm>>
    tpu.enqueue_indirect_dma source(%dma_start3A_14 : memref<10240x128xf32, #tpu.memory_space<hbm>>) target(%arg14 : memref<128x128xf32, #tpu.memory_space<vmem>>) offsets(%arg10 : memref<128xi32, #tpu.memory_space<vmem>>) semaphore(%arg17 : memref<!tpu.dma_semaphore, #tpu.memory_space<semaphore_mem>>)
    %add3A_15 = arith.constant 0 : i32
    %add3A_16 = arith.addi %mul3A_10, %add3A_15 : i32
    "tpu.region"() ({
      %run_scoped3A = tpu.sem_alloc : memref<!tpu.dma_semaphore, #tpu.memory_space<semaphore_mem>>
      %dma_start3A_99 = tpu.memref_slice %arg5[%add3A_16] : memref<1941504xi32, #tpu.memory_space<hbm>> -> memref<128xi32, #tpu.memory_space<hbm>>
      %dma_start3A_100 = tpu.memref_slice %arg5[%add3A_16] : memref<1941504xi32, #tpu.memory_space<hbm>> -> memref<128xi32, #tpu.memory_space<hbm>>
      tpu.enqueue_dma source(%dma_start3A_100 : memref<128xi32, #tpu.memory_space<hbm>>) target(%arg12 : memref<128xi32, #tpu.memory_space<vmem>>) target_semaphore(%run_scoped3A : memref<!tpu.dma_semaphore, #tpu.memory_space<semaphore_mem>>)
      %dma_wait3A_101 = tpu.memref_slice %arg5[%add3A_16] : memref<1941504xi32, #tpu.memory_space<hbm>> -> memref<128xi32, #tpu.memory_space<hbm>>
      %dma_wait3A_102 = tpu.memref_slice %arg5[%add3A_16] : memref<1941504xi32, #tpu.memory_space<hbm>> -> memref<128xi32, #tpu.memory_space<hbm>>
      tpu.wait_dma2 semaphore(%run_scoped3A : memref<!tpu.dma_semaphore, #tpu.memory_space<semaphore_mem>>) src(%dma_wait3A_102 : memref<128xi32, #tpu.memory_space<hbm>>) dst(%arg12 : memref<128xi32, #tpu.memory_space<vmem>>)
      tpu.yield
    }) : () -> ()
    %scan3A = arith.constant 0 : i32
    %scan3A_17 = arith.constant 39 : i32
    %scan3A_18 = arith.addi %scan3A, %scan3A_17 : i32
    %scan3A_19 = arith.constant 1 : i32
    scf.for %scan3A_99 = %scan3A to %scan3A_18 step %scan3A_19  : i32 {
      %mul3A_100 = arith.constant 2 : i32
      %mul3A_101 = arith.muli %mul3A_100, %scan3A_99 : i32
      %add3A_102 = arith.constant 1 : i32
      %add3A_103 = arith.addi %mul3A_101, %add3A_102 : i32
      %mul3A_104 = arith.constant 128 : i32
      %mul3A_105 = arith.muli %add3A_103, %mul3A_104 : i32
      %add3A_106 = arith.addi %mul3A_6, %mul3A_105 : i32
      "tpu.region"() ({
        %run_scoped3A = tpu.sem_alloc : memref<!tpu.dma_semaphore, #tpu.memory_space<semaphore_mem>>
        %dma_start3A_138 = tpu.memref_slice %arg5[%add3A_106] : memref<1941504xi32, #tpu.memory_space<hbm>> -> memref<128xi32, #tpu.memory_space<hbm>>
        %dma_start3A_139 = tpu.memref_slice %arg5[%add3A_106] : memref<1941504xi32, #tpu.memory_space<hbm>> -> memref<128xi32, #tpu.memory_space<hbm>>
        tpu.enqueue_dma source(%dma_start3A_139 : memref<128xi32, #tpu.memory_space<hbm>>) target(%arg11 : memref<128xi32, #tpu.memory_space<vmem>>) target_semaphore(%run_scoped3A : memref<!tpu.dma_semaphore, #tpu.memory_space<semaphore_mem>>)
        %dma_wait3A_140 = tpu.memref_slice %arg5[%add3A_106] : memref<1941504xi32, #tpu.memory_space<hbm>> -> memref<128xi32, #tpu.memory_space<hbm>>
        %dma_wait3A_141 = tpu.memref_slice %arg5[%add3A_106] : memref<1941504xi32, #tpu.memory_space<hbm>> -> memref<128xi32, #tpu.memory_space<hbm>>
        tpu.wait_dma2 semaphore(%run_scoped3A : memref<!tpu.dma_semaphore, #tpu.memory_space<semaphore_mem>>) src(%dma_wait3A_141 : memref<128xi32, #tpu.memory_space<hbm>>) dst(%arg11 : memref<128xi32, #tpu.memory_space<vmem>>)
        tpu.yield
      }) : () -> ()
      %dma_start3A_107 = arith.constant 0 : i32
      %dma_start3A_108 = arith.constant 0 : i32
      %dma_start3A_109 = tpu.memref_slice %arg2[%dma_start3A_107, %dma_start3A_108] : memref<10240x128xf32, #tpu.memory_space<hbm>> -> memref<10240x128xf32, #tpu.memory_space<hbm>>
      tpu.enqueue_indirect_dma source(%dma_start3A_109 : memref<10240x128xf32, #tpu.memory_space<hbm>>) target(%arg15 : memref<128x128xf32, #tpu.memory_space<vmem>>) offsets(%arg11 : memref<128xi32, #tpu.memory_space<vmem>>) semaphore(%arg18 : memref<!tpu.dma_semaphore, #tpu.memory_space<semaphore_mem>>)
      %mul3A_110 = arith.constant 128 : i32
      %mul3A_111 = arith.muli %add3A_103, %mul3A_110 : i32
      %add3A_112 = arith.addi %mul3A_10, %mul3A_111 : i32
      "tpu.region"() ({
        %run_scoped3A = tpu.sem_alloc : memref<!tpu.dma_semaphore, #tpu.memory_space<semaphore_mem>>
        %dma_start3A_138 = tpu.memref_slice %arg5[%add3A_112] : memref<1941504xi32, #tpu.memory_space<hbm>> -> memref<128xi32, #tpu.memory_space<hbm>>
        %dma_start3A_139 = tpu.memref_slice %arg5[%add3A_112] : memref<1941504xi32, #tpu.memory_space<hbm>> -> memref<128xi32, #tpu.memory_space<hbm>>
        tpu.enqueue_dma source(%dma_start3A_139 : memref<128xi32, #tpu.memory_space<hbm>>) target(%arg13 : memref<128xi32, #tpu.memory_space<vmem>>) target_semaphore(%run_scoped3A : memref<!tpu.dma_semaphore, #tpu.memory_space<semaphore_mem>>)
        %dma_wait3A_140 = tpu.memref_slice %arg5[%add3A_112] : memref<1941504xi32, #tpu.memory_space<hbm>> -> memref<128xi32, #tpu.memory_space<hbm>>
        %dma_wait3A_141 = tpu.memref_slice %arg5[%add3A_112] : memref<1941504xi32, #tpu.memory_space<hbm>> -> memref<128xi32, #tpu.memory_space<hbm>>
        tpu.wait_dma2 semaphore(%run_scoped3A : memref<!tpu.dma_semaphore, #tpu.memory_space<semaphore_mem>>) src(%dma_wait3A_141 : memref<128xi32, #tpu.memory_space<hbm>>) dst(%arg13 : memref<128xi32, #tpu.memory_space<vmem>>)
        tpu.yield
      }) : () -> ()
      %mul3A_113 = arith.constant 2 : i32
      %mul3A_114 = arith.muli %mul3A_113, %scan3A_99 : i32
      %dma_wait3A_115 = arith.constant 0 : i32
      %dma_wait3A_116 = arith.constant 0 : i32
      %dma_wait3A_117 = tpu.memref_slice %arg2[%dma_wait3A_115, %dma_wait3A_116] : memref<10240x128xf32, #tpu.memory_space<hbm>> -> memref<10240x128xf32, #tpu.memory_space<hbm>>
      tpu.wait_indirect_dma semaphore(%arg17 : memref<!tpu.dma_semaphore, #tpu.memory_space<semaphore_mem>>) src(%dma_wait3A_117 : memref<10240x128xf32, #tpu.memory_space<hbm>>) dst(%arg14 : memref<128x128xf32, #tpu.memory_space<vmem>>)
      "tpu.region"() ({
        %run_scoped3A = tpu.sem_alloc : memref<!tpu.dma_semaphore, #tpu.memory_space<semaphore_mem>>
        %dma_start3A_138 = arith.constant 0 : i32
        %dma_start3A_139 = arith.constant 0 : i32
        %dma_start3A_140 = tpu.memref_slice %arg16[%dma_start3A_138, %dma_start3A_139] : memref<10240x128xf32, #tpu.memory_space<vmem_shared>> -> memref<10240x128xf32, #tpu.memory_space<vmem_shared>>
        tpu.enqueue_indirect_dma source(%arg14 : memref<128x128xf32, #tpu.memory_space<vmem>>) target(%dma_start3A_140 : memref<10240x128xf32, #tpu.memory_space<vmem_shared>>) offsets(%arg12 : memref<128xi32, #tpu.memory_space<vmem>>) semaphore(%run_scoped3A : memref<!tpu.dma_semaphore, #tpu.memory_space<semaphore_mem>>) {add = true}
        %dma_wait3A_141 = arith.constant 0 : i32
        %dma_wait3A_142 = arith.constant 0 : i32
        %dma_wait3A_143 = tpu.memref_slice %arg16[%dma_wait3A_141, %dma_wait3A_142] : memref<10240x128xf32, #tpu.memory_space<vmem_shared>> -> memref<10240x128xf32, #tpu.memory_space<vmem_shared>>
        tpu.wait_indirect_dma semaphore(%run_scoped3A : memref<!tpu.dma_semaphore, #tpu.memory_space<semaphore_mem>>) src(%arg14 : memref<128x128xf32, #tpu.memory_space<vmem>>) dst(%dma_wait3A_143 : memref<10240x128xf32, #tpu.memory_space<vmem_shared>>)
        tpu.yield
      }) : () -> ()
      %mul3A_118 = arith.constant 2 : i32
      %mul3A_119 = arith.muli %mul3A_118, %scan3A_99 : i32
      %add3A_120 = arith.constant 2 : i32
      %add3A_121 = arith.addi %mul3A_119, %add3A_120 : i32
      %mul3A_122 = arith.constant 128 : i32
      %mul3A_123 = arith.muli %add3A_121, %mul3A_122 : i32
      %add3A_124 = arith.addi %mul3A_6, %mul3A_123 : i32
      "tpu.region"() ({
        %run_scoped3A = tpu.sem_alloc : memref<!tpu.dma_semaphore, #tpu.memory_space<semaphore_mem>>
        %dma_start3A_138 = tpu.memref_slice %arg5[%add3A_124] : memref<1941504xi32, #tpu.memory_space<hbm>> -> memref<128xi32, #tpu.memory_space<hbm>>
        %dma_start3A_139 = tpu.memref_slice %arg5[%add3A_124] : memref<1941504xi32, #tpu.memory_space<hbm>> -> memref<128xi32, #tpu.memory_space<hbm>>
        tpu.enqueue_dma source(%dma_start3A_139 : memref<128xi32, #tpu.memory_space<hbm>>) target(%arg10 : memref<128xi32, #tpu.memory_space<vmem>>) target_semaphore(%run_scoped3A : memref<!tpu.dma_semaphore, #tpu.memory_space<semaphore_mem>>)
        %dma_wait3A_140 = tpu.memref_slice %arg5[%add3A_124] : memref<1941504xi32, #tpu.memory_space<hbm>> -> memref<128xi32, #tpu.memory_space<hbm>>
        %dma_wait3A_141 = tpu.memref_slice %arg5[%add3A_124] : memref<1941504xi32, #tpu.memory_space<hbm>> -> memref<128xi32, #tpu.memory_space<hbm>>
        tpu.wait_dma2 semaphore(%run_scoped3A : memref<!tpu.dma_semaphore, #tpu.memory_space<semaphore_mem>>) src(%dma_wait3A_141 : memref<128xi32, #tpu.memory_space<hbm>>) dst(%arg10 : memref<128xi32, #tpu.memory_space<vmem>>)
        tpu.yield
      }) : () -> ()
      %dma_start3A_125 = arith.constant 0 : i32
      %dma_start3A_126 = arith.constant 0 : i32
      %dma_start3A_127 = tpu.memref_slice %arg2[%dma_start3A_125, %dma_start3A_126] : memref<10240x128xf32, #tpu.memory_space<hbm>> -> memref<10240x128xf32, #tpu.memory_space<hbm>>
      tpu.enqueue_indirect_dma source(%dma_start3A_127 : memref<10240x128xf32, #tpu.memory_space<hbm>>) target(%arg14 : memref<128x128xf32, #tpu.memory_space<vmem>>) offsets(%arg10 : memref<128xi32, #tpu.memory_space<vmem>>) semaphore(%arg17 : memref<!tpu.dma_semaphore, #tpu.memory_space<semaphore_mem>>)
      %mul3A_128 = arith.constant 128 : i32
      %mul3A_129 = arith.muli %add3A_121, %mul3A_128 : i32
      %add3A_130 = arith.addi %mul3A_10, %mul3A_129 : i32
      "tpu.region"() ({
        %run_scoped3A = tpu.sem_alloc : memref<!tpu.dma_semaphore, #tpu.memory_space<semaphore_mem>>
        %dma_start3A_138 = tpu.memref_slice %arg5[%add3A_130] : memref<1941504xi32, #tpu.memory_space<hbm>> -> memref<128xi32, #tpu.memory_space<hbm>>
        %dma_start3A_139 = tpu.memref_slice %arg5[%add3A_130] : memref<1941504xi32, #tpu.memory_space<hbm>> -> memref<128xi32, #tpu.memory_space<hbm>>
        tpu.enqueue_dma source(%dma_start3A_139 : memref<128xi32, #tpu.memory_space<hbm>>) target(%arg12 : memref<128xi32, #tpu.memory_space<vmem>>) target_semaphore(%run_scoped3A : memref<!tpu.dma_semaphore, #tpu.memory_space<semaphore_mem>>)
        %dma_wait3A_140 = tpu.memref_slice %arg5[%add3A_130] : memref<1941504xi32, #tpu.memory_space<hbm>> -> memref<128xi32, #tpu.memory_space<hbm>>
        %dma_wait3A_141 = tpu.memref_slice %arg5[%add3A_130] : memref<1941504xi32, #tpu.memory_space<hbm>> -> memref<128xi32, #tpu.memory_space<hbm>>
        tpu.wait_dma2 semaphore(%run_scoped3A : memref<!tpu.dma_semaphore, #tpu.memory_space<semaphore_mem>>) src(%dma_wait3A_141 : memref<128xi32, #tpu.memory_space<hbm>>) dst(%arg12 : memref<128xi32, #tpu.memory_space<vmem>>)
        tpu.yield
      }) : () -> ()
      %mul3A_131 = arith.constant 2 : i32
      %mul3A_132 = arith.muli %mul3A_131, %scan3A_99 : i32
      %add3A_133 = arith.constant 1 : i32
      %add3A_134 = arith.addi %mul3A_132, %add3A_133 : i32
      %dma_wait3A_135 = arith.constant 0 : i32
      %dma_wait3A_136 = arith.constant 0 : i32
      %dma_wait3A_137 = tpu.memref_slice %arg2[%dma_wait3A_135, %dma_wait3A_136] : memref<10240x128xf32, #tpu.memory_space<hbm>> -> memref<10240x128xf32, #tpu.memory_space<hbm>>
      tpu.wait_indirect_dma semaphore(%arg18 : memref<!tpu.dma_semaphore, #tpu.memory_space<semaphore_mem>>) src(%dma_wait3A_137 : memref<10240x128xf32, #tpu.memory_space<hbm>>) dst(%arg15 : memref<128x128xf32, #tpu.memory_space<vmem>>)
      "tpu.region"() ({
        %run_scoped3A = tpu.sem_alloc : memref<!tpu.dma_semaphore, #tpu.memory_space<semaphore_mem>>
        %dma_start3A_138 = arith.constant 0 : i32
        %dma_start3A_139 = arith.constant 0 : i32
        %dma_start3A_140 = tpu.memref_slice %arg16[%dma_start3A_138, %dma_start3A_139] : memref<10240x128xf32, #tpu.memory_space<vmem_shared>> -> memref<10240x128xf32, #tpu.memory_space<vmem_shared>>
        tpu.enqueue_indirect_dma source(%arg15 : memref<128x128xf32, #tpu.memory_space<vmem>>) target(%dma_start3A_140 : memref<10240x128xf32, #tpu.memory_space<vmem_shared>>) offsets(%arg13 : memref<128xi32, #tpu.memory_space<vmem>>) semaphore(%run_scoped3A : memref<!tpu.dma_semaphore, #tpu.memory_space<semaphore_mem>>) {add = true}
        %dma_wait3A_141 = arith.constant 0 : i32
        %dma_wait3A_142 = arith.constant 0 : i32
        %dma_wait3A_143 = tpu.memref_slice %arg16[%dma_wait3A_141, %dma_wait3A_142] : memref<10240x128xf32, #tpu.memory_space<vmem_shared>> -> memref<10240x128xf32, #tpu.memory_space<vmem_shared>>
        tpu.wait_indirect_dma semaphore(%run_scoped3A : memref<!tpu.dma_semaphore, #tpu.memory_space<semaphore_mem>>) src(%arg15 : memref<128x128xf32, #tpu.memory_space<vmem>>) dst(%dma_wait3A_143 : memref<10240x128xf32, #tpu.memory_space<vmem_shared>>)
        tpu.yield
      }) : () -> ()
    }
    %scan3A_20 = arith.constant 39 : i32
    %dma_wait3A = arith.constant 0 : i32
    %dma_wait3A_21 = arith.constant 0 : i32
    %dma_wait3A_22 = tpu.memref_slice %arg2[%dma_wait3A, %dma_wait3A_21] : memref<10240x128xf32, #tpu.memory_space<hbm>> -> memref<10240x128xf32, #tpu.memory_space<hbm>>
    tpu.wait_indirect_dma semaphore(%arg17 : memref<!tpu.dma_semaphore, #tpu.memory_space<semaphore_mem>>) src(%dma_wait3A_22 : memref<10240x128xf32, #tpu.memory_space<hbm>>) dst(%arg14 : memref<128x128xf32, #tpu.memory_space<vmem>>)
    "tpu.region"() ({
      %run_scoped3A = tpu.sem_alloc : memref<!tpu.dma_semaphore, #tpu.memory_space<semaphore_mem>>
      %dma_start3A_99 = arith.constant 0 : i32
      %dma_start3A_100 = arith.constant 0 : i32
      %dma_start3A_101 = tpu.memref_slice %arg16[%dma_start3A_99, %dma_start3A_100] : memref<10240x128xf32, #tpu.memory_space<vmem_shared>> -> memref<10240x128xf32, #tpu.memory_space<vmem_shared>>
      tpu.enqueue_indirect_dma source(%arg14 : memref<128x128xf32, #tpu.memory_space<vmem>>) target(%dma_start3A_101 : memref<10240x128xf32, #tpu.memory_space<vmem_shared>>) offsets(%arg12 : memref<128xi32, #tpu.memory_space<vmem>>) semaphore(%run_scoped3A : memref<!tpu.dma_semaphore, #tpu.memory_space<semaphore_mem>>) {add = true}
      %dma_wait3A_102 = arith.constant 0 : i32
      %dma_wait3A_103 = arith.constant 0 : i32
      %dma_wait3A_104 = tpu.memref_slice %arg16[%dma_wait3A_102, %dma_wait3A_103] : memref<10240x128xf32, #tpu.memory_space<vmem_shared>> -> memref<10240x128xf32, #tpu.memory_space<vmem_shared>>
      tpu.wait_indirect_dma semaphore(%run_scoped3A : memref<!tpu.dma_semaphore, #tpu.memory_space<semaphore_mem>>) src(%arg14 : memref<128x128xf32, #tpu.memory_space<vmem>>) dst(%dma_wait3A_104 : memref<10240x128xf32, #tpu.memory_space<vmem_shared>>)
      tpu.yield
    }) : () -> ()
    %barrier3A_23 = arith.constant 0 : index
    tpu.barrier barrier_id(%barrier3A_23)
    %mul3A_24 = arith.constant 640 : i32
    %mul3A_25 = arith.muli %arg1, %mul3A_24 : i32
    %mul3A_26 = arith.constant 10240 : i32
    %mul3A_27 = arith.muli %arg0, %mul3A_26 : i32
    %mul3A_28 = arith.constant 640 : i32
    %mul3A_29 = arith.muli %arg1, %mul3A_28 : i32
    %add3A_30 = arith.addi %mul3A_27, %mul3A_29 : i32
    "tpu.region"() ({
      %run_scoped3A = tpu.sem_alloc : memref<!tpu.dma_semaphore, #tpu.memory_space<semaphore_mem>>
      %dma_start3A_99 = arith.constant 0 : i32
      %dma_start3A_100 = tpu.memref_slice %arg7[%add3A_30, %dma_start3A_99] : memref<20480x128xf32, #tpu.memory_space<hbm>> -> memref<640x128xf32, #tpu.memory_space<hbm>>
      %dma_start3A_101 = arith.constant 0 : i32
      %dma_start3A_102 = tpu.memref_slice %arg16[%mul3A_25, %dma_start3A_101] : memref<10240x128xf32, #tpu.memory_space<vmem_shared>> -> memref<640x128xf32, #tpu.memory_space<vmem_shared>>
      tpu.enqueue_dma source(%dma_start3A_102 : memref<640x128xf32, #tpu.memory_space<vmem_shared>>) target(%dma_start3A_100 : memref<640x128xf32, #tpu.memory_space<hbm>>) target_semaphore(%run_scoped3A : memref<!tpu.dma_semaphore, #tpu.memory_space<semaphore_mem>>)
      %dma_wait3A_103 = arith.constant 0 : i32
      %dma_wait3A_104 = tpu.memref_slice %arg7[%add3A_30, %dma_wait3A_103] : memref<20480x128xf32, #tpu.memory_space<hbm>> -> memref<640x128xf32, #tpu.memory_space<hbm>>
      %dma_wait3A_105 = arith.constant 0 : i32
      %dma_wait3A_106 = tpu.memref_slice %arg16[%mul3A_25, %dma_wait3A_105] : memref<10240x128xf32, #tpu.memory_space<vmem_shared>> -> memref<640x128xf32, #tpu.memory_space<vmem_shared>>
      tpu.wait_dma2 semaphore(%run_scoped3A : memref<!tpu.dma_semaphore, #tpu.memory_space<semaphore_mem>>) src(%dma_wait3A_106 : memref<640x128xf32, #tpu.memory_space<vmem_shared>>) dst(%dma_wait3A_104 : memref<640x128xf32, #tpu.memory_space<hbm>>)
      tpu.yield
    }) : () -> ()
    %mul3A_31 = arith.constant 640 : i32
    %mul3A_32 = arith.muli %arg1, %mul3A_31 : i32
    "tpu.region"() ({
      %run_scoped3A = tpu.sem_alloc : memref<!tpu.dma_semaphore, #tpu.memory_space<semaphore_mem>>
      %dma_start3A_99 = arith.constant 0 : i32
      %dma_start3A_100 = tpu.memref_slice %arg16[%mul3A_32, %dma_start3A_99] : memref<10240x128xf32, #tpu.memory_space<vmem_shared>> -> memref<640x128xf32, #tpu.memory_space<vmem_shared>>
      tpu.enqueue_dma source(%arg6 : memref<640x128xf32, #tpu.memory_space<hbm>>) target(%dma_start3A_100 : memref<640x128xf32, #tpu.memory_space<vmem_shared>>) target_semaphore(%run_scoped3A : memref<!tpu.dma_semaphore, #tpu.memory_space<semaphore_mem>>)
      %dma_wait3A_101 = arith.constant 0 : i32
      %dma_wait3A_102 = tpu.memref_slice %arg16[%mul3A_32, %dma_wait3A_101] : memref<10240x128xf32, #tpu.memory_space<vmem_shared>> -> memref<640x128xf32, #tpu.memory_space<vmem_shared>>
      tpu.wait_dma2 semaphore(%run_scoped3A : memref<!tpu.dma_semaphore, #tpu.memory_space<semaphore_mem>>) src(%arg6 : memref<640x128xf32, #tpu.memory_space<hbm>>) dst(%dma_wait3A_102 : memref<640x128xf32, #tpu.memory_space<vmem_shared>>)
      tpu.yield
    }) : () -> ()
    %barrier3A_33 = arith.constant 0 : index
    tpu.barrier barrier_id(%barrier3A_33)
    %add3A_34 = arith.constant 64 : i32
    %add3A_35 = arith.addi %add3A_34, %add3A : i32
    %mul3A_36 = arith.constant 10112 : i32
    %mul3A_37 = arith.muli %add3A_35, %mul3A_36 : i32
    %add3A_38 = arith.constant 96 : i32
    %add3A_39 = arith.addi %add3A_38, %add3A : i32
    %mul3A_40 = arith.constant 10112 : i32
    %mul3A_41 = arith.muli %add3A_39, %mul3A_40 : i32
    %add3A_42 = arith.constant 0 : i32
    %add3A_43 = arith.addi %mul3A_37, %add3A_42 : i32
    "tpu.region"() ({
      %run_scoped3A = tpu.sem_alloc : memref<!tpu.dma_semaphore, #tpu.memory_space<semaphore_mem>>
      %dma_start3A_99 = tpu.memref_slice %arg5[%add3A_43] : memref<1941504xi32, #tpu.memory_space<hbm>> -> memref<128xi32, #tpu.memory_space<hbm>>
      %dma_start3A_100 = tpu.memref_slice %arg5[%add3A_43] : memref<1941504xi32, #tpu.memory_space<hbm>> -> memref<128xi32, #tpu.memory_space<hbm>>
      tpu.enqueue_dma source(%dma_start3A_100 : memref<128xi32, #tpu.memory_space<hbm>>) target(%arg10 : memref<128xi32, #tpu.memory_space<vmem>>) target_semaphore(%run_scoped3A : memref<!tpu.dma_semaphore, #tpu.memory_space<semaphore_mem>>)
      %dma_wait3A_101 = tpu.memref_slice %arg5[%add3A_43] : memref<1941504xi32, #tpu.memory_space<hbm>> -> memref<128xi32, #tpu.memory_space<hbm>>
      %dma_wait3A_102 = tpu.memref_slice %arg5[%add3A_43] : memref<1941504xi32, #tpu.memory_space<hbm>> -> memref<128xi32, #tpu.memory_space<hbm>>
      tpu.wait_dma2 semaphore(%run_scoped3A : memref<!tpu.dma_semaphore, #tpu.memory_space<semaphore_mem>>) src(%dma_wait3A_102 : memref<128xi32, #tpu.memory_space<hbm>>) dst(%arg10 : memref<128xi32, #tpu.memory_space<vmem>>)
      tpu.yield
    }) : () -> ()
    %dma_start3A_44 = arith.constant 0 : i32
    %dma_start3A_45 = arith.constant 0 : i32
    %dma_start3A_46 = tpu.memref_slice %arg3[%dma_start3A_44, %dma_start3A_45] : memref<10240x128xf32, #tpu.memory_space<hbm>> -> memref<10240x128xf32, #tpu.memory_space<hbm>>
    tpu.enqueue_indirect_dma source(%dma_start3A_46 : memref<10240x128xf32, #tpu.memory_space<hbm>>) target(%arg14 : memref<128x128xf32, #tpu.memory_space<vmem>>) offsets(%arg10 : memref<128xi32, #tpu.memory_space<vmem>>) semaphore(%arg17 : memref<!tpu.dma_semaphore, #tpu.memory_space<semaphore_mem>>)
    %add3A_47 = arith.constant 0 : i32
    %add3A_48 = arith.addi %mul3A_41, %add3A_47 : i32
    "tpu.region"() ({
      %run_scoped3A = tpu.sem_alloc : memref<!tpu.dma_semaphore, #tpu.memory_space<semaphore_mem>>
      %dma_start3A_99 = tpu.memref_slice %arg5[%add3A_48] : memref<1941504xi32, #tpu.memory_space<hbm>> -> memref<128xi32, #tpu.memory_space<hbm>>
      %dma_start3A_100 = tpu.memref_slice %arg5[%add3A_48] : memref<1941504xi32, #tpu.memory_space<hbm>> -> memref<128xi32, #tpu.memory_space<hbm>>
      tpu.enqueue_dma source(%dma_start3A_100 : memref<128xi32, #tpu.memory_space<hbm>>) target(%arg12 : memref<128xi32, #tpu.memory_space<vmem>>) target_semaphore(%run_scoped3A : memref<!tpu.dma_semaphore, #tpu.memory_space<semaphore_mem>>)
      %dma_wait3A_101 = tpu.memref_slice %arg5[%add3A_48] : memref<1941504xi32, #tpu.memory_space<hbm>> -> memref<128xi32, #tpu.memory_space<hbm>>
      %dma_wait3A_102 = tpu.memref_slice %arg5[%add3A_48] : memref<1941504xi32, #tpu.memory_space<hbm>> -> memref<128xi32, #tpu.memory_space<hbm>>
      tpu.wait_dma2 semaphore(%run_scoped3A : memref<!tpu.dma_semaphore, #tpu.memory_space<semaphore_mem>>) src(%dma_wait3A_102 : memref<128xi32, #tpu.memory_space<hbm>>) dst(%arg12 : memref<128xi32, #tpu.memory_space<vmem>>)
      tpu.yield
    }) : () -> ()
    %scan3A_49 = arith.constant 0 : i32
    %scan3A_50 = arith.constant 39 : i32
    %scan3A_51 = arith.addi %scan3A_49, %scan3A_50 : i32
    %scan3A_52 = arith.constant 1 : i32
    scf.for %scan3A_99 = %scan3A_49 to %scan3A_51 step %scan3A_52  : i32 {
      %mul3A_100 = arith.constant 2 : i32
      %mul3A_101 = arith.muli %mul3A_100, %scan3A_99 : i32
      %add3A_102 = arith.constant 1 : i32
      %add3A_103 = arith.addi %mul3A_101, %add3A_102 : i32
      %mul3A_104 = arith.constant 128 : i32
      %mul3A_105 = arith.muli %add3A_103, %mul3A_104 : i32
      %add3A_106 = arith.addi %mul3A_37, %mul3A_105 : i32
      "tpu.region"() ({
        %run_scoped3A = tpu.sem_alloc : memref<!tpu.dma_semaphore, #tpu.memory_space<semaphore_mem>>
        %dma_start3A_138 = tpu.memref_slice %arg5[%add3A_106] : memref<1941504xi32, #tpu.memory_space<hbm>> -> memref<128xi32, #tpu.memory_space<hbm>>
        %dma_start3A_139 = tpu.memref_slice %arg5[%add3A_106] : memref<1941504xi32, #tpu.memory_space<hbm>> -> memref<128xi32, #tpu.memory_space<hbm>>
        tpu.enqueue_dma source(%dma_start3A_139 : memref<128xi32, #tpu.memory_space<hbm>>) target(%arg11 : memref<128xi32, #tpu.memory_space<vmem>>) target_semaphore(%run_scoped3A : memref<!tpu.dma_semaphore, #tpu.memory_space<semaphore_mem>>)
        %dma_wait3A_140 = tpu.memref_slice %arg5[%add3A_106] : memref<1941504xi32, #tpu.memory_space<hbm>> -> memref<128xi32, #tpu.memory_space<hbm>>
        %dma_wait3A_141 = tpu.memref_slice %arg5[%add3A_106] : memref<1941504xi32, #tpu.memory_space<hbm>> -> memref<128xi32, #tpu.memory_space<hbm>>
        tpu.wait_dma2 semaphore(%run_scoped3A : memref<!tpu.dma_semaphore, #tpu.memory_space<semaphore_mem>>) src(%dma_wait3A_141 : memref<128xi32, #tpu.memory_space<hbm>>) dst(%arg11 : memref<128xi32, #tpu.memory_space<vmem>>)
        tpu.yield
      }) : () -> ()
      %dma_start3A_107 = arith.constant 0 : i32
      %dma_start3A_108 = arith.constant 0 : i32
      %dma_start3A_109 = tpu.memref_slice %arg3[%dma_start3A_107, %dma_start3A_108] : memref<10240x128xf32, #tpu.memory_space<hbm>> -> memref<10240x128xf32, #tpu.memory_space<hbm>>
      tpu.enqueue_indirect_dma source(%dma_start3A_109 : memref<10240x128xf32, #tpu.memory_space<hbm>>) target(%arg15 : memref<128x128xf32, #tpu.memory_space<vmem>>) offsets(%arg11 : memref<128xi32, #tpu.memory_space<vmem>>) semaphore(%arg18 : memref<!tpu.dma_semaphore, #tpu.memory_space<semaphore_mem>>)
      %mul3A_110 = arith.constant 128 : i32
      %mul3A_111 = arith.muli %add3A_103, %mul3A_110 : i32
      %add3A_112 = arith.addi %mul3A_41, %mul3A_111 : i32
      "tpu.region"() ({
        %run_scoped3A = tpu.sem_alloc : memref<!tpu.dma_semaphore, #tpu.memory_space<semaphore_mem>>
        %dma_start3A_138 = tpu.memref_slice %arg5[%add3A_112] : memref<1941504xi32, #tpu.memory_space<hbm>> -> memref<128xi32, #tpu.memory_space<hbm>>
        %dma_start3A_139 = tpu.memref_slice %arg5[%add3A_112] : memref<1941504xi32, #tpu.memory_space<hbm>> -> memref<128xi32, #tpu.memory_space<hbm>>
        tpu.enqueue_dma source(%dma_start3A_139 : memref<128xi32, #tpu.memory_space<hbm>>) target(%arg13 : memref<128xi32, #tpu.memory_space<vmem>>) target_semaphore(%run_scoped3A : memref<!tpu.dma_semaphore, #tpu.memory_space<semaphore_mem>>)
        %dma_wait3A_140 = tpu.memref_slice %arg5[%add3A_112] : memref<1941504xi32, #tpu.memory_space<hbm>> -> memref<128xi32, #tpu.memory_space<hbm>>
        %dma_wait3A_141 = tpu.memref_slice %arg5[%add3A_112] : memref<1941504xi32, #tpu.memory_space<hbm>> -> memref<128xi32, #tpu.memory_space<hbm>>
        tpu.wait_dma2 semaphore(%run_scoped3A : memref<!tpu.dma_semaphore, #tpu.memory_space<semaphore_mem>>) src(%dma_wait3A_141 : memref<128xi32, #tpu.memory_space<hbm>>) dst(%arg13 : memref<128xi32, #tpu.memory_space<vmem>>)
        tpu.yield
      }) : () -> ()
      %mul3A_113 = arith.constant 2 : i32
      %mul3A_114 = arith.muli %mul3A_113, %scan3A_99 : i32
      %dma_wait3A_115 = arith.constant 0 : i32
      %dma_wait3A_116 = arith.constant 0 : i32
      %dma_wait3A_117 = tpu.memref_slice %arg3[%dma_wait3A_115, %dma_wait3A_116] : memref<10240x128xf32, #tpu.memory_space<hbm>> -> memref<10240x128xf32, #tpu.memory_space<hbm>>
      tpu.wait_indirect_dma semaphore(%arg17 : memref<!tpu.dma_semaphore, #tpu.memory_space<semaphore_mem>>) src(%dma_wait3A_117 : memref<10240x128xf32, #tpu.memory_space<hbm>>) dst(%arg14 : memref<128x128xf32, #tpu.memory_space<vmem>>)
      "tpu.region"() ({
        %run_scoped3A = tpu.sem_alloc : memref<!tpu.dma_semaphore, #tpu.memory_space<semaphore_mem>>
        %dma_start3A_138 = arith.constant 0 : i32
        %dma_start3A_139 = arith.constant 0 : i32
        %dma_start3A_140 = tpu.memref_slice %arg16[%dma_start3A_138, %dma_start3A_139] : memref<10240x128xf32, #tpu.memory_space<vmem_shared>> -> memref<10240x128xf32, #tpu.memory_space<vmem_shared>>
        tpu.enqueue_indirect_dma source(%arg14 : memref<128x128xf32, #tpu.memory_space<vmem>>) target(%dma_start3A_140 : memref<10240x128xf32, #tpu.memory_space<vmem_shared>>) offsets(%arg12 : memref<128xi32, #tpu.memory_space<vmem>>) semaphore(%run_scoped3A : memref<!tpu.dma_semaphore, #tpu.memory_space<semaphore_mem>>) {add = true}
        %dma_wait3A_141 = arith.constant 0 : i32
        %dma_wait3A_142 = arith.constant 0 : i32
        %dma_wait3A_143 = tpu.memref_slice %arg16[%dma_wait3A_141, %dma_wait3A_142] : memref<10240x128xf32, #tpu.memory_space<vmem_shared>> -> memref<10240x128xf32, #tpu.memory_space<vmem_shared>>
        tpu.wait_indirect_dma semaphore(%run_scoped3A : memref<!tpu.dma_semaphore, #tpu.memory_space<semaphore_mem>>) src(%arg14 : memref<128x128xf32, #tpu.memory_space<vmem>>) dst(%dma_wait3A_143 : memref<10240x128xf32, #tpu.memory_space<vmem_shared>>)
        tpu.yield
      }) : () -> ()
      %mul3A_118 = arith.constant 2 : i32
      %mul3A_119 = arith.muli %mul3A_118, %scan3A_99 : i32
      %add3A_120 = arith.constant 2 : i32
      %add3A_121 = arith.addi %mul3A_119, %add3A_120 : i32
      %mul3A_122 = arith.constant 128 : i32
      %mul3A_123 = arith.muli %add3A_121, %mul3A_122 : i32
      %add3A_124 = arith.addi %mul3A_37, %mul3A_123 : i32
      "tpu.region"() ({
        %run_scoped3A = tpu.sem_alloc : memref<!tpu.dma_semaphore, #tpu.memory_space<semaphore_mem>>
        %dma_start3A_138 = tpu.memref_slice %arg5[%add3A_124] : memref<1941504xi32, #tpu.memory_space<hbm>> -> memref<128xi32, #tpu.memory_space<hbm>>
        %dma_start3A_139 = tpu.memref_slice %arg5[%add3A_124] : memref<1941504xi32, #tpu.memory_space<hbm>> -> memref<128xi32, #tpu.memory_space<hbm>>
        tpu.enqueue_dma source(%dma_start3A_139 : memref<128xi32, #tpu.memory_space<hbm>>) target(%arg10 : memref<128xi32, #tpu.memory_space<vmem>>) target_semaphore(%run_scoped3A : memref<!tpu.dma_semaphore, #tpu.memory_space<semaphore_mem>>)
        %dma_wait3A_140 = tpu.memref_slice %arg5[%add3A_124] : memref<1941504xi32, #tpu.memory_space<hbm>> -> memref<128xi32, #tpu.memory_space<hbm>>
        %dma_wait3A_141 = tpu.memref_slice %arg5[%add3A_124] : memref<1941504xi32, #tpu.memory_space<hbm>> -> memref<128xi32, #tpu.memory_space<hbm>>
        tpu.wait_dma2 semaphore(%run_scoped3A : memref<!tpu.dma_semaphore, #tpu.memory_space<semaphore_mem>>) src(%dma_wait3A_141 : memref<128xi32, #tpu.memory_space<hbm>>) dst(%arg10 : memref<128xi32, #tpu.memory_space<vmem>>)
        tpu.yield
      }) : () -> ()
      %dma_start3A_125 = arith.constant 0 : i32
      %dma_start3A_126 = arith.constant 0 : i32
      %dma_start3A_127 = tpu.memref_slice %arg3[%dma_start3A_125, %dma_start3A_126] : memref<10240x128xf32, #tpu.memory_space<hbm>> -> memref<10240x128xf32, #tpu.memory_space<hbm>>
      tpu.enqueue_indirect_dma source(%dma_start3A_127 : memref<10240x128xf32, #tpu.memory_space<hbm>>) target(%arg14 : memref<128x128xf32, #tpu.memory_space<vmem>>) offsets(%arg10 : memref<128xi32, #tpu.memory_space<vmem>>) semaphore(%arg17 : memref<!tpu.dma_semaphore, #tpu.memory_space<semaphore_mem>>)
      %mul3A_128 = arith.constant 128 : i32
      %mul3A_129 = arith.muli %add3A_121, %mul3A_128 : i32
      %add3A_130 = arith.addi %mul3A_41, %mul3A_129 : i32
      "tpu.region"() ({
        %run_scoped3A = tpu.sem_alloc : memref<!tpu.dma_semaphore, #tpu.memory_space<semaphore_mem>>
        %dma_start3A_138 = tpu.memref_slice %arg5[%add3A_130] : memref<1941504xi32, #tpu.memory_space<hbm>> -> memref<128xi32, #tpu.memory_space<hbm>>
        %dma_start3A_139 = tpu.memref_slice %arg5[%add3A_130] : memref<1941504xi32, #tpu.memory_space<hbm>> -> memref<128xi32, #tpu.memory_space<hbm>>
        tpu.enqueue_dma source(%dma_start3A_139 : memref<128xi32, #tpu.memory_space<hbm>>) target(%arg12 : memref<128xi32, #tpu.memory_space<vmem>>) target_semaphore(%run_scoped3A : memref<!tpu.dma_semaphore, #tpu.memory_space<semaphore_mem>>)
        %dma_wait3A_140 = tpu.memref_slice %arg5[%add3A_130] : memref<1941504xi32, #tpu.memory_space<hbm>> -> memref<128xi32, #tpu.memory_space<hbm>>
        %dma_wait3A_141 = tpu.memref_slice %arg5[%add3A_130] : memref<1941504xi32, #tpu.memory_space<hbm>> -> memref<128xi32, #tpu.memory_space<hbm>>
        tpu.wait_dma2 semaphore(%run_scoped3A : memref<!tpu.dma_semaphore, #tpu.memory_space<semaphore_mem>>) src(%dma_wait3A_141 : memref<128xi32, #tpu.memory_space<hbm>>) dst(%arg12 : memref<128xi32, #tpu.memory_space<vmem>>)
        tpu.yield
      }) : () -> ()
      %mul3A_131 = arith.constant 2 : i32
      %mul3A_132 = arith.muli %mul3A_131, %scan3A_99 : i32
      %add3A_133 = arith.constant 1 : i32
      %add3A_134 = arith.addi %mul3A_132, %add3A_133 : i32
      %dma_wait3A_135 = arith.constant 0 : i32
      %dma_wait3A_136 = arith.constant 0 : i32
      %dma_wait3A_137 = tpu.memref_slice %arg3[%dma_wait3A_135, %dma_wait3A_136] : memref<10240x128xf32, #tpu.memory_space<hbm>> -> memref<10240x128xf32, #tpu.memory_space<hbm>>
      tpu.wait_indirect_dma semaphore(%arg18 : memref<!tpu.dma_semaphore, #tpu.memory_space<semaphore_mem>>) src(%dma_wait3A_137 : memref<10240x128xf32, #tpu.memory_space<hbm>>) dst(%arg15 : memref<128x128xf32, #tpu.memory_space<vmem>>)
      "tpu.region"() ({
        %run_scoped3A = tpu.sem_alloc : memref<!tpu.dma_semaphore, #tpu.memory_space<semaphore_mem>>
        %dma_start3A_138 = arith.constant 0 : i32
        %dma_start3A_139 = arith.constant 0 : i32
        %dma_start3A_140 = tpu.memref_slice %arg16[%dma_start3A_138, %dma_start3A_139] : memref<10240x128xf32, #tpu.memory_space<vmem_shared>> -> memref<10240x128xf32, #tpu.memory_space<vmem_shared>>
        tpu.enqueue_indirect_dma source(%arg15 : memref<128x128xf32, #tpu.memory_space<vmem>>) target(%dma_start3A_140 : memref<10240x128xf32, #tpu.memory_space<vmem_shared>>) offsets(%arg13 : memref<128xi32, #tpu.memory_space<vmem>>) semaphore(%run_scoped3A : memref<!tpu.dma_semaphore, #tpu.memory_space<semaphore_mem>>) {add = true}
        %dma_wait3A_141 = arith.constant 0 : i32
        %dma_wait3A_142 = arith.constant 0 : i32
        %dma_wait3A_143 = tpu.memref_slice %arg16[%dma_wait3A_141, %dma_wait3A_142] : memref<10240x128xf32, #tpu.memory_space<vmem_shared>> -> memref<10240x128xf32, #tpu.memory_space<vmem_shared>>
        tpu.wait_indirect_dma semaphore(%run_scoped3A : memref<!tpu.dma_semaphore, #tpu.memory_space<semaphore_mem>>) src(%arg15 : memref<128x128xf32, #tpu.memory_space<vmem>>) dst(%dma_wait3A_143 : memref<10240x128xf32, #tpu.memory_space<vmem_shared>>)
        tpu.yield
      }) : () -> ()
    }
    %scan3A_53 = arith.constant 39 : i32
    %dma_wait3A_54 = arith.constant 0 : i32
    %dma_wait3A_55 = arith.constant 0 : i32
    %dma_wait3A_56 = tpu.memref_slice %arg3[%dma_wait3A_54, %dma_wait3A_55] : memref<10240x128xf32, #tpu.memory_space<hbm>> -> memref<10240x128xf32, #tpu.memory_space<hbm>>
    tpu.wait_indirect_dma semaphore(%arg17 : memref<!tpu.dma_semaphore, #tpu.memory_space<semaphore_mem>>) src(%dma_wait3A_56 : memref<10240x128xf32, #tpu.memory_space<hbm>>) dst(%arg14 : memref<128x128xf32, #tpu.memory_space<vmem>>)
    "tpu.region"() ({
      %run_scoped3A = tpu.sem_alloc : memref<!tpu.dma_semaphore, #tpu.memory_space<semaphore_mem>>
      %dma_start3A_99 = arith.constant 0 : i32
      %dma_start3A_100 = arith.constant 0 : i32
      %dma_start3A_101 = tpu.memref_slice %arg16[%dma_start3A_99, %dma_start3A_100] : memref<10240x128xf32, #tpu.memory_space<vmem_shared>> -> memref<10240x128xf32, #tpu.memory_space<vmem_shared>>
      tpu.enqueue_indirect_dma source(%arg14 : memref<128x128xf32, #tpu.memory_space<vmem>>) target(%dma_start3A_101 : memref<10240x128xf32, #tpu.memory_space<vmem_shared>>) offsets(%arg12 : memref<128xi32, #tpu.memory_space<vmem>>) semaphore(%run_scoped3A : memref<!tpu.dma_semaphore, #tpu.memory_space<semaphore_mem>>) {add = true}
      %dma_wait3A_102 = arith.constant 0 : i32
      %dma_wait3A_103 = arith.constant 0 : i32
      %dma_wait3A_104 = tpu.memref_slice %arg16[%dma_wait3A_102, %dma_wait3A_103] : memref<10240x128xf32, #tpu.memory_space<vmem_shared>> -> memref<10240x128xf32, #tpu.memory_space<vmem_shared>>
      tpu.wait_indirect_dma semaphore(%run_scoped3A : memref<!tpu.dma_semaphore, #tpu.memory_space<semaphore_mem>>) src(%arg14 : memref<128x128xf32, #tpu.memory_space<vmem>>) dst(%dma_wait3A_104 : memref<10240x128xf32, #tpu.memory_space<vmem_shared>>)
      tpu.yield
    }) : () -> ()
    %barrier3A_57 = arith.constant 0 : index
    tpu.barrier barrier_id(%barrier3A_57)
    %mul3A_58 = arith.constant 640 : i32
    %mul3A_59 = arith.muli %arg1, %mul3A_58 : i32
    %mul3A_60 = arith.constant 10240 : i32
    %mul3A_61 = arith.muli %arg0, %mul3A_60 : i32
    %mul3A_62 = arith.constant 640 : i32
    %mul3A_63 = arith.muli %arg1, %mul3A_62 : i32
    %add3A_64 = arith.addi %mul3A_61, %mul3A_63 : i32
    "tpu.region"() ({
      %run_scoped3A = tpu.sem_alloc : memref<!tpu.dma_semaphore, #tpu.memory_space<semaphore_mem>>
      %dma_start3A_99 = arith.constant 0 : i32
      %dma_start3A_100 = tpu.memref_slice %arg8[%add3A_64, %dma_start3A_99] : memref<20480x128xf32, #tpu.memory_space<hbm>> -> memref<640x128xf32, #tpu.memory_space<hbm>>
      %dma_start3A_101 = arith.constant 0 : i32
      %dma_start3A_102 = tpu.memref_slice %arg16[%mul3A_59, %dma_start3A_101] : memref<10240x128xf32, #tpu.memory_space<vmem_shared>> -> memref<640x128xf32, #tpu.memory_space<vmem_shared>>
      tpu.enqueue_dma source(%dma_start3A_102 : memref<640x128xf32, #tpu.memory_space<vmem_shared>>) target(%dma_start3A_100 : memref<640x128xf32, #tpu.memory_space<hbm>>) target_semaphore(%run_scoped3A : memref<!tpu.dma_semaphore, #tpu.memory_space<semaphore_mem>>)
      %dma_wait3A_103 = arith.constant 0 : i32
      %dma_wait3A_104 = tpu.memref_slice %arg8[%add3A_64, %dma_wait3A_103] : memref<20480x128xf32, #tpu.memory_space<hbm>> -> memref<640x128xf32, #tpu.memory_space<hbm>>
      %dma_wait3A_105 = arith.constant 0 : i32
      %dma_wait3A_106 = tpu.memref_slice %arg16[%mul3A_59, %dma_wait3A_105] : memref<10240x128xf32, #tpu.memory_space<vmem_shared>> -> memref<640x128xf32, #tpu.memory_space<vmem_shared>>
      tpu.wait_dma2 semaphore(%run_scoped3A : memref<!tpu.dma_semaphore, #tpu.memory_space<semaphore_mem>>) src(%dma_wait3A_106 : memref<640x128xf32, #tpu.memory_space<vmem_shared>>) dst(%dma_wait3A_104 : memref<640x128xf32, #tpu.memory_space<hbm>>)
      tpu.yield
    }) : () -> ()
    %mul3A_65 = arith.constant 640 : i32
    %mul3A_66 = arith.muli %arg1, %mul3A_65 : i32
    "tpu.region"() ({
      %run_scoped3A = tpu.sem_alloc : memref<!tpu.dma_semaphore, #tpu.memory_space<semaphore_mem>>
      %dma_start3A_99 = arith.constant 0 : i32
      %dma_start3A_100 = tpu.memref_slice %arg16[%mul3A_66, %dma_start3A_99] : memref<10240x128xf32, #tpu.memory_space<vmem_shared>> -> memref<640x128xf32, #tpu.memory_space<vmem_shared>>
      tpu.enqueue_dma source(%arg6 : memref<640x128xf32, #tpu.memory_space<hbm>>) target(%dma_start3A_100 : memref<640x128xf32, #tpu.memory_space<vmem_shared>>) target_semaphore(%run_scoped3A : memref<!tpu.dma_semaphore, #tpu.memory_space<semaphore_mem>>)
      %dma_wait3A_101 = arith.constant 0 : i32
      %dma_wait3A_102 = tpu.memref_slice %arg16[%mul3A_66, %dma_wait3A_101] : memref<10240x128xf32, #tpu.memory_space<vmem_shared>> -> memref<640x128xf32, #tpu.memory_space<vmem_shared>>
      tpu.wait_dma2 semaphore(%run_scoped3A : memref<!tpu.dma_semaphore, #tpu.memory_space<semaphore_mem>>) src(%arg6 : memref<640x128xf32, #tpu.memory_space<hbm>>) dst(%dma_wait3A_102 : memref<640x128xf32, #tpu.memory_space<vmem_shared>>)
      tpu.yield
    }) : () -> ()
    %barrier3A_67 = arith.constant 0 : index
    tpu.barrier barrier_id(%barrier3A_67)
    %add3A_68 = arith.constant 128 : i32
    %add3A_69 = arith.addi %add3A_68, %add3A : i32
    %mul3A_70 = arith.constant 10112 : i32
    %mul3A_71 = arith.muli %add3A_69, %mul3A_70 : i32
    %add3A_72 = arith.constant 160 : i32
    %add3A_73 = arith.addi %add3A_72, %add3A : i32
    %mul3A_74 = arith.constant 10112 : i32
    %mul3A_75 = arith.muli %add3A_73, %mul3A_74 : i32
    %add3A_76 = arith.constant 0 : i32
    %add3A_77 = arith.addi %mul3A_71, %add3A_76 : i32
    "tpu.region"() ({
      %run_scoped3A = tpu.sem_alloc : memref<!tpu.dma_semaphore, #tpu.memory_space<semaphore_mem>>
      %dma_start3A_99 = tpu.memref_slice %arg5[%add3A_77] : memref<1941504xi32, #tpu.memory_space<hbm>> -> memref<128xi32, #tpu.memory_space<hbm>>
      %dma_start3A_100 = tpu.memref_slice %arg5[%add3A_77] : memref<1941504xi32, #tpu.memory_space<hbm>> -> memref<128xi32, #tpu.memory_space<hbm>>
      tpu.enqueue_dma source(%dma_start3A_100 : memref<128xi32, #tpu.memory_space<hbm>>) target(%arg10 : memref<128xi32, #tpu.memory_space<vmem>>) target_semaphore(%run_scoped3A : memref<!tpu.dma_semaphore, #tpu.memory_space<semaphore_mem>>)
      %dma_wait3A_101 = tpu.memref_slice %arg5[%add3A_77] : memref<1941504xi32, #tpu.memory_space<hbm>> -> memref<128xi32, #tpu.memory_space<hbm>>
      %dma_wait3A_102 = tpu.memref_slice %arg5[%add3A_77] : memref<1941504xi32, #tpu.memory_space<hbm>> -> memref<128xi32, #tpu.memory_space<hbm>>
      tpu.wait_dma2 semaphore(%run_scoped3A : memref<!tpu.dma_semaphore, #tpu.memory_space<semaphore_mem>>) src(%dma_wait3A_102 : memref<128xi32, #tpu.memory_space<hbm>>) dst(%arg10 : memref<128xi32, #tpu.memory_space<vmem>>)
      tpu.yield
    }) : () -> ()
    %dma_start3A_78 = arith.constant 0 : i32
    %dma_start3A_79 = arith.constant 0 : i32
    %dma_start3A_80 = tpu.memref_slice %arg4[%dma_start3A_78, %dma_start3A_79] : memref<10240x128xf32, #tpu.memory_space<hbm>> -> memref<10240x128xf32, #tpu.memory_space<hbm>>
    tpu.enqueue_indirect_dma source(%dma_start3A_80 : memref<10240x128xf32, #tpu.memory_space<hbm>>) target(%arg14 : memref<128x128xf32, #tpu.memory_space<vmem>>) offsets(%arg10 : memref<128xi32, #tpu.memory_space<vmem>>) semaphore(%arg17 : memref<!tpu.dma_semaphore, #tpu.memory_space<semaphore_mem>>)
    %add3A_81 = arith.constant 0 : i32
    %add3A_82 = arith.addi %mul3A_75, %add3A_81 : i32
    "tpu.region"() ({
      %run_scoped3A = tpu.sem_alloc : memref<!tpu.dma_semaphore, #tpu.memory_space<semaphore_mem>>
      %dma_start3A_99 = tpu.memref_slice %arg5[%add3A_82] : memref<1941504xi32, #tpu.memory_space<hbm>> -> memref<128xi32, #tpu.memory_space<hbm>>
      %dma_start3A_100 = tpu.memref_slice %arg5[%add3A_82] : memref<1941504xi32, #tpu.memory_space<hbm>> -> memref<128xi32, #tpu.memory_space<hbm>>
      tpu.enqueue_dma source(%dma_start3A_100 : memref<128xi32, #tpu.memory_space<hbm>>) target(%arg12 : memref<128xi32, #tpu.memory_space<vmem>>) target_semaphore(%run_scoped3A : memref<!tpu.dma_semaphore, #tpu.memory_space<semaphore_mem>>)
      %dma_wait3A_101 = tpu.memref_slice %arg5[%add3A_82] : memref<1941504xi32, #tpu.memory_space<hbm>> -> memref<128xi32, #tpu.memory_space<hbm>>
      %dma_wait3A_102 = tpu.memref_slice %arg5[%add3A_82] : memref<1941504xi32, #tpu.memory_space<hbm>> -> memref<128xi32, #tpu.memory_space<hbm>>
      tpu.wait_dma2 semaphore(%run_scoped3A : memref<!tpu.dma_semaphore, #tpu.memory_space<semaphore_mem>>) src(%dma_wait3A_102 : memref<128xi32, #tpu.memory_space<hbm>>) dst(%arg12 : memref<128xi32, #tpu.memory_space<vmem>>)
      tpu.yield
    }) : () -> ()
    %scan3A_83 = arith.constant 0 : i32
    %scan3A_84 = arith.constant 39 : i32
    %scan3A_85 = arith.addi %scan3A_83, %scan3A_84 : i32
    %scan3A_86 = arith.constant 1 : i32
    scf.for %scan3A_99 = %scan3A_83 to %scan3A_85 step %scan3A_86  : i32 {
      %mul3A_100 = arith.constant 2 : i32
      %mul3A_101 = arith.muli %mul3A_100, %scan3A_99 : i32
      %add3A_102 = arith.constant 1 : i32
      %add3A_103 = arith.addi %mul3A_101, %add3A_102 : i32
      %mul3A_104 = arith.constant 128 : i32
      %mul3A_105 = arith.muli %add3A_103, %mul3A_104 : i32
      %add3A_106 = arith.addi %mul3A_71, %mul3A_105 : i32
      "tpu.region"() ({
        %run_scoped3A = tpu.sem_alloc : memref<!tpu.dma_semaphore, #tpu.memory_space<semaphore_mem>>
        %dma_start3A_138 = tpu.memref_slice %arg5[%add3A_106] : memref<1941504xi32, #tpu.memory_space<hbm>> -> memref<128xi32, #tpu.memory_space<hbm>>
        %dma_start3A_139 = tpu.memref_slice %arg5[%add3A_106] : memref<1941504xi32, #tpu.memory_space<hbm>> -> memref<128xi32, #tpu.memory_space<hbm>>
        tpu.enqueue_dma source(%dma_start3A_139 : memref<128xi32, #tpu.memory_space<hbm>>) target(%arg11 : memref<128xi32, #tpu.memory_space<vmem>>) target_semaphore(%run_scoped3A : memref<!tpu.dma_semaphore, #tpu.memory_space<semaphore_mem>>)
        %dma_wait3A_140 = tpu.memref_slice %arg5[%add3A_106] : memref<1941504xi32, #tpu.memory_space<hbm>> -> memref<128xi32, #tpu.memory_space<hbm>>
        %dma_wait3A_141 = tpu.memref_slice %arg5[%add3A_106] : memref<1941504xi32, #tpu.memory_space<hbm>> -> memref<128xi32, #tpu.memory_space<hbm>>
        tpu.wait_dma2 semaphore(%run_scoped3A : memref<!tpu.dma_semaphore, #tpu.memory_space<semaphore_mem>>) src(%dma_wait3A_141 : memref<128xi32, #tpu.memory_space<hbm>>) dst(%arg11 : memref<128xi32, #tpu.memory_space<vmem>>)
        tpu.yield
      }) : () -> ()
      %dma_start3A_107 = arith.constant 0 : i32
      %dma_start3A_108 = arith.constant 0 : i32
      %dma_start3A_109 = tpu.memref_slice %arg4[%dma_start3A_107, %dma_start3A_108] : memref<10240x128xf32, #tpu.memory_space<hbm>> -> memref<10240x128xf32, #tpu.memory_space<hbm>>
      tpu.enqueue_indirect_dma source(%dma_start3A_109 : memref<10240x128xf32, #tpu.memory_space<hbm>>) target(%arg15 : memref<128x128xf32, #tpu.memory_space<vmem>>) offsets(%arg11 : memref<128xi32, #tpu.memory_space<vmem>>) semaphore(%arg18 : memref<!tpu.dma_semaphore, #tpu.memory_space<semaphore_mem>>)
      %mul3A_110 = arith.constant 128 : i32
      %mul3A_111 = arith.muli %add3A_103, %mul3A_110 : i32
      %add3A_112 = arith.addi %mul3A_75, %mul3A_111 : i32
      "tpu.region"() ({
        %run_scoped3A = tpu.sem_alloc : memref<!tpu.dma_semaphore, #tpu.memory_space<semaphore_mem>>
        %dma_start3A_138 = tpu.memref_slice %arg5[%add3A_112] : memref<1941504xi32, #tpu.memory_space<hbm>> -> memref<128xi32, #tpu.memory_space<hbm>>
        %dma_start3A_139 = tpu.memref_slice %arg5[%add3A_112] : memref<1941504xi32, #tpu.memory_space<hbm>> -> memref<128xi32, #tpu.memory_space<hbm>>
        tpu.enqueue_dma source(%dma_start3A_139 : memref<128xi32, #tpu.memory_space<hbm>>) target(%arg13 : memref<128xi32, #tpu.memory_space<vmem>>) target_semaphore(%run_scoped3A : memref<!tpu.dma_semaphore, #tpu.memory_space<semaphore_mem>>)
        %dma_wait3A_140 = tpu.memref_slice %arg5[%add3A_112] : memref<1941504xi32, #tpu.memory_space<hbm>> -> memref<128xi32, #tpu.memory_space<hbm>>
        %dma_wait3A_141 = tpu.memref_slice %arg5[%add3A_112] : memref<1941504xi32, #tpu.memory_space<hbm>> -> memref<128xi32, #tpu.memory_space<hbm>>
        tpu.wait_dma2 semaphore(%run_scoped3A : memref<!tpu.dma_semaphore, #tpu.memory_space<semaphore_mem>>) src(%dma_wait3A_141 : memref<128xi32, #tpu.memory_space<hbm>>) dst(%arg13 : memref<128xi32, #tpu.memory_space<vmem>>)
        tpu.yield
      }) : () -> ()
      %mul3A_113 = arith.constant 2 : i32
      %mul3A_114 = arith.muli %mul3A_113, %scan3A_99 : i32
      %dma_wait3A_115 = arith.constant 0 : i32
      %dma_wait3A_116 = arith.constant 0 : i32
      %dma_wait3A_117 = tpu.memref_slice %arg4[%dma_wait3A_115, %dma_wait3A_116] : memref<10240x128xf32, #tpu.memory_space<hbm>> -> memref<10240x128xf32, #tpu.memory_space<hbm>>
      tpu.wait_indirect_dma semaphore(%arg17 : memref<!tpu.dma_semaphore, #tpu.memory_space<semaphore_mem>>) src(%dma_wait3A_117 : memref<10240x128xf32, #tpu.memory_space<hbm>>) dst(%arg14 : memref<128x128xf32, #tpu.memory_space<vmem>>)
      "tpu.region"() ({
        %run_scoped3A = tpu.sem_alloc : memref<!tpu.dma_semaphore, #tpu.memory_space<semaphore_mem>>
        %dma_start3A_138 = arith.constant 0 : i32
        %dma_start3A_139 = arith.constant 0 : i32
        %dma_start3A_140 = tpu.memref_slice %arg16[%dma_start3A_138, %dma_start3A_139] : memref<10240x128xf32, #tpu.memory_space<vmem_shared>> -> memref<10240x128xf32, #tpu.memory_space<vmem_shared>>
        tpu.enqueue_indirect_dma source(%arg14 : memref<128x128xf32, #tpu.memory_space<vmem>>) target(%dma_start3A_140 : memref<10240x128xf32, #tpu.memory_space<vmem_shared>>) offsets(%arg12 : memref<128xi32, #tpu.memory_space<vmem>>) semaphore(%run_scoped3A : memref<!tpu.dma_semaphore, #tpu.memory_space<semaphore_mem>>) {add = true}
        %dma_wait3A_141 = arith.constant 0 : i32
        %dma_wait3A_142 = arith.constant 0 : i32
        %dma_wait3A_143 = tpu.memref_slice %arg16[%dma_wait3A_141, %dma_wait3A_142] : memref<10240x128xf32, #tpu.memory_space<vmem_shared>> -> memref<10240x128xf32, #tpu.memory_space<vmem_shared>>
        tpu.wait_indirect_dma semaphore(%run_scoped3A : memref<!tpu.dma_semaphore, #tpu.memory_space<semaphore_mem>>) src(%arg14 : memref<128x128xf32, #tpu.memory_space<vmem>>) dst(%dma_wait3A_143 : memref<10240x128xf32, #tpu.memory_space<vmem_shared>>)
        tpu.yield
      }) : () -> ()
      %mul3A_118 = arith.constant 2 : i32
      %mul3A_119 = arith.muli %mul3A_118, %scan3A_99 : i32
      %add3A_120 = arith.constant 2 : i32
      %add3A_121 = arith.addi %mul3A_119, %add3A_120 : i32
      %mul3A_122 = arith.constant 128 : i32
      %mul3A_123 = arith.muli %add3A_121, %mul3A_122 : i32
      %add3A_124 = arith.addi %mul3A_71, %mul3A_123 : i32
      "tpu.region"() ({
        %run_scoped3A = tpu.sem_alloc : memref<!tpu.dma_semaphore, #tpu.memory_space<semaphore_mem>>
        %dma_start3A_138 = tpu.memref_slice %arg5[%add3A_124] : memref<1941504xi32, #tpu.memory_space<hbm>> -> memref<128xi32, #tpu.memory_space<hbm>>
        %dma_start3A_139 = tpu.memref_slice %arg5[%add3A_124] : memref<1941504xi32, #tpu.memory_space<hbm>> -> memref<128xi32, #tpu.memory_space<hbm>>
        tpu.enqueue_dma source(%dma_start3A_139 : memref<128xi32, #tpu.memory_space<hbm>>) target(%arg10 : memref<128xi32, #tpu.memory_space<vmem>>) target_semaphore(%run_scoped3A : memref<!tpu.dma_semaphore, #tpu.memory_space<semaphore_mem>>)
        %dma_wait3A_140 = tpu.memref_slice %arg5[%add3A_124] : memref<1941504xi32, #tpu.memory_space<hbm>> -> memref<128xi32, #tpu.memory_space<hbm>>
        %dma_wait3A_141 = tpu.memref_slice %arg5[%add3A_124] : memref<1941504xi32, #tpu.memory_space<hbm>> -> memref<128xi32, #tpu.memory_space<hbm>>
        tpu.wait_dma2 semaphore(%run_scoped3A : memref<!tpu.dma_semaphore, #tpu.memory_space<semaphore_mem>>) src(%dma_wait3A_141 : memref<128xi32, #tpu.memory_space<hbm>>) dst(%arg10 : memref<128xi32, #tpu.memory_space<vmem>>)
        tpu.yield
      }) : () -> ()
      %dma_start3A_125 = arith.constant 0 : i32
      %dma_start3A_126 = arith.constant 0 : i32
      %dma_start3A_127 = tpu.memref_slice %arg4[%dma_start3A_125, %dma_start3A_126] : memref<10240x128xf32, #tpu.memory_space<hbm>> -> memref<10240x128xf32, #tpu.memory_space<hbm>>
      tpu.enqueue_indirect_dma source(%dma_start3A_127 : memref<10240x128xf32, #tpu.memory_space<hbm>>) target(%arg14 : memref<128x128xf32, #tpu.memory_space<vmem>>) offsets(%arg10 : memref<128xi32, #tpu.memory_space<vmem>>) semaphore(%arg17 : memref<!tpu.dma_semaphore, #tpu.memory_space<semaphore_mem>>)
      %mul3A_128 = arith.constant 128 : i32
      %mul3A_129 = arith.muli %add3A_121, %mul3A_128 : i32
      %add3A_130 = arith.addi %mul3A_75, %mul3A_129 : i32
      "tpu.region"() ({
        %run_scoped3A = tpu.sem_alloc : memref<!tpu.dma_semaphore, #tpu.memory_space<semaphore_mem>>
        %dma_start3A_138 = tpu.memref_slice %arg5[%add3A_130] : memref<1941504xi32, #tpu.memory_space<hbm>> -> memref<128xi32, #tpu.memory_space<hbm>>
        %dma_start3A_139 = tpu.memref_slice %arg5[%add3A_130] : memref<1941504xi32, #tpu.memory_space<hbm>> -> memref<128xi32, #tpu.memory_space<hbm>>
        tpu.enqueue_dma source(%dma_start3A_139 : memref<128xi32, #tpu.memory_space<hbm>>) target(%arg12 : memref<128xi32, #tpu.memory_space<vmem>>) target_semaphore(%run_scoped3A : memref<!tpu.dma_semaphore, #tpu.memory_space<semaphore_mem>>)
        %dma_wait3A_140 = tpu.memref_slice %arg5[%add3A_130] : memref<1941504xi32, #tpu.memory_space<hbm>> -> memref<128xi32, #tpu.memory_space<hbm>>
        %dma_wait3A_141 = tpu.memref_slice %arg5[%add3A_130] : memref<1941504xi32, #tpu.memory_space<hbm>> -> memref<128xi32, #tpu.memory_space<hbm>>
        tpu.wait_dma2 semaphore(%run_scoped3A : memref<!tpu.dma_semaphore, #tpu.memory_space<semaphore_mem>>) src(%dma_wait3A_141 : memref<128xi32, #tpu.memory_space<hbm>>) dst(%arg12 : memref<128xi32, #tpu.memory_space<vmem>>)
        tpu.yield
      }) : () -> ()
      %mul3A_131 = arith.constant 2 : i32
      %mul3A_132 = arith.muli %mul3A_131, %scan3A_99 : i32
      %add3A_133 = arith.constant 1 : i32
      %add3A_134 = arith.addi %mul3A_132, %add3A_133 : i32
      %dma_wait3A_135 = arith.constant 0 : i32
      %dma_wait3A_136 = arith.constant 0 : i32
      %dma_wait3A_137 = tpu.memref_slice %arg4[%dma_wait3A_135, %dma_wait3A_136] : memref<10240x128xf32, #tpu.memory_space<hbm>> -> memref<10240x128xf32, #tpu.memory_space<hbm>>
      tpu.wait_indirect_dma semaphore(%arg18 : memref<!tpu.dma_semaphore, #tpu.memory_space<semaphore_mem>>) src(%dma_wait3A_137 : memref<10240x128xf32, #tpu.memory_space<hbm>>) dst(%arg15 : memref<128x128xf32, #tpu.memory_space<vmem>>)
      "tpu.region"() ({
        %run_scoped3A = tpu.sem_alloc : memref<!tpu.dma_semaphore, #tpu.memory_space<semaphore_mem>>
        %dma_start3A_138 = arith.constant 0 : i32
        %dma_start3A_139 = arith.constant 0 : i32
        %dma_start3A_140 = tpu.memref_slice %arg16[%dma_start3A_138, %dma_start3A_139] : memref<10240x128xf32, #tpu.memory_space<vmem_shared>> -> memref<10240x128xf32, #tpu.memory_space<vmem_shared>>
        tpu.enqueue_indirect_dma source(%arg15 : memref<128x128xf32, #tpu.memory_space<vmem>>) target(%dma_start3A_140 : memref<10240x128xf32, #tpu.memory_space<vmem_shared>>) offsets(%arg13 : memref<128xi32, #tpu.memory_space<vmem>>) semaphore(%run_scoped3A : memref<!tpu.dma_semaphore, #tpu.memory_space<semaphore_mem>>) {add = true}
        %dma_wait3A_141 = arith.constant 0 : i32
        %dma_wait3A_142 = arith.constant 0 : i32
        %dma_wait3A_143 = tpu.memref_slice %arg16[%dma_wait3A_141, %dma_wait3A_142] : memref<10240x128xf32, #tpu.memory_space<vmem_shared>> -> memref<10240x128xf32, #tpu.memory_space<vmem_shared>>
        tpu.wait_indirect_dma semaphore(%run_scoped3A : memref<!tpu.dma_semaphore, #tpu.memory_space<semaphore_mem>>) src(%arg15 : memref<128x128xf32, #tpu.memory_space<vmem>>) dst(%dma_wait3A_143 : memref<10240x128xf32, #tpu.memory_space<vmem_shared>>)
        tpu.yield
      }) : () -> ()
    }
    %scan3A_87 = arith.constant 39 : i32
    %dma_wait3A_88 = arith.constant 0 : i32
    %dma_wait3A_89 = arith.constant 0 : i32
    %dma_wait3A_90 = tpu.memref_slice %arg4[%dma_wait3A_88, %dma_wait3A_89] : memref<10240x128xf32, #tpu.memory_space<hbm>> -> memref<10240x128xf32, #tpu.memory_space<hbm>>
    tpu.wait_indirect_dma semaphore(%arg17 : memref<!tpu.dma_semaphore, #tpu.memory_space<semaphore_mem>>) src(%dma_wait3A_90 : memref<10240x128xf32, #tpu.memory_space<hbm>>) dst(%arg14 : memref<128x128xf32, #tpu.memory_space<vmem>>)
    "tpu.region"() ({
      %run_scoped3A = tpu.sem_alloc : memref<!tpu.dma_semaphore, #tpu.memory_space<semaphore_mem>>
      %dma_start3A_99 = arith.constant 0 : i32
      %dma_start3A_100 = arith.constant 0 : i32
      %dma_start3A_101 = tpu.memref_slice %arg16[%dma_start3A_99, %dma_start3A_100] : memref<10240x128xf32, #tpu.memory_space<vmem_shared>> -> memref<10240x128xf32, #tpu.memory_space<vmem_shared>>
      tpu.enqueue_indirect_dma source(%arg14 : memref<128x128xf32, #tpu.memory_space<vmem>>) target(%dma_start3A_101 : memref<10240x128xf32, #tpu.memory_space<vmem_shared>>) offsets(%arg12 : memref<128xi32, #tpu.memory_space<vmem>>) semaphore(%run_scoped3A : memref<!tpu.dma_semaphore, #tpu.memory_space<semaphore_mem>>) {add = true}
      %dma_wait3A_102 = arith.constant 0 : i32
      %dma_wait3A_103 = arith.constant 0 : i32
      %dma_wait3A_104 = tpu.memref_slice %arg16[%dma_wait3A_102, %dma_wait3A_103] : memref<10240x128xf32, #tpu.memory_space<vmem_shared>> -> memref<10240x128xf32, #tpu.memory_space<vmem_shared>>
      tpu.wait_indirect_dma semaphore(%run_scoped3A : memref<!tpu.dma_semaphore, #tpu.memory_space<semaphore_mem>>) src(%arg14 : memref<128x128xf32, #tpu.memory_space<vmem>>) dst(%dma_wait3A_104 : memref<10240x128xf32, #tpu.memory_space<vmem_shared>>)
      tpu.yield
    }) : () -> ()
    %barrier3A_91 = arith.constant 0 : index
    tpu.barrier barrier_id(%barrier3A_91)
    %mul3A_92 = arith.constant 640 : i32
    %mul3A_93 = arith.muli %arg1, %mul3A_92 : i32
    %mul3A_94 = arith.constant 10240 : i32
    %mul3A_95 = arith.muli %arg0, %mul3A_94 : i32
    %mul3A_96 = arith.constant 640 : i32
    %mul3A_97 = arith.muli %arg1, %mul3A_96 : i32
    %add3A_98 = arith.addi %mul3A_95, %mul3A_97 : i32
    "tpu.region"() ({
      %run_scoped3A = tpu.sem_alloc : memref<!tpu.dma_semaphore, #tpu.memory_space<semaphore_mem>>
      %dma_start3A_99 = arith.constant 0 : i32
      %dma_start3A_100 = tpu.memref_slice %arg9[%add3A_98, %dma_start3A_99] : memref<20480x128xf32, #tpu.memory_space<hbm>> -> memref<640x128xf32, #tpu.memory_space<hbm>>
      %dma_start3A_101 = arith.constant 0 : i32
      %dma_start3A_102 = tpu.memref_slice %arg16[%mul3A_93, %dma_start3A_101] : memref<10240x128xf32, #tpu.memory_space<vmem_shared>> -> memref<640x128xf32, #tpu.memory_space<vmem_shared>>
      tpu.enqueue_dma source(%dma_start3A_102 : memref<640x128xf32, #tpu.memory_space<vmem_shared>>) target(%dma_start3A_100 : memref<640x128xf32, #tpu.memory_space<hbm>>) target_semaphore(%run_scoped3A : memref<!tpu.dma_semaphore, #tpu.memory_space<semaphore_mem>>)
      %dma_wait3A_103 = arith.constant 0 : i32
      %dma_wait3A_104 = tpu.memref_slice %arg9[%add3A_98, %dma_wait3A_103] : memref<20480x128xf32, #tpu.memory_space<hbm>> -> memref<640x128xf32, #tpu.memory_space<hbm>>
      %dma_wait3A_105 = arith.constant 0 : i32
      %dma_wait3A_106 = tpu.memref_slice %arg16[%mul3A_93, %dma_wait3A_105] : memref<10240x128xf32, #tpu.memory_space<vmem_shared>> -> memref<640x128xf32, #tpu.memory_space<vmem_shared>>
      tpu.wait_dma2 semaphore(%run_scoped3A : memref<!tpu.dma_semaphore, #tpu.memory_space<semaphore_mem>>) src(%dma_wait3A_106 : memref<640x128xf32, #tpu.memory_space<vmem_shared>>) dst(%dma_wait3A_104 : memref<640x128xf32, #tpu.memory_space<hbm>>)
      tpu.yield
    }) : () -> ()
    return
  }
}

module attributes {stable_mosaic.version = 14 : i64} {
  func.func @_dense1_body(%arg0: i32, %arg1: memref<1024x128xf32, #tpu.memory_space<vmem>>, %arg2: memref<1024x12xf32, #tpu.memory_space<vmem>>, %arg3: memref<3x128x128xf32, #tpu.memory_space<vmem>>, %arg4: memref<1024x128xf32, #tpu.memory_space<vmem>>, %arg5: memref<1024x128xf32, #tpu.memory_space<vmem>>, %arg6: memref<1024x128xf32, #tpu.memory_space<vmem>>, %arg7: memref<1024x6xf32, #tpu.memory_space<vmem>>) attributes {dimension_semantics = [#tpu.dimension_semantics<arbitrary>], iteration_bounds = array<i64: 10>, scalar_prefetch = 0 : i64, scratch_operands = 0 : i64, tpu.core_type = #tpu.core_type<tc>, window_params = [{transform_indices = @transform_0, window_bounds = array<i64: 1024, 128>}, {transform_indices = @transform_1, window_bounds = array<i64: 1024, 12>}, {pipeline_mode = #tpu.pipeline_mode<synchronous>, transform_indices = @transform_2, window_bounds = array<i64: 3, 128, 128>}, {transform_indices = @transform_3, window_bounds = array<i64: 1024, 128>}, {transform_indices = @transform_4, window_bounds = array<i64: 1024, 128>}, {transform_indices = @transform_5, window_bounds = array<i64: 1024, 128>}, {transform_indices = @transform_6, window_bounds = array<i64: 1024, 6>}]} {
    %get3A = arith.constant 0 : index
    %get3A_0 = arith.constant 0 : index
    %get3A_1 = vector.load %arg2[%get3A, %get3A_0] : memref<1024x12xf32, #tpu.memory_space<vmem>>, vector<1024x12xf32>
    %slice3A = vector.extract_strided_slice %get3A_1 {offsets = [0, 0], sizes = [1024, 6], strides = [1, 1]} : vector<1024x12xf32> to vector<1024x6xf32>
    %slice3A_2 = vector.extract_strided_slice %get3A_1 {offsets = [0, 6], sizes = [1024, 6], strides = [1, 1]} : vector<1024x12xf32> to vector<1024x6xf32>
    %add3A = arith.addf %slice3A, %slice3A_2 : vector<1024x6xf32>
    %add3A_3 = arith.constant 1.000000e+00 : f32
    %add3A_4 = vector.broadcast %add3A_3 : f32 to vector<1024x6xf32>
    %add3A_5 = arith.addf %add3A, %add3A_4 : vector<1024x6xf32>
    %rsqrt3A = math.rsqrt %add3A_5 : vector<1024x6xf32>
    %swap3A = arith.constant 0 : index
    %swap3A_6 = arith.constant 0 : index
    %swap3A_7 = vector.load %arg7[%swap3A, %swap3A_6] : memref<1024x6xf32, #tpu.memory_space<vmem>>, vector<1024x6xf32>
    tpu.vector_store %arg7[%swap3A, %swap3A_6], %rsqrt3A {strides = array<i32>} : memref<1024x6xf32, #tpu.memory_space<vmem>>, vector<1024x6xf32>,
    %get3A_8 = arith.constant 0 : index
    %get3A_9 = arith.constant 0 : index
    %get3A_10 = vector.load %arg1[%get3A_8, %get3A_9] : memref<1024x128xf32, #tpu.memory_space<vmem>>, vector<1024x128xf32>
    %slice3A_11 = vector.extract_strided_slice %rsqrt3A {offsets = [0, 0], sizes = [1024, 1], strides = [1, 1]} : vector<1024x6xf32> to vector<1024x1xf32>
    %mul3A = vector.broadcast %slice3A_11 : vector<1024x1xf32> to vector<1024x128xf32>
    %mul3A_12 = arith.mulf %get3A_10, %mul3A : vector<1024x128xf32>
    %get3A_13 = arith.constant 0 : index
    %get3A_14 = arith.constant 0 : index
    %get3A_15 = arith.constant 0 : index
    %get3A_16 = vector.load %arg3[%get3A_13, %get3A_14, %get3A_15] : memref<3x128x128xf32, #tpu.memory_space<vmem>>, vector<1x128x128xf32>
    %get3A_17 = vector.shape_cast %get3A_16 : vector<1x128x128xf32> to vector<128x128xf32>
    %dot_general3A = arith.constant dense<0.000000e+00> : vector<1024x128xf32>
    %dot_general3A_18 = tpu.matmul %mul3A_12, %get3A_17, %dot_general3A {dimension_numbers = #tpu.dot_dimension_numbers<[1], [0], [0], [1], [0, 0, 1, 1], [], []>, transpose_lhs_hint = false} : vector<1024x128xf32>, vector<128x128xf32>, vector<1024x128xf32> -> vector<1024x128xf32>
    %swap3A_19 = arith.constant 0 : index
    %swap3A_20 = arith.constant 0 : index
    %swap3A_21 = vector.load %arg4[%swap3A_19, %swap3A_20] : memref<1024x128xf32, #tpu.memory_space<vmem>>, vector<1024x128xf32>
    tpu.vector_store %arg4[%swap3A_19, %swap3A_20], %dot_general3A_18 {strides = array<i32>} : memref<1024x128xf32, #tpu.memory_space<vmem>>, vector<1024x128xf32>,
    %slice3A_22 = vector.extract_strided_slice %rsqrt3A {offsets = [0, 2], sizes = [1024, 1], strides = [1, 1]} : vector<1024x6xf32> to vector<1024x1xf32>
    %mul3A_23 = vector.broadcast %slice3A_22 : vector<1024x1xf32> to vector<1024x128xf32>
    %mul3A_24 = arith.mulf %get3A_10, %mul3A_23 : vector<1024x128xf32>
    %get3A_25 = arith.constant 1 : index
    %get3A_26 = arith.constant 0 : index
    %get3A_27 = arith.constant 0 : index
    %get3A_28 = vector.load %arg3[%get3A_25, %get3A_26, %get3A_27] : memref<3x128x128xf32, #tpu.memory_space<vmem>>, vector<1x128x128xf32>
    %get3A_29 = vector.shape_cast %get3A_28 : vector<1x128x128xf32> to vector<128x128xf32>
    %dot_general3A_30 = arith.constant dense<0.000000e+00> : vector<1024x128xf32>
    %dot_general3A_31 = tpu.matmul %mul3A_24, %get3A_29, %dot_general3A_30 {dimension_numbers = #tpu.dot_dimension_numbers<[1], [0], [0], [1], [0, 0, 1, 1], [], []>, transpose_lhs_hint = false} : vector<1024x128xf32>, vector<128x128xf32>, vector<1024x128xf32> -> vector<1024x128xf32>
    %swap3A_32 = arith.constant 0 : index
    %swap3A_33 = arith.constant 0 : index
    %swap3A_34 = vector.load %arg5[%swap3A_32, %swap3A_33] : memref<1024x128xf32, #tpu.memory_space<vmem>>, vector<1024x128xf32>
    tpu.vector_store %arg5[%swap3A_32, %swap3A_33], %dot_general3A_31 {strides = array<i32>} : memref<1024x128xf32, #tpu.memory_space<vmem>>, vector<1024x128xf32>,
    %slice3A_35 = vector.extract_strided_slice %rsqrt3A {offsets = [0, 4], sizes = [1024, 1], strides = [1, 1]} : vector<1024x6xf32> to vector<1024x1xf32>
    %mul3A_36 = vector.broadcast %slice3A_35 : vector<1024x1xf32> to vector<1024x128xf32>
    %mul3A_37 = arith.mulf %get3A_10, %mul3A_36 : vector<1024x128xf32>
    %get3A_38 = arith.constant 2 : index
    %get3A_39 = arith.constant 0 : index
    %get3A_40 = arith.constant 0 : index
    %get3A_41 = vector.load %arg3[%get3A_38, %get3A_39, %get3A_40] : memref<3x128x128xf32, #tpu.memory_space<vmem>>, vector<1x128x128xf32>
    %get3A_42 = vector.shape_cast %get3A_41 : vector<1x128x128xf32> to vector<128x128xf32>
    %dot_general3A_43 = arith.constant dense<0.000000e+00> : vector<1024x128xf32>
    %dot_general3A_44 = tpu.matmul %mul3A_37, %get3A_42, %dot_general3A_43 {dimension_numbers = #tpu.dot_dimension_numbers<[1], [0], [0], [1], [0, 0, 1, 1], [], []>, transpose_lhs_hint = false} : vector<1024x128xf32>, vector<128x128xf32>, vector<1024x128xf32> -> vector<1024x128xf32>
    %swap3A_45 = arith.constant 0 : index
    %swap3A_46 = arith.constant 0 : index
    %swap3A_47 = vector.load %arg6[%swap3A_45, %swap3A_46] : memref<1024x128xf32, #tpu.memory_space<vmem>>, vector<1024x128xf32>
    tpu.vector_store %arg6[%swap3A_45, %swap3A_46], %dot_general3A_44 {strides = array<i32>} : memref<1024x128xf32, #tpu.memory_space<vmem>>, vector<1024x128xf32>,
    return
  }
  func.func @transform_0(%arg0: i32) -> (i32, i32) {
    %c0_i32 = arith.constant 0 : i32
    %c0_i32_0 = arith.constant 0 : i32
    return %arg0, %c0_i32 : i32, i32
  }
  func.func @transform_1(%arg0: i32) -> (i32, i32) {
    %c0_i32 = arith.constant 0 : i32
    %c0_i32_0 = arith.constant 0 : i32
    return %arg0, %c0_i32 : i32, i32
  }
  func.func @transform_2(%arg0: i32) -> (i32, i32, i32) {
    %c0_i32 = arith.constant 0 : i32
    %c0_i32_0 = arith.constant 0 : i32
    %c0_i32_1 = arith.constant 0 : i32
    %c0_i32_2 = arith.constant 0 : i32
    return %c0_i32, %c0_i32_0, %c0_i32_1 : i32, i32, i32
  }
  func.func @transform_3(%arg0: i32) -> (i32, i32) {
    %c0_i32 = arith.constant 0 : i32
    %c0_i32_0 = arith.constant 0 : i32
    return %arg0, %c0_i32 : i32, i32
  }
  func.func @transform_4(%arg0: i32) -> (i32, i32) {
    %c0_i32 = arith.constant 0 : i32
    %c0_i32_0 = arith.constant 0 : i32
    return %arg0, %c0_i32 : i32, i32
  }
  func.func @transform_5(%arg0: i32) -> (i32, i32) {
    %c0_i32 = arith.constant 0 : i32
    %c0_i32_0 = arith.constant 0 : i32
    return %arg0, %c0_i32 : i32, i32
  }
  func.func @transform_6(%arg0: i32) -> (i32, i32) {
    %c0_i32 = arith.constant 0 : i32
    %c0_i32_0 = arith.constant 0 : i32
    return %arg0, %c0_i32 : i32, i32
  }
}

module attributes {stable_mosaic.version = 14 : i64} {
  func.func @_fuse_body(%arg0: i32, %arg1: memref<2x1024x128xf32, #tpu.memory_space<vmem>>, %arg2: memref<2x1024x128xf32, #tpu.memory_space<vmem>>, %arg3: memref<2x1024x128xf32, #tpu.memory_space<vmem>>, %arg4: memref<1024x128xf32, #tpu.memory_space<vmem>>, %arg5: memref<1024x128xf32, #tpu.memory_space<vmem>>, %arg6: memref<1024x128xf32, #tpu.memory_space<vmem>>, %arg7: memref<1024x6xf32, #tpu.memory_space<vmem>>, %arg8: memref<3x128xf32, #tpu.memory_space<vmem>>, %arg9: memref<3x128x128xf32, #tpu.memory_space<vmem>>, %arg10: memref<1024x128xf32, #tpu.memory_space<vmem>>, %arg11: memref<1024x128xf32, #tpu.memory_space<vmem>>, %arg12: memref<1024x128xf32, #tpu.memory_space<vmem>>) attributes {dimension_semantics = [#tpu.dimension_semantics<arbitrary>], iteration_bounds = array<i64: 10>, scalar_prefetch = 0 : i64, scratch_operands = 0 : i64, tpu.core_type = #tpu.core_type<tc>, window_params = [{transform_indices = @transform_0, window_bounds = array<i64: 2, 1024, 128>}, {transform_indices = @transform_1, window_bounds = array<i64: 2, 1024, 128>}, {transform_indices = @transform_2, window_bounds = array<i64: 2, 1024, 128>}, {transform_indices = @transform_3, window_bounds = array<i64: 1024, 128>}, {transform_indices = @transform_4, window_bounds = array<i64: 1024, 128>}, {transform_indices = @transform_5, window_bounds = array<i64: 1024, 128>}, {transform_indices = @transform_6, window_bounds = array<i64: 1024, 6>}, {pipeline_mode = #tpu.pipeline_mode<synchronous>, transform_indices = @transform_7, window_bounds = array<i64: 3, 128>}, {pipeline_mode = #tpu.pipeline_mode<synchronous>, transform_indices = @transform_8, window_bounds = array<i64: 3, 128, 128>}, {transform_indices = @transform_9, window_bounds = array<i64: 1024, 128>}, {transform_indices = @transform_10, window_bounds = array<i64: 1024, 128>}, {transform_indices = @transform_11, window_bounds = array<i64: 1024, 128>}]} {
    %get3A = arith.constant 0 : index
    %get3A_0 = arith.constant 0 : index
    %get3A_1 = vector.load %arg7[%get3A, %get3A_0] : memref<1024x6xf32, #tpu.memory_space<vmem>>, vector<1024x6xf32>
    %get3A_2 = arith.constant 0 : index
    %get3A_3 = arith.constant 0 : index
    %get3A_4 = vector.load %arg8[%get3A_2, %get3A_3] : memref<3x128xf32, #tpu.memory_space<vmem>>, vector<1x128xf32>
    %get3A_5 = vector.shape_cast %get3A_4 : vector<1x128xf32> to vector<128xf32>
    %get3A_6 = arith.constant 1 : index
    %get3A_7 = arith.constant 0 : index
    %get3A_8 = vector.load %arg8[%get3A_6, %get3A_7] : memref<3x128xf32, #tpu.memory_space<vmem>>, vector<1x128xf32>
    %get3A_9 = vector.shape_cast %get3A_8 : vector<1x128xf32> to vector<128xf32>
    %add3A = arith.addf %get3A_5, %get3A_9 : vector<128xf32>
    %get3A_10 = arith.constant 2 : index
    %get3A_11 = arith.constant 0 : index
    %get3A_12 = vector.load %arg8[%get3A_10, %get3A_11] : memref<3x128xf32, #tpu.memory_space<vmem>>, vector<1x128xf32>
    %get3A_13 = vector.shape_cast %get3A_12 : vector<1x128xf32> to vector<128xf32>
    %add3A_14 = arith.addf %add3A, %get3A_13 : vector<128xf32>
    %broadcast_in_dim3A = vector.shape_cast %add3A_14 : vector<128xf32> to vector<1x128xf32>
    %broadcast_in_dim3A_15 = vector.shape_cast %broadcast_in_dim3A : vector<1x128xf32> to vector<1x128xf32>
    %broadcast_in_dim3A_16 = vector.broadcast %broadcast_in_dim3A_15 : vector<1x128xf32> to vector<1024x128xf32>
    %get3A_17 = arith.constant 0 : index
    %get3A_18 = arith.constant 0 : index
    %get3A_19 = arith.constant 0 : index
    %get3A_20 = vector.load %arg1[%get3A_17, %get3A_18, %get3A_19] : memref<2x1024x128xf32, #tpu.memory_space<vmem>>, vector<1x1024x128xf32>
    %get3A_21 = vector.shape_cast %get3A_20 : vector<1x1024x128xf32> to vector<1024x128xf32>
    %get3A_22 = arith.constant 1 : index
    %get3A_23 = arith.constant 0 : index
    %get3A_24 = arith.constant 0 : index
    %get3A_25 = vector.load %arg1[%get3A_22, %get3A_23, %get3A_24] : memref<2x1024x128xf32, #tpu.memory_space<vmem>>, vector<1x1024x128xf32>
    %get3A_26 = vector.shape_cast %get3A_25 : vector<1x1024x128xf32> to vector<1024x128xf32>
    %add3A_27 = arith.addf %get3A_21, %get3A_26 : vector<1024x128xf32>
    %get3A_28 = arith.constant 0 : index
    %get3A_29 = arith.constant 0 : index
    %get3A_30 = vector.load %arg4[%get3A_28, %get3A_29] : memref<1024x128xf32, #tpu.memory_space<vmem>>, vector<1024x128xf32>
    %add3A_31 = arith.addf %add3A_27, %get3A_30 : vector<1024x128xf32>
    %slice3A = vector.extract_strided_slice %get3A_1 {offsets = [0, 1], sizes = [1024, 1], strides = [1, 1]} : vector<1024x6xf32> to vector<1024x1xf32>
    %mul3A = vector.broadcast %slice3A : vector<1024x1xf32> to vector<1024x128xf32>
    %mul3A_32 = arith.mulf %add3A_31, %mul3A : vector<1024x128xf32>
    %add3A_33 = arith.addf %broadcast_in_dim3A_16, %mul3A_32 : vector<1024x128xf32>
    %get3A_34 = arith.constant 0 : index
    %get3A_35 = arith.constant 0 : index
    %get3A_36 = arith.constant 0 : index
    %get3A_37 = vector.load %arg2[%get3A_34, %get3A_35, %get3A_36] : memref<2x1024x128xf32, #tpu.memory_space<vmem>>, vector<1x1024x128xf32>
    %get3A_38 = vector.shape_cast %get3A_37 : vector<1x1024x128xf32> to vector<1024x128xf32>
    %get3A_39 = arith.constant 1 : index
    %get3A_40 = arith.constant 0 : index
    %get3A_41 = arith.constant 0 : index
    %get3A_42 = vector.load %arg2[%get3A_39, %get3A_40, %get3A_41] : memref<2x1024x128xf32, #tpu.memory_space<vmem>>, vector<1x1024x128xf32>
    %get3A_43 = vector.shape_cast %get3A_42 : vector<1x1024x128xf32> to vector<1024x128xf32>
    %add3A_44 = arith.addf %get3A_38, %get3A_43 : vector<1024x128xf32>
    %get3A_45 = arith.constant 0 : index
    %get3A_46 = arith.constant 0 : index
    %get3A_47 = vector.load %arg5[%get3A_45, %get3A_46] : memref<1024x128xf32, #tpu.memory_space<vmem>>, vector<1024x128xf32>
    %add3A_48 = arith.addf %add3A_44, %get3A_47 : vector<1024x128xf32>
    %slice3A_49 = vector.extract_strided_slice %get3A_1 {offsets = [0, 3], sizes = [1024, 1], strides = [1, 1]} : vector<1024x6xf32> to vector<1024x1xf32>
    %mul3A_50 = vector.broadcast %slice3A_49 : vector<1024x1xf32> to vector<1024x128xf32>
    %mul3A_51 = arith.mulf %add3A_48, %mul3A_50 : vector<1024x128xf32>
    %add3A_52 = arith.addf %add3A_33, %mul3A_51 : vector<1024x128xf32>
    %get3A_53 = arith.constant 0 : index
    %get3A_54 = arith.constant 0 : index
    %get3A_55 = arith.constant 0 : index
    %get3A_56 = vector.load %arg3[%get3A_53, %get3A_54, %get3A_55] : memref<2x1024x128xf32, #tpu.memory_space<vmem>>, vector<1x1024x128xf32>
    %get3A_57 = vector.shape_cast %get3A_56 : vector<1x1024x128xf32> to vector<1024x128xf32>
    %get3A_58 = arith.constant 1 : index
    %get3A_59 = arith.constant 0 : index
    %get3A_60 = arith.constant 0 : index
    %get3A_61 = vector.load %arg3[%get3A_58, %get3A_59, %get3A_60] : memref<2x1024x128xf32, #tpu.memory_space<vmem>>, vector<1x1024x128xf32>
    %get3A_62 = vector.shape_cast %get3A_61 : vector<1x1024x128xf32> to vector<1024x128xf32>
    %add3A_63 = arith.addf %get3A_57, %get3A_62 : vector<1024x128xf32>
    %get3A_64 = arith.constant 0 : index
    %get3A_65 = arith.constant 0 : index
    %get3A_66 = vector.load %arg6[%get3A_64, %get3A_65] : memref<1024x128xf32, #tpu.memory_space<vmem>>, vector<1024x128xf32>
    %add3A_67 = arith.addf %add3A_63, %get3A_66 : vector<1024x128xf32>
    %slice3A_68 = vector.extract_strided_slice %get3A_1 {offsets = [0, 5], sizes = [1024, 1], strides = [1, 1]} : vector<1024x6xf32> to vector<1024x1xf32>
    %mul3A_69 = vector.broadcast %slice3A_68 : vector<1024x1xf32> to vector<1024x128xf32>
    %mul3A_70 = arith.mulf %add3A_67, %mul3A_69 : vector<1024x128xf32>
    %add3A_71 = arith.addf %add3A_52, %mul3A_70 : vector<1024x128xf32>
    %max3A = arith.constant 0.000000e+00 : f32
    %max3A_72 = vector.broadcast %max3A : f32 to vector<1024x128xf32>
    %max3A_73 = arith.maximumf %add3A_71, %max3A_72 : vector<1024x128xf32>
    %slice3A_74 = vector.extract_strided_slice %get3A_1 {offsets = [0, 0], sizes = [1024, 1], strides = [1, 1]} : vector<1024x6xf32> to vector<1024x1xf32>
    %mul3A_75 = vector.broadcast %slice3A_74 : vector<1024x1xf32> to vector<1024x128xf32>
    %mul3A_76 = arith.mulf %max3A_73, %mul3A_75 : vector<1024x128xf32>
    %get3A_77 = arith.constant 0 : index
    %get3A_78 = arith.constant 0 : index
    %get3A_79 = arith.constant 0 : index
    %get3A_80 = vector.load %arg9[%get3A_77, %get3A_78, %get3A_79] : memref<3x128x128xf32, #tpu.memory_space<vmem>>, vector<1x128x128xf32>
    %get3A_81 = vector.shape_cast %get3A_80 : vector<1x128x128xf32> to vector<128x128xf32>
    %dot_general3A = arith.constant dense<0.000000e+00> : vector<1024x128xf32>
    %dot_general3A_82 = tpu.matmul %mul3A_76, %get3A_81, %dot_general3A {dimension_numbers = #tpu.dot_dimension_numbers<[1], [0], [0], [1], [0, 0, 1, 1], [], []>, transpose_lhs_hint = false} : vector<1024x128xf32>, vector<128x128xf32>, vector<1024x128xf32> -> vector<1024x128xf32>
    %swap3A = arith.constant 0 : index
    %swap3A_83 = arith.constant 0 : index
    %swap3A_84 = vector.load %arg10[%swap3A, %swap3A_83] : memref<1024x128xf32, #tpu.memory_space<vmem>>, vector<1024x128xf32>
    tpu.vector_store %arg10[%swap3A, %swap3A_83], %dot_general3A_82 {strides = array<i32>} : memref<1024x128xf32, #tpu.memory_space<vmem>>, vector<1024x128xf32>,
    %slice3A_85 = vector.extract_strided_slice %get3A_1 {offsets = [0, 2], sizes = [1024, 1], strides = [1, 1]} : vector<1024x6xf32> to vector<1024x1xf32>
    %mul3A_86 = vector.broadcast %slice3A_85 : vector<1024x1xf32> to vector<1024x128xf32>
    %mul3A_87 = arith.mulf %max3A_73, %mul3A_86 : vector<1024x128xf32>
    %get3A_88 = arith.constant 1 : index
    %get3A_89 = arith.constant 0 : index
    %get3A_90 = arith.constant 0 : index
    %get3A_91 = vector.load %arg9[%get3A_88, %get3A_89, %get3A_90] : memref<3x128x128xf32, #tpu.memory_space<vmem>>, vector<1x128x128xf32>
    %get3A_92 = vector.shape_cast %get3A_91 : vector<1x128x128xf32> to vector<128x128xf32>
    %dot_general3A_93 = arith.constant dense<0.000000e+00> : vector<1024x128xf32>
    %dot_general3A_94 = tpu.matmul %mul3A_87, %get3A_92, %dot_general3A_93 {dimension_numbers = #tpu.dot_dimension_numbers<[1], [0], [0], [1], [0, 0, 1, 1], [], []>, transpose_lhs_hint = false} : vector<1024x128xf32>, vector<128x128xf32>, vector<1024x128xf32> -> vector<1024x128xf32>
    %swap3A_95 = arith.constant 0 : index
    %swap3A_96 = arith.constant 0 : index
    %swap3A_97 = vector.load %arg11[%swap3A_95, %swap3A_96] : memref<1024x128xf32, #tpu.memory_space<vmem>>, vector<1024x128xf32>
    tpu.vector_store %arg11[%swap3A_95, %swap3A_96], %dot_general3A_94 {strides = array<i32>} : memref<1024x128xf32, #tpu.memory_space<vmem>>, vector<1024x128xf32>,
    %slice3A_98 = vector.extract_strided_slice %get3A_1 {offsets = [0, 4], sizes = [1024, 1], strides = [1, 1]} : vector<1024x6xf32> to vector<1024x1xf32>
    %mul3A_99 = vector.broadcast %slice3A_98 : vector<1024x1xf32> to vector<1024x128xf32>
    %mul3A_100 = arith.mulf %max3A_73, %mul3A_99 : vector<1024x128xf32>
    %get3A_101 = arith.constant 2 : index
    %get3A_102 = arith.constant 0 : index
    %get3A_103 = arith.constant 0 : index
    %get3A_104 = vector.load %arg9[%get3A_101, %get3A_102, %get3A_103] : memref<3x128x128xf32, #tpu.memory_space<vmem>>, vector<1x128x128xf32>
    %get3A_105 = vector.shape_cast %get3A_104 : vector<1x128x128xf32> to vector<128x128xf32>
    %dot_general3A_106 = arith.constant dense<0.000000e+00> : vector<1024x128xf32>
    %dot_general3A_107 = tpu.matmul %mul3A_100, %get3A_105, %dot_general3A_106 {dimension_numbers = #tpu.dot_dimension_numbers<[1], [0], [0], [1], [0, 0, 1, 1], [], []>, transpose_lhs_hint = false} : vector<1024x128xf32>, vector<128x128xf32>, vector<1024x128xf32> -> vector<1024x128xf32>
    %swap3A_108 = arith.constant 0 : index
    %swap3A_109 = arith.constant 0 : index
    %swap3A_110 = vector.load %arg12[%swap3A_108, %swap3A_109] : memref<1024x128xf32, #tpu.memory_space<vmem>>, vector<1024x128xf32>
    tpu.vector_store %arg12[%swap3A_108, %swap3A_109], %dot_general3A_107 {strides = array<i32>} : memref<1024x128xf32, #tpu.memory_space<vmem>>, vector<1024x128xf32>,
    return
  }
  func.func @transform_0(%arg0: i32) -> (i32, i32, i32) {
    %c0_i32 = arith.constant 0 : i32
    %c0_i32_0 = arith.constant 0 : i32
    %c0_i32_1 = arith.constant 0 : i32
    return %c0_i32, %arg0, %c0_i32_0 : i32, i32, i32
  }
  func.func @transform_1(%arg0: i32) -> (i32, i32, i32) {
    %c0_i32 = arith.constant 0 : i32
    %c0_i32_0 = arith.constant 0 : i32
    %c0_i32_1 = arith.constant 0 : i32
    return %c0_i32, %arg0, %c0_i32_0 : i32, i32, i32
  }
  func.func @transform_2(%arg0: i32) -> (i32, i32, i32) {
    %c0_i32 = arith.constant 0 : i32
    %c0_i32_0 = arith.constant 0 : i32
    %c0_i32_1 = arith.constant 0 : i32
    return %c0_i32, %arg0, %c0_i32_0 : i32, i32, i32
  }
  func.func @transform_3(%arg0: i32) -> (i32, i32) {
    %c0_i32 = arith.constant 0 : i32
    %c0_i32_0 = arith.constant 0 : i32
    return %arg0, %c0_i32 : i32, i32
  }
  func.func @transform_4(%arg0: i32) -> (i32, i32) {
    %c0_i32 = arith.constant 0 : i32
    %c0_i32_0 = arith.constant 0 : i32
    return %arg0, %c0_i32 : i32, i32
  }
  func.func @transform_5(%arg0: i32) -> (i32, i32) {
    %c0_i32 = arith.constant 0 : i32
    %c0_i32_0 = arith.constant 0 : i32
    return %arg0, %c0_i32 : i32, i32
  }
  func.func @transform_6(%arg0: i32) -> (i32, i32) {
    %c0_i32 = arith.constant 0 : i32
    %c0_i32_0 = arith.constant 0 : i32
    return %arg0, %c0_i32 : i32, i32
  }
  func.func @transform_7(%arg0: i32) -> (i32, i32) {
    %c0_i32 = arith.constant 0 : i32
    %c0_i32_0 = arith.constant 0 : i32
    %c0_i32_1 = arith.constant 0 : i32
    return %c0_i32, %c0_i32_0 : i32, i32
  }
  func.func @transform_8(%arg0: i32) -> (i32, i32, i32) {
    %c0_i32 = arith.constant 0 : i32
    %c0_i32_0 = arith.constant 0 : i32
    %c0_i32_1 = arith.constant 0 : i32
    %c0_i32_2 = arith.constant 0 : i32
    return %c0_i32, %c0_i32_0, %c0_i32_1 : i32, i32, i32
  }
  func.func @transform_9(%arg0: i32) -> (i32, i32) {
    %c0_i32 = arith.constant 0 : i32
    %c0_i32_0 = arith.constant 0 : i32
    return %arg0, %c0_i32 : i32, i32
  }
  func.func @transform_10(%arg0: i32) -> (i32, i32) {
    %c0_i32 = arith.constant 0 : i32
    %c0_i32_0 = arith.constant 0 : i32
    return %arg0, %c0_i32 : i32, i32
  }
  func.func @transform_11(%arg0: i32) -> (i32, i32) {
    %c0_i32 = arith.constant 0 : i32
    %c0_i32_0 = arith.constant 0 : i32
    return %arg0, %c0_i32 : i32, i32
  }
}

module attributes {stable_mosaic.version = 14 : i64} {
  func.func @_final_body(%arg0: i32, %arg1: memref<2x1024x128xf32, #tpu.memory_space<vmem>>, %arg2: memref<2x1024x128xf32, #tpu.memory_space<vmem>>, %arg3: memref<2x1024x128xf32, #tpu.memory_space<vmem>>, %arg4: memref<1024x128xf32, #tpu.memory_space<vmem>>, %arg5: memref<1024x128xf32, #tpu.memory_space<vmem>>, %arg6: memref<1024x128xf32, #tpu.memory_space<vmem>>, %arg7: memref<1024x6xf32, #tpu.memory_space<vmem>>, %arg8: memref<3x128xf32, #tpu.memory_space<vmem>>, %arg9: memref<1024x128xf32, #tpu.memory_space<vmem>>) attributes {dimension_semantics = [#tpu.dimension_semantics<arbitrary>], iteration_bounds = array<i64: 10>, scalar_prefetch = 0 : i64, scratch_operands = 0 : i64, tpu.core_type = #tpu.core_type<tc>, window_params = [{transform_indices = @transform_0, window_bounds = array<i64: 2, 1024, 128>}, {transform_indices = @transform_1, window_bounds = array<i64: 2, 1024, 128>}, {transform_indices = @transform_2, window_bounds = array<i64: 2, 1024, 128>}, {transform_indices = @transform_3, window_bounds = array<i64: 1024, 128>}, {transform_indices = @transform_4, window_bounds = array<i64: 1024, 128>}, {transform_indices = @transform_5, window_bounds = array<i64: 1024, 128>}, {transform_indices = @transform_6, window_bounds = array<i64: 1024, 6>}, {pipeline_mode = #tpu.pipeline_mode<synchronous>, transform_indices = @transform_7, window_bounds = array<i64: 3, 128>}, {transform_indices = @transform_8, window_bounds = array<i64: 1024, 128>}]} {
    %get3A = arith.constant 0 : index
    %get3A_0 = arith.constant 0 : index
    %get3A_1 = vector.load %arg7[%get3A, %get3A_0] : memref<1024x6xf32, #tpu.memory_space<vmem>>, vector<1024x6xf32>
    %get3A_2 = arith.constant 0 : index
    %get3A_3 = arith.constant 0 : index
    %get3A_4 = vector.load %arg8[%get3A_2, %get3A_3] : memref<3x128xf32, #tpu.memory_space<vmem>>, vector<1x128xf32>
    %get3A_5 = vector.shape_cast %get3A_4 : vector<1x128xf32> to vector<128xf32>
    %get3A_6 = arith.constant 1 : index
    %get3A_7 = arith.constant 0 : index
    %get3A_8 = vector.load %arg8[%get3A_6, %get3A_7] : memref<3x128xf32, #tpu.memory_space<vmem>>, vector<1x128xf32>
    %get3A_9 = vector.shape_cast %get3A_8 : vector<1x128xf32> to vector<128xf32>
    %add3A = arith.addf %get3A_5, %get3A_9 : vector<128xf32>
    %get3A_10 = arith.constant 2 : index
    %get3A_11 = arith.constant 0 : index
    %get3A_12 = vector.load %arg8[%get3A_10, %get3A_11] : memref<3x128xf32, #tpu.memory_space<vmem>>, vector<1x128xf32>
    %get3A_13 = vector.shape_cast %get3A_12 : vector<1x128xf32> to vector<128xf32>
    %add3A_14 = arith.addf %add3A, %get3A_13 : vector<128xf32>
    %broadcast_in_dim3A = vector.shape_cast %add3A_14 : vector<128xf32> to vector<1x128xf32>
    %broadcast_in_dim3A_15 = vector.shape_cast %broadcast_in_dim3A : vector<1x128xf32> to vector<1x128xf32>
    %broadcast_in_dim3A_16 = vector.broadcast %broadcast_in_dim3A_15 : vector<1x128xf32> to vector<1024x128xf32>
    %get3A_17 = arith.constant 0 : index
    %get3A_18 = arith.constant 0 : index
    %get3A_19 = arith.constant 0 : index
    %get3A_20 = vector.load %arg1[%get3A_17, %get3A_18, %get3A_19] : memref<2x1024x128xf32, #tpu.memory_space<vmem>>, vector<1x1024x128xf32>
    %get3A_21 = vector.shape_cast %get3A_20 : vector<1x1024x128xf32> to vector<1024x128xf32>
    %get3A_22 = arith.constant 1 : index
    %get3A_23 = arith.constant 0 : index
    %get3A_24 = arith.constant 0 : index
    %get3A_25 = vector.load %arg1[%get3A_22, %get3A_23, %get3A_24] : memref<2x1024x128xf32, #tpu.memory_space<vmem>>, vector<1x1024x128xf32>
    %get3A_26 = vector.shape_cast %get3A_25 : vector<1x1024x128xf32> to vector<1024x128xf32>
    %add3A_27 = arith.addf %get3A_21, %get3A_26 : vector<1024x128xf32>
    %get3A_28 = arith.constant 0 : index
    %get3A_29 = arith.constant 0 : index
    %get3A_30 = vector.load %arg4[%get3A_28, %get3A_29] : memref<1024x128xf32, #tpu.memory_space<vmem>>, vector<1024x128xf32>
    %add3A_31 = arith.addf %add3A_27, %get3A_30 : vector<1024x128xf32>
    %slice3A = vector.extract_strided_slice %get3A_1 {offsets = [0, 1], sizes = [1024, 1], strides = [1, 1]} : vector<1024x6xf32> to vector<1024x1xf32>
    %mul3A = vector.broadcast %slice3A : vector<1024x1xf32> to vector<1024x128xf32>
    %mul3A_32 = arith.mulf %add3A_31, %mul3A : vector<1024x128xf32>
    %add3A_33 = arith.addf %broadcast_in_dim3A_16, %mul3A_32 : vector<1024x128xf32>
    %get3A_34 = arith.constant 0 : index
    %get3A_35 = arith.constant 0 : index
    %get3A_36 = arith.constant 0 : index
    %get3A_37 = vector.load %arg2[%get3A_34, %get3A_35, %get3A_36] : memref<2x1024x128xf32, #tpu.memory_space<vmem>>, vector<1x1024x128xf32>
    %get3A_38 = vector.shape_cast %get3A_37 : vector<1x1024x128xf32> to vector<1024x128xf32>
    %get3A_39 = arith.constant 1 : index
    %get3A_40 = arith.constant 0 : index
    %get3A_41 = arith.constant 0 : index
    %get3A_42 = vector.load %arg2[%get3A_39, %get3A_40, %get3A_41] : memref<2x1024x128xf32, #tpu.memory_space<vmem>>, vector<1x1024x128xf32>
    %get3A_43 = vector.shape_cast %get3A_42 : vector<1x1024x128xf32> to vector<1024x128xf32>
    %add3A_44 = arith.addf %get3A_38, %get3A_43 : vector<1024x128xf32>
    %get3A_45 = arith.constant 0 : index
    %get3A_46 = arith.constant 0 : index
    %get3A_47 = vector.load %arg5[%get3A_45, %get3A_46] : memref<1024x128xf32, #tpu.memory_space<vmem>>, vector<1024x128xf32>
    %add3A_48 = arith.addf %add3A_44, %get3A_47 : vector<1024x128xf32>
    %slice3A_49 = vector.extract_strided_slice %get3A_1 {offsets = [0, 3], sizes = [1024, 1], strides = [1, 1]} : vector<1024x6xf32> to vector<1024x1xf32>
    %mul3A_50 = vector.broadcast %slice3A_49 : vector<1024x1xf32> to vector<1024x128xf32>
    %mul3A_51 = arith.mulf %add3A_48, %mul3A_50 : vector<1024x128xf32>
    %add3A_52 = arith.addf %add3A_33, %mul3A_51 : vector<1024x128xf32>
    %get3A_53 = arith.constant 0 : index
    %get3A_54 = arith.constant 0 : index
    %get3A_55 = arith.constant 0 : index
    %get3A_56 = vector.load %arg3[%get3A_53, %get3A_54, %get3A_55] : memref<2x1024x128xf32, #tpu.memory_space<vmem>>, vector<1x1024x128xf32>
    %get3A_57 = vector.shape_cast %get3A_56 : vector<1x1024x128xf32> to vector<1024x128xf32>
    %get3A_58 = arith.constant 1 : index
    %get3A_59 = arith.constant 0 : index
    %get3A_60 = arith.constant 0 : index
    %get3A_61 = vector.load %arg3[%get3A_58, %get3A_59, %get3A_60] : memref<2x1024x128xf32, #tpu.memory_space<vmem>>, vector<1x1024x128xf32>
    %get3A_62 = vector.shape_cast %get3A_61 : vector<1x1024x128xf32> to vector<1024x128xf32>
    %add3A_63 = arith.addf %get3A_57, %get3A_62 : vector<1024x128xf32>
    %get3A_64 = arith.constant 0 : index
    %get3A_65 = arith.constant 0 : index
    %get3A_66 = vector.load %arg6[%get3A_64, %get3A_65] : memref<1024x128xf32, #tpu.memory_space<vmem>>, vector<1024x128xf32>
    %add3A_67 = arith.addf %add3A_63, %get3A_66 : vector<1024x128xf32>
    %slice3A_68 = vector.extract_strided_slice %get3A_1 {offsets = [0, 5], sizes = [1024, 1], strides = [1, 1]} : vector<1024x6xf32> to vector<1024x1xf32>
    %mul3A_69 = vector.broadcast %slice3A_68 : vector<1024x1xf32> to vector<1024x128xf32>
    %mul3A_70 = arith.mulf %add3A_67, %mul3A_69 : vector<1024x128xf32>
    %add3A_71 = arith.addf %add3A_52, %mul3A_70 : vector<1024x128xf32>
    %swap3A = arith.constant 0 : index
    %swap3A_72 = arith.constant 0 : index
    %swap3A_73 = vector.load %arg9[%swap3A, %swap3A_72] : memref<1024x128xf32, #tpu.memory_space<vmem>>, vector<1024x128xf32>
    tpu.vector_store %arg9[%swap3A, %swap3A_72], %add3A_71 {strides = array<i32>} : memref<1024x128xf32, #tpu.memory_space<vmem>>, vector<1024x128xf32>,
    return
  }
  func.func @transform_0(%arg0: i32) -> (i32, i32, i32) {
    %c0_i32 = arith.constant 0 : i32
    %c0_i32_0 = arith.constant 0 : i32
    %c0_i32_1 = arith.constant 0 : i32
    return %c0_i32, %arg0, %c0_i32_0 : i32, i32, i32
  }
  func.func @transform_1(%arg0: i32) -> (i32, i32, i32) {
    %c0_i32 = arith.constant 0 : i32
    %c0_i32_0 = arith.constant 0 : i32
    %c0_i32_1 = arith.constant 0 : i32
    return %c0_i32, %arg0, %c0_i32_0 : i32, i32, i32
  }
  func.func @transform_2(%arg0: i32) -> (i32, i32, i32) {
    %c0_i32 = arith.constant 0 : i32
    %c0_i32_0 = arith.constant 0 : i32
    %c0_i32_1 = arith.constant 0 : i32
    return %c0_i32, %arg0, %c0_i32_0 : i32, i32, i32
  }
  func.func @transform_3(%arg0: i32) -> (i32, i32) {
    %c0_i32 = arith.constant 0 : i32
    %c0_i32_0 = arith.constant 0 : i32
    return %arg0, %c0_i32 : i32, i32
  }
  func.func @transform_4(%arg0: i32) -> (i32, i32) {
    %c0_i32 = arith.constant 0 : i32
    %c0_i32_0 = arith.constant 0 : i32
    return %arg0, %c0_i32 : i32, i32
  }
  func.func @transform_5(%arg0: i32) -> (i32, i32) {
    %c0_i32 = arith.constant 0 : i32
    %c0_i32_0 = arith.constant 0 : i32
    return %arg0, %c0_i32 : i32, i32
  }
  func.func @transform_6(%arg0: i32) -> (i32, i32) {
    %c0_i32 = arith.constant 0 : i32
    %c0_i32_0 = arith.constant 0 : i32
    return %arg0, %c0_i32 : i32, i32
  }
  func.func @transform_7(%arg0: i32) -> (i32, i32) {
    %c0_i32 = arith.constant 0 : i32
    %c0_i32_0 = arith.constant 0 : i32
    %c0_i32_1 = arith.constant 0 : i32
    return %c0_i32, %c0_i32_0 : i32, i32
  }
  func.func @transform_8(%arg0: i32) -> (i32, i32) {
    %c0_i32 = arith.constant 0 : i32
    %c0_i32_0 = arith.constant 0 : i32
    return %arg0, %c0_i32 : i32, i32
  }
}

</mosaic_0001>

<sc_bundles>
// kernel: kernel.11.cloned.1.call-start
scs
__scs_entry_jumppad:
0x0: {  	(pc) =	sbr.rel $0x88, $3  }
0x1: {  	(tag) =	ssettag $0x0;
	lr =	simm.s32 $0x1  }
0x2: {  	[smem:$0x3F91] =	sst lr;
	_ =	strace $0xD0000000  }
0x3: {  	_ = 	snop  }
0x4: {  	_ = 	snop  }
0x5: {  	_ = 	snop  }
0x6: {  	_ = 	snop  }
0x7: {  	_ = 	snop  }
__scs_overlays_trampoline_lowered:
0x8: {  	[smem:$0x3FA0] =	sst s0  }
0x9: {  	[smem:$0x3FA1] =	sst s1  }
0xa: {  	[smem:$0x3FA2] =	sst s2  }
0xb: {  	[smem:$0x3FA3] =	sst s3  }
0xc: {  	[smem:$0x3FA4] =	sst s4  }
0xd: {  	[smem:$0x3FA5] =	sst s5  }
0xe: {  	[smem:$0x3FA6] =	sst s6  }
0xf: {  	[smem:$0x3FA7] =	sst s7  }
0x10: {  	[smem:$0x3FA8] =	sst s8  }
0x11: {  	[smem:$0x3FA9] =	sst s9;
	s0 =	simm.s32 @!p0 $0x0  }
0x12: {  	s1 =	sld [smem:$0x3F8F];
	s0 =	simm.s32 @p0 $0x1  }
0x13: {  	[smem:$0x3FAA] =	sst s0;
	s0 =	simm.s32 @!p1 $0x0  }
0x14: {  	s2 =	sld [smem:$0x3F8E];
	s0 =	simm.s32 @p1 $0x1  }
0x15: {  	[smem:$0x3FAB] =	sst s0;
	s0 =	simm.s32 @!p2 $0x0  }
0x16: {  	s3 =	sld [smem:$0x3FDB];
	s0 =	simm.s32 @p2 $0x1  }
0x17: {  	s4 =	simm.s32 $0x1BF5;
	[smem:$0x3FAD] =	sst s0  }
0x18: {  	s0 =	sld [smem:$0x3F90];
	_ =	swait.ge [sflag:s4], $0x0  }
0x19: {  	s7 =	sld [smem:$0x3F91]  }
0x1a: {  	s8 =	sadd.s32 $0xFFFFE003, lr  }
0x1b: {  	s9 =	sadd.s32 $0xFFFFFEF7, lr;
	s5 =	simm.s32 $0xFFFFFFFF;
	p2 =	slt.u32 s8, $0xFFFFF086  }
0x1c: {  	p1 =	slt.u32 s9, $0xF7A;
	s5 =	simm.s32 @!p2 $0x0  }
0x1d: {  	s5 =	simm.s32 @p1 $0x1;
	p0 =	seq.s32 s7, s2  }
0x1e: {  	s7 =	smul.u32 @!p0 $0xF7A, s2;
	p2 =	seq.s32 @!p0 s5, $0x0  }
0x1f: {  	s9 =	smul.u32 $0xF7A, s1;
	s8 =	simm.s32 @!p0 $0x1BF5;
	p2 =	por !p2, p0  }
0x20: {  	[sflag:s8] =	ssyncset.s32 @!p0 $0xFFFFF086;
	s6 =	sadd.s32 @!p0 s3, s7;
	s7 =	simm.s32 @!p0 $0x108  }
0x21: {  	s3 =	sadd.s32 s3, s9;
	s6 =	sadd.s32 @!p0 $0x88, s6;
	s7 =	simm.s32 @p2 $0x1082  }
0x22: {  	[simem:s7], [sflag:s8] =	dma.local @!p0 [hbm:s6], $0xF7A  }
0x23: {  	s9 =	sor.u32 $0xD0000000, s2;
	s6 =	simm.s32 $0x108;
	_ =	swait.ge @!p0 [sflag:s8], $0x0  }
0x24: {  	s3 =	sadd.s32 $0x88, s3;
	s6 =	simm.s32 @!p1 $0x1082;
	[sflag:s4] =	ssyncset.s32 $0xFFFFF086  }
0x25: {  	[simem:s6], [sflag:s4] =	dma.local [hbm:s3], $0xF7A  }
0x26: {  	[smem:$0x3F91] =	sst s1;
	(tag) =	ssettag s2;
	_ =	strace s9  }
0x27: {  	s1 =	sld [smem:$0x3FA1]  }
0x28: {  	s2 =	sld [smem:$0x3FA2]  }
0x29: {  	s4 =	sld [smem:$0x3FA4]  }
0x2a: {  	p0 =	seq.s32 s5, $0x0;
	s5 =	sld [smem:$0x3FA5]  }
0x2b: {  	s6 =	sld [smem:$0x3FA6]  }
0x2c: {  	s7 =	sld [smem:$0x3FA7]  }
0x2d: {  	s3 =	simm.s32 $0x108;
	s8 =	sld [smem:$0x3FA8]  }
0x2e: {  	s3 =	simm.s32 @!p0 $0x1082;
	s9 =	sld [smem:$0x3FA9]  }
0x2f: {  	lr =	sadd.s32 s0, s3;
	s0 =	sld [smem:$0x3FA0]  }
0x30: {  	s3 =	sld [smem:$0x3FA3]  }
0x31: {  	[smem:$0x3FAC] =	sst s10  }
0x32: {  	s10 =	sld [smem:$0x3FAA];
	_ =	sdelay $0x3  }
0x33: {  	p0 =	seq.s32 s10, $0x1;
	s10 =	sld [smem:$0x3FAC];
	_ =	sdelay $0x3  }
0x34: {  	[smem:$0x3FAC] =	sst s10  }
0x35: {  	s10 =	sld [smem:$0x3FAB];
	_ =	sdelay $0x3  }
0x36: {  	p1 =	seq.s32 s10, $0x1;
	s10 =	sld [smem:$0x3FAC];
	_ =	sdelay $0x3  }
0x37: {  	[smem:$0x3FAC] =	sst s10  }
0x38: {  	s10 =	sld [smem:$0x3FAD]  }
0x39: {  	_ = 	snop;
	(pc) =	sbr.ind lr, $3  }
0x3a: {  	_ = 	snop  }
0x3b: {  	_ = 	snop  }
0x3c: {  	p2 =	seq.s32 s10, $0x1;
	s10 =	sld [smem:$0x3FAC]  }
0x3d: {  	_ =	shalt  }
0x3e: {  	_ =	shalt  }
0x3f: {  	_ =	shalt  }
0x40: {  	_ =	shalt  }
0x41: {  	_ =	shalt  }
0x42: {  	_ =	shalt  }
0x43: {  	_ =	shalt  }
0x44: {  	_ =	shalt  }
0x45: {  	_ =	shalt  }
0x46: {  	_ =	shalt  }
0x47: {  	_ =	shalt  }
0x48: {  	_ =	shalt  }
0x49: {  	_ =	shalt  }
0x4a: {  	_ =	shalt  }
0x4b: {  	_ =	shalt  }
0x4c: {  	_ =	shalt  }
0x4d: {  	_ =	shalt  }
0x4e: {  	_ =	shalt  }
0x4f: {  	_ =	shalt  }
0x50: {  	_ =	shalt  }
0x51: {  	_ =	shalt  }
0x52: {  	_ =	shalt  }
0x53: {  	_ =	shalt  }
0x54: {  	_ =	shalt  }
0x55: {  	_ =	shalt  }
0x56: {  	_ =	shalt  }
0x57: {  	_ =	shalt  }
0x58: {  	_ =	shalt  }
0x59: {  	_ =	shalt  }
0x5a: {  	_ =	shalt  }
0x5b: {  	_ =	shalt  }
0x5c: {  	_ =	shalt  }
0x5d: {  	_ =	shalt  }
0x5e: {  	_ =	shalt  }
0x5f: {  	_ =	shalt  }
0x60: {  	_ =	shalt  }
0x61: {  	_ =	shalt  }
0x62: {  	_ =	shalt  }
0x63: {  	_ =	shalt  }
0x64: {  	_ =	shalt  }
0x65: {  	_ =	shalt  }
0x66: {  	_ =	shalt  }
0x67: {  	_ =	shalt  }
0x68: {  	_ =	shalt  }
0x69: {  	_ =	shalt  }
0x6a: {  	_ =	shalt  }
0x6b: {  	_ =	shalt  }
0x6c: {  	_ =	shalt  }
0x6d: {  	_ =	shalt  }
0x6e: {  	_ =	shalt  }
0x6f: {  	_ =	shalt  }
0x70: {  	_ =	shalt  }
0x71: {  	_ =	shalt  }
0x72: {  	_ =	shalt  }
0x73: {  	_ =	shalt  }
0x74: {  	_ =	shalt  }
0x75: {  	_ =	shalt  }
0x76: {  	_ =	shalt  }
0x77: {  	_ =	shalt  }
0x78: {  	_ =	shalt  }
0x79: {  	_ =	shalt  }
0x7a: {  	_ =	shalt  }
0x7b: {  	_ =	shalt  }
0x7c: {  	_ =	shalt  }
0x7d: {  	_ =	shalt  }
0x7e: {  	_ =	shalt  }
0x7f: {  	_ =	shalt  }
0x80: {  	_ =	shalt  }
0x81: {  	_ =	shalt  }
0x82: {  	_ =	shalt  }
0x83: {  	_ =	shalt  }
0x84: {  	_ =	shalt  }
0x85: {  	_ =	shalt  }
0x86: {  	_ =	shalt  }
0x87: {  	_ =	shalt  }
.Lfunc_end0:
.L_simem_size_0:
called_computation.1_lowered:
.L_overlay_start_0:
0x88: {  	s2 =	sld [smem:$0x3FD9]  }
0x89: {  	s3 =	sld [smem:$0x3FFE];
	_ =	sdelay $0x1  }
0x8a: {  	s1 =	srdreg.scid  }
0x8b: {  	s0 =	sand.u32 $0x1, s1  }
0x8c: {  	s17 =	sshll.u32 s0, $0xA;
	s2 =	sadd.s32 s3, s2  }
0x8d: {  	s2 =	sadd.s32 s2, s17  }
0x8e: {  	[smem:$0x3FB8] =	sst s2  }
0x8f: {  	_ = 	snop  }
0x90: {  	s2 =	sld [smem:$0x3FD0];
	(tm) =	ssettm $0x1  }
0x91: {  	s18 =	sld [smem:$0x3FFB];
	_ =	sdelay $0x3  }
0x92: {  	_ =	strace s18  }
0x93: {  	s3 =	sld [smem:$0x3FFC];
	_ =	sdelay $0x3  }
0x94: {  	_ =	strace s3  }
0x95: {  	s3 =	sld [smem:$0x3FFD];
	_ =	sdelay $0x3  }
0x96: {  	_ =	strace s3  }
0x97: {  	_ =	strace $0x8FFFFFFF  }
0x98: {  	s19 =	sld [smem:$0x3FDB];
	_ =	sdelay $0x1  }
0x99: {  	s4 =	simm.s32 $_scs_section_size  }
0x9a: {  	s5 =	simm.s32 $_size__tile_overlayer_lowered;
	s6 =	simm.s32 $_tile_overlayer_lowered  }
0x9b: {  	s22 =	simm.s32 $0x1BFF;
	s21 =	sshll.u32 s6, $0x1;
	s3 =	sadd.s32 s4, s19  }
0x9c: {  	s7 =	simm.s32 $0x0;
	s20 =	sshll.u32 s5, $0x1;
	s5 =	sadd.s32 s21, s3  }
0x9d: {  	[timem:s7], [sflag:s22] =	dma.local [hbm:s5], s20  }
0x9e: {  	_ =	swait.ge [sflag:s22], s20  }
0x9f: {  	s4 =	ssub.s32 $0x0, s20;
	[sflag:s22] =	ssyncset.done $0x0  }
0xa0: {  	[sflag:s22] =	ssyncadd.s32 s4;
	_ =	sdelay $0x1  }
0xa1: {  	s23 =	simm.s32 $0x1B8B  }
0xa2: {  	_ =	swait.ge [sflag:s23], $0x1  }
0xa3: {  	[sflag:s23] =	ssyncset.done $0x0  }
0xa4: {  	s25 =	simm.s32 $0x1B8E;
	s24 =	sld [smem:$0x3FFE];
	[sflag:s23] =	ssyncadd.s32 $0xFFFFFFFF  }
0xa5: {  	s26 =	simm.s32 $execute0_lowered;
	[smem:$0x3FD2] =	sst s25  }
0xa6: {  	s5 =	sshll.u32 s26, $0x1;
	_ =	strace $0x80000049;
	[dreg:$0x1] =	wrdreg $0xFFFFFFFF  }
0xa7: {  	s28 =	simm.s32 $_size_execute0_lowered;
	s3 =	sadd.s32 s3, s5;
	[dreg:$0x0] =	wrdreg $0x0  }
0xa8: {  	s5 =	sshll.u32 s28, $0x1;
	[dreg:$0x2] =	wrdreg s3  }
0xa9: {  	[dreg:$0x3] =	wrdreg s5  }
0xaa: {  	[dreg:$0x4] =	wrdreg $0xC0  }
0xab: {  	_ =	task [dreg:s7], $0x5FFFF  }
0xac: {  	[dreg:$0x1] =	wrdreg $0xFFFFFFFF  }
0xad: {  	[dreg:$0x0] =	wrdreg $0x60  }
0xae: {  	[dreg:$0x2] =	wrdreg s24  }
0xaf: {  	[dreg:$0x3] =	wrdreg s2  }
0xb0: {  	[dreg:$0x4] =	wrdreg $0x82000  }
0xb1: {  	[dreg:$0x5] =	wrdreg $0x9  }
0xb2: {  	_ =	task.clear_ibuf [dreg:s7], $0x6FFFF;
	_ =	strace $0x90000049  }
0xb3: {  	s29 =	simm.s32 $0x9;
	_ =	strace $0x8000004B  }
0xb4: {  	_ =	swait.ge [sflag:s29], $0x1  }
0xb5: {  	[sflag:s29] =	ssyncadd.s32 $0xFFFFFFFF  }
0xb6: {  	_ =	strace $0x9000004B  }
0xb7: {  	_ =	sfence  }
0xb8: {  	s30 =	sld [smem:$0x0];
	_ =	sdelay $0x2  }
0xb9: {  	s31 =	sshll.u32 s1, $0xD;
	s1 =	sshrl.u32 s1, $0x2  }
0xba: {  	s3 =	sand.u32 $0x4000, s31;
	s1 =	sadd.s32 s1, s30  }
0xbb: {  	s0 =	sor.u32 s3, s0;
	s1 =	sshll.u32 s1, $0x11  }
0xbc: {  	s0 =	sor.u32 s1, s0  }
0xbd: {  	s0 =	sadd.s32 $0x8F2B, s0  }
0xbe: {  	[sflag:s0] =	ssyncadd.remote.s32 $0x1  }
0xbf: {  	_ =	sfence.sel $0xFFFF  }
0xc0: {  	[dreg:$0x0] =	wrdreg $0xFFFFFFFF;
	(pc) =	sbr.abs _section_cstart, $3  }
0xc1: {  	[dreg:$0x1] =	wrdreg $0xFFFFFFFF  }
0xc2: {  	_ =	task.clear_ibuf [dreg:s7], $0x2FFFF;
	_ =	strace $0x9FFFFFFF  }
0xc3: {  	(tm) =	ssettm $0x7FFFFFFF  }
tec
execute0_lowered:
.L_overlay_start_1:
0x0: {  	(tag) =	ssettag $0x1  }
0x1: {  	s0 =	rddreg [dreg:$0x0]  }
0x2: {  	s24 =	rddreg [dreg:$0x1]  }
0x3: {  	s3 =	rddreg [dreg:$0x2]  }
0x4: {  	s4 =	simm.s32 $0x0;
	s1 =	srdreg.scid;
	s13 =	stileid.u32  }
0x5: {  	s29 =	simm.s32 $0x180;
	s30 =	simm.s32 $0x1;
	s31 =	simm.s32 $0x2  }
0x6: {  	[smem:$0x7FF] =	sst s4;
	s1 =	sand.u32 $0x1, s1;
	s2 =	smul.u32 $0x280, s13  }
0x7: {  	s5 =	sadd.s32 $0x3FE00, s0;
	s6 =	sadd.s32 $0x67E00, s0;
	s11 =	smul.u32 $0x50000, s13  }
0x8: {  	s7 =	sadd.s32 $0x8FE00, s0;
	s8 =	sadd.s32 $0x4A00, s0;
	s23 =	smul.u32 $0x2780, s13  }
0x9: {  	s22 =	sshll.u32 s13, $0x6;
	_ =	strace $0x8000004A;
	s9 =	smul.u32 $0x2800, s1  }
0xa: {  	s19 =	sshll.u32 s1, $0x4;
	s10 =	ssub.s32 $0x2, s1;
	s1 =	smul.u32 $0x27800, s1  }
0xb: {  	s12 =	sshrl.u32 s10, $0x1;
	s21 =	sshrl.u32 s11, $0x2;
	s2 =	sadd.s32 s2, s9  }
0xc: {  	s9 =	sor.u32 s13, s19;
	s20 =	ssub.s32 s10, s12;
	s10 =	sadd.s32 s21, s3  }
0xd: {  	s1 =	sadd.s32 s23, s1;
	s2 =	sshll.u32 s2, $0x4;
	s9 =	smul.u32 $0x2780, s9  }
0xe: {  	[dreg:$0x4] =	wrdreg s10;
	s10 =	sor.u32 $0x1C03, s22;
	s12 =	sadd.s32 $0x4F080, s1  }
0xf: {  	s13 =	sadd.s32 $0x80, s1;
	s15 =	sadd.s32 $0x4F100, s1;
	s19 =	sadd.s32 $0xED080, s1  }
0x10: {  	s21 =	sadd.s32 $0x9E080, s1;
	s23 =	sadd.s32 $0xED100, s1;
	s0 =	sadd.s32 s2, s0  }
0x11: {  	s2 =	smax.u32 s20, $0x1;
	s14 =	sshrl.u32 s13, $0x3;
	s18 =	sshrl.u32 s15, $0x3  }
0x12: {  	s20 =	sshrl.u32 s19, $0x3;
	s22 =	sshrl.u32 s21, $0x3;
	[dreg:$0x5] =	wrdreg s10  }
0x13: {  	s9 =	sshrl.u32 s9, $0x3;
	s25 =	sadd.s32 $0x12FE00, s0;
	s26 =	sadd.s32 $0xDFE00, s0  }
0x14: {  	s0 =	sadd.s32 $0x17FE00, s0;
	[dreg:$0xa] =	wrdreg s2;
	s17 =	sadd.s32 s14, s8  }
0x15: {  	s18 =	sadd.s32 s18, s8;
	s19 =	sadd.s32 s20, s8;
	[dreg:$0x7] =	wrdreg s25  }
0x16: {  	s20 =	sadd.s32 s22, s8;
	s14 =	sadd.s32 $0x13C080, s1;
	[dreg:$0x8] =	wrdreg s26  }
0x17: {  	s9 =	sadd.s32 s8, s9;
	[dreg:$0x9] =	wrdreg s0;
	s0 =	sshrl.u32 s12, $0x3  }
0x18: {  	s25 =	sshrl.u32 s23, $0x3;
	s26 =	sadd.s32 $0x9E100, s1;
	s12 =	sadd.s32 $0x18B080, s1  }
0x19: {  	s15 =	sshrl.u32 s14, $0x3;
	s16 =	sadd.s32 s0, s8;
	s21 =	sadd.s32 s25, s8  }
0x1a: {  	s11 =	sshrl.u32 s26, $0x3;
	s13 =	sshrl.u32 s12, $0x3;
	s25 =	sadd.s32 $0x18B100, s1  }
0x1b: {  	s26 =	sadd.s32 $0x100, s1;
	s1 =	sadd.s32 $0x13C100, s1;
	s12 =	sadd.s32 $0x13C00, s9  }
0x1c: {  	s14 =	sadd.s32 $0x27800, s9;
	[dreg:$0x6] =	wrdreg s9;
	s22 =	sadd.s32 s11, s8  }
0x1d: {  	s23 =	sadd.s32 s13, s8;
	s2 =	sshrl.u32 s25, $0x3;
	[dreg:$0xb] =	wrdreg s26  }
0x1e: {  	s25 =	sadd.s32 s15, s8;
	s11 =	sadd.s32 $0x9E00, s9;
	[dreg:$0xd] =	wrdreg s12  }
0x1f: {  	s13 =	sadd.s32 $0x1DA00, s9;
	[dreg:$0xf] =	wrdreg s14;
	s15 =	sadd.s32 $0x31600, s9  }
0x20: {  	s9 =	simm.s32 $0x3;
	s12 =	simm.s32 $0x80;
	[dreg:$0xc] =	wrdreg s11  }
0x21: {  	s14 =	simm.s32 $0x100;
	s26 =	sadd.s32 s2, s8;
	[dreg:$0xe] =	wrdreg s13  }
0x22: {  	s2 =	sshrl.u32 s1, $0x3;
	[dreg:$0x10] =	wrdreg s15;
	s13 =	simm.s32 $0x200  }
0x23: {  	s15 =	simm.s32 $0x4200;
	s1 =	simm.s32 $0x0;
	s28 =	sadd.s32 s2, s8  }
.LBB2_1:
0x24: {  	s0 =	rddreg [dreg:$0x4]  }
0x25: {  	[dreg:$0x11] =	wrdreg s1;
	s0 =	sshrl.u32 s0, $0x3  }
0x26: {  	[dreg:$0x12] =	wrdreg s0  }
0x27: {  	[spmem:s0], [sflag:s10] =	dma.local [hbm:s24], $0x2800  }
0x28: {  	_ =	swait.ge [sflag:s9], $0x2800  }
0x29: {  	[sflag:s9] =	ssyncset.done $0x0  }
0x2a: {  	[sflag:s9] =	ssyncadd.s32 $0xFFFFD800  }
0x2b: {  	[bflag:$0x0] =	sbarrier.arrive $0xFFFF  }
0x2c: {  	s11 =	rddreg [dreg:$0x6]  }
0x2d: {  	[tilespmem:s4], [sflag:$0x3] =	stream.linear.gather [hbm4b:s11+s4], $0x80, $0x38;
	[tilespmem:$0x1C200] =	vst v63  }
0x2e: {  	_ =	swait.ge [sflag:s9], $0x80  }
0x2f: {  	[sflag:s9] =	ssyncset.done $0x0  }
0x30: {  	[sflag:s9] =	ssyncadd.s32 $0xFFFFFF80  }
0x31: {  	[tilespmem:s13], [sflag:$0x1] =	stream.indirect.gather [hbm4b:s5+s12], $0x80, s4, s12, $0xb8;
	[tilespmem:$0x1C200] =	vst v63  }
0x32: {  	s24 =	rddreg [dreg:$0xc]  }
0x33: {  	[tilespmem:s14], [sflag:$0x3] =	stream.linear.gather [hbm4b:s24+s4], $0x80, $0x38;
	[tilespmem:$0x1C200] =	vst v63  }
0x34: {  	_ =	swait.ge [sflag:s9], $0x80  }
0x35: {  	[sflag:s9] =	ssyncset.done $0x0  }
0x36: {  	s0 =	sadd.s32 $0x0, s17;
	[sflag:s9] =	ssyncadd.s32 $0xFFFFFF80  }
0x37: {  	[tilespmem:s12], [sflag:$0x3] =	stream.linear.gather [hbm4b:s0+s4], $0x80, $0x38;
	[tilespmem:$0x1C200] =	vst v63  }
0x38: {  	_ =	swait.ge [sflag:s9], $0x80  }
0x39: {  	[sflag:s9] =	ssyncset.done $0x0  }
0x3a: {  	[sflag:s9] =	ssyncadd.s32 $0xFFFFFF80  }
0x3b: {  	[tilespmem:s15], [sflag:$0x2] =	stream.indirect.gather [hbm4b:s5+s12], $0x80, s12, s12, $0xb8;
	[tilespmem:$0x1C200] =	vst v63  }
0x3c: {  	s2 =	sadd.s32 $0x0, s16  }
0x3d: {  	[tilespmem:s29], [sflag:$0x3] =	stream.linear.gather [hbm4b:s2+s4], $0x80, $0x38;
	[tilespmem:$0x1C200] =	vst v63  }
0x3e: {  	_ =	swait.ge [sflag:s9], $0x80  }
0x3f: {  	[sflag:s9] =	ssyncset.done $0x0  }
0x40: {  	[sflag:s9] =	ssyncadd.s32 $0xFFFFFF80  }
0x41: {  	_ =	swait.ge [sflag:s30], $0x4000  }
0x42: {  	[sflag:s30] =	ssyncset.done $0x0  }
0x43: {  	[sflag:s30] =	ssyncadd.s32 $0xFFFFC000  }
0x44: {  	[spmem:s3] =	stream.indirect.scatter.add.f32 [tilespmem:s13], [sflag:$0x3], $0x80, s14, s12, $0xb8;
	[tilespmem:$0x1C200] =	vst v63  }
0x45: {  	_ =	swait.ge [sflag:s9], $0x4000  }
0x46: {  	s10 =	rddreg [dreg:$0xb]  }
0x47: {  	[sflag:s9] =	ssyncset.done $0x0;
	s11 =	sshrl.u32 s10, $0x3  }
0x48: {  	[sflag:s9] =	ssyncadd.s32 $0xFFFFC000;
	s1 =	sadd.s32 s8, s11  }
0x49: {  	[tilespmem:s4], [sflag:$0x3] =	stream.linear.gather [hbm4b:s1+s4], $0x80, $0x38;
	[tilespmem:$0x1C200] =	vst v63  }
0x4a: {  	_ =	swait.ge [sflag:s9], $0x80  }
0x4b: {  	[sflag:s9] =	ssyncset.done $0x0  }
0x4c: {  	[sflag:s9] =	ssyncadd.s32 $0xFFFFFF80  }
0x4d: {  	[tilespmem:s13], [sflag:$0x1] =	stream.indirect.gather [hbm4b:s5+s12], $0x80, s4, s12, $0xb8;
	[tilespmem:$0x1C200] =	vst v63  }
0x4e: {  	s24 =	sadd.s32 $0x0, s18  }
0x4f: {  	[tilespmem:s14], [sflag:$0x3] =	stream.linear.gather [hbm4b:s24+s4], $0x80, $0x38;
	[tilespmem:$0x1C200] =	vst v63  }
0x50: {  	_ =	swait.ge [sflag:s9], $0x80  }
0x51: {  	[sflag:s9] =	ssyncset.done $0x0  }
0x52: {  	[sflag:s9] =	ssyncadd.s32 $0xFFFFFF80  }
0x53: {  	_ =	swait.ge [sflag:s31], $0x4000  }
0x54: {  	[sflag:s31] =	ssyncset.done $0x0  }
0x55: {  	[sflag:s31] =	ssyncadd.s32 $0xFFFFC000  }
0x56: {  	[spmem:s3] =	stream.indirect.scatter.add.f32 [tilespmem:s15], [sflag:$0x3], $0x80, s29, s12, $0xb8;
	[tilespmem:$0x1C200] =	vst v63  }
0x57: {  	s11 =	simm.s32 $0x20;
	_ =	swait.ge [sflag:s9], $0x4000  }
0x58: {  	s1 =	sadd.s32 $0x100, s10;
	s24 =	simm.s32 $0x40;
	[sflag:s9] =	ssyncset.done $0x0  }
.LBB2_2:
0x59: {  	s0 =	sadd.s32 s11, s17  }
0x5a: {  	[sflag:s9] =	ssyncadd.s32 $0xFFFFC000;
	s2 =	smov.u32 s24;
	s10 =	sadd.s32 $0x20, s24  }
0x5b: {  	[tilespmem:s12], [sflag:$0x3] =	stream.linear.gather [hbm4b:s0+s4], $0x80, $0x38;
	[tilespmem:$0x1C200] =	vst v63  }
0x5c: {  	p0 =	sne.s32 s24, $0x4C0;
	_ =	swait.ge [sflag:s9], $0x80  }
0x5d: {  	[sflag:s9] =	ssyncset.done $0x0  }
0x5e: {  	[sflag:s9] =	ssyncadd.s32 $0xFFFFFF80  }
0x5f: {  	[tilespmem:s15], [sflag:$0x2] =	stream.indirect.gather [hbm4b:s5+s12], $0x80, s12, s12, $0xb8;
	[tilespmem:$0x1C200] =	vst v63  }
0x60: {  	s0 =	sadd.s32 s11, s16  }
0x61: {  	[tilespmem:s29], [sflag:$0x3] =	stream.linear.gather [hbm4b:s0+s4], $0x80, $0x38;
	[tilespmem:$0x1C200] =	vst v63  }
0x62: {  	_ =	swait.ge [sflag:s9], $0x80  }
0x63: {  	[sflag:s9] =	ssyncset.done $0x0  }
0x64: {  	[sflag:s9] =	ssyncadd.s32 $0xFFFFFF80  }
0x65: {  	_ =	swait.ge [sflag:s30], $0x4000  }
0x66: {  	[sflag:s30] =	ssyncset.done $0x0  }
0x67: {  	[sflag:s30] =	ssyncadd.s32 $0xFFFFC000  }
0x68: {  	[spmem:s3] =	stream.indirect.scatter.add.f32 [tilespmem:s13], [sflag:$0x3], $0x80, s14, s12, $0xb8;
	[tilespmem:$0x1C200] =	vst v63  }
0x69: {  	_ =	swait.ge [sflag:s9], $0x4000  }
0x6a: {  	s0 =	sshrl.u32 s1, $0x3;
	[sflag:s9] =	ssyncset.done $0x0  }
0x6b: {  	s0 =	sadd.s32 s8, s0;
	[sflag:s9] =	ssyncadd.s32 $0xFFFFC000  }
0x6c: {  	[tilespmem:s4], [sflag:$0x3] =	stream.linear.gather [hbm4b:s0+s4], $0x80, $0x38;
	[tilespmem:$0x1C200] =	vst v63  }
0x6d: {  	_ =	swait.ge [sflag:s9], $0x80  }
0x6e: {  	[sflag:s9] =	ssyncset.done $0x0  }
0x6f: {  	[sflag:s9] =	ssyncadd.s32 $0xFFFFFF80  }
0x70: {  	[tilespmem:s13], [sflag:$0x1] =	stream.indirect.gather [hbm4b:s5+s12], $0x80, s4, s12, $0xb8;
	[tilespmem:$0x1C200] =	vst v63  }
0x71: {  	s0 =	sadd.s32 s11, s18;
	s11 =	smov.u32 s2  }
0x72: {  	[tilespmem:s14], [sflag:$0x3] =	stream.linear.gather [hbm4b:s0+s4], $0x80, $0x38;
	[tilespmem:$0x1C200] =	vst v63  }
0x73: {  	_ =	swait.ge [sflag:s9], $0x80  }
0x74: {  	[sflag:s9] =	ssyncset.done $0x0  }
0x75: {  	[sflag:s9] =	ssyncadd.s32 $0xFFFFFF80  }
0x76: {  	_ =	swait.ge [sflag:s31], $0x4000  }
.Ltmp0:
0x77: {  	[sflag:s31] =	ssyncset.done $0x0;
	(pc) =	sbr.rel @p0 .LBB2_2-.Ltmp0, $4  }
0x78: {  	[sflag:s31] =	ssyncadd.s32 $0xFFFFC000  }
0x79: {  	[spmem:s3] =	stream.indirect.scatter.add.f32 [tilespmem:s15], [sflag:$0x3], $0x80, s29, s12, $0xb8;
	[tilespmem:$0x1C200] =	vst v63  }
0x7a: {  	_ =	swait.ge [sflag:s9], $0x4000  }
0x7b: {  	s24 =	smov.u32 s10;
	s1 =	sadd.s32 $0x100, s1;
	[sflag:s9] =	ssyncset.done $0x0  }
0x7c: {  	s0 =	sadd.s32 s11, s17;
	[sflag:s9] =	ssyncadd.s32 $0xFFFFC000  }
0x7d: {  	[tilespmem:s12], [sflag:$0x3] =	stream.linear.gather [hbm4b:s0+s4], $0x80, $0x38;
	[tilespmem:$0x1C200] =	vst v63  }
0x7e: {  	_ =	swait.ge [sflag:s9], $0x80  }
0x7f: {  	[sflag:s9] =	ssyncset.done $0x0  }
0x80: {  	[sflag:s9] =	ssyncadd.s32 $0xFFFFFF80  }
0x81: {  	[tilespmem:s15], [sflag:$0x2] =	stream.indirect.gather [hbm4b:s5+s12], $0x80, s12, s12, $0xb8;
	[tilespmem:$0x1C200] =	vst v63  }
0x82: {  	s24 =	sadd.s32 s11, s16  }
0x83: {  	[tilespmem:s29], [sflag:$0x3] =	stream.linear.gather [hbm4b:s24+s4], $0x80, $0x38;
	[tilespmem:$0x1C200] =	vst v63  }
0x84: {  	_ =	swait.ge [sflag:s9], $0x80  }
0x85: {  	[sflag:s9] =	ssyncset.done $0x0  }
0x86: {  	[sflag:s9] =	ssyncadd.s32 $0xFFFFFF80  }
0x87: {  	_ =	swait.ge [sflag:s30], $0x4000  }
0x88: {  	[sflag:s30] =	ssyncset.done $0x0  }
0x89: {  	[sflag:s30] =	ssyncadd.s32 $0xFFFFC000  }
0x8a: {  	[spmem:s3] =	stream.indirect.scatter.add.f32 [tilespmem:s13], [sflag:$0x3], $0x80, s14, s12, $0xb8;
	[tilespmem:$0x1C200] =	vst v63  }
0x8b: {  	_ =	swait.ge [sflag:s9], $0x4000  }
0x8c: {  	s2 =	sshrl.u32 s1, $0x3;
	[sflag:s9] =	ssyncset.done $0x0  }
0x8d: {  	s0 =	sadd.s32 s8, s2;
	[sflag:s9] =	ssyncadd.s32 $0xFFFFC000  }
0x8e: {  	[tilespmem:s4], [sflag:$0x3] =	stream.linear.gather [hbm4b:s0+s4], $0x80, $0x38;
	[tilespmem:$0x1C200] =	vst v63  }
0x8f: {  	_ =	swait.ge [sflag:s9], $0x80  }
0x90: {  	[sflag:s9] =	ssyncset.done $0x0  }
0x91: {  	[sflag:s9] =	ssyncadd.s32 $0xFFFFFF80  }
0x92: {  	[tilespmem:s13], [sflag:$0x1] =	stream.indirect.gather [hbm4b:s5+s12], $0x80, s4, s12, $0xb8;
	[tilespmem:$0x1C200] =	vst v63  }
0x93: {  	s10 =	sadd.s32 s11, s18  }
0x94: {  	[tilespmem:s14], [sflag:$0x3] =	stream.linear.gather [hbm4b:s10+s4], $0x80, $0x38;
	[tilespmem:$0x1C200] =	vst v63  }
0x95: {  	_ =	swait.ge [sflag:s9], $0x80  }
0x96: {  	[sflag:s9] =	ssyncset.done $0x0  }
0x97: {  	[sflag:s9] =	ssyncadd.s32 $0xFFFFFF80  }
0x98: {  	_ =	swait.ge [sflag:s31], $0x4000  }
0x99: {  	[sflag:s31] =	ssyncset.done $0x0  }
0x9a: {  	[sflag:s31] =	ssyncadd.s32 $0xFFFFC000  }
0x9b: {  	[spmem:s3] =	stream.indirect.scatter.add.f32 [tilespmem:s15], [sflag:$0x3], $0x80, s29, s12, $0xb8;
	[tilespmem:$0x1C200] =	vst v63  }
0x9c: {  	_ =	swait.ge [sflag:s9], $0x4000  }
0x9d: {  	[sflag:s9] =	ssyncset.done $0x0  }
0x9e: {  	[sflag:s9] =	ssyncadd.s32 $0xFFFFC000  }
0x9f: {  	_ =	swait.ge [sflag:s30], $0x4000  }
0xa0: {  	[sflag:s30] =	ssyncset.done $0x0  }
0xa1: {  	[sflag:s30] =	ssyncadd.s32 $0xFFFFC000  }
0xa2: {  	[spmem:s3] =	stream.indirect.scatter.add.f32 [tilespmem:s13], [sflag:$0x3], $0x80, s14, s12, $0xb8;
	[tilespmem:$0x1C200] =	vst v63  }
0xa3: {  	_ =	swait.ge [sflag:s9], $0x4000  }
0xa4: {  	[sflag:s9] =	ssyncset.done $0x0  }
0xa5: {  	[sflag:s9] =	ssyncadd.s32 $0xFFFFC000  }
0xa6: {  	[bflag:$0x0] =	sbarrier.arrive $0xFFFF  }
0xa7: {  	s11 =	rddreg [dreg:$0x5]  }
0xa8: {  	s24 =	rddreg [dreg:$0x8]  }
0xa9: {  	s2 =	rddreg [dreg:$0x12]  }
0xaa: {  	[hbm:s24], [sflag:s11] =	dma.local [spmem:s2], $0x2800  }
0xab: {  	_ =	swait.ge [sflag:s9], $0x2800  }
0xac: {  	[sflag:s9] =	ssyncset.done $0x0  }
0xad: {  	[sflag:s9] =	ssyncadd.s32 $0xFFFFD800  }
0xae: {  	s24 =	rddreg [dreg:$0x1]  }
0xaf: {  	[spmem:s2], [sflag:s11] =	dma.local [hbm:s24], $0x2800  }
0xb0: {  	_ =	swait.ge [sflag:s9], $0x2800  }
0xb1: {  	[sflag:s9] =	ssyncset.done $0x0  }
0xb2: {  	[sflag:s9] =	ssyncadd.s32 $0xFFFFD800  }
0xb3: {  	[bflag:$0x0] =	sbarrier.arrive $0xFFFF  }
0xb4: {  	s2 =	simm.s32 $0x0;
	s10 =	rddreg [dreg:$0xd]  }
0xb5: {  	[tilespmem:s2], [sflag:$0x3] =	stream.linear.gather [hbm4b:s10+s2], $0x80, $0x38;
	[tilespmem:$0x1C200] =	vst v63  }
0xb6: {  	_ =	swait.ge [sflag:s9], $0x80  }
0xb7: {  	[sflag:s9] =	ssyncset.done $0x0  }
0xb8: {  	[sflag:s9] =	ssyncadd.s32 $0xFFFFFF80  }
0xb9: {  	[tilespmem:s13], [sflag:$0x1] =	stream.indirect.gather [hbm4b:s6+s12], $0x80, s2, s12, $0xb8;
	[tilespmem:$0x1C200] =	vst v63  }
0xba: {  	s11 =	rddreg [dreg:$0xe]  }
0xbb: {  	[tilespmem:s14], [sflag:$0x3] =	stream.linear.gather [hbm4b:s11+s2], $0x80, $0x38;
	[tilespmem:$0x1C200] =	vst v63  }
0xbc: {  	_ =	swait.ge [sflag:s9], $0x80  }
0xbd: {  	[sflag:s9] =	ssyncset.done $0x0  }
0xbe: {  	s1 =	sadd.s32 $0x0, s20;
	[sflag:s9] =	ssyncadd.s32 $0xFFFFFF80  }
0xbf: {  	[tilespmem:s12], [sflag:$0x3] =	stream.linear.gather [hbm4b:s1+s4], $0x80, $0x38;
	[tilespmem:$0x1C200] =	vst v63  }
0xc0: {  	_ =	swait.ge [sflag:s9], $0x80  }
0xc1: {  	[sflag:s9] =	ssyncset.done $0x0  }
0xc2: {  	[sflag:s9] =	ssyncadd.s32 $0xFFFFFF80  }
0xc3: {  	[tilespmem:s15], [sflag:$0x2] =	stream.indirect.gather [hbm4b:s6+s12], $0x80, s12, s12, $0xb8;
	[tilespmem:$0x1C200] =	vst v63  }
0xc4: {  	s2 =	sadd.s32 $0x0, s19  }
0xc5: {  	[tilespmem:s29], [sflag:$0x3] =	stream.linear.gather [hbm4b:s2+s4], $0x80, $0x38;
	[tilespmem:$0x1C200] =	vst v63  }
0xc6: {  	_ =	swait.ge [sflag:s9], $0x80  }
0xc7: {  	[sflag:s9] =	ssyncset.done $0x0  }
0xc8: {  	[sflag:s9] =	ssyncadd.s32 $0xFFFFFF80  }
0xc9: {  	_ =	swait.ge [sflag:s30], $0x4000  }
0xca: {  	[sflag:s30] =	ssyncset.done $0x0  }
0xcb: {  	[sflag:s30] =	ssyncadd.s32 $0xFFFFC000  }
0xcc: {  	[spmem:s3] =	stream.indirect.scatter.add.f32 [tilespmem:s13], [sflag:$0x3], $0x80, s14, s12, $0xb8;
	[tilespmem:$0x1C200] =	vst v63  }
0xcd: {  	_ =	swait.ge [sflag:s9], $0x4000  }
0xce: {  	[sflag:s9] =	ssyncset.done $0x0  }
0xcf: {  	s10 =	sadd.s32 $0x0, s22;
	[sflag:s9] =	ssyncadd.s32 $0xFFFFC000  }
0xd0: {  	[tilespmem:s4], [sflag:$0x3] =	stream.linear.gather [hbm4b:s10+s4], $0x80, $0x38;
	[tilespmem:$0x1C200] =	vst v63  }
0xd1: {  	_ =	swait.ge [sflag:s9], $0x80  }
0xd2: {  	[sflag:s9] =	ssyncset.done $0x0  }
0xd3: {  	[sflag:s9] =	ssyncadd.s32 $0xFFFFFF80  }
0xd4: {  	[tilespmem:s13], [sflag:$0x1] =	stream.indirect.gather [hbm4b:s6+s12], $0x80, s4, s12, $0xb8;
	[tilespmem:$0x1C200] =	vst v63  }
0xd5: {  	s11 =	sadd.s32 $0x0, s21  }
0xd6: {  	[tilespmem:s14], [sflag:$0x3] =	stream.linear.gather [hbm4b:s11+s4], $0x80, $0x38;
	[tilespmem:$0x1C200] =	vst v63  }
0xd7: {  	_ =	swait.ge [sflag:s9], $0x80  }
0xd8: {  	[sflag:s9] =	ssyncset.done $0x0  }
0xd9: {  	[sflag:s9] =	ssyncadd.s32 $0xFFFFFF80  }
0xda: {  	_ =	swait.ge [sflag:s31], $0x4000  }
0xdb: {  	[sflag:s31] =	ssyncset.done $0x0  }
0xdc: {  	[sflag:s31] =	ssyncadd.s32 $0xFFFFC000  }
0xdd: {  	[spmem:s3] =	stream.indirect.scatter.add.f32 [tilespmem:s15], [sflag:$0x3], $0x80, s29, s12, $0xb8;
	[tilespmem:$0x1C200] =	vst v63  }
0xde: {  	_ =	swait.ge [sflag:s9], $0x4000  }
0xdf: {  	s10 =	simm.s32 $0x40;
	s11 =	simm.s32 $0x20;
	[sflag:s9] =	ssyncset.done $0x0  }
.LBB2_4:
0xe0: {  	s0 =	sadd.s32 s11, s20  }
0xe1: {  	[sflag:s9] =	ssyncadd.s32 $0xFFFFC000;
	s2 =	smov.u32 s10;
	s1 =	sadd.s32 $0x20, s10  }
0xe2: {  	[tilespmem:s12], [sflag:$0x3] =	stream.linear.gather [hbm4b:s0+s4], $0x80, $0x38;
	[tilespmem:$0x1C200] =	vst v63  }
0xe3: {  	p0 =	sne.s32 s10, $0x4C0;
	_ =	swait.ge [sflag:s9], $0x80  }
0xe4: {  	[sflag:s9] =	ssyncset.done $0x0  }
0xe5: {  	[sflag:s9] =	ssyncadd.s32 $0xFFFFFF80  }
0xe6: {  	[tilespmem:s15], [sflag:$0x2] =	stream.indirect.gather [hbm4b:s6+s12], $0x80, s12, s12, $0xb8;
	[tilespmem:$0x1C200] =	vst v63  }
0xe7: {  	s0 =	sadd.s32 s11, s19  }
0xe8: {  	[tilespmem:s29], [sflag:$0x3] =	stream.linear.gather [hbm4b:s0+s4], $0x80, $0x38;
	[tilespmem:$0x1C200] =	vst v63  }
0xe9: {  	_ =	swait.ge [sflag:s9], $0x80  }
0xea: {  	[sflag:s9] =	ssyncset.done $0x0  }
0xeb: {  	[sflag:s9] =	ssyncadd.s32 $0xFFFFFF80  }
0xec: {  	_ =	swait.ge [sflag:s30], $0x4000  }
0xed: {  	[sflag:s30] =	ssyncset.done $0x0  }
0xee: {  	[sflag:s30] =	ssyncadd.s32 $0xFFFFC000  }
0xef: {  	[spmem:s3] =	stream.indirect.scatter.add.f32 [tilespmem:s13], [sflag:$0x3], $0x80, s14, s12, $0xb8;
	[tilespmem:$0x1C200] =	vst v63  }
0xf0: {  	_ =	swait.ge [sflag:s9], $0x4000  }
0xf1: {  	[sflag:s9] =	ssyncset.done $0x0  }
0xf2: {  	s0 =	sadd.s32 s11, s22;
	[sflag:s9] =	ssyncadd.s32 $0xFFFFC000  }
0xf3: {  	[tilespmem:s4], [sflag:$0x3] =	stream.linear.gather [hbm4b:s0+s4], $0x80, $0x38;
	[tilespmem:$0x1C200] =	vst v63  }
0xf4: {  	_ =	swait.ge [sflag:s9], $0x80  }
0xf5: {  	[sflag:s9] =	ssyncset.done $0x0  }
0xf6: {  	[sflag:s9] =	ssyncadd.s32 $0xFFFFFF80  }
0xf7: {  	[tilespmem:s13], [sflag:$0x1] =	stream.indirect.gather [hbm4b:s6+s12], $0x80, s4, s12, $0xb8;
	[tilespmem:$0x1C200] =	vst v63  }
0xf8: {  	s0 =	sadd.s32 s11, s21;
	s11 =	smov.u32 s2  }
0xf9: {  	[tilespmem:s14], [sflag:$0x3] =	stream.linear.gather [hbm4b:s0+s4], $0x80, $0x38;
	[tilespmem:$0x1C200] =	vst v63  }
0xfa: {  	_ =	swait.ge [sflag:s9], $0x80  }
0xfb: {  	[sflag:s9] =	ssyncset.done $0x0  }
0xfc: {  	[sflag:s9] =	ssyncadd.s32 $0xFFFFFF80  }
0xfd: {  	_ =	swait.ge [sflag:s31], $0x4000  }
.Ltmp1:
0xfe: {  	[sflag:s31] =	ssyncset.done $0x0;
	(pc) =	sbr.rel @p0 .LBB2_4-.Ltmp1, $4  }
0xff: {  	[sflag:s31] =	ssyncadd.s32 $0xFFFFC000  }
0x100: {  	[spmem:s3] =	stream.indirect.scatter.add.f32 [tilespmem:s15], [sflag:$0x3], $0x80, s29, s12, $0xb8;
	[tilespmem:$0x1C200] =	vst v63  }
0x101: {  	_ =	swait.ge [sflag:s9], $0x4000  }
0x102: {  	s10 =	smov.u32 s1;
	[sflag:s9] =	ssyncset.done $0x0  }
0x103: {  	s0 =	sadd.s32 s11, s20;
	[sflag:s9] =	ssyncadd.s32 $0xFFFFC000  }
0x104: {  	[tilespmem:s12], [sflag:$0x3] =	stream.linear.gather [hbm4b:s0+s4], $0x80, $0x38;
	[tilespmem:$0x1C200] =	vst v63  }
0x105: {  	_ =	swait.ge [sflag:s9], $0x80  }
0x106: {  	[sflag:s9] =	ssyncset.done $0x0  }
0x107: {  	[sflag:s9] =	ssyncadd.s32 $0xFFFFFF80  }
0x108: {  	[tilespmem:s15], [sflag:$0x2] =	stream.indirect.gather [hbm4b:s6+s12], $0x80, s12, s12, $0xb8;
	[tilespmem:$0x1C200] =	vst v63  }
0x109: {  	s1 =	sadd.s32 s11, s19  }
0x10a: {  	[tilespmem:s29], [sflag:$0x3] =	stream.linear.gather [hbm4b:s1+s4], $0x80, $0x38;
	[tilespmem:$0x1C200] =	vst v63  }
0x10b: {  	_ =	swait.ge [sflag:s9], $0x80  }
0x10c: {  	[sflag:s9] =	ssyncset.done $0x0  }
0x10d: {  	[sflag:s9] =	ssyncadd.s32 $0xFFFFFF80  }
0x10e: {  	_ =	swait.ge [sflag:s30], $0x4000  }
0x10f: {  	[sflag:s30] =	ssyncset.done $0x0  }
0x110: {  	[sflag:s30] =	ssyncadd.s32 $0xFFFFC000  }
0x111: {  	[spmem:s3] =	stream.indirect.scatter.add.f32 [tilespmem:s13], [sflag:$0x3], $0x80, s14, s12, $0xb8;
	[tilespmem:$0x1C200] =	vst v63  }
0x112: {  	_ =	swait.ge [sflag:s9], $0x4000  }
0x113: {  	[sflag:s9] =	ssyncset.done $0x0  }
0x114: {  	s2 =	sadd.s32 s11, s22;
	[sflag:s9] =	ssyncadd.s32 $0xFFFFC000  }
0x115: {  	[tilespmem:s4], [sflag:$0x3] =	stream.linear.gather [hbm4b:s2+s4], $0x80, $0x38;
	[tilespmem:$0x1C200] =	vst v63  }
0x116: {  	_ =	swait.ge [sflag:s9], $0x80  }
0x117: {  	[sflag:s9] =	ssyncset.done $0x0  }
0x118: {  	[sflag:s9] =	ssyncadd.s32 $0xFFFFFF80  }
0x119: {  	[tilespmem:s13], [sflag:$0x1] =	stream.indirect.gather [hbm4b:s6+s12], $0x80, s4, s12, $0xb8;
	[tilespmem:$0x1C200] =	vst v63  }
0x11a: {  	s10 =	sadd.s32 s11, s21  }
0x11b: {  	[tilespmem:s14], [sflag:$0x3] =	stream.linear.gather [hbm4b:s10+s4], $0x80, $0x38;
	[tilespmem:$0x1C200] =	vst v63  }
0x11c: {  	_ =	swait.ge [sflag:s9], $0x80  }
0x11d: {  	[sflag:s9] =	ssyncset.done $0x0  }
0x11e: {  	[sflag:s9] =	ssyncadd.s32 $0xFFFFFF80  }
0x11f: {  	_ =	swait.ge [sflag:s31], $0x4000  }
0x120: {  	[sflag:s31] =	ssyncset.done $0x0  }
0x121: {  	[sflag:s31] =	ssyncadd.s32 $0xFFFFC000  }
0x122: {  	[spmem:s3] =	stream.indirect.scatter.add.f32 [tilespmem:s15], [sflag:$0x3], $0x80, s29, s12, $0xb8;
	[tilespmem:$0x1C200] =	vst v63  }
0x123: {  	_ =	swait.ge [sflag:s9], $0x4000  }
0x124: {  	[sflag:s9] =	ssyncset.done $0x0  }
0x125: {  	[sflag:s9] =	ssyncadd.s32 $0xFFFFC000  }
0x126: {  	_ =	swait.ge [sflag:s30], $0x4000  }
0x127: {  	[sflag:s30] =	ssyncset.done $0x0  }
0x128: {  	[sflag:s30] =	ssyncadd.s32 $0xFFFFC000  }
0x129: {  	[spmem:s3] =	stream.indirect.scatter.add.f32 [tilespmem:s13], [sflag:$0x3], $0x80, s14, s12, $0xb8;
	[tilespmem:$0x1C200] =	vst v63  }
0x12a: {  	_ =	swait.ge [sflag:s9], $0x4000  }
0x12b: {  	[sflag:s9] =	ssyncset.done $0x0  }
0x12c: {  	[sflag:s9] =	ssyncadd.s32 $0xFFFFC000  }
0x12d: {  	[bflag:$0x0] =	sbarrier.arrive $0xFFFF  }
0x12e: {  	s11 =	rddreg [dreg:$0x5]  }
0x12f: {  	s1 =	rddreg [dreg:$0x7]  }
0x130: {  	s2 =	rddreg [dreg:$0x12]  }
0x131: {  	[hbm:s1], [sflag:s11] =	dma.local [spmem:s2], $0x2800  }
0x132: {  	_ =	swait.ge [sflag:s9], $0x2800  }
0x133: {  	[sflag:s9] =	ssyncset.done $0x0  }
0x134: {  	[sflag:s9] =	ssyncadd.s32 $0xFFFFD800  }
0x135: {  	[spmem:s2], [sflag:s11] =	dma.local [hbm:s24], $0x2800  }
0x136: {  	_ =	swait.ge [sflag:s9], $0x2800  }
0x137: {  	[sflag:s9] =	ssyncset.done $0x0  }
0x138: {  	[sflag:s9] =	ssyncadd.s32 $0xFFFFD800  }
0x139: {  	[bflag:$0x0] =	sbarrier.arrive $0xFFFF  }
0x13a: {  	s2 =	simm.s32 $0x0;
	s10 =	rddreg [dreg:$0xf]  }
0x13b: {  	[tilespmem:s2], [sflag:$0x3] =	stream.linear.gather [hbm4b:s10+s2], $0x80, $0x38;
	[tilespmem:$0x1C200] =	vst v63  }
0x13c: {  	_ =	swait.ge [sflag:s9], $0x80  }
0x13d: {  	[sflag:s9] =	ssyncset.done $0x0  }
0x13e: {  	[sflag:s9] =	ssyncadd.s32 $0xFFFFFF80  }
0x13f: {  	[tilespmem:s13], [sflag:$0x1] =	stream.indirect.gather [hbm4b:s7+s12], $0x80, s2, s12, $0xb8;
	[tilespmem:$0x1C200] =	vst v63  }
0x140: {  	s11 =	rddreg [dreg:$0x10]  }
0x141: {  	[tilespmem:s14], [sflag:$0x3] =	stream.linear.gather [hbm4b:s11+s2], $0x80, $0x38;
	[tilespmem:$0x1C200] =	vst v63  }
0x142: {  	_ =	swait.ge [sflag:s9], $0x80  }
0x143: {  	[sflag:s9] =	ssyncset.done $0x0  }
0x144: {  	s1 =	sadd.s32 $0x0, s25;
	[sflag:s9] =	ssyncadd.s32 $0xFFFFFF80  }
0x145: {  	[tilespmem:s12], [sflag:$0x3] =	stream.linear.gather [hbm4b:s1+s4], $0x80, $0x38;
	[tilespmem:$0x1C200] =	vst v63  }
0x146: {  	_ =	swait.ge [sflag:s9], $0x80  }
0x147: {  	[sflag:s9] =	ssyncset.done $0x0  }
0x148: {  	[sflag:s9] =	ssyncadd.s32 $0xFFFFFF80  }
0x149: {  	[tilespmem:s15], [sflag:$0x2] =	stream.indirect.gather [hbm4b:s7+s12], $0x80, s12, s12, $0xb8;
	[tilespmem:$0x1C200] =	vst v63  }
0x14a: {  	s2 =	sadd.s32 $0x0, s23  }
0x14b: {  	[tilespmem:s29], [sflag:$0x3] =	stream.linear.gather [hbm4b:s2+s4], $0x80, $0x38;
	[tilespmem:$0x1C200] =	vst v63  }
0x14c: {  	_ =	swait.ge [sflag:s9], $0x80  }
0x14d: {  	[sflag:s9] =	ssyncset.done $0x0  }
0x14e: {  	[sflag:s9] =	ssyncadd.s32 $0xFFFFFF80  }
0x14f: {  	_ =	swait.ge [sflag:s30], $0x4000  }
0x150: {  	[sflag:s30] =	ssyncset.done $0x0  }
0x151: {  	[sflag:s30] =	ssyncadd.s32 $0xFFFFC000  }
0x152: {  	[spmem:s3] =	stream.indirect.scatter.add.f32 [tilespmem:s13], [sflag:$0x3], $0x80, s14, s12, $0xb8;
	[tilespmem:$0x1C200] =	vst v63  }
0x153: {  	_ =	swait.ge [sflag:s9], $0x4000  }
0x154: {  	[sflag:s9] =	ssyncset.done $0x0  }
0x155: {  	s10 =	sadd.s32 $0x0, s28;
	[sflag:s9] =	ssyncadd.s32 $0xFFFFC000  }
0x156: {  	[tilespmem:s4], [sflag:$0x3] =	stream.linear.gather [hbm4b:s10+s4], $0x80, $0x38;
	[tilespmem:$0x1C200] =	vst v63  }
0x157: {  	_ =	swait.ge [sflag:s9], $0x80  }
0x158: {  	[sflag:s9] =	ssyncset.done $0x0  }
0x159: {  	[sflag:s9] =	ssyncadd.s32 $0xFFFFFF80  }
0x15a: {  	[tilespmem:s13], [sflag:$0x1] =	stream.indirect.gather [hbm4b:s7+s12], $0x80, s4, s12, $0xb8;
	[tilespmem:$0x1C200] =	vst v63  }
0x15b: {  	s11 =	sadd.s32 $0x0, s26  }
0x15c: {  	[tilespmem:s14], [sflag:$0x3] =	stream.linear.gather [hbm4b:s11+s4], $0x80, $0x38;
	[tilespmem:$0x1C200] =	vst v63  }
0x15d: {  	_ =	swait.ge [sflag:s9], $0x80  }
0x15e: {  	[sflag:s9] =	ssyncset.done $0x0  }
0x15f: {  	[sflag:s9] =	ssyncadd.s32 $0xFFFFFF80  }
0x160: {  	_ =	swait.ge [sflag:s31], $0x4000  }
0x161: {  	[sflag:s31] =	ssyncset.done $0x0  }
0x162: {  	[sflag:s31] =	ssyncadd.s32 $0xFFFFC000  }
0x163: {  	[spmem:s3] =	stream.indirect.scatter.add.f32 [tilespmem:s15], [sflag:$0x3], $0x80, s29, s12, $0xb8;
	[tilespmem:$0x1C200] =	vst v63  }
0x164: {  	_ =	swait.ge [sflag:s9], $0x4000  }
0x165: {  	s10 =	simm.s32 $0x40;
	s11 =	simm.s32 $0x20;
	[sflag:s9] =	ssyncset.done $0x0  }
.LBB2_6:
0x166: {  	s0 =	sadd.s32 s11, s25  }
0x167: {  	[sflag:s9] =	ssyncadd.s32 $0xFFFFC000;
	s2 =	smov.u32 s10;
	s1 =	sadd.s32 $0x20, s10  }
0x168: {  	[tilespmem:s12], [sflag:$0x3] =	stream.linear.gather [hbm4b:s0+s4], $0x80, $0x38;
	[tilespmem:$0x1C200] =	vst v63  }
0x169: {  	p0 =	sne.s32 s10, $0x4C0;
	_ =	swait.ge [sflag:s9], $0x80  }
0x16a: {  	[sflag:s9] =	ssyncset.done $0x0  }
0x16b: {  	[sflag:s9] =	ssyncadd.s32 $0xFFFFFF80  }
0x16c: {  	[tilespmem:s15], [sflag:$0x2] =	stream.indirect.gather [hbm4b:s7+s12], $0x80, s12, s12, $0xb8;
	[tilespmem:$0x1C200] =	vst v63  }
0x16d: {  	s0 =	sadd.s32 s11, s23  }
0x16e: {  	[tilespmem:s29], [sflag:$0x3] =	stream.linear.gather [hbm4b:s0+s4], $0x80, $0x38;
	[tilespmem:$0x1C200] =	vst v63  }
0x16f: {  	_ =	swait.ge [sflag:s9], $0x80  }
0x170: {  	[sflag:s9] =	ssyncset.done $0x0  }
0x171: {  	[sflag:s9] =	ssyncadd.s32 $0xFFFFFF80  }
0x172: {  	_ =	swait.ge [sflag:s30], $0x4000  }
0x173: {  	[sflag:s30] =	ssyncset.done $0x0  }
0x174: {  	[sflag:s30] =	ssyncadd.s32 $0xFFFFC000  }
0x175: {  	[spmem:s3] =	stream.indirect.scatter.add.f32 [tilespmem:s13], [sflag:$0x3], $0x80, s14, s12, $0xb8;
	[tilespmem:$0x1C200] =	vst v63  }
0x176: {  	_ =	swait.ge [sflag:s9], $0x4000  }
0x177: {  	[sflag:s9] =	ssyncset.done $0x0  }
0x178: {  	s0 =	sadd.s32 s11, s28;
	[sflag:s9] =	ssyncadd.s32 $0xFFFFC000  }
0x179: {  	[tilespmem:s4], [sflag:$0x3] =	stream.linear.gather [hbm4b:s0+s4], $0x80, $0x38;
	[tilespmem:$0x1C200] =	vst v63  }
0x17a: {  	_ =	swait.ge [sflag:s9], $0x80  }
0x17b: {  	[sflag:s9] =	ssyncset.done $0x0  }
0x17c: {  	[sflag:s9] =	ssyncadd.s32 $0xFFFFFF80  }
0x17d: {  	[tilespmem:s13], [sflag:$0x1] =	stream.indirect.gather [hbm4b:s7+s12], $0x80, s4, s12, $0xb8;
	[tilespmem:$0x1C200] =	vst v63  }
0x17e: {  	s0 =	sadd.s32 s11, s26;
	s11 =	smov.u32 s2  }
0x17f: {  	[tilespmem:s14], [sflag:$0x3] =	stream.linear.gather [hbm4b:s0+s4], $0x80, $0x38;
	[tilespmem:$0x1C200] =	vst v63  }
0x180: {  	_ =	swait.ge [sflag:s9], $0x80  }
0x181: {  	[sflag:s9] =	ssyncset.done $0x0  }
0x182: {  	[sflag:s9] =	ssyncadd.s32 $0xFFFFFF80  }
0x183: {  	_ =	swait.ge [sflag:s31], $0x4000  }
.Ltmp2:
0x184: {  	[sflag:s31] =	ssyncset.done $0x0;
	(pc) =	sbr.rel @p0 .LBB2_6-.Ltmp2, $4  }
0x185: {  	[sflag:s31] =	ssyncadd.s32 $0xFFFFC000  }
0x186: {  	[spmem:s3] =	stream.indirect.scatter.add.f32 [tilespmem:s15], [sflag:$0x3], $0x80, s29, s12, $0xb8;
	[tilespmem:$0x1C200] =	vst v63  }
0x187: {  	_ =	swait.ge [sflag:s9], $0x4000  }
0x188: {  	s10 =	smov.u32 s1;
	[sflag:s9] =	ssyncset.done $0x0  }
0x189: {  	s0 =	sadd.s32 s11, s25;
	[sflag:s9] =	ssyncadd.s32 $0xFFFFC000  }
0x18a: {  	[tilespmem:s12], [sflag:$0x3] =	stream.linear.gather [hbm4b:s0+s4], $0x80, $0x38;
	[tilespmem:$0x1C200] =	vst v63  }
0x18b: {  	_ =	swait.ge [sflag:s9], $0x80  }
0x18c: {  	[sflag:s9] =	ssyncset.done $0x0  }
0x18d: {  	[sflag:s9] =	ssyncadd.s32 $0xFFFFFF80  }
0x18e: {  	[tilespmem:s15], [sflag:$0x2] =	stream.indirect.gather [hbm4b:s7+s12], $0x80, s12, s12, $0xb8;
	[tilespmem:$0x1C200] =	vst v63  }
0x18f: {  	s1 =	sadd.s32 s11, s23  }
0x190: {  	[tilespmem:s29], [sflag:$0x3] =	stream.linear.gather [hbm4b:s1+s4], $0x80, $0x38;
	[tilespmem:$0x1C200] =	vst v63  }
0x191: {  	_ =	swait.ge [sflag:s9], $0x80  }
0x192: {  	[sflag:s9] =	ssyncset.done $0x0  }
0x193: {  	[sflag:s9] =	ssyncadd.s32 $0xFFFFFF80  }
0x194: {  	_ =	swait.ge [sflag:s30], $0x4000  }
0x195: {  	[sflag:s30] =	ssyncset.done $0x0  }
0x196: {  	[sflag:s30] =	ssyncadd.s32 $0xFFFFC000  }
0x197: {  	[spmem:s3] =	stream.indirect.scatter.add.f32 [tilespmem:s13], [sflag:$0x3], $0x80, s14, s12, $0xb8;
	[tilespmem:$0x1C200] =	vst v63  }
0x198: {  	_ =	swait.ge [sflag:s9], $0x4000  }
0x199: {  	[sflag:s9] =	ssyncset.done $0x0  }
0x19a: {  	s2 =	sadd.s32 s11, s28;
	[sflag:s9] =	ssyncadd.s32 $0xFFFFC000  }
0x19b: {  	[tilespmem:s4], [sflag:$0x3] =	stream.linear.gather [hbm4b:s2+s4], $0x80, $0x38;
	[tilespmem:$0x1C200] =	vst v63  }
0x19c: {  	_ =	swait.ge [sflag:s9], $0x80  }
0x19d: {  	[sflag:s9] =	ssyncset.done $0x0  }
0x19e: {  	[sflag:s9] =	ssyncadd.s32 $0xFFFFFF80  }
0x19f: {  	[tilespmem:s13], [sflag:$0x1] =	stream.indirect.gather [hbm4b:s7+s12], $0x80, s4, s12, $0xb8;
	[tilespmem:$0x1C200] =	vst v63  }
0x1a0: {  	s10 =	sadd.s32 s11, s26  }
0x1a1: {  	[tilespmem:s14], [sflag:$0x3] =	stream.linear.gather [hbm4b:s10+s4], $0x80, $0x38;
	[tilespmem:$0x1C200] =	vst v63  }
0x1a2: {  	_ =	swait.ge [sflag:s9], $0x80  }
0x1a3: {  	[sflag:s9] =	ssyncset.done $0x0  }
0x1a4: {  	[sflag:s9] =	ssyncadd.s32 $0xFFFFFF80  }
0x1a5: {  	_ =	swait.ge [sflag:s31], $0x4000  }
0x1a6: {  	[sflag:s31] =	ssyncset.done $0x0  }
0x1a7: {  	[sflag:s31] =	ssyncadd.s32 $0xFFFFC000  }
0x1a8: {  	[spmem:s3] =	stream.indirect.scatter.add.f32 [tilespmem:s15], [sflag:$0x3], $0x80, s29, s12, $0xb8;
	[tilespmem:$0x1C200] =	vst v63  }
0x1a9: {  	_ =	swait.ge [sflag:s9], $0x4000  }
0x1aa: {  	[sflag:s9] =	ssyncset.done $0x0  }
0x1ab: {  	[sflag:s9] =	ssyncadd.s32 $0xFFFFC000  }
0x1ac: {  	_ =	swait.ge [sflag:s30], $0x4000  }
0x1ad: {  	[sflag:s30] =	ssyncset.done $0x0  }
0x1ae: {  	[sflag:s30] =	ssyncadd.s32 $0xFFFFC000  }
0x1af: {  	[spmem:s3] =	stream.indirect.scatter.add.f32 [tilespmem:s13], [sflag:$0x3], $0x80, s14, s12, $0xb8;
	[tilespmem:$0x1C200] =	vst v63  }
0x1b0: {  	_ =	swait.ge [sflag:s9], $0x4000  }
0x1b1: {  	[sflag:s9] =	ssyncset.done $0x0  }
0x1b2: {  	[sflag:s9] =	ssyncadd.s32 $0xFFFFC000  }
0x1b3: {  	[bflag:$0x0] =	sbarrier.arrive $0xFFFF  }
0x1b4: {  	s10 =	rddreg [dreg:$0x5]  }
0x1b5: {  	s11 =	rddreg [dreg:$0x9]  }
0x1b6: {  	s1 =	rddreg [dreg:$0x12]  }
0x1b7: {  	[hbm:s11], [sflag:s10] =	dma.local [spmem:s1], $0x2800  }
0x1b8: {  	_ =	swait.ge [sflag:s9], $0x2800  }
0x1b9: {  	s2 =	rddreg [dreg:$0x11]  }
0x1ba: {  	s11 =	rddreg [dreg:$0xa];
	s1 =	sadd.s32 $0x1, s2  }
0x1bb: {  	p0 =	sne.s32 s1, s11  }
.Ltmp3:
0x1bc: {  	_ = 	snop;
	(pc) =	sbr.rel @p0 .LBB2_1-.Ltmp3, $3  }
0x1bd: {  	_ =	sdelay $0x1  }
0x1be: {  	[sflag:s9] =	ssyncset.done $0x0  }
0x1bf: {  	[sflag:s9] =	ssyncadd.s32 $0xFFFFD800  }
0x1c0: {  	_ =	sfence.sel $0x180000  }
0x1c1: {  	[bflag:$0x0] =	sbarrier.arrive $0xFFFF  }
0x1c2: {  	_ =	strace $0x9000004A  }
0x1c3: {  	s0 =	stileid.u32;
	[bflag:$0x2] =	sbarrier.arrive $0xFFFF  }
0x1c4: {  	p0 =	sne.s32 s0, $0x0;
	s0 =	rddreg [dreg:$0x3]  }
0x1c5: {  	s0 =	sadd.s32 @!p0 $0x100000, s0  }
0x1c6: {  	[sflag:s0] =	ssyncadd.tile.s32 @!p0 $0x1;
	_ =	shalt  }
.Lfunc_end2:
_tile_overlayer_lowered:
.L_overlay_start_2:
0x1c7: {  	(tag) =	ssettag $0x2  }
0x1c8: {  	s0 =	rddreg [dreg:$0x0];
	s2 =	stileid.u32  }
0x1c9: {  	s1 =	rddreg [dreg:$0x1];
	p0 =	sne.s32 s2, $0x0  }
0x1ca: {  	s3 =	rddreg [dreg:$0x2];
	[bflag:$0x3] =	sbarrier.arrive $0xFFFF;
	s2 =	simm.s32 @!p0 $0x1C03  }
0x1cb: {  	[timem:s3], [sflag:s2] =	dma.local @!p0 [hbm:s0], s1  }
0x1cc: {  	s0 =	simm.s32 @!p0 $0x3  }
0x1cd: {  	_ =	swait.ge @!p0 [sflag:s0], s1  }
0x1ce: {  	s1 =	ssub.s32 @!p0 $0x0, s1;
	[sflag:s0] =	ssyncset.done @!p0 $0x0  }
0x1cf: {  	[sflag:s0] =	ssyncadd.s32 @!p0 s1  }
0x1d0: {  	[bflag:$0x3] =	sbarrier.arrive $0xFFFF  }
0x1d1: {  	_ =	shalt  }

// kernel: kernel.14.cloned.1.call-start
scs
__scs_entry_jumppad:
0x0: {  	(pc) =	sbr.rel $0x88, $3  }
0x1: {  	(tag) =	ssettag $0x0;
	lr =	simm.s32 $0x1  }
0x2: {  	[smem:$0x3F91] =	sst lr;
	_ =	strace $0xD0000000  }
0x3: {  	_ = 	snop  }
0x4: {  	_ = 	snop  }
0x5: {  	_ = 	snop  }
0x6: {  	_ = 	snop  }
0x7: {  	_ = 	snop  }
__scs_overlays_trampoline_lowered:
0x8: {  	[smem:$0x3FA0] =	sst s0  }
0x9: {  	[smem:$0x3FA1] =	sst s1  }
0xa: {  	[smem:$0x3FA2] =	sst s2  }
0xb: {  	[smem:$0x3FA3] =	sst s3  }
0xc: {  	[smem:$0x3FA4] =	sst s4  }
0xd: {  	[smem:$0x3FA5] =	sst s5  }
0xe: {  	[smem:$0x3FA6] =	sst s6  }
0xf: {  	[smem:$0x3FA7] =	sst s7  }
0x10: {  	[smem:$0x3FA8] =	sst s8  }
0x11: {  	[smem:$0x3FA9] =	sst s9;
	s0 =	simm.s32 @!p0 $0x0  }
0x12: {  	s1 =	sld [smem:$0x3F8F];
	s0 =	simm.s32 @p0 $0x1  }
0x13: {  	[smem:$0x3FAA] =	sst s0;
	s0 =	simm.s32 @!p1 $0x0  }
0x14: {  	s2 =	sld [smem:$0x3F8E];
	s0 =	simm.s32 @p1 $0x1  }
0x15: {  	[smem:$0x3FAB] =	sst s0;
	s0 =	simm.s32 @!p2 $0x0  }
0x16: {  	s3 =	sld [smem:$0x3FDB];
	s0 =	simm.s32 @p2 $0x1  }
0x17: {  	s4 =	simm.s32 $0x1BF5;
	[smem:$0x3FAD] =	sst s0  }
0x18: {  	s0 =	sld [smem:$0x3F90];
	_ =	swait.ge [sflag:s4], $0x0  }
0x19: {  	s7 =	sld [smem:$0x3F91]  }
0x1a: {  	s8 =	sadd.s32 $0xFFFFE003, lr  }
0x1b: {  	s9 =	sadd.s32 $0xFFFFFEF7, lr;
	s5 =	simm.s32 $0xFFFFFFFF;
	p2 =	slt.u32 s8, $0xFFFFF086  }
0x1c: {  	p1 =	slt.u32 s9, $0xF7A;
	s5 =	simm.s32 @!p2 $0x0  }
0x1d: {  	s5 =	simm.s32 @p1 $0x1;
	p0 =	seq.s32 s7, s2  }
0x1e: {  	s7 =	smul.u32 @!p0 $0xF7A, s2;
	p2 =	seq.s32 @!p0 s5, $0x0  }
0x1f: {  	s9 =	smul.u32 $0xF7A, s1;
	s8 =	simm.s32 @!p0 $0x1BF5;
	p2 =	por !p2, p0  }
0x20: {  	[sflag:s8] =	ssyncset.s32 @!p0 $0xFFFFF086;
	s6 =	sadd.s32 @!p0 s3, s7;
	s7 =	simm.s32 @!p0 $0x108  }
0x21: {  	s3 =	sadd.s32 s3, s9;
	s6 =	sadd.s32 @!p0 $0x88, s6;
	s7 =	simm.s32 @p2 $0x1082  }
0x22: {  	[simem:s7], [sflag:s8] =	dma.local @!p0 [hbm:s6], $0xF7A  }
0x23: {  	s9 =	sor.u32 $0xD0000000, s2;
	s6 =	simm.s32 $0x108;
	_ =	swait.ge @!p0 [sflag:s8], $0x0  }
0x24: {  	s3 =	sadd.s32 $0x88, s3;
	s6 =	simm.s32 @!p1 $0x1082;
	[sflag:s4] =	ssyncset.s32 $0xFFFFF086  }
0x25: {  	[simem:s6], [sflag:s4] =	dma.local [hbm:s3], $0xF7A  }
0x26: {  	[smem:$0x3F91] =	sst s1;
	(tag) =	ssettag s2;
	_ =	strace s9  }
0x27: {  	s1 =	sld [smem:$0x3FA1]  }
0x28: {  	s2 =	sld [smem:$0x3FA2]  }
0x29: {  	s4 =	sld [smem:$0x3FA4]  }
0x2a: {  	p0 =	seq.s32 s5, $0x0;
	s5 =	sld [smem:$0x3FA5]  }
0x2b: {  	s6 =	sld [smem:$0x3FA6]  }
0x2c: {  	s7 =	sld [smem:$0x3FA7]  }
0x2d: {  	s3 =	simm.s32 $0x108;
	s8 =	sld [smem:$0x3FA8]  }
0x2e: {  	s3 =	simm.s32 @!p0 $0x1082;
	s9 =	sld [smem:$0x3FA9]  }
0x2f: {  	lr =	sadd.s32 s0, s3;
	s0 =	sld [smem:$0x3FA0]  }
0x30: {  	s3 =	sld [smem:$0x3FA3]  }
0x31: {  	[smem:$0x3FAC] =	sst s10  }
0x32: {  	s10 =	sld [smem:$0x3FAA];
	_ =	sdelay $0x3  }
0x33: {  	p0 =	seq.s32 s10, $0x1;
	s10 =	sld [smem:$0x3FAC];
	_ =	sdelay $0x3  }
0x34: {  	[smem:$0x3FAC] =	sst s10  }
0x35: {  	s10 =	sld [smem:$0x3FAB];
	_ =	sdelay $0x3  }
0x36: {  	p1 =	seq.s32 s10, $0x1;
	s10 =	sld [smem:$0x3FAC];
	_ =	sdelay $0x3  }
0x37: {  	[smem:$0x3FAC] =	sst s10  }
0x38: {  	s10 =	sld [smem:$0x3FAD]  }
0x39: {  	_ = 	snop;
	(pc) =	sbr.ind lr, $3  }
0x3a: {  	_ = 	snop  }
0x3b: {  	_ = 	snop  }
0x3c: {  	p2 =	seq.s32 s10, $0x1;
	s10 =	sld [smem:$0x3FAC]  }
0x3d: {  	_ =	shalt  }
0x3e: {  	_ =	shalt  }
0x3f: {  	_ =	shalt  }
0x40: {  	_ =	shalt  }
0x41: {  	_ =	shalt  }
0x42: {  	_ =	shalt  }
0x43: {  	_ =	shalt  }
0x44: {  	_ =	shalt  }
0x45: {  	_ =	shalt  }
0x46: {  	_ =	shalt  }
0x47: {  	_ =	shalt  }
0x48: {  	_ =	shalt  }
0x49: {  	_ =	shalt  }
0x4a: {  	_ =	shalt  }
0x4b: {  	_ =	shalt  }
0x4c: {  	_ =	shalt  }
0x4d: {  	_ =	shalt  }
0x4e: {  	_ =	shalt  }
0x4f: {  	_ =	shalt  }
0x50: {  	_ =	shalt  }
0x51: {  	_ =	shalt  }
0x52: {  	_ =	shalt  }
0x53: {  	_ =	shalt  }
0x54: {  	_ =	shalt  }
0x55: {  	_ =	shalt  }
0x56: {  	_ =	shalt  }
0x57: {  	_ =	shalt  }
0x58: {  	_ =	shalt  }
0x59: {  	_ =	shalt  }
0x5a: {  	_ =	shalt  }
0x5b: {  	_ =	shalt  }
0x5c: {  	_ =	shalt  }
0x5d: {  	_ =	shalt  }
0x5e: {  	_ =	shalt  }
0x5f: {  	_ =	shalt  }
0x60: {  	_ =	shalt  }
0x61: {  	_ =	shalt  }
0x62: {  	_ =	shalt  }
0x63: {  	_ =	shalt  }
0x64: {  	_ =	shalt  }
0x65: {  	_ =	shalt  }
0x66: {  	_ =	shalt  }
0x67: {  	_ =	shalt  }
0x68: {  	_ =	shalt  }
0x69: {  	_ =	shalt  }
0x6a: {  	_ =	shalt  }
0x6b: {  	_ =	shalt  }
0x6c: {  	_ =	shalt  }
0x6d: {  	_ =	shalt  }
0x6e: {  	_ =	shalt  }
0x6f: {  	_ =	shalt  }
0x70: {  	_ =	shalt  }
0x71: {  	_ =	shalt  }
0x72: {  	_ =	shalt  }
0x73: {  	_ =	shalt  }
0x74: {  	_ =	shalt  }
0x75: {  	_ =	shalt  }
0x76: {  	_ =	shalt  }
0x77: {  	_ =	shalt  }
0x78: {  	_ =	shalt  }
0x79: {  	_ =	shalt  }
0x7a: {  	_ =	shalt  }
0x7b: {  	_ =	shalt  }
0x7c: {  	_ =	shalt  }
0x7d: {  	_ =	shalt  }
0x7e: {  	_ =	shalt  }
0x7f: {  	_ =	shalt  }
0x80: {  	_ =	shalt  }
0x81: {  	_ =	shalt  }
0x82: {  	_ =	shalt  }
0x83: {  	_ =	shalt  }
0x84: {  	_ =	shalt  }
0x85: {  	_ =	shalt  }
0x86: {  	_ =	shalt  }
0x87: {  	_ =	shalt  }
.Lfunc_end0:
.L_simem_size_0:
called_computation.2_lowered:
.L_overlay_start_0:
0x88: {  	s2 =	sld [smem:$0x3FD9]  }
0x89: {  	s3 =	sld [smem:$0x3FFE];
	_ =	sdelay $0x1  }
0x8a: {  	s1 =	srdreg.scid  }
0x8b: {  	s0 =	sand.u32 $0x1, s1  }
0x8c: {  	s17 =	sshll.u32 s0, $0xA;
	s2 =	sadd.s32 s3, s2  }
0x8d: {  	s2 =	sadd.s32 s2, s17  }
0x8e: {  	[smem:$0x3FB8] =	sst s2  }
0x8f: {  	_ = 	snop  }
0x90: {  	s2 =	sld [smem:$0x3FD0];
	(tm) =	ssettm $0x1  }
0x91: {  	s18 =	sld [smem:$0x3FFB];
	_ =	sdelay $0x3  }
0x92: {  	_ =	strace s18  }
0x93: {  	s3 =	sld [smem:$0x3FFC];
	_ =	sdelay $0x3  }
0x94: {  	_ =	strace s3  }
0x95: {  	s3 =	sld [smem:$0x3FFD];
	_ =	sdelay $0x3  }
0x96: {  	_ =	strace s3  }
0x97: {  	_ =	strace $0x8FFFFFFF  }
0x98: {  	s19 =	sld [smem:$0x3FDB];
	_ =	sdelay $0x1  }
0x99: {  	s4 =	simm.s32 $_scs_section_size  }
0x9a: {  	s5 =	simm.s32 $_size__tile_overlayer_lowered;
	s6 =	simm.s32 $_tile_overlayer_lowered  }
0x9b: {  	s22 =	simm.s32 $0x1BFF;
	s21 =	sshll.u32 s6, $0x1;
	s3 =	sadd.s32 s4, s19  }
0x9c: {  	s7 =	simm.s32 $0x0;
	s20 =	sshll.u32 s5, $0x1;
	s5 =	sadd.s32 s21, s3  }
0x9d: {  	[timem:s7], [sflag:s22] =	dma.local [hbm:s5], s20  }
0x9e: {  	_ =	swait.ge [sflag:s22], s20  }
0x9f: {  	s4 =	ssub.s32 $0x0, s20;
	[sflag:s22] =	ssyncset.done $0x0  }
0xa0: {  	[sflag:s22] =	ssyncadd.s32 s4;
	_ =	sdelay $0x1  }
0xa1: {  	s23 =	simm.s32 $0x1B8B  }
0xa2: {  	_ =	swait.ge [sflag:s23], $0x1  }
0xa3: {  	[sflag:s23] =	ssyncset.done $0x0  }
0xa4: {  	s25 =	simm.s32 $0x1B8E;
	s24 =	sld [smem:$0x3FFE];
	[sflag:s23] =	ssyncadd.s32 $0xFFFFFFFF  }
0xa5: {  	s26 =	simm.s32 $execute0_lowered;
	[smem:$0x3FD2] =	sst s25  }
0xa6: {  	s5 =	sshll.u32 s26, $0x1;
	_ =	strace $0x8000004C;
	[dreg:$0x1] =	wrdreg $0xFFFFFFFF  }
0xa7: {  	s28 =	simm.s32 $_size_execute0_lowered;
	s3 =	sadd.s32 s3, s5;
	[dreg:$0x0] =	wrdreg $0x0  }
0xa8: {  	s5 =	sshll.u32 s28, $0x1;
	[dreg:$0x2] =	wrdreg s3  }
0xa9: {  	[dreg:$0x3] =	wrdreg s5  }
0xaa: {  	[dreg:$0x4] =	wrdreg $0xC0  }
0xab: {  	_ =	task [dreg:s7], $0x5FFFF  }
0xac: {  	[dreg:$0x1] =	wrdreg $0xFFFFFFFF  }
0xad: {  	[dreg:$0x0] =	wrdreg $0x60  }
0xae: {  	[dreg:$0x2] =	wrdreg s24  }
0xaf: {  	[dreg:$0x3] =	wrdreg s2  }
0xb0: {  	[dreg:$0x4] =	wrdreg $0x82000  }
0xb1: {  	[dreg:$0x5] =	wrdreg $0x9  }
0xb2: {  	_ =	task.clear_ibuf [dreg:s7], $0x6FFFF;
	_ =	strace $0x9000004C  }
0xb3: {  	s29 =	simm.s32 $0x9;
	_ =	strace $0x8000004E  }
0xb4: {  	_ =	swait.ge [sflag:s29], $0x1  }
0xb5: {  	[sflag:s29] =	ssyncadd.s32 $0xFFFFFFFF  }
0xb6: {  	_ =	strace $0x9000004E  }
0xb7: {  	_ =	sfence  }
0xb8: {  	s30 =	sld [smem:$0x0];
	_ =	sdelay $0x2  }
0xb9: {  	s31 =	sshll.u32 s1, $0xD;
	s1 =	sshrl.u32 s1, $0x2  }
0xba: {  	s3 =	sand.u32 $0x4000, s31;
	s1 =	sadd.s32 s1, s30  }
0xbb: {  	s0 =	sor.u32 s3, s0;
	s1 =	sshll.u32 s1, $0x11  }
0xbc: {  	s0 =	sor.u32 s1, s0  }
0xbd: {  	s0 =	sadd.s32 $0x8F2B, s0  }
0xbe: {  	[sflag:s0] =	ssyncadd.remote.s32 $0x1  }
0xbf: {  	_ =	sfence.sel $0xFFFF  }
0xc0: {  	[dreg:$0x0] =	wrdreg $0xFFFFFFFF;
	(pc) =	sbr.abs _section_cstart, $3  }
0xc1: {  	[dreg:$0x1] =	wrdreg $0xFFFFFFFF  }
0xc2: {  	_ =	task.clear_ibuf [dreg:s7], $0x2FFFF;
	_ =	strace $0x9FFFFFFF  }
0xc3: {  	(tm) =	ssettm $0x7FFFFFFF  }
tec
execute0_lowered:
.L_overlay_start_1:
0x0: {  	(tag) =	ssettag $0x1  }
0x1: {  	s0 =	rddreg [dreg:$0x0]  }
0x2: {  	s24 =	rddreg [dreg:$0x1]  }
0x3: {  	s3 =	rddreg [dreg:$0x2]  }
0x4: {  	s4 =	simm.s32 $0x0;
	s1 =	srdreg.scid;
	s13 =	stileid.u32  }
0x5: {  	s29 =	simm.s32 $0x180;
	s30 =	simm.s32 $0x1;
	s31 =	simm.s32 $0x2  }
0x6: {  	[smem:$0x7FF] =	sst s4;
	s1 =	sand.u32 $0x1, s1;
	s2 =	smul.u32 $0x280, s13  }
0x7: {  	s5 =	sadd.s32 $0x3FE00, s0;
	s6 =	sadd.s32 $0x67E00, s0;
	s11 =	smul.u32 $0x50000, s13  }
0x8: {  	s7 =	sadd.s32 $0x8FE00, s0;
	s8 =	sadd.s32 $0x4A00, s0;
	s23 =	smul.u32 $0x2780, s13  }
0x9: {  	s22 =	sshll.u32 s13, $0x6;
	_ =	strace $0x8000004D;
	s9 =	smul.u32 $0x2800, s1  }
0xa: {  	s19 =	sshll.u32 s1, $0x4;
	s10 =	ssub.s32 $0x2, s1;
	s1 =	smul.u32 $0x27800, s1  }
0xb: {  	s12 =	sshrl.u32 s10, $0x1;
	s21 =	sshrl.u32 s11, $0x2;
	s2 =	sadd.s32 s2, s9  }
0xc: {  	s9 =	sor.u32 s13, s19;
	s20 =	ssub.s32 s10, s12;
	s10 =	sadd.s32 s21, s3  }
0xd: {  	s1 =	sadd.s32 s23, s1;
	s2 =	sshll.u32 s2, $0x4;
	s9 =	smul.u32 $0x2780, s9  }
0xe: {  	[dreg:$0x4] =	wrdreg s10;
	s10 =	sor.u32 $0x1C03, s22;
	s12 =	sadd.s32 $0x4F080, s1  }
0xf: {  	s13 =	sadd.s32 $0x80, s1;
	s15 =	sadd.s32 $0x4F100, s1;
	s19 =	sadd.s32 $0xED080, s1  }
0x10: {  	s21 =	sadd.s32 $0x9E080, s1;
	s23 =	sadd.s32 $0xED100, s1;
	s0 =	sadd.s32 s2, s0  }
0x11: {  	s2 =	smax.u32 s20, $0x1;
	s14 =	sshrl.u32 s13, $0x3;
	s18 =	sshrl.u32 s15, $0x3  }
0x12: {  	s20 =	sshrl.u32 s19, $0x3;
	s22 =	sshrl.u32 s21, $0x3;
	[dreg:$0x5] =	wrdreg s10  }
0x13: {  	s9 =	sshrl.u32 s9, $0x3;
	s25 =	sadd.s32 $0x12FE00, s0;
	s26 =	sadd.s32 $0xDFE00, s0  }
0x14: {  	s0 =	sadd.s32 $0x17FE00, s0;
	[dreg:$0xa] =	wrdreg s2;
	s17 =	sadd.s32 s14, s8  }
0x15: {  	s18 =	sadd.s32 s18, s8;
	s19 =	sadd.s32 s20, s8;
	[dreg:$0x7] =	wrdreg s25  }
0x16: {  	s20 =	sadd.s32 s22, s8;
	s14 =	sadd.s32 $0x13C080, s1;
	[dreg:$0x8] =	wrdreg s26  }
0x17: {  	s9 =	sadd.s32 s8, s9;
	[dreg:$0x9] =	wrdreg s0;
	s0 =	sshrl.u32 s12, $0x3  }
0x18: {  	s25 =	sshrl.u32 s23, $0x3;
	s26 =	sadd.s32 $0x9E100, s1;
	s12 =	sadd.s32 $0x18B080, s1  }
0x19: {  	s15 =	sshrl.u32 s14, $0x3;
	s16 =	sadd.s32 s0, s8;
	s21 =	sadd.s32 s25, s8  }
0x1a: {  	s11 =	sshrl.u32 s26, $0x3;
	s13 =	sshrl.u32 s12, $0x3;
	s25 =	sadd.s32 $0x18B100, s1  }
0x1b: {  	s26 =	sadd.s32 $0x100, s1;
	s1 =	sadd.s32 $0x13C100, s1;
	s12 =	sadd.s32 $0x13C00, s9  }
0x1c: {  	s14 =	sadd.s32 $0x27800, s9;
	[dreg:$0x6] =	wrdreg s9;
	s22 =	sadd.s32 s11, s8  }
0x1d: {  	s23 =	sadd.s32 s13, s8;
	s2 =	sshrl.u32 s25, $0x3;
	[dreg:$0xb] =	wrdreg s26  }
0x1e: {  	s25 =	sadd.s32 s15, s8;
	s11 =	sadd.s32 $0x9E00, s9;
	[dreg:$0xd] =	wrdreg s12  }
0x1f: {  	s13 =	sadd.s32 $0x1DA00, s9;
	[dreg:$0xf] =	wrdreg s14;
	s15 =	sadd.s32 $0x31600, s9  }
0x20: {  	s9 =	simm.s32 $0x3;
	s12 =	simm.s32 $0x80;
	[dreg:$0xc] =	wrdreg s11  }
0x21: {  	s14 =	simm.s32 $0x100;
	s26 =	sadd.s32 s2, s8;
	[dreg:$0xe] =	wrdreg s13  }
0x22: {  	s2 =	sshrl.u32 s1, $0x3;
	[dreg:$0x10] =	wrdreg s15;
	s13 =	simm.s32 $0x200  }
0x23: {  	s15 =	simm.s32 $0x4200;
	s1 =	simm.s32 $0x0;
	s28 =	sadd.s32 s2, s8  }
.LBB2_1:
0x24: {  	s0 =	rddreg [dreg:$0x4]  }
0x25: {  	[dreg:$0x11] =	wrdreg s1;
	s0 =	sshrl.u32 s0, $0x3  }
0x26: {  	[dreg:$0x12] =	wrdreg s0  }
0x27: {  	[spmem:s0], [sflag:s10] =	dma.local [hbm:s24], $0x2800  }
0x28: {  	_ =	swait.ge [sflag:s9], $0x2800  }
0x29: {  	[sflag:s9] =	ssyncset.done $0x0  }
0x2a: {  	[sflag:s9] =	ssyncadd.s32 $0xFFFFD800  }
0x2b: {  	[bflag:$0x0] =	sbarrier.arrive $0xFFFF  }
0x2c: {  	s11 =	rddreg [dreg:$0x6]  }
0x2d: {  	[tilespmem:s4], [sflag:$0x3] =	stream.linear.gather [hbm4b:s11+s4], $0x80, $0x38;
	[tilespmem:$0x1C200] =	vst v63  }
0x2e: {  	_ =	swait.ge [sflag:s9], $0x80  }
0x2f: {  	[sflag:s9] =	ssyncset.done $0x0  }
0x30: {  	[sflag:s9] =	ssyncadd.s32 $0xFFFFFF80  }
0x31: {  	[tilespmem:s13], [sflag:$0x1] =	stream.indirect.gather [hbm4b:s5+s12], $0x80, s4, s12, $0xb8;
	[tilespmem:$0x1C200] =	vst v63  }
0x32: {  	s24 =	rddreg [dreg:$0xc]  }
0x33: {  	[tilespmem:s14], [sflag:$0x3] =	stream.linear.gather [hbm4b:s24+s4], $0x80, $0x38;
	[tilespmem:$0x1C200] =	vst v63  }
0x34: {  	_ =	swait.ge [sflag:s9], $0x80  }
0x35: {  	[sflag:s9] =	ssyncset.done $0x0  }
0x36: {  	s0 =	sadd.s32 $0x0, s17;
	[sflag:s9] =	ssyncadd.s32 $0xFFFFFF80  }
0x37: {  	[tilespmem:s12], [sflag:$0x3] =	stream.linear.gather [hbm4b:s0+s4], $0x80, $0x38;
	[tilespmem:$0x1C200] =	vst v63  }
0x38: {  	_ =	swait.ge [sflag:s9], $0x80  }
0x39: {  	[sflag:s9] =	ssyncset.done $0x0  }
0x3a: {  	[sflag:s9] =	ssyncadd.s32 $0xFFFFFF80  }
0x3b: {  	[tilespmem:s15], [sflag:$0x2] =	stream.indirect.gather [hbm4b:s5+s12], $0x80, s12, s12, $0xb8;
	[tilespmem:$0x1C200] =	vst v63  }
0x3c: {  	s2 =	sadd.s32 $0x0, s16  }
0x3d: {  	[tilespmem:s29], [sflag:$0x3] =	stream.linear.gather [hbm4b:s2+s4], $0x80, $0x38;
	[tilespmem:$0x1C200] =	vst v63  }
0x3e: {  	_ =	swait.ge [sflag:s9], $0x80  }
0x3f: {  	[sflag:s9] =	ssyncset.done $0x0  }
0x40: {  	[sflag:s9] =	ssyncadd.s32 $0xFFFFFF80  }
0x41: {  	_ =	swait.ge [sflag:s30], $0x4000  }
0x42: {  	[sflag:s30] =	ssyncset.done $0x0  }
0x43: {  	[sflag:s30] =	ssyncadd.s32 $0xFFFFC000  }
0x44: {  	[spmem:s3] =	stream.indirect.scatter.add.f32 [tilespmem:s13], [sflag:$0x3], $0x80, s14, s12, $0xb8;
	[tilespmem:$0x1C200] =	vst v63  }
0x45: {  	_ =	swait.ge [sflag:s9], $0x4000  }
0x46: {  	s10 =	rddreg [dreg:$0xb]  }
0x47: {  	[sflag:s9] =	ssyncset.done $0x0;
	s11 =	sshrl.u32 s10, $0x3  }
0x48: {  	[sflag:s9] =	ssyncadd.s32 $0xFFFFC000;
	s1 =	sadd.s32 s8, s11  }
0x49: {  	[tilespmem:s4], [sflag:$0x3] =	stream.linear.gather [hbm4b:s1+s4], $0x80, $0x38;
	[tilespmem:$0x1C200] =	vst v63  }
0x4a: {  	_ =	swait.ge [sflag:s9], $0x80  }
0x4b: {  	[sflag:s9] =	ssyncset.done $0x0  }
0x4c: {  	[sflag:s9] =	ssyncadd.s32 $0xFFFFFF80  }
0x4d: {  	[tilespmem:s13], [sflag:$0x1] =	stream.indirect.gather [hbm4b:s5+s12], $0x80, s4, s12, $0xb8;
	[tilespmem:$0x1C200] =	vst v63  }
0x4e: {  	s24 =	sadd.s32 $0x0, s18  }
0x4f: {  	[tilespmem:s14], [sflag:$0x3] =	stream.linear.gather [hbm4b:s24+s4], $0x80, $0x38;
	[tilespmem:$0x1C200] =	vst v63  }
0x50: {  	_ =	swait.ge [sflag:s9], $0x80  }
0x51: {  	[sflag:s9] =	ssyncset.done $0x0  }
0x52: {  	[sflag:s9] =	ssyncadd.s32 $0xFFFFFF80  }
0x53: {  	_ =	swait.ge [sflag:s31], $0x4000  }
0x54: {  	[sflag:s31] =	ssyncset.done $0x0  }
0x55: {  	[sflag:s31] =	ssyncadd.s32 $0xFFFFC000  }
0x56: {  	[spmem:s3] =	stream.indirect.scatter.add.f32 [tilespmem:s15], [sflag:$0x3], $0x80, s29, s12, $0xb8;
	[tilespmem:$0x1C200] =	vst v63  }
0x57: {  	s11 =	simm.s32 $0x20;
	_ =	swait.ge [sflag:s9], $0x4000  }
0x58: {  	s1 =	sadd.s32 $0x100, s10;
	s24 =	simm.s32 $0x40;
	[sflag:s9] =	ssyncset.done $0x0  }
.LBB2_2:
0x59: {  	s0 =	sadd.s32 s11, s17  }
0x5a: {  	[sflag:s9] =	ssyncadd.s32 $0xFFFFC000;
	s2 =	smov.u32 s24;
	s10 =	sadd.s32 $0x20, s24  }
0x5b: {  	[tilespmem:s12], [sflag:$0x3] =	stream.linear.gather [hbm4b:s0+s4], $0x80, $0x38;
	[tilespmem:$0x1C200] =	vst v63  }
0x5c: {  	p0 =	sne.s32 s24, $0x4C0;
	_ =	swait.ge [sflag:s9], $0x80  }
0x5d: {  	[sflag:s9] =	ssyncset.done $0x0  }
0x5e: {  	[sflag:s9] =	ssyncadd.s32 $0xFFFFFF80  }
0x5f: {  	[tilespmem:s15], [sflag:$0x2] =	stream.indirect.gather [hbm4b:s5+s12], $0x80, s12, s12, $0xb8;
	[tilespmem:$0x1C200] =	vst v63  }
0x60: {  	s0 =	sadd.s32 s11, s16  }
0x61: {  	[tilespmem:s29], [sflag:$0x3] =	stream.linear.gather [hbm4b:s0+s4], $0x80, $0x38;
	[tilespmem:$0x1C200] =	vst v63  }
0x62: {  	_ =	swait.ge [sflag:s9], $0x80  }
0x63: {  	[sflag:s9] =	ssyncset.done $0x0  }
0x64: {  	[sflag:s9] =	ssyncadd.s32 $0xFFFFFF80  }
0x65: {  	_ =	swait.ge [sflag:s30], $0x4000  }
0x66: {  	[sflag:s30] =	ssyncset.done $0x0  }
0x67: {  	[sflag:s30] =	ssyncadd.s32 $0xFFFFC000  }
0x68: {  	[spmem:s3] =	stream.indirect.scatter.add.f32 [tilespmem:s13], [sflag:$0x3], $0x80, s14, s12, $0xb8;
	[tilespmem:$0x1C200] =	vst v63  }
0x69: {  	_ =	swait.ge [sflag:s9], $0x4000  }
0x6a: {  	s0 =	sshrl.u32 s1, $0x3;
	[sflag:s9] =	ssyncset.done $0x0  }
0x6b: {  	s0 =	sadd.s32 s8, s0;
	[sflag:s9] =	ssyncadd.s32 $0xFFFFC000  }
0x6c: {  	[tilespmem:s4], [sflag:$0x3] =	stream.linear.gather [hbm4b:s0+s4], $0x80, $0x38;
	[tilespmem:$0x1C200] =	vst v63  }
0x6d: {  	_ =	swait.ge [sflag:s9], $0x80  }
0x6e: {  	[sflag:s9] =	ssyncset.done $0x0  }
0x6f: {  	[sflag:s9] =	ssyncadd.s32 $0xFFFFFF80  }
0x70: {  	[tilespmem:s13], [sflag:$0x1] =	stream.indirect.gather [hbm4b:s5+s12], $0x80, s4, s12, $0xb8;
	[tilespmem:$0x1C200] =	vst v63  }
0x71: {  	s0 =	sadd.s32 s11, s18;
	s11 =	smov.u32 s2  }
0x72: {  	[tilespmem:s14], [sflag:$0x3] =	stream.linear.gather [hbm4b:s0+s4], $0x80, $0x38;
	[tilespmem:$0x1C200] =	vst v63  }
0x73: {  	_ =	swait.ge [sflag:s9], $0x80  }
0x74: {  	[sflag:s9] =	ssyncset.done $0x0  }
0x75: {  	[sflag:s9] =	ssyncadd.s32 $0xFFFFFF80  }
0x76: {  	_ =	swait.ge [sflag:s31], $0x4000  }
.Ltmp0:
0x77: {  	[sflag:s31] =	ssyncset.done $0x0;
	(pc) =	sbr.rel @p0 .LBB2_2-.Ltmp0, $4  }
0x78: {  	[sflag:s31] =	ssyncadd.s32 $0xFFFFC000  }
0x79: {  	[spmem:s3] =	stream.indirect.scatter.add.f32 [tilespmem:s15], [sflag:$0x3], $0x80, s29, s12, $0xb8;
	[tilespmem:$0x1C200] =	vst v63  }
0x7a: {  	_ =	swait.ge [sflag:s9], $0x4000  }
0x7b: {  	s24 =	smov.u32 s10;
	s1 =	sadd.s32 $0x100, s1;
	[sflag:s9] =	ssyncset.done $0x0  }
0x7c: {  	s0 =	sadd.s32 s11, s17;
	[sflag:s9] =	ssyncadd.s32 $0xFFFFC000  }
0x7d: {  	[tilespmem:s12], [sflag:$0x3] =	stream.linear.gather [hbm4b:s0+s4], $0x80, $0x38;
	[tilespmem:$0x1C200] =	vst v63  }
0x7e: {  	_ =	swait.ge [sflag:s9], $0x80  }
0x7f: {  	[sflag:s9] =	ssyncset.done $0x0  }
0x80: {  	[sflag:s9] =	ssyncadd.s32 $0xFFFFFF80  }
0x81: {  	[tilespmem:s15], [sflag:$0x2] =	stream.indirect.gather [hbm4b:s5+s12], $0x80, s12, s12, $0xb8;
	[tilespmem:$0x1C200] =	vst v63  }
0x82: {  	s24 =	sadd.s32 s11, s16  }
0x83: {  	[tilespmem:s29], [sflag:$0x3] =	stream.linear.gather [hbm4b:s24+s4], $0x80, $0x38;
	[tilespmem:$0x1C200] =	vst v63  }
0x84: {  	_ =	swait.ge [sflag:s9], $0x80  }
0x85: {  	[sflag:s9] =	ssyncset.done $0x0  }
0x86: {  	[sflag:s9] =	ssyncadd.s32 $0xFFFFFF80  }
0x87: {  	_ =	swait.ge [sflag:s30], $0x4000  }
0x88: {  	[sflag:s30] =	ssyncset.done $0x0  }
0x89: {  	[sflag:s30] =	ssyncadd.s32 $0xFFFFC000  }
0x8a: {  	[spmem:s3] =	stream.indirect.scatter.add.f32 [tilespmem:s13], [sflag:$0x3], $0x80, s14, s12, $0xb8;
	[tilespmem:$0x1C200] =	vst v63  }
0x8b: {  	_ =	swait.ge [sflag:s9], $0x4000  }
0x8c: {  	s2 =	sshrl.u32 s1, $0x3;
	[sflag:s9] =	ssyncset.done $0x0  }
0x8d: {  	s0 =	sadd.s32 s8, s2;
	[sflag:s9] =	ssyncadd.s32 $0xFFFFC000  }
0x8e: {  	[tilespmem:s4], [sflag:$0x3] =	stream.linear.gather [hbm4b:s0+s4], $0x80, $0x38;
	[tilespmem:$0x1C200] =	vst v63  }
0x8f: {  	_ =	swait.ge [sflag:s9], $0x80  }
0x90: {  	[sflag:s9] =	ssyncset.done $0x0  }
0x91: {  	[sflag:s9] =	ssyncadd.s32 $0xFFFFFF80  }
0x92: {  	[tilespmem:s13], [sflag:$0x1] =	stream.indirect.gather [hbm4b:s5+s12], $0x80, s4, s12, $0xb8;
	[tilespmem:$0x1C200] =	vst v63  }
0x93: {  	s10 =	sadd.s32 s11, s18  }
0x94: {  	[tilespmem:s14], [sflag:$0x3] =	stream.linear.gather [hbm4b:s10+s4], $0x80, $0x38;
	[tilespmem:$0x1C200] =	vst v63  }
0x95: {  	_ =	swait.ge [sflag:s9], $0x80  }
0x96: {  	[sflag:s9] =	ssyncset.done $0x0  }
0x97: {  	[sflag:s9] =	ssyncadd.s32 $0xFFFFFF80  }
0x98: {  	_ =	swait.ge [sflag:s31], $0x4000  }
0x99: {  	[sflag:s31] =	ssyncset.done $0x0  }
0x9a: {  	[sflag:s31] =	ssyncadd.s32 $0xFFFFC000  }
0x9b: {  	[spmem:s3] =	stream.indirect.scatter.add.f32 [tilespmem:s15], [sflag:$0x3], $0x80, s29, s12, $0xb8;
	[tilespmem:$0x1C200] =	vst v63  }
0x9c: {  	_ =	swait.ge [sflag:s9], $0x4000  }
0x9d: {  	[sflag:s9] =	ssyncset.done $0x0  }
0x9e: {  	[sflag:s9] =	ssyncadd.s32 $0xFFFFC000  }
0x9f: {  	_ =	swait.ge [sflag:s30], $0x4000  }
0xa0: {  	[sflag:s30] =	ssyncset.done $0x0  }
0xa1: {  	[sflag:s30] =	ssyncadd.s32 $0xFFFFC000  }
0xa2: {  	[spmem:s3] =	stream.indirect.scatter.add.f32 [tilespmem:s13], [sflag:$0x3], $0x80, s14, s12, $0xb8;
	[tilespmem:$0x1C200] =	vst v63  }
0xa3: {  	_ =	swait.ge [sflag:s9], $0x4000  }
0xa4: {  	[sflag:s9] =	ssyncset.done $0x0  }
0xa5: {  	[sflag:s9] =	ssyncadd.s32 $0xFFFFC000  }
0xa6: {  	[bflag:$0x0] =	sbarrier.arrive $0xFFFF  }
0xa7: {  	s11 =	rddreg [dreg:$0x5]  }
0xa8: {  	s24 =	rddreg [dreg:$0x8]  }
0xa9: {  	s2 =	rddreg [dreg:$0x12]  }
0xaa: {  	[hbm:s24], [sflag:s11] =	dma.local [spmem:s2], $0x2800  }
0xab: {  	_ =	swait.ge [sflag:s9], $0x2800  }
0xac: {  	[sflag:s9] =	ssyncset.done $0x0  }
0xad: {  	[sflag:s9] =	ssyncadd.s32 $0xFFFFD800  }
0xae: {  	s24 =	rddreg [dreg:$0x1]  }
0xaf: {  	[spmem:s2], [sflag:s11] =	dma.local [hbm:s24], $0x2800  }
0xb0: {  	_ =	swait.ge [sflag:s9], $0x2800  }
0xb1: {  	[sflag:s9] =	ssyncset.done $0x0  }
0xb2: {  	[sflag:s9] =	ssyncadd.s32 $0xFFFFD800  }
0xb3: {  	[bflag:$0x0] =	sbarrier.arrive $0xFFFF  }
0xb4: {  	s2 =	simm.s32 $0x0;
	s10 =	rddreg [dreg:$0xd]  }
0xb5: {  	[tilespmem:s2], [sflag:$0x3] =	stream.linear.gather [hbm4b:s10+s2], $0x80, $0x38;
	[tilespmem:$0x1C200] =	vst v63  }
0xb6: {  	_ =	swait.ge [sflag:s9], $0x80  }
0xb7: {  	[sflag:s9] =	ssyncset.done $0x0  }
0xb8: {  	[sflag:s9] =	ssyncadd.s32 $0xFFFFFF80  }
0xb9: {  	[tilespmem:s13], [sflag:$0x1] =	stream.indirect.gather [hbm4b:s6+s12], $0x80, s2, s12, $0xb8;
	[tilespmem:$0x1C200] =	vst v63  }
0xba: {  	s11 =	rddreg [dreg:$0xe]  }
0xbb: {  	[tilespmem:s14], [sflag:$0x3] =	stream.linear.gather [hbm4b:s11+s2], $0x80, $0x38;
	[tilespmem:$0x1C200] =	vst v63  }
0xbc: {  	_ =	swait.ge [sflag:s9], $0x80  }
0xbd: {  	[sflag:s9] =	ssyncset.done $0x0  }
0xbe: {  	s1 =	sadd.s32 $0x0, s20;
	[sflag:s9] =	ssyncadd.s32 $0xFFFFFF80  }
0xbf: {  	[tilespmem:s12], [sflag:$0x3] =	stream.linear.gather [hbm4b:s1+s4], $0x80, $0x38;
	[tilespmem:$0x1C200] =	vst v63  }
0xc0: {  	_ =	swait.ge [sflag:s9], $0x80  }
0xc1: {  	[sflag:s9] =	ssyncset.done $0x0  }
0xc2: {  	[sflag:s9] =	ssyncadd.s32 $0xFFFFFF80  }
0xc3: {  	[tilespmem:s15], [sflag:$0x2] =	stream.indirect.gather [hbm4b:s6+s12], $0x80, s12, s12, $0xb8;
	[tilespmem:$0x1C200] =	vst v63  }
0xc4: {  	s2 =	sadd.s32 $0x0, s19  }
0xc5: {  	[tilespmem:s29], [sflag:$0x3] =	stream.linear.gather [hbm4b:s2+s4], $0x80, $0x38;
	[tilespmem:$0x1C200] =	vst v63  }
0xc6: {  	_ =	swait.ge [sflag:s9], $0x80  }
0xc7: {  	[sflag:s9] =	ssyncset.done $0x0  }
0xc8: {  	[sflag:s9] =	ssyncadd.s32 $0xFFFFFF80  }
0xc9: {  	_ =	swait.ge [sflag:s30], $0x4000  }
0xca: {  	[sflag:s30] =	ssyncset.done $0x0  }
0xcb: {  	[sflag:s30] =	ssyncadd.s32 $0xFFFFC000  }
0xcc: {  	[spmem:s3] =	stream.indirect.scatter.add.f32 [tilespmem:s13], [sflag:$0x3], $0x80, s14, s12, $0xb8;
	[tilespmem:$0x1C200] =	vst v63  }
0xcd: {  	_ =	swait.ge [sflag:s9], $0x4000  }
0xce: {  	[sflag:s9] =	ssyncset.done $0x0  }
0xcf: {  	s10 =	sadd.s32 $0x0, s22;
	[sflag:s9] =	ssyncadd.s32 $0xFFFFC000  }
0xd0: {  	[tilespmem:s4], [sflag:$0x3] =	stream.linear.gather [hbm4b:s10+s4], $0x80, $0x38;
	[tilespmem:$0x1C200] =	vst v63  }
0xd1: {  	_ =	swait.ge [sflag:s9], $0x80  }
0xd2: {  	[sflag:s9] =	ssyncset.done $0x0  }
0xd3: {  	[sflag:s9] =	ssyncadd.s32 $0xFFFFFF80  }
0xd4: {  	[tilespmem:s13], [sflag:$0x1] =	stream.indirect.gather [hbm4b:s6+s12], $0x80, s4, s12, $0xb8;
	[tilespmem:$0x1C200] =	vst v63  }
0xd5: {  	s11 =	sadd.s32 $0x0, s21  }
0xd6: {  	[tilespmem:s14], [sflag:$0x3] =	stream.linear.gather [hbm4b:s11+s4], $0x80, $0x38;
	[tilespmem:$0x1C200] =	vst v63  }
0xd7: {  	_ =	swait.ge [sflag:s9], $0x80  }
0xd8: {  	[sflag:s9] =	ssyncset.done $0x0  }
0xd9: {  	[sflag:s9] =	ssyncadd.s32 $0xFFFFFF80  }
0xda: {  	_ =	swait.ge [sflag:s31], $0x4000  }
0xdb: {  	[sflag:s31] =	ssyncset.done $0x0  }
0xdc: {  	[sflag:s31] =	ssyncadd.s32 $0xFFFFC000  }
0xdd: {  	[spmem:s3] =	stream.indirect.scatter.add.f32 [tilespmem:s15], [sflag:$0x3], $0x80, s29, s12, $0xb8;
	[tilespmem:$0x1C200] =	vst v63  }
0xde: {  	_ =	swait.ge [sflag:s9], $0x4000  }
0xdf: {  	s10 =	simm.s32 $0x40;
	s11 =	simm.s32 $0x20;
	[sflag:s9] =	ssyncset.done $0x0  }
.LBB2_4:
0xe0: {  	s0 =	sadd.s32 s11, s20  }
0xe1: {  	[sflag:s9] =	ssyncadd.s32 $0xFFFFC000;
	s2 =	smov.u32 s10;
	s1 =	sadd.s32 $0x20, s10  }
0xe2: {  	[tilespmem:s12], [sflag:$0x3] =	stream.linear.gather [hbm4b:s0+s4], $0x80, $0x38;
	[tilespmem:$0x1C200] =	vst v63  }
0xe3: {  	p0 =	sne.s32 s10, $0x4C0;
	_ =	swait.ge [sflag:s9], $0x80  }
0xe4: {  	[sflag:s9] =	ssyncset.done $0x0  }
0xe5: {  	[sflag:s9] =	ssyncadd.s32 $0xFFFFFF80  }
0xe6: {  	[tilespmem:s15], [sflag:$0x2] =	stream.indirect.gather [hbm4b:s6+s12], $0x80, s12, s12, $0xb8;
	[tilespmem:$0x1C200] =	vst v63  }
0xe7: {  	s0 =	sadd.s32 s11, s19  }
0xe8: {  	[tilespmem:s29], [sflag:$0x3] =	stream.linear.gather [hbm4b:s0+s4], $0x80, $0x38;
	[tilespmem:$0x1C200] =	vst v63  }
0xe9: {  	_ =	swait.ge [sflag:s9], $0x80  }
0xea: {  	[sflag:s9] =	ssyncset.done $0x0  }
0xeb: {  	[sflag:s9] =	ssyncadd.s32 $0xFFFFFF80  }
0xec: {  	_ =	swait.ge [sflag:s30], $0x4000  }
0xed: {  	[sflag:s30] =	ssyncset.done $0x0  }
0xee: {  	[sflag:s30] =	ssyncadd.s32 $0xFFFFC000  }
0xef: {  	[spmem:s3] =	stream.indirect.scatter.add.f32 [tilespmem:s13], [sflag:$0x3], $0x80, s14, s12, $0xb8;
	[tilespmem:$0x1C200] =	vst v63  }
0xf0: {  	_ =	swait.ge [sflag:s9], $0x4000  }
0xf1: {  	[sflag:s9] =	ssyncset.done $0x0  }
0xf2: {  	s0 =	sadd.s32 s11, s22;
	[sflag:s9] =	ssyncadd.s32 $0xFFFFC000  }
0xf3: {  	[tilespmem:s4], [sflag:$0x3] =	stream.linear.gather [hbm4b:s0+s4], $0x80, $0x38;
	[tilespmem:$0x1C200] =	vst v63  }
0xf4: {  	_ =	swait.ge [sflag:s9], $0x80  }
0xf5: {  	[sflag:s9] =	ssyncset.done $0x0  }
0xf6: {  	[sflag:s9] =	ssyncadd.s32 $0xFFFFFF80  }
0xf7: {  	[tilespmem:s13], [sflag:$0x1] =	stream.indirect.gather [hbm4b:s6+s12], $0x80, s4, s12, $0xb8;
	[tilespmem:$0x1C200] =	vst v63  }
0xf8: {  	s0 =	sadd.s32 s11, s21;
	s11 =	smov.u32 s2  }
0xf9: {  	[tilespmem:s14], [sflag:$0x3] =	stream.linear.gather [hbm4b:s0+s4], $0x80, $0x38;
	[tilespmem:$0x1C200] =	vst v63  }
0xfa: {  	_ =	swait.ge [sflag:s9], $0x80  }
0xfb: {  	[sflag:s9] =	ssyncset.done $0x0  }
0xfc: {  	[sflag:s9] =	ssyncadd.s32 $0xFFFFFF80  }
0xfd: {  	_ =	swait.ge [sflag:s31], $0x4000  }
.Ltmp1:
0xfe: {  	[sflag:s31] =	ssyncset.done $0x0;
	(pc) =	sbr.rel @p0 .LBB2_4-.Ltmp1, $4  }
0xff: {  	[sflag:s31] =	ssyncadd.s32 $0xFFFFC000  }
0x100: {  	[spmem:s3] =	stream.indirect.scatter.add.f32 [tilespmem:s15], [sflag:$0x3], $0x80, s29, s12, $0xb8;
	[tilespmem:$0x1C200] =	vst v63  }
0x101: {  	_ =	swait.ge [sflag:s9], $0x4000  }
0x102: {  	s10 =	smov.u32 s1;
	[sflag:s9] =	ssyncset.done $0x0  }
0x103: {  	s0 =	sadd.s32 s11, s20;
	[sflag:s9] =	ssyncadd.s32 $0xFFFFC000  }
0x104: {  	[tilespmem:s12], [sflag:$0x3] =	stream.linear.gather [hbm4b:s0+s4], $0x80, $0x38;
	[tilespmem:$0x1C200] =	vst v63  }
0x105: {  	_ =	swait.ge [sflag:s9], $0x80  }
0x106: {  	[sflag:s9] =	ssyncset.done $0x0  }
0x107: {  	[sflag:s9] =	ssyncadd.s32 $0xFFFFFF80  }
0x108: {  	[tilespmem:s15], [sflag:$0x2] =	stream.indirect.gather [hbm4b:s6+s12], $0x80, s12, s12, $0xb8;
	[tilespmem:$0x1C200] =	vst v63  }
0x109: {  	s1 =	sadd.s32 s11, s19  }
0x10a: {  	[tilespmem:s29], [sflag:$0x3] =	stream.linear.gather [hbm4b:s1+s4], $0x80, $0x38;
	[tilespmem:$0x1C200] =	vst v63  }
0x10b: {  	_ =	swait.ge [sflag:s9], $0x80  }
0x10c: {  	[sflag:s9] =	ssyncset.done $0x0  }
0x10d: {  	[sflag:s9] =	ssyncadd.s32 $0xFFFFFF80  }
0x10e: {  	_ =	swait.ge [sflag:s30], $0x4000  }
0x10f: {  	[sflag:s30] =	ssyncset.done $0x0  }
0x110: {  	[sflag:s30] =	ssyncadd.s32 $0xFFFFC000  }
0x111: {  	[spmem:s3] =	stream.indirect.scatter.add.f32 [tilespmem:s13], [sflag:$0x3], $0x80, s14, s12, $0xb8;
	[tilespmem:$0x1C200] =	vst v63  }
0x112: {  	_ =	swait.ge [sflag:s9], $0x4000  }
0x113: {  	[sflag:s9] =	ssyncset.done $0x0  }
0x114: {  	s2 =	sadd.s32 s11, s22;
	[sflag:s9] =	ssyncadd.s32 $0xFFFFC000  }
0x115: {  	[tilespmem:s4], [sflag:$0x3] =	stream.linear.gather [hbm4b:s2+s4], $0x80, $0x38;
	[tilespmem:$0x1C200] =	vst v63  }
0x116: {  	_ =	swait.ge [sflag:s9], $0x80  }
0x117: {  	[sflag:s9] =	ssyncset.done $0x0  }
0x118: {  	[sflag:s9] =	ssyncadd.s32 $0xFFFFFF80  }
0x119: {  	[tilespmem:s13], [sflag:$0x1] =	stream.indirect.gather [hbm4b:s6+s12], $0x80, s4, s12, $0xb8;
	[tilespmem:$0x1C200] =	vst v63  }
0x11a: {  	s10 =	sadd.s32 s11, s21  }
0x11b: {  	[tilespmem:s14], [sflag:$0x3] =	stream.linear.gather [hbm4b:s10+s4], $0x80, $0x38;
	[tilespmem:$0x1C200] =	vst v63  }
0x11c: {  	_ =	swait.ge [sflag:s9], $0x80  }
0x11d: {  	[sflag:s9] =	ssyncset.done $0x0  }
0x11e: {  	[sflag:s9] =	ssyncadd.s32 $0xFFFFFF80  }
0x11f: {  	_ =	swait.ge [sflag:s31], $0x4000  }
0x120: {  	[sflag:s31] =	ssyncset.done $0x0  }
0x121: {  	[sflag:s31] =	ssyncadd.s32 $0xFFFFC000  }
0x122: {  	[spmem:s3] =	stream.indirect.scatter.add.f32 [tilespmem:s15], [sflag:$0x3], $0x80, s29, s12, $0xb8;
	[tilespmem:$0x1C200] =	vst v63  }
0x123: {  	_ =	swait.ge [sflag:s9], $0x4000  }
0x124: {  	[sflag:s9] =	ssyncset.done $0x0  }
0x125: {  	[sflag:s9] =	ssyncadd.s32 $0xFFFFC000  }
0x126: {  	_ =	swait.ge [sflag:s30], $0x4000  }
0x127: {  	[sflag:s30] =	ssyncset.done $0x0  }
0x128: {  	[sflag:s30] =	ssyncadd.s32 $0xFFFFC000  }
0x129: {  	[spmem:s3] =	stream.indirect.scatter.add.f32 [tilespmem:s13], [sflag:$0x3], $0x80, s14, s12, $0xb8;
	[tilespmem:$0x1C200] =	vst v63  }
0x12a: {  	_ =	swait.ge [sflag:s9], $0x4000  }
0x12b: {  	[sflag:s9] =	ssyncset.done $0x0  }
0x12c: {  	[sflag:s9] =	ssyncadd.s32 $0xFFFFC000  }
0x12d: {  	[bflag:$0x0] =	sbarrier.arrive $0xFFFF  }
0x12e: {  	s11 =	rddreg [dreg:$0x5]  }
0x12f: {  	s1 =	rddreg [dreg:$0x7]  }
0x130: {  	s2 =	rddreg [dreg:$0x12]  }
0x131: {  	[hbm:s1], [sflag:s11] =	dma.local [spmem:s2], $0x2800  }
0x132: {  	_ =	swait.ge [sflag:s9], $0x2800  }
0x133: {  	[sflag:s9] =	ssyncset.done $0x0  }
0x134: {  	[sflag:s9] =	ssyncadd.s32 $0xFFFFD800  }
0x135: {  	[spmem:s2], [sflag:s11] =	dma.local [hbm:s24], $0x2800  }
0x136: {  	_ =	swait.ge [sflag:s9], $0x2800  }
0x137: {  	[sflag:s9] =	ssyncset.done $0x0  }
0x138: {  	[sflag:s9] =	ssyncadd.s32 $0xFFFFD800  }
0x139: {  	[bflag:$0x0] =	sbarrier.arrive $0xFFFF  }
0x13a: {  	s2 =	simm.s32 $0x0;
	s10 =	rddreg [dreg:$0xf]  }
0x13b: {  	[tilespmem:s2], [sflag:$0x3] =	stream.linear.gather [hbm4b:s10+s2], $0x80, $0x38;
	[tilespmem:$0x1C200] =	vst v63  }
0x13c: {  	_ =	swait.ge [sflag:s9], $0x80  }
0x13d: {  	[sflag:s9] =	ssyncset.done $0x0  }
0x13e: {  	[sflag:s9] =	ssyncadd.s32 $0xFFFFFF80  }
0x13f: {  	[tilespmem:s13], [sflag:$0x1] =	stream.indirect.gather [hbm4b:s7+s12], $0x80, s2, s12, $0xb8;
	[tilespmem:$0x1C200] =	vst v63  }
0x140: {  	s11 =	rddreg [dreg:$0x10]  }
0x141: {  	[tilespmem:s14], [sflag:$0x3] =	stream.linear.gather [hbm4b:s11+s2], $0x80, $0x38;
	[tilespmem:$0x1C200] =	vst v63  }
0x142: {  	_ =	swait.ge [sflag:s9], $0x80  }
0x143: {  	[sflag:s9] =	ssyncset.done $0x0  }
0x144: {  	s1 =	sadd.s32 $0x0, s25;
	[sflag:s9] =	ssyncadd.s32 $0xFFFFFF80  }
0x145: {  	[tilespmem:s12], [sflag:$0x3] =	stream.linear.gather [hbm4b:s1+s4], $0x80, $0x38;
	[tilespmem:$0x1C200] =	vst v63  }
0x146: {  	_ =	swait.ge [sflag:s9], $0x80  }
0x147: {  	[sflag:s9] =	ssyncset.done $0x0  }
0x148: {  	[sflag:s9] =	ssyncadd.s32 $0xFFFFFF80  }
0x149: {  	[tilespmem:s15], [sflag:$0x2] =	stream.indirect.gather [hbm4b:s7+s12], $0x80, s12, s12, $0xb8;
	[tilespmem:$0x1C200] =	vst v63  }
0x14a: {  	s2 =	sadd.s32 $0x0, s23  }
0x14b: {  	[tilespmem:s29], [sflag:$0x3] =	stream.linear.gather [hbm4b:s2+s4], $0x80, $0x38;
	[tilespmem:$0x1C200] =	vst v63  }
0x14c: {  	_ =	swait.ge [sflag:s9], $0x80  }
0x14d: {  	[sflag:s9] =	ssyncset.done $0x0  }
0x14e: {  	[sflag:s9] =	ssyncadd.s32 $0xFFFFFF80  }
0x14f: {  	_ =	swait.ge [sflag:s30], $0x4000  }
0x150: {  	[sflag:s30] =	ssyncset.done $0x0  }
0x151: {  	[sflag:s30] =	ssyncadd.s32 $0xFFFFC000  }
0x152: {  	[spmem:s3] =	stream.indirect.scatter.add.f32 [tilespmem:s13], [sflag:$0x3], $0x80, s14, s12, $0xb8;
	[tilespmem:$0x1C200] =	vst v63  }
0x153: {  	_ =	swait.ge [sflag:s9], $0x4000  }
0x154: {  	[sflag:s9] =	ssyncset.done $0x0  }
0x155: {  	s10 =	sadd.s32 $0x0, s28;
	[sflag:s9] =	ssyncadd.s32 $0xFFFFC000  }
0x156: {  	[tilespmem:s4], [sflag:$0x3] =	stream.linear.gather [hbm4b:s10+s4], $0x80, $0x38;
	[tilespmem:$0x1C200] =	vst v63  }
0x157: {  	_ =	swait.ge [sflag:s9], $0x80  }
0x158: {  	[sflag:s9] =	ssyncset.done $0x0  }
0x159: {  	[sflag:s9] =	ssyncadd.s32 $0xFFFFFF80  }
0x15a: {  	[tilespmem:s13], [sflag:$0x1] =	stream.indirect.gather [hbm4b:s7+s12], $0x80, s4, s12, $0xb8;
	[tilespmem:$0x1C200] =	vst v63  }
0x15b: {  	s11 =	sadd.s32 $0x0, s26  }
0x15c: {  	[tilespmem:s14], [sflag:$0x3] =	stream.linear.gather [hbm4b:s11+s4], $0x80, $0x38;
	[tilespmem:$0x1C200] =	vst v63  }
0x15d: {  	_ =	swait.ge [sflag:s9], $0x80  }
0x15e: {  	[sflag:s9] =	ssyncset.done $0x0  }
0x15f: {  	[sflag:s9] =	ssyncadd.s32 $0xFFFFFF80  }
0x160: {  	_ =	swait.ge [sflag:s31], $0x4000  }
0x161: {  	[sflag:s31] =	ssyncset.done $0x0  }
0x162: {  	[sflag:s31] =	ssyncadd.s32 $0xFFFFC000  }
0x163: {  	[spmem:s3] =	stream.indirect.scatter.add.f32 [tilespmem:s15], [sflag:$0x3], $0x80, s29, s12, $0xb8;
	[tilespmem:$0x1C200] =	vst v63  }
0x164: {  	_ =	swait.ge [sflag:s9], $0x4000  }
0x165: {  	s10 =	simm.s32 $0x40;
	s11 =	simm.s32 $0x20;
	[sflag:s9] =	ssyncset.done $0x0  }
.LBB2_6:
0x166: {  	s0 =	sadd.s32 s11, s25  }
0x167: {  	[sflag:s9] =	ssyncadd.s32 $0xFFFFC000;
	s2 =	smov.u32 s10;
	s1 =	sadd.s32 $0x20, s10  }
0x168: {  	[tilespmem:s12], [sflag:$0x3] =	stream.linear.gather [hbm4b:s0+s4], $0x80, $0x38;
	[tilespmem:$0x1C200] =	vst v63  }
0x169: {  	p0 =	sne.s32 s10, $0x4C0;
	_ =	swait.ge [sflag:s9], $0x80  }
0x16a: {  	[sflag:s9] =	ssyncset.done $0x0  }
0x16b: {  	[sflag:s9] =	ssyncadd.s32 $0xFFFFFF80  }
0x16c: {  	[tilespmem:s15], [sflag:$0x2] =	stream.indirect.gather [hbm4b:s7+s12], $0x80, s12, s12, $0xb8;
	[tilespmem:$0x1C200] =	vst v63  }
0x16d: {  	s0 =	sadd.s32 s11, s23  }
0x16e: {  	[tilespmem:s29], [sflag:$0x3] =	stream.linear.gather [hbm4b:s0+s4], $0x80, $0x38;
	[tilespmem:$0x1C200] =	vst v63  }
0x16f: {  	_ =	swait.ge [sflag:s9], $0x80  }
0x170: {  	[sflag:s9] =	ssyncset.done $0x0  }
0x171: {  	[sflag:s9] =	ssyncadd.s32 $0xFFFFFF80  }
0x172: {  	_ =	swait.ge [sflag:s30], $0x4000  }
0x173: {  	[sflag:s30] =	ssyncset.done $0x0  }
0x174: {  	[sflag:s30] =	ssyncadd.s32 $0xFFFFC000  }
0x175: {  	[spmem:s3] =	stream.indirect.scatter.add.f32 [tilespmem:s13], [sflag:$0x3], $0x80, s14, s12, $0xb8;
	[tilespmem:$0x1C200] =	vst v63  }
0x176: {  	_ =	swait.ge [sflag:s9], $0x4000  }
0x177: {  	[sflag:s9] =	ssyncset.done $0x0  }
0x178: {  	s0 =	sadd.s32 s11, s28;
	[sflag:s9] =	ssyncadd.s32 $0xFFFFC000  }
0x179: {  	[tilespmem:s4], [sflag:$0x3] =	stream.linear.gather [hbm4b:s0+s4], $0x80, $0x38;
	[tilespmem:$0x1C200] =	vst v63  }
0x17a: {  	_ =	swait.ge [sflag:s9], $0x80  }
0x17b: {  	[sflag:s9] =	ssyncset.done $0x0  }
0x17c: {  	[sflag:s9] =	ssyncadd.s32 $0xFFFFFF80  }
0x17d: {  	[tilespmem:s13], [sflag:$0x1] =	stream.indirect.gather [hbm4b:s7+s12], $0x80, s4, s12, $0xb8;
	[tilespmem:$0x1C200] =	vst v63  }
0x17e: {  	s0 =	sadd.s32 s11, s26;
	s11 =	smov.u32 s2  }
0x17f: {  	[tilespmem:s14], [sflag:$0x3] =	stream.linear.gather [hbm4b:s0+s4], $0x80, $0x38;
	[tilespmem:$0x1C200] =	vst v63  }
0x180: {  	_ =	swait.ge [sflag:s9], $0x80  }
0x181: {  	[sflag:s9] =	ssyncset.done $0x0  }
0x182: {  	[sflag:s9] =	ssyncadd.s32 $0xFFFFFF80  }
0x183: {  	_ =	swait.ge [sflag:s31], $0x4000  }
.Ltmp2:
0x184: {  	[sflag:s31] =	ssyncset.done $0x0;
	(pc) =	sbr.rel @p0 .LBB2_6-.Ltmp2, $4  }
0x185: {  	[sflag:s31] =	ssyncadd.s32 $0xFFFFC000  }
0x186: {  	[spmem:s3] =	stream.indirect.scatter.add.f32 [tilespmem:s15], [sflag:$0x3], $0x80, s29, s12, $0xb8;
	[tilespmem:$0x1C200] =	vst v63  }
0x187: {  	_ =	swait.ge [sflag:s9], $0x4000  }
0x188: {  	s10 =	smov.u32 s1;
	[sflag:s9] =	ssyncset.done $0x0  }
0x189: {  	s0 =	sadd.s32 s11, s25;
	[sflag:s9] =	ssyncadd.s32 $0xFFFFC000  }
0x18a: {  	[tilespmem:s12], [sflag:$0x3] =	stream.linear.gather [hbm4b:s0+s4], $0x80, $0x38;
	[tilespmem:$0x1C200] =	vst v63  }
0x18b: {  	_ =	swait.ge [sflag:s9], $0x80  }
0x18c: {  	[sflag:s9] =	ssyncset.done $0x0  }
0x18d: {  	[sflag:s9] =	ssyncadd.s32 $0xFFFFFF80  }
0x18e: {  	[tilespmem:s15], [sflag:$0x2] =	stream.indirect.gather [hbm4b:s7+s12], $0x80, s12, s12, $0xb8;
	[tilespmem:$0x1C200] =	vst v63  }
0x18f: {  	s1 =	sadd.s32 s11, s23  }
0x190: {  	[tilespmem:s29], [sflag:$0x3] =	stream.linear.gather [hbm4b:s1+s4], $0x80, $0x38;
	[tilespmem:$0x1C200] =	vst v63  }
0x191: {  	_ =	swait.ge [sflag:s9], $0x80  }
0x192: {  	[sflag:s9] =	ssyncset.done $0x0  }
0x193: {  	[sflag:s9] =	ssyncadd.s32 $0xFFFFFF80  }
0x194: {  	_ =	swait.ge [sflag:s30], $0x4000  }
0x195: {  	[sflag:s30] =	ssyncset.done $0x0  }
0x196: {  	[sflag:s30] =	ssyncadd.s32 $0xFFFFC000  }
0x197: {  	[spmem:s3] =	stream.indirect.scatter.add.f32 [tilespmem:s13], [sflag:$0x3], $0x80, s14, s12, $0xb8;
	[tilespmem:$0x1C200] =	vst v63  }
0x198: {  	_ =	swait.ge [sflag:s9], $0x4000  }
0x199: {  	[sflag:s9] =	ssyncset.done $0x0  }
0x19a: {  	s2 =	sadd.s32 s11, s28;
	[sflag:s9] =	ssyncadd.s32 $0xFFFFC000  }
0x19b: {  	[tilespmem:s4], [sflag:$0x3] =	stream.linear.gather [hbm4b:s2+s4], $0x80, $0x38;
	[tilespmem:$0x1C200] =	vst v63  }
0x19c: {  	_ =	swait.ge [sflag:s9], $0x80  }
0x19d: {  	[sflag:s9] =	ssyncset.done $0x0  }
0x19e: {  	[sflag:s9] =	ssyncadd.s32 $0xFFFFFF80  }
0x19f: {  	[tilespmem:s13], [sflag:$0x1] =	stream.indirect.gather [hbm4b:s7+s12], $0x80, s4, s12, $0xb8;
	[tilespmem:$0x1C200] =	vst v63  }
0x1a0: {  	s10 =	sadd.s32 s11, s26  }
0x1a1: {  	[tilespmem:s14], [sflag:$0x3] =	stream.linear.gather [hbm4b:s10+s4], $0x80, $0x38;
	[tilespmem:$0x1C200] =	vst v63  }
0x1a2: {  	_ =	swait.ge [sflag:s9], $0x80  }
0x1a3: {  	[sflag:s9] =	ssyncset.done $0x0  }
0x1a4: {  	[sflag:s9] =	ssyncadd.s32 $0xFFFFFF80  }
0x1a5: {  	_ =	swait.ge [sflag:s31], $0x4000  }
0x1a6: {  	[sflag:s31] =	ssyncset.done $0x0  }
0x1a7: {  	[sflag:s31] =	ssyncadd.s32 $0xFFFFC000  }
0x1a8: {  	[spmem:s3] =	stream.indirect.scatter.add.f32 [tilespmem:s15], [sflag:$0x3], $0x80, s29, s12, $0xb8;
	[tilespmem:$0x1C200] =	vst v63  }
0x1a9: {  	_ =	swait.ge [sflag:s9], $0x4000  }
0x1aa: {  	[sflag:s9] =	ssyncset.done $0x0  }
0x1ab: {  	[sflag:s9] =	ssyncadd.s32 $0xFFFFC000  }
0x1ac: {  	_ =	swait.ge [sflag:s30], $0x4000  }
0x1ad: {  	[sflag:s30] =	ssyncset.done $0x0  }
0x1ae: {  	[sflag:s30] =	ssyncadd.s32 $0xFFFFC000  }
0x1af: {  	[spmem:s3] =	stream.indirect.scatter.add.f32 [tilespmem:s13], [sflag:$0x3], $0x80, s14, s12, $0xb8;
	[tilespmem:$0x1C200] =	vst v63  }
0x1b0: {  	_ =	swait.ge [sflag:s9], $0x4000  }
0x1b1: {  	[sflag:s9] =	ssyncset.done $0x0  }
0x1b2: {  	[sflag:s9] =	ssyncadd.s32 $0xFFFFC000  }
0x1b3: {  	[bflag:$0x0] =	sbarrier.arrive $0xFFFF  }
0x1b4: {  	s10 =	rddreg [dreg:$0x5]  }
0x1b5: {  	s11 =	rddreg [dreg:$0x9]  }
0x1b6: {  	s1 =	rddreg [dreg:$0x12]  }
0x1b7: {  	[hbm:s11], [sflag:s10] =	dma.local [spmem:s1], $0x2800  }
0x1b8: {  	_ =	swait.ge [sflag:s9], $0x2800  }
0x1b9: {  	s2 =	rddreg [dreg:$0x11]  }
0x1ba: {  	s11 =	rddreg [dreg:$0xa];
	s1 =	sadd.s32 $0x1, s2  }
0x1bb: {  	p0 =	sne.s32 s1, s11  }
.Ltmp3:
0x1bc: {  	_ = 	snop;
	(pc) =	sbr.rel @p0 .LBB2_1-.Ltmp3, $3  }
0x1bd: {  	_ =	sdelay $0x1  }
0x1be: {  	[sflag:s9] =	ssyncset.done $0x0  }
0x1bf: {  	[sflag:s9] =	ssyncadd.s32 $0xFFFFD800  }
0x1c0: {  	_ =	sfence.sel $0x180000  }
0x1c1: {  	[bflag:$0x0] =	sbarrier.arrive $0xFFFF  }
0x1c2: {  	_ =	strace $0x9000004D  }
0x1c3: {  	s0 =	stileid.u32;
	[bflag:$0x2] =	sbarrier.arrive $0xFFFF  }
0x1c4: {  	p0 =	sne.s32 s0, $0x0;
	s0 =	rddreg [dreg:$0x3]  }
0x1c5: {  	s0 =	sadd.s32 @!p0 $0x100000, s0  }
0x1c6: {  	[sflag:s0] =	ssyncadd.tile.s32 @!p0 $0x1;
	_ =	shalt  }
.Lfunc_end2:
_tile_overlayer_lowered:
.L_overlay_start_2:
0x1c7: {  	(tag) =	ssettag $0x2  }
0x1c8: {  	s0 =	rddreg [dreg:$0x0];
	s2 =	stileid.u32  }
0x1c9: {  	s1 =	rddreg [dreg:$0x1];
	p0 =	sne.s32 s2, $0x0  }
0x1ca: {  	s3 =	rddreg [dreg:$0x2];
	[bflag:$0x3] =	sbarrier.arrive $0xFFFF;
	s2 =	simm.s32 @!p0 $0x1C03  }
0x1cb: {  	[timem:s3], [sflag:s2] =	dma.local @!p0 [hbm:s0], s1  }
0x1cc: {  	s0 =	simm.s32 @!p0 $0x3  }
0x1cd: {  	_ =	swait.ge @!p0 [sflag:s0], s1  }
0x1ce: {  	s1 =	ssub.s32 @!p0 $0x0, s1;
	[sflag:s0] =	ssyncset.done @!p0 $0x0  }
0x1cf: {  	[sflag:s0] =	ssyncadd.s32 @!p0 s1  }
0x1d0: {  	[bflag:$0x3] =	sbarrier.arrive $0xFFFF  }
0x1d1: {  	_ =	shalt  }

// kernel: kernel.8.cloned.1.call-start
scs
__scs_entry_jumppad:
0x0: {  	(pc) =	sbr.rel $0x88, $3  }
0x1: {  	(tag) =	ssettag $0x0;
	lr =	simm.s32 $0x1  }
0x2: {  	[smem:$0x3F91] =	sst lr;
	_ =	strace $0xD0000000  }
0x3: {  	_ = 	snop  }
0x4: {  	_ = 	snop  }
0x5: {  	_ = 	snop  }
0x6: {  	_ = 	snop  }
0x7: {  	_ = 	snop  }
__scs_overlays_trampoline_lowered:
0x8: {  	[smem:$0x3FA0] =	sst s0  }
0x9: {  	[smem:$0x3FA1] =	sst s1  }
0xa: {  	[smem:$0x3FA2] =	sst s2  }
0xb: {  	[smem:$0x3FA3] =	sst s3  }
0xc: {  	[smem:$0x3FA4] =	sst s4  }
0xd: {  	[smem:$0x3FA5] =	sst s5  }
0xe: {  	[smem:$0x3FA6] =	sst s6  }
0xf: {  	[smem:$0x3FA7] =	sst s7  }
0x10: {  	[smem:$0x3FA8] =	sst s8  }
0x11: {  	[smem:$0x3FA9] =	sst s9;
	s0 =	simm.s32 @!p0 $0x0  }
0x12: {  	s1 =	sld [smem:$0x3F8F];
	s0 =	simm.s32 @p0 $0x1  }
0x13: {  	[smem:$0x3FAA] =	sst s0;
	s0 =	simm.s32 @!p1 $0x0  }
0x14: {  	s2 =	sld [smem:$0x3F8E];
	s0 =	simm.s32 @p1 $0x1  }
0x15: {  	[smem:$0x3FAB] =	sst s0;
	s0 =	simm.s32 @!p2 $0x0  }
0x16: {  	s3 =	sld [smem:$0x3FDB];
	s0 =	simm.s32 @p2 $0x1  }
0x17: {  	s4 =	simm.s32 $0x1BF5;
	[smem:$0x3FAD] =	sst s0  }
0x18: {  	s0 =	sld [smem:$0x3F90];
	_ =	swait.ge [sflag:s4], $0x0  }
0x19: {  	s7 =	sld [smem:$0x3F91]  }
0x1a: {  	s8 =	sadd.s32 $0xFFFFE003, lr  }
0x1b: {  	s9 =	sadd.s32 $0xFFFFFEF7, lr;
	s5 =	simm.s32 $0xFFFFFFFF;
	p2 =	slt.u32 s8, $0xFFFFF086  }
0x1c: {  	p1 =	slt.u32 s9, $0xF7A;
	s5 =	simm.s32 @!p2 $0x0  }
0x1d: {  	s5 =	simm.s32 @p1 $0x1;
	p0 =	seq.s32 s7, s2  }
0x1e: {  	s7 =	smul.u32 @!p0 $0xF7A, s2;
	p2 =	seq.s32 @!p0 s5, $0x0  }
0x1f: {  	s9 =	smul.u32 $0xF7A, s1;
	s8 =	simm.s32 @!p0 $0x1BF5;
	p2 =	por !p2, p0  }
0x20: {  	[sflag:s8] =	ssyncset.s32 @!p0 $0xFFFFF086;
	s6 =	sadd.s32 @!p0 s3, s7;
	s7 =	simm.s32 @!p0 $0x108  }
0x21: {  	s3 =	sadd.s32 s3, s9;
	s6 =	sadd.s32 @!p0 $0x88, s6;
	s7 =	simm.s32 @p2 $0x1082  }
0x22: {  	[simem:s7], [sflag:s8] =	dma.local @!p0 [hbm:s6], $0xF7A  }
0x23: {  	s9 =	sor.u32 $0xD0000000, s2;
	s6 =	simm.s32 $0x108;
	_ =	swait.ge @!p0 [sflag:s8], $0x0  }
0x24: {  	s3 =	sadd.s32 $0x88, s3;
	s6 =	simm.s32 @!p1 $0x1082;
	[sflag:s4] =	ssyncset.s32 $0xFFFFF086  }
0x25: {  	[simem:s6], [sflag:s4] =	dma.local [hbm:s3], $0xF7A  }
0x26: {  	[smem:$0x3F91] =	sst s1;
	(tag) =	ssettag s2;
	_ =	strace s9  }
0x27: {  	s1 =	sld [smem:$0x3FA1]  }
0x28: {  	s2 =	sld [smem:$0x3FA2]  }
0x29: {  	s4 =	sld [smem:$0x3FA4]  }
0x2a: {  	p0 =	seq.s32 s5, $0x0;
	s5 =	sld [smem:$0x3FA5]  }
0x2b: {  	s6 =	sld [smem:$0x3FA6]  }
0x2c: {  	s7 =	sld [smem:$0x3FA7]  }
0x2d: {  	s3 =	simm.s32 $0x108;
	s8 =	sld [smem:$0x3FA8]  }
0x2e: {  	s3 =	simm.s32 @!p0 $0x1082;
	s9 =	sld [smem:$0x3FA9]  }
0x2f: {  	lr =	sadd.s32 s0, s3;
	s0 =	sld [smem:$0x3FA0]  }
0x30: {  	s3 =	sld [smem:$0x3FA3]  }
0x31: {  	[smem:$0x3FAC] =	sst s10  }
0x32: {  	s10 =	sld [smem:$0x3FAA];
	_ =	sdelay $0x3  }
0x33: {  	p0 =	seq.s32 s10, $0x1;
	s10 =	sld [smem:$0x3FAC];
	_ =	sdelay $0x3  }
0x34: {  	[smem:$0x3FAC] =	sst s10  }
0x35: {  	s10 =	sld [smem:$0x3FAB];
	_ =	sdelay $0x3  }
0x36: {  	p1 =	seq.s32 s10, $0x1;
	s10 =	sld [smem:$0x3FAC];
	_ =	sdelay $0x3  }
0x37: {  	[smem:$0x3FAC] =	sst s10  }
0x38: {  	s10 =	sld [smem:$0x3FAD]  }
0x39: {  	_ = 	snop;
	(pc) =	sbr.ind lr, $3  }
0x3a: {  	_ = 	snop  }
0x3b: {  	_ = 	snop  }
0x3c: {  	p2 =	seq.s32 s10, $0x1;
	s10 =	sld [smem:$0x3FAC]  }
0x3d: {  	_ =	shalt  }
0x3e: {  	_ =	shalt  }
0x3f: {  	_ =	shalt  }
0x40: {  	_ =	shalt  }
0x41: {  	_ =	shalt  }
0x42: {  	_ =	shalt  }
0x43: {  	_ =	shalt  }
0x44: {  	_ =	shalt  }
0x45: {  	_ =	shalt  }
0x46: {  	_ =	shalt  }
0x47: {  	_ =	shalt  }
0x48: {  	_ =	shalt  }
0x49: {  	_ =	shalt  }
0x4a: {  	_ =	shalt  }
0x4b: {  	_ =	shalt  }
0x4c: {  	_ =	shalt  }
0x4d: {  	_ =	shalt  }
0x4e: {  	_ =	shalt  }
0x4f: {  	_ =	shalt  }
0x50: {  	_ =	shalt  }
0x51: {  	_ =	shalt  }
0x52: {  	_ =	shalt  }
0x53: {  	_ =	shalt  }
0x54: {  	_ =	shalt  }
0x55: {  	_ =	shalt  }
0x56: {  	_ =	shalt  }
0x57: {  	_ =	shalt  }
0x58: {  	_ =	shalt  }
0x59: {  	_ =	shalt  }
0x5a: {  	_ =	shalt  }
0x5b: {  	_ =	shalt  }
0x5c: {  	_ =	shalt  }
0x5d: {  	_ =	shalt  }
0x5e: {  	_ =	shalt  }
0x5f: {  	_ =	shalt  }
0x60: {  	_ =	shalt  }
0x61: {  	_ =	shalt  }
0x62: {  	_ =	shalt  }
0x63: {  	_ =	shalt  }
0x64: {  	_ =	shalt  }
0x65: {  	_ =	shalt  }
0x66: {  	_ =	shalt  }
0x67: {  	_ =	shalt  }
0x68: {  	_ =	shalt  }
0x69: {  	_ =	shalt  }
0x6a: {  	_ =	shalt  }
0x6b: {  	_ =	shalt  }
0x6c: {  	_ =	shalt  }
0x6d: {  	_ =	shalt  }
0x6e: {  	_ =	shalt  }
0x6f: {  	_ =	shalt  }
0x70: {  	_ =	shalt  }
0x71: {  	_ =	shalt  }
0x72: {  	_ =	shalt  }
0x73: {  	_ =	shalt  }
0x74: {  	_ =	shalt  }
0x75: {  	_ =	shalt  }
0x76: {  	_ =	shalt  }
0x77: {  	_ =	shalt  }
0x78: {  	_ =	shalt  }
0x79: {  	_ =	shalt  }
0x7a: {  	_ =	shalt  }
0x7b: {  	_ =	shalt  }
0x7c: {  	_ =	shalt  }
0x7d: {  	_ =	shalt  }
0x7e: {  	_ =	shalt  }
0x7f: {  	_ =	shalt  }
0x80: {  	_ =	shalt  }
0x81: {  	_ =	shalt  }
0x82: {  	_ =	shalt  }
0x83: {  	_ =	shalt  }
0x84: {  	_ =	shalt  }
0x85: {  	_ =	shalt  }
0x86: {  	_ =	shalt  }
0x87: {  	_ =	shalt  }
.Lfunc_end0:
.L_simem_size_0:
called_computation_lowered:
.L_overlay_start_0:
0x88: {  	s2 =	sld [smem:$0x3FD9]  }
0x89: {  	s3 =	sld [smem:$0x3FFE];
	_ =	sdelay $0x1  }
0x8a: {  	s1 =	srdreg.scid  }
0x8b: {  	s0 =	sand.u32 $0x1, s1  }
0x8c: {  	s17 =	sshll.u32 s0, $0xA;
	s2 =	sadd.s32 s3, s2  }
0x8d: {  	s2 =	sadd.s32 s2, s17  }
0x8e: {  	[smem:$0x3FB8] =	sst s2  }
0x8f: {  	_ = 	snop  }
0x90: {  	s2 =	sld [smem:$0x3FD0];
	(tm) =	ssettm $0x1  }
0x91: {  	s18 =	sld [smem:$0x3FFB];
	_ =	sdelay $0x3  }
0x92: {  	_ =	strace s18  }
0x93: {  	s3 =	sld [smem:$0x3FFC];
	_ =	sdelay $0x3  }
0x94: {  	_ =	strace s3  }
0x95: {  	s3 =	sld [smem:$0x3FFD];
	_ =	sdelay $0x3  }
0x96: {  	_ =	strace s3  }
0x97: {  	_ =	strace $0x8FFFFFFF  }
0x98: {  	s19 =	sld [smem:$0x3FDB];
	_ =	sdelay $0x1  }
0x99: {  	s4 =	simm.s32 $_scs_section_size  }
0x9a: {  	s5 =	simm.s32 $_size__tile_overlayer_lowered;
	s6 =	simm.s32 $_tile_overlayer_lowered  }
0x9b: {  	s22 =	simm.s32 $0x1BFF;
	s21 =	sshll.u32 s6, $0x1;
	s3 =	sadd.s32 s4, s19  }
0x9c: {  	s7 =	simm.s32 $0x0;
	s20 =	sshll.u32 s5, $0x1;
	s5 =	sadd.s32 s21, s3  }
0x9d: {  	[timem:s7], [sflag:s22] =	dma.local [hbm:s5], s20  }
0x9e: {  	_ =	swait.ge [sflag:s22], s20  }
0x9f: {  	s4 =	ssub.s32 $0x0, s20;
	[sflag:s22] =	ssyncset.done $0x0  }
0xa0: {  	[sflag:s22] =	ssyncadd.s32 s4;
	_ =	sdelay $0x1  }
0xa1: {  	s23 =	simm.s32 $0x1B8B  }
0xa2: {  	_ =	swait.ge [sflag:s23], $0x1  }
0xa3: {  	[sflag:s23] =	ssyncset.done $0x0  }
0xa4: {  	s25 =	simm.s32 $0x1B8E;
	s24 =	sld [smem:$0x3FFE];
	[sflag:s23] =	ssyncadd.s32 $0xFFFFFFFF  }
0xa5: {  	s26 =	simm.s32 $execute0_lowered;
	[smem:$0x3FD2] =	sst s25  }
0xa6: {  	s5 =	sshll.u32 s26, $0x1;
	_ =	strace $0x80000046;
	[dreg:$0x1] =	wrdreg $0xFFFFFFFF  }
0xa7: {  	s28 =	simm.s32 $_size_execute0_lowered;
	s3 =	sadd.s32 s3, s5;
	[dreg:$0x0] =	wrdreg $0x0  }
0xa8: {  	s5 =	sshll.u32 s28, $0x1;
	[dreg:$0x2] =	wrdreg s3  }
0xa9: {  	[dreg:$0x3] =	wrdreg s5  }
0xaa: {  	[dreg:$0x4] =	wrdreg $0xC0  }
0xab: {  	_ =	task [dreg:s7], $0x5FFFF  }
0xac: {  	[dreg:$0x1] =	wrdreg $0xFFFFFFFF  }
0xad: {  	[dreg:$0x0] =	wrdreg $0x60  }
0xae: {  	[dreg:$0x2] =	wrdreg s24  }
0xaf: {  	[dreg:$0x3] =	wrdreg s2  }
0xb0: {  	[dreg:$0x4] =	wrdreg $0x41000  }
0xb1: {  	[dreg:$0x5] =	wrdreg $0x9  }
0xb2: {  	_ =	task.clear_ibuf [dreg:s7], $0x6FFFF;
	_ =	strace $0x90000046  }
0xb3: {  	s29 =	simm.s32 $0x9;
	_ =	strace $0x80000048  }
0xb4: {  	_ =	swait.ge [sflag:s29], $0x1  }
0xb5: {  	[sflag:s29] =	ssyncadd.s32 $0xFFFFFFFF  }
0xb6: {  	_ =	strace $0x90000048  }
0xb7: {  	_ =	sfence  }
0xb8: {  	s30 =	sld [smem:$0x0];
	_ =	sdelay $0x2  }
0xb9: {  	s31 =	sshll.u32 s1, $0xD;
	s1 =	sshrl.u32 s1, $0x2  }
0xba: {  	s3 =	sand.u32 $0x4000, s31;
	s1 =	sadd.s32 s1, s30  }
0xbb: {  	s0 =	sor.u32 s3, s0;
	s1 =	sshll.u32 s1, $0x11  }
0xbc: {  	s0 =	sor.u32 s1, s0  }
0xbd: {  	s0 =	sadd.s32 $0x8F2B, s0  }
0xbe: {  	[sflag:s0] =	ssyncadd.remote.s32 $0x1  }
0xbf: {  	_ =	sfence.sel $0xFFFF  }
0xc0: {  	[dreg:$0x0] =	wrdreg $0xFFFFFFFF;
	(pc) =	sbr.abs _section_cstart, $3  }
0xc1: {  	[dreg:$0x1] =	wrdreg $0xFFFFFFFF  }
0xc2: {  	_ =	task.clear_ibuf [dreg:s7], $0x2FFFF;
	_ =	strace $0x9FFFFFFF  }
0xc3: {  	(tm) =	ssettm $0x7FFFFFFF  }
tec
execute0_lowered:
.L_overlay_start_1:
0x0: {  	(tag) =	ssettag $0x1  }
0x1: {  	s0 =	rddreg [dreg:$0x0]  }
0x2: {  	s2 =	rddreg [dreg:$0x1];
	s10 =	stileid.u32  }
0x3: {  	s1 =	srdreg.scid;
	s6 =	smul.u32 $0x280, s10  }
0x4: {  	s3 =	rddreg [dreg:$0x2];
	s4 =	simm.s32 $0x0;
	s9 =	smul.u32 $0x50000, s10  }
0x5: {  	s1 =	sand.u32 $0x1, s1;
	[smem:$0x7FF] =	sst s4;
	s12 =	smul.u32 $0x2780, s10  }
0x6: {  	s5 =	sadd.s32 $0x4A00, s0;
	s29 =	sadd.s32 $0x3FE00, s0;
	s7 =	smul.u32 $0x2800, s1  }
0x7: {  	_ =	strace $0x80000047;
	[dreg:$0x4] =	wrdreg s29;
	s8 =	ssub.s32 $0x2, s1  }
0x8: {  	s30 =	sshll.u32 s1, $0x4;
	s1 =	smul.u32 $0x27800, s1;
	s31 =	sshrl.u32 s8, $0x1  }
0x9: {  	s11 =	sshrl.u32 s9, $0x2;
	s6 =	sadd.s32 s6, s7;
	s7 =	sor.u32 s10, s30  }
0xa: {  	s1 =	sadd.s32 s12, s1;
	s6 =	sshll.u32 s6, $0x4;
	s7 =	smul.u32 $0x2780, s7  }
0xb: {  	s18 =	sadd.s32 $0x80, s1;
	s19 =	sadd.s32 $0x4F100, s1;
	s21 =	sadd.s32 $0x4F080, s1  }
0xc: {  	s23 =	sadd.s32 $0x9E100, s1;
	s25 =	sadd.s32 $0x9E080, s1;
	s29 =	sadd.s32 $0xED100, s1  }
0xd: {  	s9 =	sadd.s32 $0x13C100, s1;
	s0 =	sadd.s32 s6, s0;
	s6 =	ssub.s32 s8, s31  }
0xe: {  	s8 =	sadd.s32 s11, s3;
	s20 =	sshrl.u32 s19, $0x3;
	s22 =	sshrl.u32 s21, $0x3  }
0xf: {  	s24 =	sshrl.u32 s23, $0x3;
	s26 =	sshrl.u32 s25, $0x3;
	s30 =	sshrl.u32 s29, $0x3  }
0x10: {  	s31 =	sadd.s32 $0xED080, s1;
	s10 =	sshrl.u32 s9, $0x3;
	s11 =	sadd.s32 $0x13C080, s1  }
0x11: {  	s9 =	simm.s32 $0x80;
	[dreg:$0x5] =	wrdreg s8;
	s7 =	sshrl.u32 s7, $0x3  }
0x12: {  	s13 =	sadd.s32 $0x40600, s0;
	s14 =	sadd.s32 $0x90600, s0;
	s15 =	sadd.s32 $0xE0600, s0  }
0x13: {  	s16 =	sadd.s32 $0x130600, s0;
	s17 =	sadd.s32 $0x180600, s0;
	[dreg:$0x6] =	wrdreg s13  }
0x14: {  	s0 =	sadd.s32 $0x1D0600, s0;
	s6 =	smax.u32 s6, $0x1;
	[dreg:$0x7] =	wrdreg s14  }
0x15: {  	s19 =	sadd.s32 s24, s5;
	s21 =	sadd.s32 s30, s5;
	[dreg:$0x8] =	wrdreg s15  }
0x16: {  	s23 =	sadd.s32 s10, s5;
	s12 =	sshrl.u32 s11, $0x3;
	[dreg:$0x9] =	wrdreg s16  }
0x17: {  	s24 =	sadd.s32 $0x100, s1;
	s10 =	simm.s32 $0x1;
	[dreg:$0xa] =	wrdreg s17  }
0x18: {  	s11 =	simm.s32 $0x2;
	s8 =	sadd.s32 s5, s7;
	[dreg:$0xb] =	wrdreg s0  }
0x19: {  	[dreg:$0xc] =	wrdreg s6;
	s0 =	sshrl.u32 s18, $0x3;
	s17 =	sadd.s32 s20, s5  }
0x1a: {  	s18 =	sadd.s32 s22, s5;
	s20 =	sadd.s32 s26, s5;
	s7 =	sshrl.u32 s31, $0x3  }
0x1b: {  	s13 =	sadd.s32 $0x18B100, s1;
	s1 =	sadd.s32 $0x18B080, s1;
	s25 =	sadd.s32 s12, s5  }
0x1c: {  	s12 =	simm.s32 $0x0;
	s16 =	sadd.s32 s0, s5;
	s22 =	sadd.s32 s7, s5  }
0x1d: {  	s6 =	sshrl.u32 s13, $0x3;
	s14 =	sshrl.u32 s1, $0x3;
	s15 =	sadd.s32 $0x9E00, s8  }
0x1e: {  	s29 =	sadd.s32 $0x13C00, s8;
	s30 =	sadd.s32 $0x1DA00, s8;
	[dreg:$0xd] =	wrdreg s15  }
0x1f: {  	s31 =	sadd.s32 $0x27800, s8;
	s0 =	sadd.s32 $0x31600, s8;
	[dreg:$0xe] =	wrdreg s29  }
0x20: {  	s7 =	simm.s32 $0x3;
	s26 =	sadd.s32 s6, s5;
	[dreg:$0xf] =	wrdreg s30  }
0x21: {  	s28 =	sadd.s32 s14, s5;
	[dreg:$0x10] =	wrdreg s31;
	s6 =	simm.s32 $0x100  }
.LBB2_1:
0x22: {  	s1 =	rddreg [dreg:$0x4]  }
0x23: {  	[tilespmem:s6], [sflag:$0x3] =	stream.linear.gather [hbm4b:s1+s4], $0x4000, $0x38;
	[tilespmem:$0x18100] =	vst v63  }
0x24: {  	s14 =	stileid.u32;
	_ =	swait.ge [sflag:s7], $0x4000  }
0x25: {  	s13 =	sshll.u32 s14, $0x6;
	[sflag:s7] =	ssyncset.done $0x0;
	s15 =	rddreg [dreg:$0x5]  }
0x26: {  	s13 =	sor.u32 $0x1C03, s13;
	[sflag:s7] =	ssyncadd.s32 $0xFFFFC000;
	s14 =	sshrl.u32 s15, $0x3  }
0x27: {  	[spmem:s14], [sflag:s13] =	dma.local [hbm:s2], $0x2800  }
0x28: {  	_ =	swait.ge [sflag:s7], $0x2800  }
0x29: {  	[sflag:s7] =	ssyncset.done $0x0  }
0x2a: {  	[sflag:s7] =	ssyncadd.s32 $0xFFFFD800  }
0x2b: {  	[bflag:$0x0] =	sbarrier.arrive $0xFFFF  }
0x2c: {  	[tilespmem:s4], [sflag:$0x1] =	stream.linear.gather [hbm4b:s8+s4], $0x80, $0x38;
	[tilespmem:$0x18100] =	vst v63  }
0x2d: {  	s15 =	sadd.s32 $0x0, s16  }
0x2e: {  	[tilespmem:s9], [sflag:$0x2] =	stream.linear.gather [hbm4b:s15+s4], $0x80, $0x38;
	[tilespmem:$0x18100] =	vst v63  }
0x2f: {  	_ =	swait.ge [sflag:s10], $0x80  }
0x30: {  	[sflag:s10] =	ssyncset.done $0x0  }
0x31: {  	[sflag:s10] =	ssyncadd.s32 $0xFFFFFF80  }
0x32: {  	[spmem:s3] =	stream.indirect.scatter.add.f32 [tilespmem:s6], [sflag:$0x3], $0x80, s4, s9, $0xb8;
	[tilespmem:$0x18100] =	vst v63  }
0x33: {  	_ =	swait.ge [sflag:s7], $0x4000  }
0x34: {  	s31 =	sshrl.u32 s24, $0x3;
	[sflag:s7] =	ssyncset.done $0x0  }
0x35: {  	s15 =	sadd.s32 s5, s31;
	[sflag:s7] =	ssyncadd.s32 $0xFFFFC000  }
0x36: {  	[tilespmem:s4], [sflag:$0x1] =	stream.linear.gather [hbm4b:s15+s4], $0x80, $0x38;
	[tilespmem:$0x18100] =	vst v63  }
0x37: {  	_ =	swait.ge [sflag:s11], $0x80  }
0x38: {  	[sflag:s11] =	ssyncset.done $0x0  }
0x39: {  	[sflag:s11] =	ssyncadd.s32 $0xFFFFFF80  }
0x3a: {  	[spmem:s3] =	stream.indirect.scatter.add.f32 [tilespmem:s6], [sflag:$0x3], $0x80, s9, s9, $0xb8;
	[tilespmem:$0x18100] =	vst v63  }
0x3b: {  	s29 =	simm.s32 $0x20;
	_ =	swait.ge [sflag:s7], $0x4000  }
0x3c: {  	s30 =	simm.s32 $0x40;
	s15 =	sadd.s32 $0x100, s24;
	[sflag:s7] =	ssyncset.done $0x0  }
.LBB2_2:
0x3d: {  	s31 =	sadd.s32 s29, s16  }
0x3e: {  	[sflag:s7] =	ssyncadd.s32 $0xFFFFC000;
	s29 =	smov.u32 s30;
	s1 =	sadd.s32 $0x20, s30  }
0x3f: {  	[tilespmem:s9], [sflag:$0x2] =	stream.linear.gather [hbm4b:s31+s4], $0x80, $0x38;
	[tilespmem:$0x18100] =	vst v63  }
0x40: {  	p0 =	sne.s32 s30, $0x4C0;
	_ =	swait.ge [sflag:s10], $0x80  }
0x41: {  	[sflag:s10] =	ssyncset.done $0x0  }
0x42: {  	[sflag:s10] =	ssyncadd.s32 $0xFFFFFF80  }
0x43: {  	[spmem:s3] =	stream.indirect.scatter.add.f32 [tilespmem:s6], [sflag:$0x3], $0x80, s4, s9, $0xb8;
	[tilespmem:$0x18100] =	vst v63  }
0x44: {  	_ =	swait.ge [sflag:s7], $0x4000  }
0x45: {  	s30 =	sshrl.u32 s15, $0x3;
	[sflag:s7] =	ssyncset.done $0x0  }
0x46: {  	s30 =	sadd.s32 s5, s30;
	[sflag:s7] =	ssyncadd.s32 $0xFFFFC000  }
0x47: {  	[tilespmem:s4], [sflag:$0x1] =	stream.linear.gather [hbm4b:s30+s4], $0x80, $0x38;
	[tilespmem:$0x18100] =	vst v63  }
0x48: {  	_ =	swait.ge [sflag:s11], $0x80  }
.Ltmp0:
0x49: {  	[sflag:s11] =	ssyncset.done $0x0;
	(pc) =	sbr.rel @p0 .LBB2_2-.Ltmp0, $4  }
0x4a: {  	[sflag:s11] =	ssyncadd.s32 $0xFFFFFF80  }
0x4b: {  	[spmem:s3] =	stream.indirect.scatter.add.f32 [tilespmem:s6], [sflag:$0x3], $0x80, s9, s9, $0xb8;
	[tilespmem:$0x18100] =	vst v63  }
0x4c: {  	_ =	swait.ge [sflag:s7], $0x4000  }
0x4d: {  	s15 =	sadd.s32 $0x100, s15;
	s30 =	smov.u32 s1;
	[sflag:s7] =	ssyncset.done $0x0  }
0x4e: {  	s1 =	sadd.s32 s29, s16;
	[sflag:s7] =	ssyncadd.s32 $0xFFFFC000  }
0x4f: {  	[tilespmem:s9], [sflag:$0x2] =	stream.linear.gather [hbm4b:s1+s4], $0x80, $0x38;
	[tilespmem:$0x18100] =	vst v63  }
0x50: {  	_ =	swait.ge [sflag:s10], $0x80  }
0x51: {  	[sflag:s10] =	ssyncset.done $0x0  }
0x52: {  	[sflag:s10] =	ssyncadd.s32 $0xFFFFFF80  }
0x53: {  	[spmem:s3] =	stream.indirect.scatter.add.f32 [tilespmem:s6], [sflag:$0x3], $0x80, s4, s9, $0xb8;
	[tilespmem:$0x18100] =	vst v63  }
0x54: {  	_ =	swait.ge [sflag:s7], $0x4000  }
0x55: {  	s15 =	sshrl.u32 s15, $0x3;
	[sflag:s7] =	ssyncset.done $0x0  }
0x56: {  	s1 =	sadd.s32 s5, s15;
	[sflag:s7] =	ssyncadd.s32 $0xFFFFC000  }
0x57: {  	[tilespmem:s4], [sflag:$0x1] =	stream.linear.gather [hbm4b:s1+s4], $0x80, $0x38;
	[tilespmem:$0x18100] =	vst v63  }
0x58: {  	_ =	swait.ge [sflag:s11], $0x80  }
0x59: {  	[sflag:s11] =	ssyncset.done $0x0  }
0x5a: {  	[sflag:s11] =	ssyncadd.s32 $0xFFFFFF80  }
0x5b: {  	[spmem:s3] =	stream.indirect.scatter.add.f32 [tilespmem:s6], [sflag:$0x3], $0x80, s9, s9, $0xb8;
	[tilespmem:$0x18100] =	vst v63  }
0x5c: {  	_ =	swait.ge [sflag:s7], $0x4000  }
0x5d: {  	[sflag:s7] =	ssyncset.done $0x0  }
0x5e: {  	[sflag:s7] =	ssyncadd.s32 $0xFFFFC000  }
0x5f: {  	_ =	swait.ge [sflag:s10], $0x80  }
0x60: {  	[sflag:s10] =	ssyncset.done $0x0  }
0x61: {  	s1 =	simm.s32 $0x0;
	[sflag:s10] =	ssyncadd.s32 $0xFFFFFF80  }
0x62: {  	[spmem:s3] =	stream.indirect.scatter.add.f32 [tilespmem:s6], [sflag:$0x3], $0x80, s1, s9, $0xb8;
	[tilespmem:$0x18100] =	vst v63  }
0x63: {  	_ =	swait.ge [sflag:s7], $0x4000  }
0x64: {  	[sflag:s7] =	ssyncset.done $0x0  }
0x65: {  	[sflag:s7] =	ssyncadd.s32 $0xFFFFC000  }
0x66: {  	[bflag:$0x0] =	sbarrier.arrive $0xFFFF  }
0x67: {  	s30 =	rddreg [dreg:$0x6]  }
0x68: {  	[hbm:s30], [sflag:s13] =	dma.local [spmem:s14], $0x2800  }
0x69: {  	_ =	swait.ge [sflag:s7], $0x2800  }
0x6a: {  	[sflag:s7] =	ssyncset.done $0x0  }
0x6b: {  	[sflag:s7] =	ssyncadd.s32 $0xFFFFD800  }
0x6c: {  	[bflag:$0x0] =	sbarrier.arrive $0xFFFF  }
0x6d: {  	[spmem:s14], [sflag:s13] =	dma.local [hbm:s2], $0x2800  }
0x6e: {  	_ =	swait.ge [sflag:s7], $0x2800  }
0x6f: {  	[sflag:s7] =	ssyncset.done $0x0  }
0x70: {  	[sflag:s7] =	ssyncadd.s32 $0xFFFFD800  }
0x71: {  	[bflag:$0x0] =	sbarrier.arrive $0xFFFF  }
0x72: {  	s31 =	rddreg [dreg:$0xd]  }
0x73: {  	[tilespmem:s1], [sflag:$0x1] =	stream.linear.gather [hbm4b:s31+s1], $0x80, $0x38;
	[tilespmem:$0x18100] =	vst v63  }
0x74: {  	s30 =	sadd.s32 $0x0, s18  }
0x75: {  	[tilespmem:s9], [sflag:$0x2] =	stream.linear.gather [hbm4b:s30+s4], $0x80, $0x38;
	[tilespmem:$0x18100] =	vst v63  }
0x76: {  	_ =	swait.ge [sflag:s10], $0x80  }
0x77: {  	[sflag:s10] =	ssyncset.done $0x0  }
0x78: {  	[sflag:s10] =	ssyncadd.s32 $0xFFFFFF80  }
0x79: {  	[spmem:s3] =	stream.indirect.scatter.add.f32 [tilespmem:s6], [sflag:$0x3], $0x80, s4, s9, $0xb8;
	[tilespmem:$0x18100] =	vst v63  }
0x7a: {  	_ =	swait.ge [sflag:s7], $0x4000  }
0x7b: {  	[sflag:s7] =	ssyncset.done $0x0  }
0x7c: {  	s31 =	sadd.s32 $0x0, s17;
	[sflag:s7] =	ssyncadd.s32 $0xFFFFC000  }
0x7d: {  	[tilespmem:s4], [sflag:$0x1] =	stream.linear.gather [hbm4b:s31+s4], $0x80, $0x38;
	[tilespmem:$0x18100] =	vst v63  }
0x7e: {  	_ =	swait.ge [sflag:s11], $0x80  }
0x7f: {  	[sflag:s11] =	ssyncset.done $0x0  }
0x80: {  	[sflag:s11] =	ssyncadd.s32 $0xFFFFFF80  }
0x81: {  	[spmem:s3] =	stream.indirect.scatter.add.f32 [tilespmem:s6], [sflag:$0x3], $0x80, s9, s9, $0xb8;
	[tilespmem:$0x18100] =	vst v63  }
0x82: {  	_ =	swait.ge [sflag:s7], $0x4000  }
0x83: {  	s29 =	simm.s32 $0x40;
	s15 =	simm.s32 $0x20;
	[sflag:s7] =	ssyncset.done $0x0  }
.LBB2_4:
0x84: {  	s1 =	sadd.s32 s15, s18  }
0x85: {  	[sflag:s7] =	ssyncadd.s32 $0xFFFFC000;
	s30 =	smov.u32 s29;
	s31 =	sadd.s32 $0x20, s29  }
0x86: {  	[tilespmem:s9], [sflag:$0x2] =	stream.linear.gather [hbm4b:s1+s4], $0x80, $0x38;
	[tilespmem:$0x18100] =	vst v63  }
0x87: {  	p0 =	sne.s32 s29, $0x4C0;
	_ =	swait.ge [sflag:s10], $0x80  }
0x88: {  	[sflag:s10] =	ssyncset.done $0x0  }
0x89: {  	[sflag:s10] =	ssyncadd.s32 $0xFFFFFF80  }
0x8a: {  	[spmem:s3] =	stream.indirect.scatter.add.f32 [tilespmem:s6], [sflag:$0x3], $0x80, s4, s9, $0xb8;
	[tilespmem:$0x18100] =	vst v63  }
0x8b: {  	_ =	swait.ge [sflag:s7], $0x4000  }
0x8c: {  	[sflag:s7] =	ssyncset.done $0x0  }
0x8d: {  	s1 =	sadd.s32 s15, s17;
	s15 =	smov.u32 s30;
	[sflag:s7] =	ssyncadd.s32 $0xFFFFC000  }
0x8e: {  	[tilespmem:s4], [sflag:$0x1] =	stream.linear.gather [hbm4b:s1+s4], $0x80, $0x38;
	[tilespmem:$0x18100] =	vst v63  }
0x8f: {  	_ =	swait.ge [sflag:s11], $0x80  }
.Ltmp1:
0x90: {  	[sflag:s11] =	ssyncset.done $0x0;
	(pc) =	sbr.rel @p0 .LBB2_4-.Ltmp1, $4  }
0x91: {  	[sflag:s11] =	ssyncadd.s32 $0xFFFFFF80  }
0x92: {  	[spmem:s3] =	stream.indirect.scatter.add.f32 [tilespmem:s6], [sflag:$0x3], $0x80, s9, s9, $0xb8;
	[tilespmem:$0x18100] =	vst v63  }
0x93: {  	_ =	swait.ge [sflag:s7], $0x4000  }
0x94: {  	s29 =	smov.u32 s31;
	[sflag:s7] =	ssyncset.done $0x0  }
0x95: {  	s1 =	sadd.s32 s15, s18;
	[sflag:s7] =	ssyncadd.s32 $0xFFFFC000  }
0x96: {  	[tilespmem:s9], [sflag:$0x2] =	stream.linear.gather [hbm4b:s1+s4], $0x80, $0x38;
	[tilespmem:$0x18100] =	vst v63  }
0x97: {  	_ =	swait.ge [sflag:s10], $0x80  }
0x98: {  	[sflag:s10] =	ssyncset.done $0x0  }
0x99: {  	[sflag:s10] =	ssyncadd.s32 $0xFFFFFF80  }
0x9a: {  	[spmem:s3] =	stream.indirect.scatter.add.f32 [tilespmem:s6], [sflag:$0x3], $0x80, s4, s9, $0xb8;
	[tilespmem:$0x18100] =	vst v63  }
0x9b: {  	_ =	swait.ge [sflag:s7], $0x4000  }
0x9c: {  	[sflag:s7] =	ssyncset.done $0x0  }
0x9d: {  	s15 =	sadd.s32 s15, s17;
	[sflag:s7] =	ssyncadd.s32 $0xFFFFC000  }
0x9e: {  	[tilespmem:s4], [sflag:$0x1] =	stream.linear.gather [hbm4b:s15+s4], $0x80, $0x38;
	[tilespmem:$0x18100] =	vst v63  }
0x9f: {  	_ =	swait.ge [sflag:s11], $0x80  }
0xa0: {  	[sflag:s11] =	ssyncset.done $0x0  }
0xa1: {  	[sflag:s11] =	ssyncadd.s32 $0xFFFFFF80  }
0xa2: {  	[spmem:s3] =	stream.indirect.scatter.add.f32 [tilespmem:s6], [sflag:$0x3], $0x80, s9, s9, $0xb8;
	[tilespmem:$0x18100] =	vst v63  }
0xa3: {  	_ =	swait.ge [sflag:s7], $0x4000  }
0xa4: {  	[sflag:s7] =	ssyncset.done $0x0  }
0xa5: {  	[sflag:s7] =	ssyncadd.s32 $0xFFFFC000  }
0xa6: {  	_ =	swait.ge [sflag:s10], $0x80  }
0xa7: {  	[sflag:s10] =	ssyncset.done $0x0  }
0xa8: {  	s1 =	simm.s32 $0x0;
	[sflag:s10] =	ssyncadd.s32 $0xFFFFFF80  }
0xa9: {  	[spmem:s3] =	stream.indirect.scatter.add.f32 [tilespmem:s6], [sflag:$0x3], $0x80, s1, s9, $0xb8;
	[tilespmem:$0x18100] =	vst v63  }
0xaa: {  	_ =	swait.ge [sflag:s7], $0x4000  }
0xab: {  	[sflag:s7] =	ssyncset.done $0x0  }
0xac: {  	[sflag:s7] =	ssyncadd.s32 $0xFFFFC000  }
0xad: {  	[bflag:$0x0] =	sbarrier.arrive $0xFFFF  }
0xae: {  	s30 =	rddreg [dreg:$0x7]  }
0xaf: {  	[hbm:s30], [sflag:s13] =	dma.local [spmem:s14], $0x2800  }
0xb0: {  	_ =	swait.ge [sflag:s7], $0x2800  }
0xb1: {  	[sflag:s7] =	ssyncset.done $0x0  }
0xb2: {  	[sflag:s7] =	ssyncadd.s32 $0xFFFFD800  }
0xb3: {  	[bflag:$0x0] =	sbarrier.arrive $0xFFFF  }
0xb4: {  	[spmem:s14], [sflag:s13] =	dma.local [hbm:s2], $0x2800  }
0xb5: {  	_ =	swait.ge [sflag:s7], $0x2800  }
0xb6: {  	[sflag:s7] =	ssyncset.done $0x0  }
0xb7: {  	[sflag:s7] =	ssyncadd.s32 $0xFFFFD800  }
0xb8: {  	[bflag:$0x0] =	sbarrier.arrive $0xFFFF  }
0xb9: {  	s31 =	rddreg [dreg:$0xe]  }
0xba: {  	[tilespmem:s1], [sflag:$0x1] =	stream.linear.gather [hbm4b:s31+s1], $0x80, $0x38;
	[tilespmem:$0x18100] =	vst v63  }
0xbb: {  	s30 =	sadd.s32 $0x0, s20  }
0xbc: {  	[tilespmem:s9], [sflag:$0x2] =	stream.linear.gather [hbm4b:s30+s4], $0x80, $0x38;
	[tilespmem:$0x18100] =	vst v63  }
0xbd: {  	_ =	swait.ge [sflag:s10], $0x80  }
0xbe: {  	[sflag:s10] =	ssyncset.done $0x0  }
0xbf: {  	[sflag:s10] =	ssyncadd.s32 $0xFFFFFF80  }
0xc0: {  	[spmem:s3] =	stream.indirect.scatter.add.f32 [tilespmem:s6], [sflag:$0x3], $0x80, s4, s9, $0xb8;
	[tilespmem:$0x18100] =	vst v63  }
0xc1: {  	_ =	swait.ge [sflag:s7], $0x4000  }
0xc2: {  	[sflag:s7] =	ssyncset.done $0x0  }
0xc3: {  	s31 =	sadd.s32 $0x0, s19;
	[sflag:s7] =	ssyncadd.s32 $0xFFFFC000  }
0xc4: {  	[tilespmem:s4], [sflag:$0x1] =	stream.linear.gather [hbm4b:s31+s4], $0x80, $0x38;
	[tilespmem:$0x18100] =	vst v63  }
0xc5: {  	_ =	swait.ge [sflag:s11], $0x80  }
0xc6: {  	[sflag:s11] =	ssyncset.done $0x0  }
0xc7: {  	[sflag:s11] =	ssyncadd.s32 $0xFFFFFF80  }
0xc8: {  	[spmem:s3] =	stream.indirect.scatter.add.f32 [tilespmem:s6], [sflag:$0x3], $0x80, s9, s9, $0xb8;
	[tilespmem:$0x18100] =	vst v63  }
0xc9: {  	_ =	swait.ge [sflag:s7], $0x4000  }
0xca: {  	s29 =	simm.s32 $0x40;
	s15 =	simm.s32 $0x20;
	[sflag:s7] =	ssyncset.done $0x0  }
.LBB2_6:
0xcb: {  	s1 =	sadd.s32 s15, s20  }
0xcc: {  	[sflag:s7] =	ssyncadd.s32 $0xFFFFC000;
	s30 =	smov.u32 s29;
	s31 =	sadd.s32 $0x20, s29  }
0xcd: {  	[tilespmem:s9], [sflag:$0x2] =	stream.linear.gather [hbm4b:s1+s4], $0x80, $0x38;
	[tilespmem:$0x18100] =	vst v63  }
0xce: {  	p0 =	sne.s32 s29, $0x4C0;
	_ =	swait.ge [sflag:s10], $0x80  }
0xcf: {  	[sflag:s10] =	ssyncset.done $0x0  }
0xd0: {  	[sflag:s10] =	ssyncadd.s32 $0xFFFFFF80  }
0xd1: {  	[spmem:s3] =	stream.indirect.scatter.add.f32 [tilespmem:s6], [sflag:$0x3], $0x80, s4, s9, $0xb8;
	[tilespmem:$0x18100] =	vst v63  }
0xd2: {  	_ =	swait.ge [sflag:s7], $0x4000  }
0xd3: {  	[sflag:s7] =	ssyncset.done $0x0  }
0xd4: {  	s1 =	sadd.s32 s15, s19;
	s15 =	smov.u32 s30;
	[sflag:s7] =	ssyncadd.s32 $0xFFFFC000  }
0xd5: {  	[tilespmem:s4], [sflag:$0x1] =	stream.linear.gather [hbm4b:s1+s4], $0x80, $0x38;
	[tilespmem:$0x18100] =	vst v63  }
0xd6: {  	_ =	swait.ge [sflag:s11], $0x80  }
.Ltmp2:
0xd7: {  	[sflag:s11] =	ssyncset.done $0x0;
	(pc) =	sbr.rel @p0 .LBB2_6-.Ltmp2, $4  }
0xd8: {  	[sflag:s11] =	ssyncadd.s32 $0xFFFFFF80  }
0xd9: {  	[spmem:s3] =	stream.indirect.scatter.add.f32 [tilespmem:s6], [sflag:$0x3], $0x80, s9, s9, $0xb8;
	[tilespmem:$0x18100] =	vst v63  }
0xda: {  	_ =	swait.ge [sflag:s7], $0x4000  }
0xdb: {  	s29 =	smov.u32 s31;
	[sflag:s7] =	ssyncset.done $0x0  }
0xdc: {  	s1 =	sadd.s32 s15, s20;
	[sflag:s7] =	ssyncadd.s32 $0xFFFFC000  }
0xdd: {  	[tilespmem:s9], [sflag:$0x2] =	stream.linear.gather [hbm4b:s1+s4], $0x80, $0x38;
	[tilespmem:$0x18100] =	vst v63  }
0xde: {  	_ =	swait.ge [sflag:s10], $0x80  }
0xdf: {  	[sflag:s10] =	ssyncset.done $0x0  }
0xe0: {  	[sflag:s10] =	ssyncadd.s32 $0xFFFFFF80  }
0xe1: {  	[spmem:s3] =	stream.indirect.scatter.add.f32 [tilespmem:s6], [sflag:$0x3], $0x80, s4, s9, $0xb8;
	[tilespmem:$0x18100] =	vst v63  }
0xe2: {  	_ =	swait.ge [sflag:s7], $0x4000  }
0xe3: {  	[sflag:s7] =	ssyncset.done $0x0  }
0xe4: {  	s15 =	sadd.s32 s15, s19;
	[sflag:s7] =	ssyncadd.s32 $0xFFFFC000  }
0xe5: {  	[tilespmem:s4], [sflag:$0x1] =	stream.linear.gather [hbm4b:s15+s4], $0x80, $0x38;
	[tilespmem:$0x18100] =	vst v63  }
0xe6: {  	_ =	swait.ge [sflag:s11], $0x80  }
0xe7: {  	[sflag:s11] =	ssyncset.done $0x0  }
0xe8: {  	[sflag:s11] =	ssyncadd.s32 $0xFFFFFF80  }
0xe9: {  	[spmem:s3] =	stream.indirect.scatter.add.f32 [tilespmem:s6], [sflag:$0x3], $0x80, s9, s9, $0xb8;
	[tilespmem:$0x18100] =	vst v63  }
0xea: {  	_ =	swait.ge [sflag:s7], $0x4000  }
0xeb: {  	[sflag:s7] =	ssyncset.done $0x0  }
0xec: {  	[sflag:s7] =	ssyncadd.s32 $0xFFFFC000  }
0xed: {  	_ =	swait.ge [sflag:s10], $0x80  }
0xee: {  	[sflag:s10] =	ssyncset.done $0x0  }
0xef: {  	s1 =	simm.s32 $0x0;
	[sflag:s10] =	ssyncadd.s32 $0xFFFFFF80  }
0xf0: {  	[spmem:s3] =	stream.indirect.scatter.add.f32 [tilespmem:s6], [sflag:$0x3], $0x80, s1, s9, $0xb8;
	[tilespmem:$0x18100] =	vst v63  }
0xf1: {  	_ =	swait.ge [sflag:s7], $0x4000  }
0xf2: {  	[sflag:s7] =	ssyncset.done $0x0  }
0xf3: {  	[sflag:s7] =	ssyncadd.s32 $0xFFFFC000  }
0xf4: {  	[bflag:$0x0] =	sbarrier.arrive $0xFFFF  }
0xf5: {  	s30 =	rddreg [dreg:$0x8]  }
0xf6: {  	[hbm:s30], [sflag:s13] =	dma.local [spmem:s14], $0x2800  }
0xf7: {  	_ =	swait.ge [sflag:s7], $0x2800  }
0xf8: {  	[sflag:s7] =	ssyncset.done $0x0  }
0xf9: {  	[sflag:s7] =	ssyncadd.s32 $0xFFFFD800  }
0xfa: {  	[bflag:$0x0] =	sbarrier.arrive $0xFFFF  }
0xfb: {  	[spmem:s14], [sflag:s13] =	dma.local [hbm:s2], $0x2800  }
0xfc: {  	_ =	swait.ge [sflag:s7], $0x2800  }
0xfd: {  	[sflag:s7] =	ssyncset.done $0x0  }
0xfe: {  	[sflag:s7] =	ssyncadd.s32 $0xFFFFD800  }
0xff: {  	[bflag:$0x0] =	sbarrier.arrive $0xFFFF  }
0x100: {  	s31 =	rddreg [dreg:$0xf]  }
0x101: {  	[tilespmem:s1], [sflag:$0x1] =	stream.linear.gather [hbm4b:s31+s1], $0x80, $0x38;
	[tilespmem:$0x18100] =	vst v63  }
0x102: {  	s30 =	sadd.s32 $0x0, s22  }
0x103: {  	[tilespmem:s9], [sflag:$0x2] =	stream.linear.gather [hbm4b:s30+s4], $0x80, $0x38;
	[tilespmem:$0x18100] =	vst v63  }
0x104: {  	_ =	swait.ge [sflag:s10], $0x80  }
0x105: {  	[sflag:s10] =	ssyncset.done $0x0  }
0x106: {  	[sflag:s10] =	ssyncadd.s32 $0xFFFFFF80  }
0x107: {  	[spmem:s3] =	stream.indirect.scatter.add.f32 [tilespmem:s6], [sflag:$0x3], $0x80, s4, s9, $0xb8;
	[tilespmem:$0x18100] =	vst v63  }
0x108: {  	_ =	swait.ge [sflag:s7], $0x4000  }
0x109: {  	[sflag:s7] =	ssyncset.done $0x0  }
0x10a: {  	s31 =	sadd.s32 $0x0, s21;
	[sflag:s7] =	ssyncadd.s32 $0xFFFFC000  }
0x10b: {  	[tilespmem:s4], [sflag:$0x1] =	stream.linear.gather [hbm4b:s31+s4], $0x80, $0x38;
	[tilespmem:$0x18100] =	vst v63  }
0x10c: {  	_ =	swait.ge [sflag:s11], $0x80  }
0x10d: {  	[sflag:s11] =	ssyncset.done $0x0  }
0x10e: {  	[sflag:s11] =	ssyncadd.s32 $0xFFFFFF80  }
0x10f: {  	[spmem:s3] =	stream.indirect.scatter.add.f32 [tilespmem:s6], [sflag:$0x3], $0x80, s9, s9, $0xb8;
	[tilespmem:$0x18100] =	vst v63  }
0x110: {  	_ =	swait.ge [sflag:s7], $0x4000  }
0x111: {  	s29 =	simm.s32 $0x40;
	s15 =	simm.s32 $0x20;
	[sflag:s7] =	ssyncset.done $0x0  }
.LBB2_8:
0x112: {  	s1 =	sadd.s32 s15, s22  }
0x113: {  	[sflag:s7] =	ssyncadd.s32 $0xFFFFC000;
	s30 =	smov.u32 s29;
	s31 =	sadd.s32 $0x20, s29  }
0x114: {  	[tilespmem:s9], [sflag:$0x2] =	stream.linear.gather [hbm4b:s1+s4], $0x80, $0x38;
	[tilespmem:$0x18100] =	vst v63  }
0x115: {  	p0 =	sne.s32 s29, $0x4C0;
	_ =	swait.ge [sflag:s10], $0x80  }
0x116: {  	[sflag:s10] =	ssyncset.done $0x0  }
0x117: {  	[sflag:s10] =	ssyncadd.s32 $0xFFFFFF80  }
0x118: {  	[spmem:s3] =	stream.indirect.scatter.add.f32 [tilespmem:s6], [sflag:$0x3], $0x80, s4, s9, $0xb8;
	[tilespmem:$0x18100] =	vst v63  }
0x119: {  	_ =	swait.ge [sflag:s7], $0x4000  }
0x11a: {  	[sflag:s7] =	ssyncset.done $0x0  }
0x11b: {  	s1 =	sadd.s32 s15, s21;
	s15 =	smov.u32 s30;
	[sflag:s7] =	ssyncadd.s32 $0xFFFFC000  }
0x11c: {  	[tilespmem:s4], [sflag:$0x1] =	stream.linear.gather [hbm4b:s1+s4], $0x80, $0x38;
	[tilespmem:$0x18100] =	vst v63  }
0x11d: {  	_ =	swait.ge [sflag:s11], $0x80  }
.Ltmp3:
0x11e: {  	[sflag:s11] =	ssyncset.done $0x0;
	(pc) =	sbr.rel @p0 .LBB2_8-.Ltmp3, $4  }
0x11f: {  	[sflag:s11] =	ssyncadd.s32 $0xFFFFFF80  }
0x120: {  	[spmem:s3] =	stream.indirect.scatter.add.f32 [tilespmem:s6], [sflag:$0x3], $0x80, s9, s9, $0xb8;
	[tilespmem:$0x18100] =	vst v63  }
0x121: {  	_ =	swait.ge [sflag:s7], $0x4000  }
0x122: {  	s29 =	smov.u32 s31;
	[sflag:s7] =	ssyncset.done $0x0  }
0x123: {  	s1 =	sadd.s32 s15, s22;
	[sflag:s7] =	ssyncadd.s32 $0xFFFFC000  }
0x124: {  	[tilespmem:s9], [sflag:$0x2] =	stream.linear.gather [hbm4b:s1+s4], $0x80, $0x38;
	[tilespmem:$0x18100] =	vst v63  }
0x125: {  	_ =	swait.ge [sflag:s10], $0x80  }
0x126: {  	[sflag:s10] =	ssyncset.done $0x0  }
0x127: {  	[sflag:s10] =	ssyncadd.s32 $0xFFFFFF80  }
0x128: {  	[spmem:s3] =	stream.indirect.scatter.add.f32 [tilespmem:s6], [sflag:$0x3], $0x80, s4, s9, $0xb8;
	[tilespmem:$0x18100] =	vst v63  }
0x129: {  	_ =	swait.ge [sflag:s7], $0x4000  }
0x12a: {  	[sflag:s7] =	ssyncset.done $0x0  }
0x12b: {  	s15 =	sadd.s32 s15, s21;
	[sflag:s7] =	ssyncadd.s32 $0xFFFFC000  }
0x12c: {  	[tilespmem:s4], [sflag:$0x1] =	stream.linear.gather [hbm4b:s15+s4], $0x80, $0x38;
	[tilespmem:$0x18100] =	vst v63  }
0x12d: {  	_ =	swait.ge [sflag:s11], $0x80  }
0x12e: {  	[sflag:s11] =	ssyncset.done $0x0  }
0x12f: {  	[sflag:s11] =	ssyncadd.s32 $0xFFFFFF80  }
0x130: {  	[spmem:s3] =	stream.indirect.scatter.add.f32 [tilespmem:s6], [sflag:$0x3], $0x80, s9, s9, $0xb8;
	[tilespmem:$0x18100] =	vst v63  }
0x131: {  	_ =	swait.ge [sflag:s7], $0x4000  }
0x132: {  	[sflag:s7] =	ssyncset.done $0x0  }
0x133: {  	[sflag:s7] =	ssyncadd.s32 $0xFFFFC000  }
0x134: {  	_ =	swait.ge [sflag:s10], $0x80  }
0x135: {  	[sflag:s10] =	ssyncset.done $0x0  }
0x136: {  	s1 =	simm.s32 $0x0;
	[sflag:s10] =	ssyncadd.s32 $0xFFFFFF80  }
0x137: {  	[spmem:s3] =	stream.indirect.scatter.add.f32 [tilespmem:s6], [sflag:$0x3], $0x80, s1, s9, $0xb8;
	[tilespmem:$0x18100] =	vst v63  }
0x138: {  	_ =	swait.ge [sflag:s7], $0x4000  }
0x139: {  	[sflag:s7] =	ssyncset.done $0x0  }
0x13a: {  	[sflag:s7] =	ssyncadd.s32 $0xFFFFC000  }
0x13b: {  	[bflag:$0x0] =	sbarrier.arrive $0xFFFF  }
0x13c: {  	s30 =	rddreg [dreg:$0x9]  }
0x13d: {  	[hbm:s30], [sflag:s13] =	dma.local [spmem:s14], $0x2800  }
0x13e: {  	_ =	swait.ge [sflag:s7], $0x2800  }
0x13f: {  	[sflag:s7] =	ssyncset.done $0x0  }
0x140: {  	[sflag:s7] =	ssyncadd.s32 $0xFFFFD800  }
0x141: {  	[bflag:$0x0] =	sbarrier.arrive $0xFFFF  }
0x142: {  	[spmem:s14], [sflag:s13] =	dma.local [hbm:s2], $0x2800  }
0x143: {  	_ =	swait.ge [sflag:s7], $0x2800  }
0x144: {  	[sflag:s7] =	ssyncset.done $0x0  }
0x145: {  	[sflag:s7] =	ssyncadd.s32 $0xFFFFD800  }
0x146: {  	[bflag:$0x0] =	sbarrier.arrive $0xFFFF  }
0x147: {  	s31 =	rddreg [dreg:$0x10]  }
0x148: {  	[tilespmem:s1], [sflag:$0x1] =	stream.linear.gather [hbm4b:s31+s1], $0x80, $0x38;
	[tilespmem:$0x18100] =	vst v63  }
0x149: {  	s30 =	sadd.s32 $0x0, s25  }
0x14a: {  	[tilespmem:s9], [sflag:$0x2] =	stream.linear.gather [hbm4b:s30+s4], $0x80, $0x38;
	[tilespmem:$0x18100] =	vst v63  }
0x14b: {  	_ =	swait.ge [sflag:s10], $0x80  }
0x14c: {  	[sflag:s10] =	ssyncset.done $0x0  }
0x14d: {  	[sflag:s10] =	ssyncadd.s32 $0xFFFFFF80  }
0x14e: {  	[spmem:s3] =	stream.indirect.scatter.add.f32 [tilespmem:s6], [sflag:$0x3], $0x80, s4, s9, $0xb8;
	[tilespmem:$0x18100] =	vst v63  }
0x14f: {  	_ =	swait.ge [sflag:s7], $0x4000  }
0x150: {  	[sflag:s7] =	ssyncset.done $0x0  }
0x151: {  	s31 =	sadd.s32 $0x0, s23;
	[sflag:s7] =	ssyncadd.s32 $0xFFFFC000  }
0x152: {  	[tilespmem:s4], [sflag:$0x1] =	stream.linear.gather [hbm4b:s31+s4], $0x80, $0x38;
	[tilespmem:$0x18100] =	vst v63  }
0x153: {  	_ =	swait.ge [sflag:s11], $0x80  }
0x154: {  	[sflag:s11] =	ssyncset.done $0x0  }
0x155: {  	[sflag:s11] =	ssyncadd.s32 $0xFFFFFF80  }
0x156: {  	[spmem:s3] =	stream.indirect.scatter.add.f32 [tilespmem:s6], [sflag:$0x3], $0x80, s9, s9, $0xb8;
	[tilespmem:$0x18100] =	vst v63  }
0x157: {  	_ =	swait.ge [sflag:s7], $0x4000  }
0x158: {  	s29 =	simm.s32 $0x40;
	s15 =	simm.s32 $0x20;
	[sflag:s7] =	ssyncset.done $0x0  }
.LBB2_10:
0x159: {  	s1 =	sadd.s32 s15, s25  }
0x15a: {  	[sflag:s7] =	ssyncadd.s32 $0xFFFFC000;
	s30 =	smov.u32 s29;
	s31 =	sadd.s32 $0x20, s29  }
0x15b: {  	[tilespmem:s9], [sflag:$0x2] =	stream.linear.gather [hbm4b:s1+s4], $0x80, $0x38;
	[tilespmem:$0x18100] =	vst v63  }
0x15c: {  	p0 =	sne.s32 s29, $0x4C0;
	_ =	swait.ge [sflag:s10], $0x80  }
0x15d: {  	[sflag:s10] =	ssyncset.done $0x0  }
0x15e: {  	[sflag:s10] =	ssyncadd.s32 $0xFFFFFF80  }
0x15f: {  	[spmem:s3] =	stream.indirect.scatter.add.f32 [tilespmem:s6], [sflag:$0x3], $0x80, s4, s9, $0xb8;
	[tilespmem:$0x18100] =	vst v63  }
0x160: {  	_ =	swait.ge [sflag:s7], $0x4000  }
0x161: {  	[sflag:s7] =	ssyncset.done $0x0  }
0x162: {  	s1 =	sadd.s32 s15, s23;
	s15 =	smov.u32 s30;
	[sflag:s7] =	ssyncadd.s32 $0xFFFFC000  }
0x163: {  	[tilespmem:s4], [sflag:$0x1] =	stream.linear.gather [hbm4b:s1+s4], $0x80, $0x38;
	[tilespmem:$0x18100] =	vst v63  }
0x164: {  	_ =	swait.ge [sflag:s11], $0x80  }
.Ltmp4:
0x165: {  	[sflag:s11] =	ssyncset.done $0x0;
	(pc) =	sbr.rel @p0 .LBB2_10-.Ltmp4, $4  }
0x166: {  	[sflag:s11] =	ssyncadd.s32 $0xFFFFFF80  }
0x167: {  	[spmem:s3] =	stream.indirect.scatter.add.f32 [tilespmem:s6], [sflag:$0x3], $0x80, s9, s9, $0xb8;
	[tilespmem:$0x18100] =	vst v63  }
0x168: {  	_ =	swait.ge [sflag:s7], $0x4000  }
0x169: {  	s29 =	smov.u32 s31;
	[sflag:s7] =	ssyncset.done $0x0  }
0x16a: {  	s1 =	sadd.s32 s15, s25;
	[sflag:s7] =	ssyncadd.s32 $0xFFFFC000  }
0x16b: {  	[tilespmem:s9], [sflag:$0x2] =	stream.linear.gather [hbm4b:s1+s4], $0x80, $0x38;
	[tilespmem:$0x18100] =	vst v63  }
0x16c: {  	_ =	swait.ge [sflag:s10], $0x80  }
0x16d: {  	[sflag:s10] =	ssyncset.done $0x0  }
0x16e: {  	[sflag:s10] =	ssyncadd.s32 $0xFFFFFF80  }
0x16f: {  	[spmem:s3] =	stream.indirect.scatter.add.f32 [tilespmem:s6], [sflag:$0x3], $0x80, s4, s9, $0xb8;
	[tilespmem:$0x18100] =	vst v63  }
0x170: {  	_ =	swait.ge [sflag:s7], $0x4000  }
0x171: {  	[sflag:s7] =	ssyncset.done $0x0  }
0x172: {  	s15 =	sadd.s32 s15, s23;
	[sflag:s7] =	ssyncadd.s32 $0xFFFFC000  }
0x173: {  	[tilespmem:s4], [sflag:$0x1] =	stream.linear.gather [hbm4b:s15+s4], $0x80, $0x38;
	[tilespmem:$0x18100] =	vst v63  }
0x174: {  	_ =	swait.ge [sflag:s11], $0x80  }
0x175: {  	[sflag:s11] =	ssyncset.done $0x0  }
0x176: {  	[sflag:s11] =	ssyncadd.s32 $0xFFFFFF80  }
0x177: {  	[spmem:s3] =	stream.indirect.scatter.add.f32 [tilespmem:s6], [sflag:$0x3], $0x80, s9, s9, $0xb8;
	[tilespmem:$0x18100] =	vst v63  }
0x178: {  	_ =	swait.ge [sflag:s7], $0x4000  }
0x179: {  	[sflag:s7] =	ssyncset.done $0x0  }
0x17a: {  	[sflag:s7] =	ssyncadd.s32 $0xFFFFC000  }
0x17b: {  	_ =	swait.ge [sflag:s10], $0x80  }
0x17c: {  	[sflag:s10] =	ssyncset.done $0x0  }
0x17d: {  	s30 =	simm.s32 $0x0;
	[sflag:s10] =	ssyncadd.s32 $0xFFFFFF80  }
0x17e: {  	[spmem:s3] =	stream.indirect.scatter.add.f32 [tilespmem:s6], [sflag:$0x3], $0x80, s30, s9, $0xb8;
	[tilespmem:$0x18100] =	vst v63  }
0x17f: {  	_ =	swait.ge [sflag:s7], $0x4000  }
0x180: {  	[sflag:s7] =	ssyncset.done $0x0  }
0x181: {  	[sflag:s7] =	ssyncadd.s32 $0xFFFFC000  }
0x182: {  	[bflag:$0x0] =	sbarrier.arrive $0xFFFF  }
0x183: {  	s31 =	rddreg [dreg:$0xa]  }
0x184: {  	[hbm:s31], [sflag:s13] =	dma.local [spmem:s14], $0x2800  }
0x185: {  	_ =	swait.ge [sflag:s7], $0x2800  }
0x186: {  	[sflag:s7] =	ssyncset.done $0x0  }
0x187: {  	[sflag:s7] =	ssyncadd.s32 $0xFFFFD800  }
0x188: {  	[bflag:$0x0] =	sbarrier.arrive $0xFFFF  }
0x189: {  	[spmem:s14], [sflag:s13] =	dma.local [hbm:s2], $0x2800  }
0x18a: {  	_ =	swait.ge [sflag:s7], $0x2800  }
0x18b: {  	[sflag:s7] =	ssyncset.done $0x0  }
0x18c: {  	[sflag:s7] =	ssyncadd.s32 $0xFFFFD800  }
0x18d: {  	[bflag:$0x0] =	sbarrier.arrive $0xFFFF  }
0x18e: {  	[tilespmem:s30], [sflag:$0x1] =	stream.linear.gather [hbm4b:s0+s30], $0x80, $0x38;
	[tilespmem:$0x18100] =	vst v63  }
0x18f: {  	s30 =	sadd.s32 $0x0, s28  }
0x190: {  	[tilespmem:s9], [sflag:$0x2] =	stream.linear.gather [hbm4b:s30+s4], $0x80, $0x38;
	[tilespmem:$0x18100] =	vst v63  }
0x191: {  	_ =	swait.ge [sflag:s10], $0x80  }
0x192: {  	[sflag:s10] =	ssyncset.done $0x0  }
0x193: {  	[sflag:s10] =	ssyncadd.s32 $0xFFFFFF80  }
0x194: {  	[spmem:s3] =	stream.indirect.scatter.add.f32 [tilespmem:s6], [sflag:$0x3], $0x80, s4, s9, $0xb8;
	[tilespmem:$0x18100] =	vst v63  }
0x195: {  	_ =	swait.ge [sflag:s7], $0x4000  }
0x196: {  	[sflag:s7] =	ssyncset.done $0x0  }
0x197: {  	s31 =	sadd.s32 $0x0, s26;
	[sflag:s7] =	ssyncadd.s32 $0xFFFFC000  }
0x198: {  	[tilespmem:s4], [sflag:$0x1] =	stream.linear.gather [hbm4b:s31+s4], $0x80, $0x38;
	[tilespmem:$0x18100] =	vst v63  }
0x199: {  	_ =	swait.ge [sflag:s11], $0x80  }
0x19a: {  	[sflag:s11] =	ssyncset.done $0x0  }
0x19b: {  	[sflag:s11] =	ssyncadd.s32 $0xFFFFFF80  }
0x19c: {  	[spmem:s3] =	stream.indirect.scatter.add.f32 [tilespmem:s6], [sflag:$0x3], $0x80, s9, s9, $0xb8;
	[tilespmem:$0x18100] =	vst v63  }
0x19d: {  	_ =	swait.ge [sflag:s7], $0x4000  }
0x19e: {  	s29 =	simm.s32 $0x40;
	s15 =	simm.s32 $0x20;
	[sflag:s7] =	ssyncset.done $0x0  }
.LBB2_12:
0x19f: {  	s1 =	sadd.s32 s15, s28  }
0x1a0: {  	[sflag:s7] =	ssyncadd.s32 $0xFFFFC000;
	s30 =	smov.u32 s29;
	s31 =	sadd.s32 $0x20, s29  }
0x1a1: {  	[tilespmem:s9], [sflag:$0x2] =	stream.linear.gather [hbm4b:s1+s4], $0x80, $0x38;
	[tilespmem:$0x18100] =	vst v63  }
0x1a2: {  	p0 =	sne.s32 s29, $0x4C0;
	_ =	swait.ge [sflag:s10], $0x80  }
0x1a3: {  	[sflag:s10] =	ssyncset.done $0x0  }
0x1a4: {  	[sflag:s10] =	ssyncadd.s32 $0xFFFFFF80  }
0x1a5: {  	[spmem:s3] =	stream.indirect.scatter.add.f32 [tilespmem:s6], [sflag:$0x3], $0x80, s4, s9, $0xb8;
	[tilespmem:$0x18100] =	vst v63  }
0x1a6: {  	_ =	swait.ge [sflag:s7], $0x4000  }
0x1a7: {  	[sflag:s7] =	ssyncset.done $0x0  }
0x1a8: {  	s1 =	sadd.s32 s15, s26;
	s15 =	smov.u32 s30;
	[sflag:s7] =	ssyncadd.s32 $0xFFFFC000  }
0x1a9: {  	[tilespmem:s4], [sflag:$0x1] =	stream.linear.gather [hbm4b:s1+s4], $0x80, $0x38;
	[tilespmem:$0x18100] =	vst v63  }
0x1aa: {  	_ =	swait.ge [sflag:s11], $0x80  }
.Ltmp5:
0x1ab: {  	[sflag:s11] =	ssyncset.done $0x0;
	(pc) =	sbr.rel @p0 .LBB2_12-.Ltmp5, $4  }
0x1ac: {  	[sflag:s11] =	ssyncadd.s32 $0xFFFFFF80  }
0x1ad: {  	[spmem:s3] =	stream.indirect.scatter.add.f32 [tilespmem:s6], [sflag:$0x3], $0x80, s9, s9, $0xb8;
	[tilespmem:$0x18100] =	vst v63  }
0x1ae: {  	_ =	swait.ge [sflag:s7], $0x4000  }
0x1af: {  	s29 =	smov.u32 s31;
	[sflag:s7] =	ssyncset.done $0x0  }
0x1b0: {  	s1 =	sadd.s32 s15, s28;
	[sflag:s7] =	ssyncadd.s32 $0xFFFFC000  }
0x1b1: {  	[tilespmem:s9], [sflag:$0x2] =	stream.linear.gather [hbm4b:s1+s4], $0x80, $0x38;
	[tilespmem:$0x18100] =	vst v63  }
0x1b2: {  	_ =	swait.ge [sflag:s10], $0x80  }
0x1b3: {  	[sflag:s10] =	ssyncset.done $0x0  }
0x1b4: {  	[sflag:s10] =	ssyncadd.s32 $0xFFFFFF80  }
0x1b5: {  	[spmem:s3] =	stream.indirect.scatter.add.f32 [tilespmem:s6], [sflag:$0x3], $0x80, s4, s9, $0xb8;
	[tilespmem:$0x18100] =	vst v63  }
0x1b6: {  	_ =	swait.ge [sflag:s7], $0x4000  }
0x1b7: {  	[sflag:s7] =	ssyncset.done $0x0  }
0x1b8: {  	s29 =	sadd.s32 s15, s26;
	[sflag:s7] =	ssyncadd.s32 $0xFFFFC000  }
0x1b9: {  	[tilespmem:s4], [sflag:$0x1] =	stream.linear.gather [hbm4b:s29+s4], $0x80, $0x38;
	[tilespmem:$0x18100] =	vst v63  }
0x1ba: {  	_ =	swait.ge [sflag:s11], $0x80  }
0x1bb: {  	[sflag:s11] =	ssyncset.done $0x0  }
0x1bc: {  	[sflag:s11] =	ssyncadd.s32 $0xFFFFFF80  }
0x1bd: {  	[spmem:s3] =	stream.indirect.scatter.add.f32 [tilespmem:s6], [sflag:$0x3], $0x80, s9, s9, $0xb8;
	[tilespmem:$0x18100] =	vst v63  }
0x1be: {  	_ =	swait.ge [sflag:s7], $0x4000  }
0x1bf: {  	[sflag:s7] =	ssyncset.done $0x0  }
0x1c0: {  	[sflag:s7] =	ssyncadd.s32 $0xFFFFC000  }
0x1c1: {  	_ =	swait.ge [sflag:s10], $0x80  }
0x1c2: {  	[sflag:s10] =	ssyncset.done $0x0  }
0x1c3: {  	[sflag:s10] =	ssyncadd.s32 $0xFFFFFF80  }
0x1c4: {  	[spmem:s3] =	stream.indirect.scatter.add.f32 [tilespmem:s6], [sflag:$0x3], $0x80, s4, s9, $0xb8;
	[tilespmem:$0x18100] =	vst v63  }
0x1c5: {  	_ =	swait.ge [sflag:s7], $0x4000  }
0x1c6: {  	[sflag:s7] =	ssyncset.done $0x0  }
0x1c7: {  	[sflag:s7] =	ssyncadd.s32 $0xFFFFC000  }
0x1c8: {  	[bflag:$0x0] =	sbarrier.arrive $0xFFFF  }
0x1c9: {  	s30 =	rddreg [dreg:$0xb]  }
0x1ca: {  	[hbm:s30], [sflag:s13] =	dma.local [spmem:s14], $0x2800  }
0x1cb: {  	_ =	swait.ge [sflag:s7], $0x2800  }
0x1cc: {  	s12 =	sadd.s32 $0x1, s12;
	s31 =	rddreg [dreg:$0xc]  }
0x1cd: {  	p0 =	sne.s32 s12, s31  }
.Ltmp6:
0x1ce: {  	_ = 	snop;
	(pc) =	sbr.rel @p0 .LBB2_1-.Ltmp6, $3  }
0x1cf: {  	[sflag:s7] =	ssyncset.done $0x0  }
0x1d0: {  	[sflag:s7] =	ssyncadd.s32 $0xFFFFD800  }
0x1d1: {  	[bflag:$0x0] =	sbarrier.arrive $0xFFFF;
	_ =	sdelay $0x1  }
0x1d2: {  	_ =	sfence.sel $0x180000  }
0x1d3: {  	[bflag:$0x0] =	sbarrier.arrive $0xFFFF  }
0x1d4: {  	_ =	strace $0x90000047  }
0x1d5: {  	s0 =	stileid.u32;
	[bflag:$0x2] =	sbarrier.arrive $0xFFFF  }
0x1d6: {  	p0 =	sne.s32 s0, $0x0;
	s0 =	rddreg [dreg:$0x3]  }
0x1d7: {  	s0 =	sadd.s32 @!p0 $0x100000, s0  }
0x1d8: {  	[sflag:s0] =	ssyncadd.tile.s32 @!p0 $0x1;
	_ =	shalt  }
.Lfunc_end2:
_tile_overlayer_lowered:
.L_overlay_start_2:
0x1d9: {  	(tag) =	ssettag $0x2  }
0x1da: {  	s0 =	rddreg [dreg:$0x0];
	s2 =	stileid.u32  }
0x1db: {  	s1 =	rddreg [dreg:$0x1];
	p0 =	sne.s32 s2, $0x0  }
0x1dc: {  	s3 =	rddreg [dreg:$0x2];
	[bflag:$0x3] =	sbarrier.arrive $0xFFFF;
	s2 =	simm.s32 @!p0 $0x1C03  }
0x1dd: {  	[timem:s3], [sflag:s2] =	dma.local @!p0 [hbm:s0], s1  }
0x1de: {  	s0 =	simm.s32 @!p0 $0x3  }
0x1df: {  	_ =	swait.ge @!p0 [sflag:s0], s1  }
0x1e0: {  	s1 =	ssub.s32 @!p0 $0x0, s1;
	[sflag:s0] =	ssyncset.done @!p0 $0x0  }
0x1e1: {  	[sflag:s0] =	ssyncadd.s32 @!p0 s1  }
0x1e2: {  	[bflag:$0x3] =	sbarrier.arrive $0xFFFF  }
0x1e3: {  	_ =	shalt  }

</sc_bundles>
